<compile_context>
chip_gen: v7x
topology: tpu7x:2x2x1
jax: 0.10.2.dev20260603
libtpu: 0.0.44.dev20260713+nightly
codegen_flags: <defaults>
</compile_context>

<pallas_src>
import functools

import numpy as np
import jax
import jax.numpy as jnp
from jax import lax
from jax.experimental import pallas as pl
from jax.experimental.pallas import tpu as pltpu
from jax.experimental.pallas import tpu_sc as plsc

EMBED = 768
MAX_LEN = 64
NUM_WORKERS = 32
CHUNK = 32
LANES = 16
EC = EMBED // LANES
N_AUX = MAX_LEN * 3
WPR = EMBED // 2 // LANES


def _positional_const():
    pos = np.arange(0, MAX_LEN, dtype=np.float32)[:, None]
    div_term = np.exp(
        np.arange(0, EMBED, 2, dtype=np.float32) * (-np.log(10000.0) / EMBED))
    pe = np.zeros((MAX_LEN, EMBED), dtype=np.float32)
    pe[:, 0::2] = np.sin(pos * div_term)
    pe[:, 1::2] = np.cos(pos * div_term)
    return pe


_PE = _positional_const()


def _make_sc_call(n_tokens):
    per_w = n_tokens // NUM_WORKERS
    n_chunks = per_w // CHUNK
    mesh = plsc.VectorSubcoreMesh(core_axis_name="c", subcore_axis_name="s")

    @functools.partial(
        pl.kernel,
        mesh=mesh,
        compiler_params=pltpu.CompilerParams(needs_layout_passes=False),
        out_type=jax.ShapeDtypeStruct((n_tokens, EMBED), jnp.float32),
        scratch_types=[
            pltpu.VMEM((per_w,), jnp.int32),
            pltpu.VMEM((per_w,), jnp.int32),
            pltpu.VMEM((N_AUX * EMBED // 2,), jnp.int32),
            pltpu.VMEM((CHUNK * LANES,), jnp.int32),
            pltpu.VMEM((CHUNK, EMBED), jnp.float32),
            pltpu.VMEM((CHUNK, EMBED), jnp.float32),
            pltpu.SemaphoreType.DMA,
            pltpu.SemaphoreType.DMA,
            pltpu.SemaphoreType.DMA,
            pltpu.SemaphoreType.DMA,
        ],
    )
    def sc_embed(tok_tab_hbm, aux_tab_hbm, tok_idx_hbm, seg_hbm, out_hbm,
                 tok_idx_v, aux_idx_v, aux_res, rep_v, tok_buf0, tok_buf1,
                 sem_t0, sem_t1, sem_w0, sem_w1):
        wid = lax.axis_index("s") * 2 + lax.axis_index("c")
        base = wid * per_w

        pltpu.sync_copy(aux_tab_hbm, aux_res)
        pltpu.sync_copy(tok_idx_hbm.at[pl.ds(base, per_w)], tok_idx_v)
        pltpu.sync_copy(seg_hbm.at[pl.ds(base, per_w)], aux_idx_v)

        @plsc.parallel_loop(0, per_w // LANES, unroll=4)
        def mk_idx(i):
            off = pl.multiple_of(i * LANES, 8)
            seg_v = aux_idx_v[pl.ds(off, LANES)]
            pos = i * LANES + lax.iota(jnp.int32, LANES)
            l_v = lax.rem(pos, MAX_LEN)
            aux_idx_v[pl.ds(off, LANES)] = (l_v * 3 + seg_v) * (EMBED // 2)

        bufs = ((tok_buf0, sem_t0), (tok_buf1, sem_t1))
        wsems = (sem_w0, sem_w1)

        def g_copy(off, tb, st):
            return pltpu.make_async_copy(
                tok_tab_hbm.at[tok_idx_v.at[pl.ds(off, CHUNK)]], tb, st)

        def wb_copy(off, tb, sem):
            return pltpu.make_async_copy(
                tb, out_hbm.at[pl.ds(base + off, CHUNK)], sem)

        g_copy(pl.multiple_of(0, 8), *bufs[0]).start()

        lane_ids = [jnp.full((LANES,), j, jnp.int32) for j in range(LANES)]
        word_cols = [lax.iota(jnp.int32, LANES) + (e2 * LANES)
                     for e2 in range(WPR)]
        shift16 = jnp.full((LANES,), 16, jnp.int32)
        mask_hi = jnp.full((LANES,), -65536, jnp.int32)

        def outer(go, carry):
            for b in range(2):
                g = go * 2 + b
                off = pl.multiple_of(g * CHUNK, 8)

                @plsc.parallel_loop(0, CHUNK // LANES, unroll=1)
                def mk_rep(rg):
                    goff = pl.multiple_of(off + rg * LANES, 8)
                    idx_vec = aux_idx_v[pl.ds(goff, LANES)]
                    for j in range(LANES):
                        roff = pl.multiple_of((rg * LANES + j) * LANES, 8)
                        rep_v[pl.ds(roff, LANES)] = jnp.take(
                            idx_vec, lane_ids[j])

                @pl.when(g + 1 < n_chunks)
                def _prefetch():
                    @pl.when(g >= 1)
                    def _drain():
                        wb_copy(pl.multiple_of(0, 8),
                                bufs[1 - b][0], wsems[1 - b]).wait()

                    g_copy(pl.multiple_of(off + CHUNK, 8),
                           *bufs[1 - b]).start()

                g_copy(off, *bufs[b]).wait()
                tb = bufs[b][0]

                @plsc.parallel_loop(0, CHUNK, unroll=2)
                def add_row(r):
                    rsplat = rep_v[pl.ds(r * LANES, LANES)]
                    for e2 in range(WPR):
                        col = e2 * 2 * LANES
                        w = plsc.load_gather(aux_res,
                                             [rsplat + word_cols[e2]])
                        lo = lax.bitcast_convert_type(
                            lax.shift_left(w, shift16), jnp.float32)
                        hi = lax.bitcast_convert_type(
                            lax.bitwise_and(w, mask_hi), jnp.float32)
                        plsc.addupdate(tb.at[r, pl.ds(col, LANES)], lo)
                        plsc.addupdate(tb.at[r, pl.ds(col + LANES, LANES)], hi)

                wb_copy(off, tb, wsems[b]).start()
            return carry

        lax.fori_loop(0, n_chunks // 2, outer, 0)
        for b in range(2):
            wb_copy(pl.multiple_of(0, 8), bufs[b][0], wsems[b]).wait()

    return sc_embed


def kernel(input, segment_label, token_table, segment_table):
    b, l = input.shape
    n_tokens = b * l
    tok_idx = input.reshape(-1).astype(jnp.int32)
    seg_idx = segment_label.reshape(-1).astype(jnp.int32)
    pe = jnp.asarray(_PE[:l])
    aux_table = (pe[:, None, :] + segment_table[None, :, :].astype(jnp.float32)
                 ).reshape(l * segment_table.shape[0], EMBED)
    n_aux = aux_table.shape[0]
    bits = jax.lax.bitcast_convert_type(
        aux_table.astype(jnp.bfloat16), jnp.uint16).astype(jnp.uint32)
    grouped = bits.reshape(n_aux, EC // 2, 2, LANES)
    packed = jax.lax.bitcast_convert_type(
        grouped[:, :, 0, :] | (grouped[:, :, 1, :] << 16),
        jnp.int32).reshape(n_aux * (EMBED // 2))
    out = _make_sc_call(n_tokens)(
        token_table.astype(jnp.float32), packed, tok_idx, seg_idx)
    return out.reshape(b, l, EMBED)

# --- scband reference (transcript-rebuilt; emitter-appended) ---
"""Pipeline reference for scband-bert-embedding-48808008352128 (READ-ONLY COPY).

The authoritative reference and input builder live on the scoring server;
editing this copy changes nothing except your own understanding.
"""

import jax, jax.numpy as jnp
import numpy as np

VOCAB = 100000
EMBED = 768
MAX_LEN = 64
B = 1024
L = 64

def _positional_pe():
    pos = np.arange(0, MAX_LEN, dtype=np.float32)[:, None]
    div_term = np.exp(np.arange(0, EMBED, 2, dtype=np.float32) * (-np.log(10000.0) / EMBED))
    pe = np.zeros((MAX_LEN, EMBED), dtype=np.float32)
    pe[:, 0::2] = np.sin(pos * div_term)
    pe[:, 1::2] = np.cos(pos * div_term)
    return jnp.asarray(pe[None, :, :])  # [1, MAX_LEN, EMBED]

def setup_inputs(seed: int = 0) -> dict:
    key = jax.random.key(seed)
    k1, k2, k3, k4 = jax.random.split(key, 4)
    inp = jax.random.randint(k1, (B, L), 0, VOCAB, dtype=jnp.int64 if jax.config.jax_enable_x64 else jnp.int32)
    seg = jax.random.randint(k2, (B, L), 0, 3, dtype=jnp.int64 if jax.config.jax_enable_x64 else jnp.int32)
    token_table = jax.random.normal(k3, (VOCAB, EMBED), dtype=jnp.float32) * 0.02
    token_table = token_table.at[0].set(0.0)  # padding_idx=0
    segment_table = jax.random.normal(k4, (3, EMBED), dtype=jnp.float32) * 0.02
    segment_table = segment_table.at[0].set(0.0)  # padding_idx=0
    return {"input": inp, "segment_label": seg, "token_table": token_table, "segment_table": segment_table}

def reference(input, segment_label, token_table, segment_table):
    pe = _positional_pe()
    tok = jnp.take(token_table, input, axis=0)          # [B, L, E] gather
    seg = jnp.take(segment_table, segment_label, axis=0)  # [B, L, E] gather
    pos = pe[:, :input.shape[1]]                          # [1, L, E]
    out = tok + pos + seg
    # dropout in eval mode is identity
    return out

if __name__ == "__main__":
    import jax
    _d = setup_inputs()
    print(jax.jit(kernel)(*tuple(_d.values())))

</pallas_src>

<mosaic_0001>
#map = affine_map<(d0, d1) -> (0, 0)>
#map1 = affine_map<(d0, d1) -> (0)>
module attributes {stable_mosaic.version = 14 : i64} {
  func.func @sc_embed(%arg0: i32, %arg1: i32, %arg2: memref<100000x768xf32, #tpu.memory_space<hbm>>, %arg3: memref<73728xi32, #tpu.memory_space<hbm>>, %arg4: memref<65536xi32, #tpu.memory_space<hbm>>, %arg5: memref<65536xi32, #tpu.memory_space<hbm>>, %arg6: memref<65536x768xf32, #tpu.memory_space<hbm>>, %arg7: memref<2048xi32, #tpu.memory_space<vmem>>, %arg8: memref<2048xi32, #tpu.memory_space<vmem>>, %arg9: memref<73728xi32, #tpu.memory_space<vmem>>, %arg10: memref<512xi32, #tpu.memory_space<vmem>>, %arg11: memref<32x768xf32, #tpu.memory_space<vmem>>, %arg12: memref<32x768xf32, #tpu.memory_space<vmem>>, %arg13: memref<!tpu.dma_semaphore, #tpu.memory_space<semaphore_mem>>, %arg14: memref<!tpu.dma_semaphore, #tpu.memory_space<semaphore_mem>>, %arg15: memref<!tpu.dma_semaphore, #tpu.memory_space<semaphore_mem>>, %arg16: memref<!tpu.dma_semaphore, #tpu.memory_space<semaphore_mem>>) attributes {dimension_semantics = [#tpu.dimension_semantics<core_parallel>, #tpu.dimension_semantics<subcore_parallel>], iteration_bounds = array<i64: 2, 16>, scalar_prefetch = 0 : i64, scratch_operands = 10 : i64, tpu.core_type = #tpu.core_type<sc_vector_subcore>, window_params = [{transform_indices = #map}, {transform_indices = #map1}, {transform_indices = #map1}, {transform_indices = #map1}, {transform_indices = #map}]} {
    %mul3A = arith.constant 2 : i32
    %mul3A_0 = arith.muli %arg1, %mul3A : i32
    %add3A = arith.addi %mul3A_0, %arg0 : i32
    %mul3A_1 = arith.constant 2048 : i32
    %mul3A_2 = arith.muli %add3A, %mul3A_1 : i32
    "tpu.region"() ({
      %run_scoped3A = tpu.sem_alloc : memref<!tpu.dma_semaphore, #tpu.memory_space<semaphore_mem>>
      tpu.enqueue_dma source(%arg3 : memref<73728xi32, #tpu.memory_space<hbm>>) target(%arg9 : memref<73728xi32, #tpu.memory_space<vmem>>) target_semaphore(%run_scoped3A : memref<!tpu.dma_semaphore, #tpu.memory_space<semaphore_mem>>)
      tpu.wait_dma2 semaphore(%run_scoped3A : memref<!tpu.dma_semaphore, #tpu.memory_space<semaphore_mem>>) src(%arg3 : memref<73728xi32, #tpu.memory_space<hbm>>) dst(%arg9 : memref<73728xi32, #tpu.memory_space<vmem>>)
      tpu.yield
    }) : () -> ()
    "tpu.region"() ({
      %run_scoped3A = tpu.sem_alloc : memref<!tpu.dma_semaphore, #tpu.memory_space<semaphore_mem>>
      %dma_start3A_157 = tpu.memref_slice %arg4[%mul3A_2] : memref<65536xi32, #tpu.memory_space<hbm>> -> memref<2048xi32, #tpu.memory_space<hbm>>
      %dma_start3A_158 = tpu.memref_slice %arg4[%mul3A_2] : memref<65536xi32, #tpu.memory_space<hbm>> -> memref<2048xi32, #tpu.memory_space<hbm>>
      tpu.enqueue_dma source(%dma_start3A_158 : memref<2048xi32, #tpu.memory_space<hbm>>) target(%arg7 : memref<2048xi32, #tpu.memory_space<vmem>>) target_semaphore(%run_scoped3A : memref<!tpu.dma_semaphore, #tpu.memory_space<semaphore_mem>>)
      %dma_wait3A_159 = tpu.memref_slice %arg4[%mul3A_2] : memref<65536xi32, #tpu.memory_space<hbm>> -> memref<2048xi32, #tpu.memory_space<hbm>>
      %dma_wait3A_160 = tpu.memref_slice %arg4[%mul3A_2] : memref<65536xi32, #tpu.memory_space<hbm>> -> memref<2048xi32, #tpu.memory_space<hbm>>
      tpu.wait_dma2 semaphore(%run_scoped3A : memref<!tpu.dma_semaphore, #tpu.memory_space<semaphore_mem>>) src(%dma_wait3A_160 : memref<2048xi32, #tpu.memory_space<hbm>>) dst(%arg7 : memref<2048xi32, #tpu.memory_space<vmem>>)
      tpu.yield
    }) : () -> ()
    "tpu.region"() ({
      %run_scoped3A = tpu.sem_alloc : memref<!tpu.dma_semaphore, #tpu.memory_space<semaphore_mem>>
      %dma_start3A_157 = tpu.memref_slice %arg5[%mul3A_2] : memref<65536xi32, #tpu.memory_space<hbm>> -> memref<2048xi32, #tpu.memory_space<hbm>>
      %dma_start3A_158 = tpu.memref_slice %arg5[%mul3A_2] : memref<65536xi32, #tpu.memory_space<hbm>> -> memref<2048xi32, #tpu.memory_space<hbm>>
      tpu.enqueue_dma source(%dma_start3A_158 : memref<2048xi32, #tpu.memory_space<hbm>>) target(%arg8 : memref<2048xi32, #tpu.memory_space<vmem>>) target_semaphore(%run_scoped3A : memref<!tpu.dma_semaphore, #tpu.memory_space<semaphore_mem>>)
      %dma_wait3A_159 = tpu.memref_slice %arg5[%mul3A_2] : memref<65536xi32, #tpu.memory_space<hbm>> -> memref<2048xi32, #tpu.memory_space<hbm>>
      %dma_wait3A_160 = tpu.memref_slice %arg5[%mul3A_2] : memref<65536xi32, #tpu.memory_space<hbm>> -> memref<2048xi32, #tpu.memory_space<hbm>>
      tpu.wait_dma2 semaphore(%run_scoped3A : memref<!tpu.dma_semaphore, #tpu.memory_space<semaphore_mem>>) src(%dma_wait3A_160 : memref<2048xi32, #tpu.memory_space<hbm>>) dst(%arg8 : memref<2048xi32, #tpu.memory_space<vmem>>)
      tpu.yield
    }) : () -> ()
    %parallel_loop3A = arith.constant 0 : i32
    %parallel_loop3A_3 = arith.constant 128 : i32
    %parallel_loop3A_4 = arith.constant 1 : i32
    scf.for %parallel_loop3A_157 = %parallel_loop3A to %parallel_loop3A_3 step %parallel_loop3A_4  : i32 {
      %parallel_loop3A_158 = arith.constant 16 : i32
      %parallel_loop3A_159 = arith.muli %parallel_loop3A_157, %parallel_loop3A_158 : i32
      %parallel_loop3A_160 = tpu.assume_multiple %parallel_loop3A_159, 8 : i32
      %parallel_loop3A_161 = arith.index_cast %parallel_loop3A_160 : i32 to index
      %parallel_loop3A_162 = tpu.vector_load %arg8[%parallel_loop3A_161] {strides = array<i32>} : memref<2048xi32, #tpu.memory_space<vmem>>, vector<16xi32>,
      %parallel_loop3A_163 = arith.constant 16 : i32
      %parallel_loop3A_164 = arith.muli %parallel_loop3A_157, %parallel_loop3A_163 : i32
      %parallel_loop3A_165 = tpu.iota {dimensions = array<i32: 0>} : vector<16xi32>
      %parallel_loop3A_166 = vector.broadcast %parallel_loop3A_164 : i32 to vector<16xi32>
      %parallel_loop3A_167 = arith.addi %parallel_loop3A_166, %parallel_loop3A_165 : vector<16xi32>
      %parallel_loop3A_168 = arith.constant 64 : i32
      %parallel_loop3A_169 = vector.broadcast %parallel_loop3A_168 : i32 to vector<16xi32>
      %parallel_loop3A_170 = arith.remsi %parallel_loop3A_167, %parallel_loop3A_169 : vector<16xi32>
      %parallel_loop3A_171 = arith.constant 3 : i32
      %parallel_loop3A_172 = vector.broadcast %parallel_loop3A_171 : i32 to vector<16xi32>
      %parallel_loop3A_173 = arith.muli %parallel_loop3A_170, %parallel_loop3A_172 : vector<16xi32>
      %parallel_loop3A_174 = arith.addi %parallel_loop3A_173, %parallel_loop3A_162 : vector<16xi32>
      %parallel_loop3A_175 = arith.constant 384 : i32
      %parallel_loop3A_176 = vector.broadcast %parallel_loop3A_175 : i32 to vector<16xi32>
      %parallel_loop3A_177 = arith.muli %parallel_loop3A_174, %parallel_loop3A_176 : vector<16xi32>
      %parallel_loop3A_178 = arith.index_cast %parallel_loop3A_160 : i32 to index
      %parallel_loop3A_179 = tpu.vector_load %arg8[%parallel_loop3A_178] {strides = array<i32>} : memref<2048xi32, #tpu.memory_space<vmem>>, vector<16xi32>,
      tpu.vector_store %arg8[%parallel_loop3A_178], %parallel_loop3A_177 {strides = array<i32>} : memref<2048xi32, #tpu.memory_space<vmem>>, vector<16xi32>,
    } {sc.loop_unroll_factor = 4 : i64, sc.parallel_access}
    %multiple_of3A = arith.constant 0 : i32
    %multiple_of3A_5 = tpu.assume_multiple %multiple_of3A, 8 : i32
    %dma_start3A = tpu.memref_slice %arg7[%multiple_of3A_5] : memref<2048xi32, #tpu.memory_space<vmem>> -> memref<32xi32, #tpu.memory_space<vmem>>
    %dma_start3A_6 = arith.constant 0 : i32
    %dma_start3A_7 = arith.constant 0 : i32
    %dma_start3A_8 = tpu.memref_slice %arg2[%dma_start3A_6, %dma_start3A_7] : memref<100000x768xf32, #tpu.memory_space<hbm>> -> memref<100000x768xf32, #tpu.memory_space<hbm>>
    tpu.enqueue_indirect_dma source(%dma_start3A_8 : memref<100000x768xf32, #tpu.memory_space<hbm>>) target(%arg11 : memref<32x768xf32, #tpu.memory_space<vmem>>) offsets(%dma_start3A : memref<32xi32, #tpu.memory_space<vmem>>) semaphore(%arg13 : memref<!tpu.dma_semaphore, #tpu.memory_space<semaphore_mem>>)
    %broadcast_in_dim3A = arith.constant 0 : i32
    %broadcast_in_dim3A_9 = vector.broadcast %broadcast_in_dim3A : i32 to vector<16xi32>
    %broadcast_in_dim3A_10 = arith.constant 1 : i32
    %broadcast_in_dim3A_11 = vector.broadcast %broadcast_in_dim3A_10 : i32 to vector<16xi32>
    %broadcast_in_dim3A_12 = arith.constant 2 : i32
    %broadcast_in_dim3A_13 = vector.broadcast %broadcast_in_dim3A_12 : i32 to vector<16xi32>
    %broadcast_in_dim3A_14 = arith.constant 3 : i32
    %broadcast_in_dim3A_15 = vector.broadcast %broadcast_in_dim3A_14 : i32 to vector<16xi32>
    %broadcast_in_dim3A_16 = arith.constant 4 : i32
    %broadcast_in_dim3A_17 = vector.broadcast %broadcast_in_dim3A_16 : i32 to vector<16xi32>
    %broadcast_in_dim3A_18 = arith.constant 5 : i32
    %broadcast_in_dim3A_19 = vector.broadcast %broadcast_in_dim3A_18 : i32 to vector<16xi32>
    %broadcast_in_dim3A_20 = arith.constant 6 : i32
    %broadcast_in_dim3A_21 = vector.broadcast %broadcast_in_dim3A_20 : i32 to vector<16xi32>
    %broadcast_in_dim3A_22 = arith.constant 7 : i32
    %broadcast_in_dim3A_23 = vector.broadcast %broadcast_in_dim3A_22 : i32 to vector<16xi32>
    %broadcast_in_dim3A_24 = arith.constant 8 : i32
    %broadcast_in_dim3A_25 = vector.broadcast %broadcast_in_dim3A_24 : i32 to vector<16xi32>
    %broadcast_in_dim3A_26 = arith.constant 9 : i32
    %broadcast_in_dim3A_27 = vector.broadcast %broadcast_in_dim3A_26 : i32 to vector<16xi32>
    %broadcast_in_dim3A_28 = arith.constant 10 : i32
    %broadcast_in_dim3A_29 = vector.broadcast %broadcast_in_dim3A_28 : i32 to vector<16xi32>
    %broadcast_in_dim3A_30 = arith.constant 11 : i32
    %broadcast_in_dim3A_31 = vector.broadcast %broadcast_in_dim3A_30 : i32 to vector<16xi32>
    %broadcast_in_dim3A_32 = arith.constant 12 : i32
    %broadcast_in_dim3A_33 = vector.broadcast %broadcast_in_dim3A_32 : i32 to vector<16xi32>
    %broadcast_in_dim3A_34 = arith.constant 13 : i32
    %broadcast_in_dim3A_35 = vector.broadcast %broadcast_in_dim3A_34 : i32 to vector<16xi32>
    %broadcast_in_dim3A_36 = arith.constant 14 : i32
    %broadcast_in_dim3A_37 = vector.broadcast %broadcast_in_dim3A_36 : i32 to vector<16xi32>
    %broadcast_in_dim3A_38 = arith.constant 15 : i32
    %broadcast_in_dim3A_39 = vector.broadcast %broadcast_in_dim3A_38 : i32 to vector<16xi32>
    %iota3A = tpu.iota {dimensions = array<i32: 0>} : vector<16xi32>
    %add3A_40 = arith.constant 0 : i32
    %add3A_41 = vector.broadcast %add3A_40 : i32 to vector<16xi32>
    %add3A_42 = arith.addi %iota3A, %add3A_41 : vector<16xi32>
    %iota3A_43 = tpu.iota {dimensions = array<i32: 0>} : vector<16xi32>
    %add3A_44 = arith.constant 16 : i32
    %add3A_45 = vector.broadcast %add3A_44 : i32 to vector<16xi32>
    %add3A_46 = arith.addi %iota3A_43, %add3A_45 : vector<16xi32>
    %iota3A_47 = tpu.iota {dimensions = array<i32: 0>} : vector<16xi32>
    %add3A_48 = arith.constant 32 : i32
    %add3A_49 = vector.broadcast %add3A_48 : i32 to vector<16xi32>
    %add3A_50 = arith.addi %iota3A_47, %add3A_49 : vector<16xi32>
    %iota3A_51 = tpu.iota {dimensions = array<i32: 0>} : vector<16xi32>
    %add3A_52 = arith.constant 48 : i32
    %add3A_53 = vector.broadcast %add3A_52 : i32 to vector<16xi32>
    %add3A_54 = arith.addi %iota3A_51, %add3A_53 : vector<16xi32>
    %iota3A_55 = tpu.iota {dimensions = array<i32: 0>} : vector<16xi32>
    %add3A_56 = arith.constant 64 : i32
    %add3A_57 = vector.broadcast %add3A_56 : i32 to vector<16xi32>
    %add3A_58 = arith.addi %iota3A_55, %add3A_57 : vector<16xi32>
    %iota3A_59 = tpu.iota {dimensions = array<i32: 0>} : vector<16xi32>
    %add3A_60 = arith.constant 80 : i32
    %add3A_61 = vector.broadcast %add3A_60 : i32 to vector<16xi32>
    %add3A_62 = arith.addi %iota3A_59, %add3A_61 : vector<16xi32>
    %iota3A_63 = tpu.iota {dimensions = array<i32: 0>} : vector<16xi32>
    %add3A_64 = arith.constant 96 : i32
    %add3A_65 = vector.broadcast %add3A_64 : i32 to vector<16xi32>
    %add3A_66 = arith.addi %iota3A_63, %add3A_65 : vector<16xi32>
    %iota3A_67 = tpu.iota {dimensions = array<i32: 0>} : vector<16xi32>
    %add3A_68 = arith.constant 112 : i32
    %add3A_69 = vector.broadcast %add3A_68 : i32 to vector<16xi32>
    %add3A_70 = arith.addi %iota3A_67, %add3A_69 : vector<16xi32>
    %iota3A_71 = tpu.iota {dimensions = array<i32: 0>} : vector<16xi32>
    %add3A_72 = arith.constant 128 : i32
    %add3A_73 = vector.broadcast %add3A_72 : i32 to vector<16xi32>
    %add3A_74 = arith.addi %iota3A_71, %add3A_73 : vector<16xi32>
    %iota3A_75 = tpu.iota {dimensions = array<i32: 0>} : vector<16xi32>
    %add3A_76 = arith.constant 144 : i32
    %add3A_77 = vector.broadcast %add3A_76 : i32 to vector<16xi32>
    %add3A_78 = arith.addi %iota3A_75, %add3A_77 : vector<16xi32>
    %iota3A_79 = tpu.iota {dimensions = array<i32: 0>} : vector<16xi32>
    %add3A_80 = arith.constant 160 : i32
    %add3A_81 = vector.broadcast %add3A_80 : i32 to vector<16xi32>
    %add3A_82 = arith.addi %iota3A_79, %add3A_81 : vector<16xi32>
    %iota3A_83 = tpu.iota {dimensions = array<i32: 0>} : vector<16xi32>
    %add3A_84 = arith.constant 176 : i32
    %add3A_85 = vector.broadcast %add3A_84 : i32 to vector<16xi32>
    %add3A_86 = arith.addi %iota3A_83, %add3A_85 : vector<16xi32>
    %iota3A_87 = tpu.iota {dimensions = array<i32: 0>} : vector<16xi32>
    %add3A_88 = arith.constant 192 : i32
    %add3A_89 = vector.broadcast %add3A_88 : i32 to vector<16xi32>
    %add3A_90 = arith.addi %iota3A_87, %add3A_89 : vector<16xi32>
    %iota3A_91 = tpu.iota {dimensions = array<i32: 0>} : vector<16xi32>
    %add3A_92 = arith.constant 208 : i32
    %add3A_93 = vector.broadcast %add3A_92 : i32 to vector<16xi32>
    %add3A_94 = arith.addi %iota3A_91, %add3A_93 : vector<16xi32>
    %iota3A_95 = tpu.iota {dimensions = array<i32: 0>} : vector<16xi32>
    %add3A_96 = arith.constant 224 : i32
    %add3A_97 = vector.broadcast %add3A_96 : i32 to vector<16xi32>
    %add3A_98 = arith.addi %iota3A_95, %add3A_97 : vector<16xi32>
    %iota3A_99 = tpu.iota {dimensions = array<i32: 0>} : vector<16xi32>
    %add3A_100 = arith.constant 240 : i32
    %add3A_101 = vector.broadcast %add3A_100 : i32 to vector<16xi32>
    %add3A_102 = arith.addi %iota3A_99, %add3A_101 : vector<16xi32>
    %iota3A_103 = tpu.iota {dimensions = array<i32: 0>} : vector<16xi32>
    %add3A_104 = arith.constant 256 : i32
    %add3A_105 = vector.broadcast %add3A_104 : i32 to vector<16xi32>
    %add3A_106 = arith.addi %iota3A_103, %add3A_105 : vector<16xi32>
    %iota3A_107 = tpu.iota {dimensions = array<i32: 0>} : vector<16xi32>
    %add3A_108 = arith.constant 272 : i32
    %add3A_109 = vector.broadcast %add3A_108 : i32 to vector<16xi32>
    %add3A_110 = arith.addi %iota3A_107, %add3A_109 : vector<16xi32>
    %iota3A_111 = tpu.iota {dimensions = array<i32: 0>} : vector<16xi32>
    %add3A_112 = arith.constant 288 : i32
    %add3A_113 = vector.broadcast %add3A_112 : i32 to vector<16xi32>
    %add3A_114 = arith.addi %iota3A_111, %add3A_113 : vector<16xi32>
    %iota3A_115 = tpu.iota {dimensions = array<i32: 0>} : vector<16xi32>
    %add3A_116 = arith.constant 304 : i32
    %add3A_117 = vector.broadcast %add3A_116 : i32 to vector<16xi32>
    %add3A_118 = arith.addi %iota3A_115, %add3A_117 : vector<16xi32>
    %iota3A_119 = tpu.iota {dimensions = array<i32: 0>} : vector<16xi32>
    %add3A_120 = arith.constant 320 : i32
    %add3A_121 = vector.broadcast %add3A_120 : i32 to vector<16xi32>
    %add3A_122 = arith.addi %iota3A_119, %add3A_121 : vector<16xi32>
    %iota3A_123 = tpu.iota {dimensions = array<i32: 0>} : vector<16xi32>
    %add3A_124 = arith.constant 336 : i32
    %add3A_125 = vector.broadcast %add3A_124 : i32 to vector<16xi32>
    %add3A_126 = arith.addi %iota3A_123, %add3A_125 : vector<16xi32>
    %iota3A_127 = tpu.iota {dimensions = array<i32: 0>} : vector<16xi32>
    %add3A_128 = arith.constant 352 : i32
    %add3A_129 = vector.broadcast %add3A_128 : i32 to vector<16xi32>
    %add3A_130 = arith.addi %iota3A_127, %add3A_129 : vector<16xi32>
    %iota3A_131 = tpu.iota {dimensions = array<i32: 0>} : vector<16xi32>
    %add3A_132 = arith.constant 368 : i32
    %add3A_133 = vector.broadcast %add3A_132 : i32 to vector<16xi32>
    %add3A_134 = arith.addi %iota3A_131, %add3A_133 : vector<16xi32>
    %broadcast_in_dim3A_135 = arith.constant 16 : i32
    %broadcast_in_dim3A_136 = vector.broadcast %broadcast_in_dim3A_135 : i32 to vector<16xi32>
    %broadcast_in_dim3A_137 = arith.constant -65536 : i32
    %broadcast_in_dim3A_138 = vector.broadcast %broadcast_in_dim3A_137 : i32 to vector<16xi32>
    %scan3A = arith.constant 0 : i32
    %scan3A_139 = arith.constant 0 : i32
    %scan3A_140 = arith.constant 32 : i32
    %scan3A_141 = arith.addi %scan3A_139, %scan3A_140 : i32
    %scan3A_142 = arith.constant 1 : i32
    scf.for %scan3A_157 = %scan3A_139 to %scan3A_141 step %scan3A_142  : i32 {
      %mul3A_158 = arith.constant 2 : i32
      %mul3A_159 = arith.muli %scan3A_157, %mul3A_158 : i32
      %add3A_160 = arith.constant 0 : i32
      %add3A_161 = arith.addi %mul3A_159, %add3A_160 : i32
      %mul3A_162 = arith.constant 32 : i32
      %mul3A_163 = arith.muli %add3A_161, %mul3A_162 : i32
      %multiple_of3A_164 = tpu.assume_multiple %mul3A_163, 8 : i32
      %parallel_loop3A_165 = arith.constant 0 : i32
      %parallel_loop3A_166 = arith.constant 2 : i32
      %parallel_loop3A_167 = arith.constant 1 : i32
      scf.for %parallel_loop3A_213 = %parallel_loop3A_165 to %parallel_loop3A_166 step %parallel_loop3A_167  : i32 {
        %parallel_loop3A_214 = arith.constant 16 : i32
        %parallel_loop3A_215 = arith.muli %parallel_loop3A_213, %parallel_loop3A_214 : i32
        %parallel_loop3A_216 = arith.addi %multiple_of3A_164, %parallel_loop3A_215 : i32
        %parallel_loop3A_217 = tpu.assume_multiple %parallel_loop3A_216, 8 : i32
        %parallel_loop3A_218 = arith.index_cast %parallel_loop3A_217 : i32 to index
        %parallel_loop3A_219 = tpu.vector_load %arg8[%parallel_loop3A_218] {strides = array<i32>} : memref<2048xi32, #tpu.memory_space<vmem>>, vector<16xi32>,
        %parallel_loop3A_220 = arith.constant 16 : i32
        %parallel_loop3A_221 = arith.muli %parallel_loop3A_213, %parallel_loop3A_220 : i32
        %parallel_loop3A_222 = arith.constant 0 : i32
        %parallel_loop3A_223 = arith.addi %parallel_loop3A_221, %parallel_loop3A_222 : i32
        %parallel_loop3A_224 = arith.constant 16 : i32
        %parallel_loop3A_225 = arith.muli %parallel_loop3A_223, %parallel_loop3A_224 : i32
        %parallel_loop3A_226 = tpu.assume_multiple %parallel_loop3A_225, 8 : i32
        %parallel_loop3A_227 = arith.constant 0 : i32
        %parallel_loop3A_228 = vector.broadcast %parallel_loop3A_227 : i32 to vector<16xi32>
        %parallel_loop3A_229 = arith.cmpi slt, %broadcast_in_dim3A_9, %parallel_loop3A_228 : vector<16xi32>
        %parallel_loop3A_230 = arith.constant 16 : i32
        %parallel_loop3A_231 = vector.broadcast %parallel_loop3A_230 : i32 to vector<16xi32>
        %parallel_loop3A_232 = arith.addi %broadcast_in_dim3A_9, %parallel_loop3A_231 : vector<16xi32>
        %parallel_loop3A_233 = arith.select %parallel_loop3A_229, %parallel_loop3A_232, %broadcast_in_dim3A_9 : vector<16xi1>, vector<16xi32>
        %parallel_loop3A_234 = vector.shape_cast %parallel_loop3A_233 : vector<16xi32> to vector<16x1xi32>
        %parallel_loop3A_235 = vector.shape_cast %parallel_loop3A_234 : vector<16x1xi32> to vector<16xi32>
        %parallel_loop3A_236 = tpu.dynamic_gather %parallel_loop3A_219[%parallel_loop3A_235] in [0] : vector<16xi32>, vector<16xi32> -> vector<16xi32>
        %parallel_loop3A_237 = arith.index_cast %parallel_loop3A_226 : i32 to index
        %parallel_loop3A_238 = tpu.vector_load %arg10[%parallel_loop3A_237] {strides = array<i32>} : memref<512xi32, #tpu.memory_space<vmem>>, vector<16xi32>,
        tpu.vector_store %arg10[%parallel_loop3A_237], %parallel_loop3A_236 {strides = array<i32>} : memref<512xi32, #tpu.memory_space<vmem>>, vector<16xi32>,
        %parallel_loop3A_239 = arith.constant 16 : i32
        %parallel_loop3A_240 = arith.muli %parallel_loop3A_213, %parallel_loop3A_239 : i32
        %parallel_loop3A_241 = arith.constant 1 : i32
        %parallel_loop3A_242 = arith.addi %parallel_loop3A_240, %parallel_loop3A_241 : i32
        %parallel_loop3A_243 = arith.constant 16 : i32
        %parallel_loop3A_244 = arith.muli %parallel_loop3A_242, %parallel_loop3A_243 : i32
        %parallel_loop3A_245 = tpu.assume_multiple %parallel_loop3A_244, 8 : i32
        %parallel_loop3A_246 = arith.constant 0 : i32
        %parallel_loop3A_247 = vector.broadcast %parallel_loop3A_246 : i32 to vector<16xi32>
        %parallel_loop3A_248 = arith.cmpi slt, %broadcast_in_dim3A_11, %parallel_loop3A_247 : vector<16xi32>
        %parallel_loop3A_249 = arith.constant 16 : i32
        %parallel_loop3A_250 = vector.broadcast %parallel_loop3A_249 : i32 to vector<16xi32>
        %parallel_loop3A_251 = arith.addi %broadcast_in_dim3A_11, %parallel_loop3A_250 : vector<16xi32>
        %parallel_loop3A_252 = arith.select %parallel_loop3A_248, %parallel_loop3A_251, %broadcast_in_dim3A_11 : vector<16xi1>, vector<16xi32>
        %parallel_loop3A_253 = vector.shape_cast %parallel_loop3A_252 : vector<16xi32> to vector<16x1xi32>
        %parallel_loop3A_254 = vector.shape_cast %parallel_loop3A_253 : vector<16x1xi32> to vector<16xi32>
        %parallel_loop3A_255 = tpu.dynamic_gather %parallel_loop3A_219[%parallel_loop3A_254] in [0] : vector<16xi32>, vector<16xi32> -> vector<16xi32>
        %parallel_loop3A_256 = arith.index_cast %parallel_loop3A_245 : i32 to index
        %parallel_loop3A_257 = tpu.vector_load %arg10[%parallel_loop3A_256] {strides = array<i32>} : memref<512xi32, #tpu.memory_space<vmem>>, vector<16xi32>,
        tpu.vector_store %arg10[%parallel_loop3A_256], %parallel_loop3A_255 {strides = array<i32>} : memref<512xi32, #tpu.memory_space<vmem>>, vector<16xi32>,
        %parallel_loop3A_258 = arith.constant 16 : i32
        %parallel_loop3A_259 = arith.muli %parallel_loop3A_213, %parallel_loop3A_258 : i32
        %parallel_loop3A_260 = arith.constant 2 : i32
        %parallel_loop3A_261 = arith.addi %parallel_loop3A_259, %parallel_loop3A_260 : i32
        %parallel_loop3A_262 = arith.constant 16 : i32
        %parallel_loop3A_263 = arith.muli %parallel_loop3A_261, %parallel_loop3A_262 : i32
        %parallel_loop3A_264 = tpu.assume_multiple %parallel_loop3A_263, 8 : i32
        %parallel_loop3A_265 = arith.constant 0 : i32
        %parallel_loop3A_266 = vector.broadcast %parallel_loop3A_265 : i32 to vector<16xi32>
        %parallel_loop3A_267 = arith.cmpi slt, %broadcast_in_dim3A_13, %parallel_loop3A_266 : vector<16xi32>
        %parallel_loop3A_268 = arith.constant 16 : i32
        %parallel_loop3A_269 = vector.broadcast %parallel_loop3A_268 : i32 to vector<16xi32>
        %parallel_loop3A_270 = arith.addi %broadcast_in_dim3A_13, %parallel_loop3A_269 : vector<16xi32>
        %parallel_loop3A_271 = arith.select %parallel_loop3A_267, %parallel_loop3A_270, %broadcast_in_dim3A_13 : vector<16xi1>, vector<16xi32>
        %parallel_loop3A_272 = vector.shape_cast %parallel_loop3A_271 : vector<16xi32> to vector<16x1xi32>
        %parallel_loop3A_273 = vector.shape_cast %parallel_loop3A_272 : vector<16x1xi32> to vector<16xi32>
        %parallel_loop3A_274 = tpu.dynamic_gather %parallel_loop3A_219[%parallel_loop3A_273] in [0] : vector<16xi32>, vector<16xi32> -> vector<16xi32>
        %parallel_loop3A_275 = arith.index_cast %parallel_loop3A_264 : i32 to index
        %parallel_loop3A_276 = tpu.vector_load %arg10[%parallel_loop3A_275] {strides = array<i32>} : memref<512xi32, #tpu.memory_space<vmem>>, vector<16xi32>,
        tpu.vector_store %arg10[%parallel_loop3A_275], %parallel_loop3A_274 {strides = array<i32>} : memref<512xi32, #tpu.memory_space<vmem>>, vector<16xi32>,
        %parallel_loop3A_277 = arith.constant 16 : i32
        %parallel_loop3A_278 = arith.muli %parallel_loop3A_213, %parallel_loop3A_277 : i32
        %parallel_loop3A_279 = arith.constant 3 : i32
        %parallel_loop3A_280 = arith.addi %parallel_loop3A_278, %parallel_loop3A_279 : i32
        %parallel_loop3A_281 = arith.constant 16 : i32
        %parallel_loop3A_282 = arith.muli %parallel_loop3A_280, %parallel_loop3A_281 : i32
        %parallel_loop3A_283 = tpu.assume_multiple %parallel_loop3A_282, 8 : i32
        %parallel_loop3A_284 = arith.constant 0 : i32
        %parallel_loop3A_285 = vector.broadcast %parallel_loop3A_284 : i32 to vector<16xi32>
        %parallel_loop3A_286 = arith.cmpi slt, %broadcast_in_dim3A_15, %parallel_loop3A_285 : vector<16xi32>
        %parallel_loop3A_287 = arith.constant 16 : i32
        %parallel_loop3A_288 = vector.broadcast %parallel_loop3A_287 : i32 to vector<16xi32>
        %parallel_loop3A_289 = arith.addi %broadcast_in_dim3A_15, %parallel_loop3A_288 : vector<16xi32>
        %parallel_loop3A_290 = arith.select %parallel_loop3A_286, %parallel_loop3A_289, %broadcast_in_dim3A_15 : vector<16xi1>, vector<16xi32>
        %parallel_loop3A_291 = vector.shape_cast %parallel_loop3A_290 : vector<16xi32> to vector<16x1xi32>
        %parallel_loop3A_292 = vector.shape_cast %parallel_loop3A_291 : vector<16x1xi32> to vector<16xi32>
        %parallel_loop3A_293 = tpu.dynamic_gather %parallel_loop3A_219[%parallel_loop3A_292] in [0] : vector<16xi32>, vector<16xi32> -> vector<16xi32>
        %parallel_loop3A_294 = arith.index_cast %parallel_loop3A_283 : i32 to index
        %parallel_loop3A_295 = tpu.vector_load %arg10[%parallel_loop3A_294] {strides = array<i32>} : memref<512xi32, #tpu.memory_space<vmem>>, vector<16xi32>,
        tpu.vector_store %arg10[%parallel_loop3A_294], %parallel_loop3A_293 {strides = array<i32>} : memref<512xi32, #tpu.memory_space<vmem>>, vector<16xi32>,
        %parallel_loop3A_296 = arith.constant 16 : i32
        %parallel_loop3A_297 = arith.muli %parallel_loop3A_213, %parallel_loop3A_296 : i32
        %parallel_loop3A_298 = arith.constant 4 : i32
        %parallel_loop3A_299 = arith.addi %parallel_loop3A_297, %parallel_loop3A_298 : i32
        %parallel_loop3A_300 = arith.constant 16 : i32
        %parallel_loop3A_301 = arith.muli %parallel_loop3A_299, %parallel_loop3A_300 : i32
        %parallel_loop3A_302 = tpu.assume_multiple %parallel_loop3A_301, 8 : i32
        %parallel_loop3A_303 = arith.constant 0 : i32
        %parallel_loop3A_304 = vector.broadcast %parallel_loop3A_303 : i32 to vector<16xi32>
        %parallel_loop3A_305 = arith.cmpi slt, %broadcast_in_dim3A_17, %parallel_loop3A_304 : vector<16xi32>
        %parallel_loop3A_306 = arith.constant 16 : i32
        %parallel_loop3A_307 = vector.broadcast %parallel_loop3A_306 : i32 to vector<16xi32>
        %parallel_loop3A_308 = arith.addi %broadcast_in_dim3A_17, %parallel_loop3A_307 : vector<16xi32>
        %parallel_loop3A_309 = arith.select %parallel_loop3A_305, %parallel_loop3A_308, %broadcast_in_dim3A_17 : vector<16xi1>, vector<16xi32>
        %parallel_loop3A_310 = vector.shape_cast %parallel_loop3A_309 : vector<16xi32> to vector<16x1xi32>
        %parallel_loop3A_311 = vector.shape_cast %parallel_loop3A_310 : vector<16x1xi32> to vector<16xi32>
        %parallel_loop3A_312 = tpu.dynamic_gather %parallel_loop3A_219[%parallel_loop3A_311] in [0] : vector<16xi32>, vector<16xi32> -> vector<16xi32>
        %parallel_loop3A_313 = arith.index_cast %parallel_loop3A_302 : i32 to index
        %parallel_loop3A_314 = tpu.vector_load %arg10[%parallel_loop3A_313] {strides = array<i32>} : memref<512xi32, #tpu.memory_space<vmem>>, vector<16xi32>,
        tpu.vector_store %arg10[%parallel_loop3A_313], %parallel_loop3A_312 {strides = array<i32>} : memref<512xi32, #tpu.memory_space<vmem>>, vector<16xi32>,
        %parallel_loop3A_315 = arith.constant 16 : i32
        %parallel_loop3A_316 = arith.muli %parallel_loop3A_213, %parallel_loop3A_315 : i32
        %parallel_loop3A_317 = arith.constant 5 : i32
        %parallel_loop3A_318 = arith.addi %parallel_loop3A_316, %parallel_loop3A_317 : i32
        %parallel_loop3A_319 = arith.constant 16 : i32
        %parallel_loop3A_320 = arith.muli %parallel_loop3A_318, %parallel_loop3A_319 : i32
        %parallel_loop3A_321 = tpu.assume_multiple %parallel_loop3A_320, 8 : i32
        %parallel_loop3A_322 = arith.constant 0 : i32
        %parallel_loop3A_323 = vector.broadcast %parallel_loop3A_322 : i32 to vector<16xi32>
        %parallel_loop3A_324 = arith.cmpi slt, %broadcast_in_dim3A_19, %parallel_loop3A_323 : vector<16xi32>
        %parallel_loop3A_325 = arith.constant 16 : i32
        %parallel_loop3A_326 = vector.broadcast %parallel_loop3A_325 : i32 to vector<16xi32>
        %parallel_loop3A_327 = arith.addi %broadcast_in_dim3A_19, %parallel_loop3A_326 : vector<16xi32>
        %parallel_loop3A_328 = arith.select %parallel_loop3A_324, %parallel_loop3A_327, %broadcast_in_dim3A_19 : vector<16xi1>, vector<16xi32>
        %parallel_loop3A_329 = vector.shape_cast %parallel_loop3A_328 : vector<16xi32> to vector<16x1xi32>
        %parallel_loop3A_330 = vector.shape_cast %parallel_loop3A_329 : vector<16x1xi32> to vector<16xi32>
        %parallel_loop3A_331 = tpu.dynamic_gather %parallel_loop3A_219[%parallel_loop3A_330] in [0] : vector<16xi32>, vector<16xi32> -> vector<16xi32>
        %parallel_loop3A_332 = arith.index_cast %parallel_loop3A_321 : i32 to index
        %parallel_loop3A_333 = tpu.vector_load %arg10[%parallel_loop3A_332] {strides = array<i32>} : memref<512xi32, #tpu.memory_space<vmem>>, vector<16xi32>,
        tpu.vector_store %arg10[%parallel_loop3A_332], %parallel_loop3A_331 {strides = array<i32>} : memref<512xi32, #tpu.memory_space<vmem>>, vector<16xi32>,
        %parallel_loop3A_334 = arith.constant 16 : i32
        %parallel_loop3A_335 = arith.muli %parallel_loop3A_213, %parallel_loop3A_334 : i32
        %parallel_loop3A_336 = arith.constant 6 : i32
        %parallel_loop3A_337 = arith.addi %parallel_loop3A_335, %parallel_loop3A_336 : i32
        %parallel_loop3A_338 = arith.constant 16 : i32
        %parallel_loop3A_339 = arith.muli %parallel_loop3A_337, %parallel_loop3A_338 : i32
        %parallel_loop3A_340 = tpu.assume_multiple %parallel_loop3A_339, 8 : i32
        %parallel_loop3A_341 = arith.constant 0 : i32
        %parallel_loop3A_342 = vector.broadcast %parallel_loop3A_341 : i32 to vector<16xi32>
        %parallel_loop3A_343 = arith.cmpi slt, %broadcast_in_dim3A_21, %parallel_loop3A_342 : vector<16xi32>
        %parallel_loop3A_344 = arith.constant 16 : i32
        %parallel_loop3A_345 = vector.broadcast %parallel_loop3A_344 : i32 to vector<16xi32>
        %parallel_loop3A_346 = arith.addi %broadcast_in_dim3A_21, %parallel_loop3A_345 : vector<16xi32>
        %parallel_loop3A_347 = arith.select %parallel_loop3A_343, %parallel_loop3A_346, %broadcast_in_dim3A_21 : vector<16xi1>, vector<16xi32>
        %parallel_loop3A_348 = vector.shape_cast %parallel_loop3A_347 : vector<16xi32> to vector<16x1xi32>
        %parallel_loop3A_349 = vector.shape_cast %parallel_loop3A_348 : vector<16x1xi32> to vector<16xi32>
        %parallel_loop3A_350 = tpu.dynamic_gather %parallel_loop3A_219[%parallel_loop3A_349] in [0] : vector<16xi32>, vector<16xi32> -> vector<16xi32>
        %parallel_loop3A_351 = arith.index_cast %parallel_loop3A_340 : i32 to index
        %parallel_loop3A_352 = tpu.vector_load %arg10[%parallel_loop3A_351] {strides = array<i32>} : memref<512xi32, #tpu.memory_space<vmem>>, vector<16xi32>,
        tpu.vector_store %arg10[%parallel_loop3A_351], %parallel_loop3A_350 {strides = array<i32>} : memref<512xi32, #tpu.memory_space<vmem>>, vector<16xi32>,
        %parallel_loop3A_353 = arith.constant 16 : i32
        %parallel_loop3A_354 = arith.muli %parallel_loop3A_213, %parallel_loop3A_353 : i32
        %parallel_loop3A_355 = arith.constant 7 : i32
        %parallel_loop3A_356 = arith.addi %parallel_loop3A_354, %parallel_loop3A_355 : i32
        %parallel_loop3A_357 = arith.constant 16 : i32
        %parallel_loop3A_358 = arith.muli %parallel_loop3A_356, %parallel_loop3A_357 : i32
        %parallel_loop3A_359 = tpu.assume_multiple %parallel_loop3A_358, 8 : i32
        %parallel_loop3A_360 = arith.constant 0 : i32
        %parallel_loop3A_361 = vector.broadcast %parallel_loop3A_360 : i32 to vector<16xi32>
        %parallel_loop3A_362 = arith.cmpi slt, %broadcast_in_dim3A_23, %parallel_loop3A_361 : vector<16xi32>
        %parallel_loop3A_363 = arith.constant 16 : i32
        %parallel_loop3A_364 = vector.broadcast %parallel_loop3A_363 : i32 to vector<16xi32>
        %parallel_loop3A_365 = arith.addi %broadcast_in_dim3A_23, %parallel_loop3A_364 : vector<16xi32>
        %parallel_loop3A_366 = arith.select %parallel_loop3A_362, %parallel_loop3A_365, %broadcast_in_dim3A_23 : vector<16xi1>, vector<16xi32>
        %parallel_loop3A_367 = vector.shape_cast %parallel_loop3A_366 : vector<16xi32> to vector<16x1xi32>
        %parallel_loop3A_368 = vector.shape_cast %parallel_loop3A_367 : vector<16x1xi32> to vector<16xi32>
        %parallel_loop3A_369 = tpu.dynamic_gather %parallel_loop3A_219[%parallel_loop3A_368] in [0] : vector<16xi32>, vector<16xi32> -> vector<16xi32>
        %parallel_loop3A_370 = arith.index_cast %parallel_loop3A_359 : i32 to index
        %parallel_loop3A_371 = tpu.vector_load %arg10[%parallel_loop3A_370] {strides = array<i32>} : memref<512xi32, #tpu.memory_space<vmem>>, vector<16xi32>,
        tpu.vector_store %arg10[%parallel_loop3A_370], %parallel_loop3A_369 {strides = array<i32>} : memref<512xi32, #tpu.memory_space<vmem>>, vector<16xi32>,
        %parallel_loop3A_372 = arith.constant 16 : i32
        %parallel_loop3A_373 = arith.muli %parallel_loop3A_213, %parallel_loop3A_372 : i32
        %parallel_loop3A_374 = arith.constant 8 : i32
        %parallel_loop3A_375 = arith.addi %parallel_loop3A_373, %parallel_loop3A_374 : i32
        %parallel_loop3A_376 = arith.constant 16 : i32
        %parallel_loop3A_377 = arith.muli %parallel_loop3A_375, %parallel_loop3A_376 : i32
        %parallel_loop3A_378 = tpu.assume_multiple %parallel_loop3A_377, 8 : i32
        %parallel_loop3A_379 = arith.constant 0 : i32
        %parallel_loop3A_380 = vector.broadcast %parallel_loop3A_379 : i32 to vector<16xi32>
        %parallel_loop3A_381 = arith.cmpi slt, %broadcast_in_dim3A_25, %parallel_loop3A_380 : vector<16xi32>
        %parallel_loop3A_382 = arith.constant 16 : i32
        %parallel_loop3A_383 = vector.broadcast %parallel_loop3A_382 : i32 to vector<16xi32>
        %parallel_loop3A_384 = arith.addi %broadcast_in_dim3A_25, %parallel_loop3A_383 : vector<16xi32>
        %parallel_loop3A_385 = arith.select %parallel_loop3A_381, %parallel_loop3A_384, %broadcast_in_dim3A_25 : vector<16xi1>, vector<16xi32>
        %parallel_loop3A_386 = vector.shape_cast %parallel_loop3A_385 : vector<16xi32> to vector<16x1xi32>
        %parallel_loop3A_387 = vector.shape_cast %parallel_loop3A_386 : vector<16x1xi32> to vector<16xi32>
        %parallel_loop3A_388 = tpu.dynamic_gather %parallel_loop3A_219[%parallel_loop3A_387] in [0] : vector<16xi32>, vector<16xi32> -> vector<16xi32>
        %parallel_loop3A_389 = arith.index_cast %parallel_loop3A_378 : i32 to index
        %parallel_loop3A_390 = tpu.vector_load %arg10[%parallel_loop3A_389] {strides = array<i32>} : memref<512xi32, #tpu.memory_space<vmem>>, vector<16xi32>,
        tpu.vector_store %arg10[%parallel_loop3A_389], %parallel_loop3A_388 {strides = array<i32>} : memref<512xi32, #tpu.memory_space<vmem>>, vector<16xi32>,
        %parallel_loop3A_391 = arith.constant 16 : i32
        %parallel_loop3A_392 = arith.muli %parallel_loop3A_213, %parallel_loop3A_391 : i32
        %parallel_loop3A_393 = arith.constant 9 : i32
        %parallel_loop3A_394 = arith.addi %parallel_loop3A_392, %parallel_loop3A_393 : i32
        %parallel_loop3A_395 = arith.constant 16 : i32
        %parallel_loop3A_396 = arith.muli %parallel_loop3A_394, %parallel_loop3A_395 : i32
        %parallel_loop3A_397 = tpu.assume_multiple %parallel_loop3A_396, 8 : i32
        %parallel_loop3A_398 = arith.constant 0 : i32
        %parallel_loop3A_399 = vector.broadcast %parallel_loop3A_398 : i32 to vector<16xi32>
        %parallel_loop3A_400 = arith.cmpi slt, %broadcast_in_dim3A_27, %parallel_loop3A_399 : vector<16xi32>
        %parallel_loop3A_401 = arith.constant 16 : i32
        %parallel_loop3A_402 = vector.broadcast %parallel_loop3A_401 : i32 to vector<16xi32>
        %parallel_loop3A_403 = arith.addi %broadcast_in_dim3A_27, %parallel_loop3A_402 : vector<16xi32>
        %parallel_loop3A_404 = arith.select %parallel_loop3A_400, %parallel_loop3A_403, %broadcast_in_dim3A_27 : vector<16xi1>, vector<16xi32>
        %parallel_loop3A_405 = vector.shape_cast %parallel_loop3A_404 : vector<16xi32> to vector<16x1xi32>
        %parallel_loop3A_406 = vector.shape_cast %parallel_loop3A_405 : vector<16x1xi32> to vector<16xi32>
        %parallel_loop3A_407 = tpu.dynamic_gather %parallel_loop3A_219[%parallel_loop3A_406] in [0] : vector<16xi32>, vector<16xi32> -> vector<16xi32>
        %parallel_loop3A_408 = arith.index_cast %parallel_loop3A_397 : i32 to index
        %parallel_loop3A_409 = tpu.vector_load %arg10[%parallel_loop3A_408] {strides = array<i32>} : memref<512xi32, #tpu.memory_space<vmem>>, vector<16xi32>,
        tpu.vector_store %arg10[%parallel_loop3A_408], %parallel_loop3A_407 {strides = array<i32>} : memref<512xi32, #tpu.memory_space<vmem>>, vector<16xi32>,
        %parallel_loop3A_410 = arith.constant 16 : i32
        %parallel_loop3A_411 = arith.muli %parallel_loop3A_213, %parallel_loop3A_410 : i32
        %parallel_loop3A_412 = arith.constant 10 : i32
        %parallel_loop3A_413 = arith.addi %parallel_loop3A_411, %parallel_loop3A_412 : i32
        %parallel_loop3A_414 = arith.constant 16 : i32
        %parallel_loop3A_415 = arith.muli %parallel_loop3A_413, %parallel_loop3A_414 : i32
        %parallel_loop3A_416 = tpu.assume_multiple %parallel_loop3A_415, 8 : i32
        %parallel_loop3A_417 = arith.constant 0 : i32
        %parallel_loop3A_418 = vector.broadcast %parallel_loop3A_417 : i32 to vector<16xi32>
        %parallel_loop3A_419 = arith.cmpi slt, %broadcast_in_dim3A_29, %parallel_loop3A_418 : vector<16xi32>
        %parallel_loop3A_420 = arith.constant 16 : i32
        %parallel_loop3A_421 = vector.broadcast %parallel_loop3A_420 : i32 to vector<16xi32>
        %parallel_loop3A_422 = arith.addi %broadcast_in_dim3A_29, %parallel_loop3A_421 : vector<16xi32>
        %parallel_loop3A_423 = arith.select %parallel_loop3A_419, %parallel_loop3A_422, %broadcast_in_dim3A_29 : vector<16xi1>, vector<16xi32>
        %parallel_loop3A_424 = vector.shape_cast %parallel_loop3A_423 : vector<16xi32> to vector<16x1xi32>
        %parallel_loop3A_425 = vector.shape_cast %parallel_loop3A_424 : vector<16x1xi32> to vector<16xi32>
        %parallel_loop3A_426 = tpu.dynamic_gather %parallel_loop3A_219[%parallel_loop3A_425] in [0] : vector<16xi32>, vector<16xi32> -> vector<16xi32>
        %parallel_loop3A_427 = arith.index_cast %parallel_loop3A_416 : i32 to index
        %parallel_loop3A_428 = tpu.vector_load %arg10[%parallel_loop3A_427] {strides = array<i32>} : memref<512xi32, #tpu.memory_space<vmem>>, vector<16xi32>,
        tpu.vector_store %arg10[%parallel_loop3A_427], %parallel_loop3A_426 {strides = array<i32>} : memref<512xi32, #tpu.memory_space<vmem>>, vector<16xi32>,
        %parallel_loop3A_429 = arith.constant 16 : i32
        %parallel_loop3A_430 = arith.muli %parallel_loop3A_213, %parallel_loop3A_429 : i32
        %parallel_loop3A_431 = arith.constant 11 : i32
        %parallel_loop3A_432 = arith.addi %parallel_loop3A_430, %parallel_loop3A_431 : i32
        %parallel_loop3A_433 = arith.constant 16 : i32
        %parallel_loop3A_434 = arith.muli %parallel_loop3A_432, %parallel_loop3A_433 : i32
        %parallel_loop3A_435 = tpu.assume_multiple %parallel_loop3A_434, 8 : i32
        %parallel_loop3A_436 = arith.constant 0 : i32
        %parallel_loop3A_437 = vector.broadcast %parallel_loop3A_436 : i32 to vector<16xi32>
        %parallel_loop3A_438 = arith.cmpi slt, %broadcast_in_dim3A_31, %parallel_loop3A_437 : vector<16xi32>
        %parallel_loop3A_439 = arith.constant 16 : i32
        %parallel_loop3A_440 = vector.broadcast %parallel_loop3A_439 : i32 to vector<16xi32>
        %parallel_loop3A_441 = arith.addi %broadcast_in_dim3A_31, %parallel_loop3A_440 : vector<16xi32>
        %parallel_loop3A_442 = arith.select %parallel_loop3A_438, %parallel_loop3A_441, %broadcast_in_dim3A_31 : vector<16xi1>, vector<16xi32>
        %parallel_loop3A_443 = vector.shape_cast %parallel_loop3A_442 : vector<16xi32> to vector<16x1xi32>
        %parallel_loop3A_444 = vector.shape_cast %parallel_loop3A_443 : vector<16x1xi32> to vector<16xi32>
        %parallel_loop3A_445 = tpu.dynamic_gather %parallel_loop3A_219[%parallel_loop3A_444] in [0] : vector<16xi32>, vector<16xi32> -> vector<16xi32>
        %parallel_loop3A_446 = arith.index_cast %parallel_loop3A_435 : i32 to index
        %parallel_loop3A_447 = tpu.vector_load %arg10[%parallel_loop3A_446] {strides = array<i32>} : memref<512xi32, #tpu.memory_space<vmem>>, vector<16xi32>,
        tpu.vector_store %arg10[%parallel_loop3A_446], %parallel_loop3A_445 {strides = array<i32>} : memref<512xi32, #tpu.memory_space<vmem>>, vector<16xi32>,
        %parallel_loop3A_448 = arith.constant 16 : i32
        %parallel_loop3A_449 = arith.muli %parallel_loop3A_213, %parallel_loop3A_448 : i32
        %parallel_loop3A_450 = arith.constant 12 : i32
        %parallel_loop3A_451 = arith.addi %parallel_loop3A_449, %parallel_loop3A_450 : i32
        %parallel_loop3A_452 = arith.constant 16 : i32
        %parallel_loop3A_453 = arith.muli %parallel_loop3A_451, %parallel_loop3A_452 : i32
        %parallel_loop3A_454 = tpu.assume_multiple %parallel_loop3A_453, 8 : i32
        %parallel_loop3A_455 = arith.constant 0 : i32
        %parallel_loop3A_456 = vector.broadcast %parallel_loop3A_455 : i32 to vector<16xi32>
        %parallel_loop3A_457 = arith.cmpi slt, %broadcast_in_dim3A_33, %parallel_loop3A_456 : vector<16xi32>
        %parallel_loop3A_458 = arith.constant 16 : i32
        %parallel_loop3A_459 = vector.broadcast %parallel_loop3A_458 : i32 to vector<16xi32>
        %parallel_loop3A_460 = arith.addi %broadcast_in_dim3A_33, %parallel_loop3A_459 : vector<16xi32>
        %parallel_loop3A_461 = arith.select %parallel_loop3A_457, %parallel_loop3A_460, %broadcast_in_dim3A_33 : vector<16xi1>, vector<16xi32>
        %parallel_loop3A_462 = vector.shape_cast %parallel_loop3A_461 : vector<16xi32> to vector<16x1xi32>
        %parallel_loop3A_463 = vector.shape_cast %parallel_loop3A_462 : vector<16x1xi32> to vector<16xi32>
        %parallel_loop3A_464 = tpu.dynamic_gather %parallel_loop3A_219[%parallel_loop3A_463] in [0] : vector<16xi32>, vector<16xi32> -> vector<16xi32>
        %parallel_loop3A_465 = arith.index_cast %parallel_loop3A_454 : i32 to index
        %parallel_loop3A_466 = tpu.vector_load %arg10[%parallel_loop3A_465] {strides = array<i32>} : memref<512xi32, #tpu.memory_space<vmem>>, vector<16xi32>,
        tpu.vector_store %arg10[%parallel_loop3A_465], %parallel_loop3A_464 {strides = array<i32>} : memref<512xi32, #tpu.memory_space<vmem>>, vector<16xi32>,
        %parallel_loop3A_467 = arith.constant 16 : i32
        %parallel_loop3A_468 = arith.muli %parallel_loop3A_213, %parallel_loop3A_467 : i32
        %parallel_loop3A_469 = arith.constant 13 : i32
        %parallel_loop3A_470 = arith.addi %parallel_loop3A_468, %parallel_loop3A_469 : i32
        %parallel_loop3A_471 = arith.constant 16 : i32
        %parallel_loop3A_472 = arith.muli %parallel_loop3A_470, %parallel_loop3A_471 : i32
        %parallel_loop3A_473 = tpu.assume_multiple %parallel_loop3A_472, 8 : i32
        %parallel_loop3A_474 = arith.constant 0 : i32
        %parallel_loop3A_475 = vector.broadcast %parallel_loop3A_474 : i32 to vector<16xi32>
        %parallel_loop3A_476 = arith.cmpi slt, %broadcast_in_dim3A_35, %parallel_loop3A_475 : vector<16xi32>
        %parallel_loop3A_477 = arith.constant 16 : i32
        %parallel_loop3A_478 = vector.broadcast %parallel_loop3A_477 : i32 to vector<16xi32>
        %parallel_loop3A_479 = arith.addi %broadcast_in_dim3A_35, %parallel_loop3A_478 : vector<16xi32>
        %parallel_loop3A_480 = arith.select %parallel_loop3A_476, %parallel_loop3A_479, %broadcast_in_dim3A_35 : vector<16xi1>, vector<16xi32>
        %parallel_loop3A_481 = vector.shape_cast %parallel_loop3A_480 : vector<16xi32> to vector<16x1xi32>
        %parallel_loop3A_482 = vector.shape_cast %parallel_loop3A_481 : vector<16x1xi32> to vector<16xi32>
        %parallel_loop3A_483 = tpu.dynamic_gather %parallel_loop3A_219[%parallel_loop3A_482] in [0] : vector<16xi32>, vector<16xi32> -> vector<16xi32>
        %parallel_loop3A_484 = arith.index_cast %parallel_loop3A_473 : i32 to index
        %parallel_loop3A_485 = tpu.vector_load %arg10[%parallel_loop3A_484] {strides = array<i32>} : memref<512xi32, #tpu.memory_space<vmem>>, vector<16xi32>,
        tpu.vector_store %arg10[%parallel_loop3A_484], %parallel_loop3A_483 {strides = array<i32>} : memref<512xi32, #tpu.memory_space<vmem>>, vector<16xi32>,
        %parallel_loop3A_486 = arith.constant 16 : i32
        %parallel_loop3A_487 = arith.muli %parallel_loop3A_213, %parallel_loop3A_486 : i32
        %parallel_loop3A_488 = arith.constant 14 : i32
        %parallel_loop3A_489 = arith.addi %parallel_loop3A_487, %parallel_loop3A_488 : i32
        %parallel_loop3A_490 = arith.constant 16 : i32
        %parallel_loop3A_491 = arith.muli %parallel_loop3A_489, %parallel_loop3A_490 : i32
        %parallel_loop3A_492 = tpu.assume_multiple %parallel_loop3A_491, 8 : i32
        %parallel_loop3A_493 = arith.constant 0 : i32
        %parallel_loop3A_494 = vector.broadcast %parallel_loop3A_493 : i32 to vector<16xi32>
        %parallel_loop3A_495 = arith.cmpi slt, %broadcast_in_dim3A_37, %parallel_loop3A_494 : vector<16xi32>
        %parallel_loop3A_496 = arith.constant 16 : i32
        %parallel_loop3A_497 = vector.broadcast %parallel_loop3A_496 : i32 to vector<16xi32>
        %parallel_loop3A_498 = arith.addi %broadcast_in_dim3A_37, %parallel_loop3A_497 : vector<16xi32>
        %parallel_loop3A_499 = arith.select %parallel_loop3A_495, %parallel_loop3A_498, %broadcast_in_dim3A_37 : vector<16xi1>, vector<16xi32>
        %parallel_loop3A_500 = vector.shape_cast %parallel_loop3A_499 : vector<16xi32> to vector<16x1xi32>
        %parallel_loop3A_501 = vector.shape_cast %parallel_loop3A_500 : vector<16x1xi32> to vector<16xi32>
        %parallel_loop3A_502 = tpu.dynamic_gather %parallel_loop3A_219[%parallel_loop3A_501] in [0] : vector<16xi32>, vector<16xi32> -> vector<16xi32>
        %parallel_loop3A_503 = arith.index_cast %parallel_loop3A_492 : i32 to index
        %parallel_loop3A_504 = tpu.vector_load %arg10[%parallel_loop3A_503] {strides = array<i32>} : memref<512xi32, #tpu.memory_space<vmem>>, vector<16xi32>,
        tpu.vector_store %arg10[%parallel_loop3A_503], %parallel_loop3A_502 {strides = array<i32>} : memref<512xi32, #tpu.memory_space<vmem>>, vector<16xi32>,
        %parallel_loop3A_505 = arith.constant 16 : i32
        %parallel_loop3A_506 = arith.muli %parallel_loop3A_213, %parallel_loop3A_505 : i32
        %parallel_loop3A_507 = arith.constant 15 : i32
        %parallel_loop3A_508 = arith.addi %parallel_loop3A_506, %parallel_loop3A_507 : i32
        %parallel_loop3A_509 = arith.constant 16 : i32
        %parallel_loop3A_510 = arith.muli %parallel_loop3A_508, %parallel_loop3A_509 : i32
        %parallel_loop3A_511 = tpu.assume_multiple %parallel_loop3A_510, 8 : i32
        %parallel_loop3A_512 = arith.constant 0 : i32
        %parallel_loop3A_513 = vector.broadcast %parallel_loop3A_512 : i32 to vector<16xi32>
        %parallel_loop3A_514 = arith.cmpi slt, %broadcast_in_dim3A_39, %parallel_loop3A_513 : vector<16xi32>
        %parallel_loop3A_515 = arith.constant 16 : i32
        %parallel_loop3A_516 = vector.broadcast %parallel_loop3A_515 : i32 to vector<16xi32>
        %parallel_loop3A_517 = arith.addi %broadcast_in_dim3A_39, %parallel_loop3A_516 : vector<16xi32>
        %parallel_loop3A_518 = arith.select %parallel_loop3A_514, %parallel_loop3A_517, %broadcast_in_dim3A_39 : vector<16xi1>, vector<16xi32>
        %parallel_loop3A_519 = vector.shape_cast %parallel_loop3A_518 : vector<16xi32> to vector<16x1xi32>
        %parallel_loop3A_520 = vector.shape_cast %parallel_loop3A_519 : vector<16x1xi32> to vector<16xi32>
        %parallel_loop3A_521 = tpu.dynamic_gather %parallel_loop3A_219[%parallel_loop3A_520] in [0] : vector<16xi32>, vector<16xi32> -> vector<16xi32>
        %parallel_loop3A_522 = arith.index_cast %parallel_loop3A_511 : i32 to index
        %parallel_loop3A_523 = tpu.vector_load %arg10[%parallel_loop3A_522] {strides = array<i32>} : memref<512xi32, #tpu.memory_space<vmem>>, vector<16xi32>,
        tpu.vector_store %arg10[%parallel_loop3A_522], %parallel_loop3A_521 {strides = array<i32>} : memref<512xi32, #tpu.memory_space<vmem>>, vector<16xi32>,
      } {sc.loop_unroll_factor = 1 : i64, sc.parallel_access}
      %add3A_168 = arith.constant 1 : i32
      %add3A_169 = arith.addi %add3A_161, %add3A_168 : i32
      %lt3A = arith.constant 64 : i32
      %lt3A_170 = arith.cmpi slt, %add3A_169, %lt3A : i32
      %convert_element_type3A = arith.extui %lt3A_170 : i1 to i32
      %cond3A = arith.constant 0 : i32
      %cond3A_171 = arith.cmpi ne, %convert_element_type3A, %cond3A : i32
      scf.if %cond3A_171 {
        %ge3A = arith.constant 1 : i32
        %ge3A_213 = arith.cmpi sge, %add3A_161, %ge3A : i32
        %convert_element_type3A_214 = arith.extui %ge3A_213 : i1 to i32
        %cond3A_215 = arith.constant 0 : i32
        %cond3A_216 = arith.cmpi ne, %convert_element_type3A_214, %cond3A_215 : i32
        scf.if %cond3A_216 {
          %multiple_of3A_224 = arith.constant 0 : i32
          %multiple_of3A_225 = tpu.assume_multiple %multiple_of3A_224, 8 : i32
          %add3A_226 = arith.addi %mul3A_2, %multiple_of3A_225 : i32
          %dma_wait3A_227 = arith.constant 0 : i32
          %dma_wait3A_228 = tpu.memref_slice %arg6[%add3A_226, %dma_wait3A_227] : memref<65536x768xf32, #tpu.memory_space<hbm>> -> memref<32x768xf32, #tpu.memory_space<hbm>>
          %dma_wait3A_229 = arith.constant 0 : i32
          %dma_wait3A_230 = tpu.memref_slice %arg6[%add3A_226, %dma_wait3A_229] : memref<65536x768xf32, #tpu.memory_space<hbm>> -> memref<32x768xf32, #tpu.memory_space<hbm>>
          tpu.wait_dma2 semaphore(%arg16 : memref<!tpu.dma_semaphore, #tpu.memory_space<semaphore_mem>>) src(%arg12 : memref<32x768xf32, #tpu.memory_space<vmem>>) dst(%dma_wait3A_230 : memref<32x768xf32, #tpu.memory_space<hbm>>)
        } else {
        }
        %add3A_217 = arith.constant 32 : i32
        %add3A_218 = arith.addi %multiple_of3A_164, %add3A_217 : i32
        %multiple_of3A_219 = tpu.assume_multiple %add3A_218, 8 : i32
        %dma_start3A_220 = tpu.memref_slice %arg7[%multiple_of3A_219] : memref<2048xi32, #tpu.memory_space<vmem>> -> memref<32xi32, #tpu.memory_space<vmem>>
        %dma_start3A_221 = arith.constant 0 : i32
        %dma_start3A_222 = arith.constant 0 : i32
        %dma_start3A_223 = tpu.memref_slice %arg2[%dma_start3A_221, %dma_start3A_222] : memref<100000x768xf32, #tpu.memory_space<hbm>> -> memref<100000x768xf32, #tpu.memory_space<hbm>>
        tpu.enqueue_indirect_dma source(%dma_start3A_223 : memref<100000x768xf32, #tpu.memory_space<hbm>>) target(%arg12 : memref<32x768xf32, #tpu.memory_space<vmem>>) offsets(%dma_start3A_220 : memref<32xi32, #tpu.memory_space<vmem>>) semaphore(%arg14 : memref<!tpu.dma_semaphore, #tpu.memory_space<semaphore_mem>>)
      } else {
      }
      %dma_wait3A_172 = tpu.memref_slice %arg7[%multiple_of3A_164] : memref<2048xi32, #tpu.memory_space<vmem>> -> memref<32xi32, #tpu.memory_space<vmem>>
      %dma_wait3A_173 = arith.constant 0 : i32
      %dma_wait3A_174 = arith.constant 0 : i32
      %dma_wait3A_175 = tpu.memref_slice %arg2[%dma_wait3A_173, %dma_wait3A_174] : memref<100000x768xf32, #tpu.memory_space<hbm>> -> memref<100000x768xf32, #tpu.memory_space<hbm>>
      tpu.wait_indirect_dma semaphore(%arg13 : memref<!tpu.dma_semaphore, #tpu.memory_space<semaphore_mem>>) src(%dma_wait3A_175 : memref<100000x768xf32, #tpu.memory_space<hbm>>) dst(%arg11 : memref<32x768xf32, #tpu.memory_space<vmem>>)
      %parallel_loop3A_176 = arith.constant 0 : i32
      %parallel_loop3A_177 = arith.constant 32 : i32
      %parallel_loop3A_178 = arith.constant 1 : i32
      scf.for %parallel_loop3A_213 = %parallel_loop3A_176 to %parallel_loop3A_177 step %parallel_loop3A_178  : i32 {
        %parallel_loop3A_214 = arith.constant 16 : i32
        %parallel_loop3A_215 = arith.muli %parallel_loop3A_213, %parallel_loop3A_214 : i32
        %parallel_loop3A_216 = arith.index_cast %parallel_loop3A_215 : i32 to index
        %parallel_loop3A_217 = tpu.vector_load %arg10[%parallel_loop3A_216] {strides = array<i32>} : memref<512xi32, #tpu.memory_space<vmem>>, vector<16xi32>,
        %parallel_loop3A_218 = arith.addi %parallel_loop3A_217, %add3A_42 : vector<16xi32>
        %parallel_loop3A_219 = tpu.vector_load_idx %arg9[%parallel_loop3A_218] : memref<73728xi32, #tpu.memory_space<vmem>>[vector<16xi32>], vector<16xi32>,
        %parallel_loop3A_220 = arith.shli %parallel_loop3A_219, %broadcast_in_dim3A_136 : vector<16xi32>
        %parallel_loop3A_221 = tpu.bitcast %parallel_loop3A_220 : vector<16xi32> -> vector<16xf32>
        %parallel_loop3A_222 = arith.andi %parallel_loop3A_219, %broadcast_in_dim3A_138 : vector<16xi32>
        %parallel_loop3A_223 = tpu.bitcast %parallel_loop3A_222 : vector<16xi32> -> vector<16xf32>
        %parallel_loop3A_224 = arith.index_cast %parallel_loop3A_213 : i32 to index
        %parallel_loop3A_225 = arith.constant 0 : index
        %parallel_loop3A_226 = tpu.vector_load %arg11[%parallel_loop3A_224, %parallel_loop3A_225] {strides = array<i32>} : memref<32x768xf32, #tpu.memory_space<vmem>>, vector<16xf32>,
        tpu.vector_store %arg11[%parallel_loop3A_224, %parallel_loop3A_225], %parallel_loop3A_221 {add = true, strides = array<i32>} : memref<32x768xf32, #tpu.memory_space<vmem>>, vector<16xf32>,
        %parallel_loop3A_227 = arith.index_cast %parallel_loop3A_213 : i32 to index
        %parallel_loop3A_228 = arith.constant 16 : index
        %parallel_loop3A_229 = tpu.vector_load %arg11[%parallel_loop3A_227, %parallel_loop3A_228] {strides = array<i32>} : memref<32x768xf32, #tpu.memory_space<vmem>>, vector<16xf32>,
        tpu.vector_store %arg11[%parallel_loop3A_227, %parallel_loop3A_228], %parallel_loop3A_223 {add = true, strides = array<i32>} : memref<32x768xf32, #tpu.memory_space<vmem>>, vector<16xf32>,
        %parallel_loop3A_230 = arith.addi %parallel_loop3A_217, %add3A_46 : vector<16xi32>
        %parallel_loop3A_231 = tpu.vector_load_idx %arg9[%parallel_loop3A_230] : memref<73728xi32, #tpu.memory_space<vmem>>[vector<16xi32>], vector<16xi32>,
        %parallel_loop3A_232 = arith.shli %parallel_loop3A_231, %broadcast_in_dim3A_136 : vector<16xi32>
        %parallel_loop3A_233 = tpu.bitcast %parallel_loop3A_232 : vector<16xi32> -> vector<16xf32>
        %parallel_loop3A_234 = arith.andi %parallel_loop3A_231, %broadcast_in_dim3A_138 : vector<16xi32>
        %parallel_loop3A_235 = tpu.bitcast %parallel_loop3A_234 : vector<16xi32> -> vector<16xf32>
        %parallel_loop3A_236 = arith.index_cast %parallel_loop3A_213 : i32 to index
        %parallel_loop3A_237 = arith.constant 32 : index
        %parallel_loop3A_238 = tpu.vector_load %arg11[%parallel_loop3A_236, %parallel_loop3A_237] {strides = array<i32>} : memref<32x768xf32, #tpu.memory_space<vmem>>, vector<16xf32>,
        tpu.vector_store %arg11[%parallel_loop3A_236, %parallel_loop3A_237], %parallel_loop3A_233 {add = true, strides = array<i32>} : memref<32x768xf32, #tpu.memory_space<vmem>>, vector<16xf32>,
        %parallel_loop3A_239 = arith.index_cast %parallel_loop3A_213 : i32 to index
        %parallel_loop3A_240 = arith.constant 48 : index
        %parallel_loop3A_241 = tpu.vector_load %arg11[%parallel_loop3A_239, %parallel_loop3A_240] {strides = array<i32>} : memref<32x768xf32, #tpu.memory_space<vmem>>, vector<16xf32>,
        tpu.vector_store %arg11[%parallel_loop3A_239, %parallel_loop3A_240], %parallel_loop3A_235 {add = true, strides = array<i32>} : memref<32x768xf32, #tpu.memory_space<vmem>>, vector<16xf32>,
        %parallel_loop3A_242 = arith.addi %parallel_loop3A_217, %add3A_50 : vector<16xi32>
        %parallel_loop3A_243 = tpu.vector_load_idx %arg9[%parallel_loop3A_242] : memref<73728xi32, #tpu.memory_space<vmem>>[vector<16xi32>], vector<16xi32>,
        %parallel_loop3A_244 = arith.shli %parallel_loop3A_243, %broadcast_in_dim3A_136 : vector<16xi32>
        %parallel_loop3A_245 = tpu.bitcast %parallel_loop3A_244 : vector<16xi32> -> vector<16xf32>
        %parallel_loop3A_246 = arith.andi %parallel_loop3A_243, %broadcast_in_dim3A_138 : vector<16xi32>
        %parallel_loop3A_247 = tpu.bitcast %parallel_loop3A_246 : vector<16xi32> -> vector<16xf32>
        %parallel_loop3A_248 = arith.index_cast %parallel_loop3A_213 : i32 to index
        %parallel_loop3A_249 = arith.constant 64 : index
        %parallel_loop3A_250 = tpu.vector_load %arg11[%parallel_loop3A_248, %parallel_loop3A_249] {strides = array<i32>} : memref<32x768xf32, #tpu.memory_space<vmem>>, vector<16xf32>,
        tpu.vector_store %arg11[%parallel_loop3A_248, %parallel_loop3A_249], %parallel_loop3A_245 {add = true, strides = array<i32>} : memref<32x768xf32, #tpu.memory_space<vmem>>, vector<16xf32>,
        %parallel_loop3A_251 = arith.index_cast %parallel_loop3A_213 : i32 to index
        %parallel_loop3A_252 = arith.constant 80 : index
        %parallel_loop3A_253 = tpu.vector_load %arg11[%parallel_loop3A_251, %parallel_loop3A_252] {strides = array<i32>} : memref<32x768xf32, #tpu.memory_space<vmem>>, vector<16xf32>,
        tpu.vector_store %arg11[%parallel_loop3A_251, %parallel_loop3A_252], %parallel_loop3A_247 {add = true, strides = array<i32>} : memref<32x768xf32, #tpu.memory_space<vmem>>, vector<16xf32>,
        %parallel_loop3A_254 = arith.addi %parallel_loop3A_217, %add3A_54 : vector<16xi32>
        %parallel_loop3A_255 = tpu.vector_load_idx %arg9[%parallel_loop3A_254] : memref<73728xi32, #tpu.memory_space<vmem>>[vector<16xi32>], vector<16xi32>,
        %parallel_loop3A_256 = arith.shli %parallel_loop3A_255, %broadcast_in_dim3A_136 : vector<16xi32>
        %parallel_loop3A_257 = tpu.bitcast %parallel_loop3A_256 : vector<16xi32> -> vector<16xf32>
        %parallel_loop3A_258 = arith.andi %parallel_loop3A_255, %broadcast_in_dim3A_138 : vector<16xi32>
        %parallel_loop3A_259 = tpu.bitcast %parallel_loop3A_258 : vector<16xi32> -> vector<16xf32>
        %parallel_loop3A_260 = arith.index_cast %parallel_loop3A_213 : i32 to index
        %parallel_loop3A_261 = arith.constant 96 : index
        %parallel_loop3A_262 = tpu.vector_load %arg11[%parallel_loop3A_260, %parallel_loop3A_261] {strides = array<i32>} : memref<32x768xf32, #tpu.memory_space<vmem>>, vector<16xf32>,
        tpu.vector_store %arg11[%parallel_loop3A_260, %parallel_loop3A_261], %parallel_loop3A_257 {add = true, strides = array<i32>} : memref<32x768xf32, #tpu.memory_space<vmem>>, vector<16xf32>,
        %parallel_loop3A_263 = arith.index_cast %parallel_loop3A_213 : i32 to index
        %parallel_loop3A_264 = arith.constant 112 : index
        %parallel_loop3A_265 = tpu.vector_load %arg11[%parallel_loop3A_263, %parallel_loop3A_264] {strides = array<i32>} : memref<32x768xf32, #tpu.memory_space<vmem>>, vector<16xf32>,
        tpu.vector_store %arg11[%parallel_loop3A_263, %parallel_loop3A_264], %parallel_loop3A_259 {add = true, strides = array<i32>} : memref<32x768xf32, #tpu.memory_space<vmem>>, vector<16xf32>,
        %parallel_loop3A_266 = arith.addi %parallel_loop3A_217, %add3A_58 : vector<16xi32>
        %parallel_loop3A_267 = tpu.vector_load_idx %arg9[%parallel_loop3A_266] : memref<73728xi32, #tpu.memory_space<vmem>>[vector<16xi32>], vector<16xi32>,
        %parallel_loop3A_268 = arith.shli %parallel_loop3A_267, %broadcast_in_dim3A_136 : vector<16xi32>
        %parallel_loop3A_269 = tpu.bitcast %parallel_loop3A_268 : vector<16xi32> -> vector<16xf32>
        %parallel_loop3A_270 = arith.andi %parallel_loop3A_267, %broadcast_in_dim3A_138 : vector<16xi32>
        %parallel_loop3A_271 = tpu.bitcast %parallel_loop3A_270 : vector<16xi32> -> vector<16xf32>
        %parallel_loop3A_272 = arith.index_cast %parallel_loop3A_213 : i32 to index
        %parallel_loop3A_273 = arith.constant 128 : index
        %parallel_loop3A_274 = tpu.vector_load %arg11[%parallel_loop3A_272, %parallel_loop3A_273] {strides = array<i32>} : memref<32x768xf32, #tpu.memory_space<vmem>>, vector<16xf32>,
        tpu.vector_store %arg11[%parallel_loop3A_272, %parallel_loop3A_273], %parallel_loop3A_269 {add = true, strides = array<i32>} : memref<32x768xf32, #tpu.memory_space<vmem>>, vector<16xf32>,
        %parallel_loop3A_275 = arith.index_cast %parallel_loop3A_213 : i32 to index
        %parallel_loop3A_276 = arith.constant 144 : index
        %parallel_loop3A_277 = tpu.vector_load %arg11[%parallel_loop3A_275, %parallel_loop3A_276] {strides = array<i32>} : memref<32x768xf32, #tpu.memory_space<vmem>>, vector<16xf32>,
        tpu.vector_store %arg11[%parallel_loop3A_275, %parallel_loop3A_276], %parallel_loop3A_271 {add = true, strides = array<i32>} : memref<32x768xf32, #tpu.memory_space<vmem>>, vector<16xf32>,
        %parallel_loop3A_278 = arith.addi %parallel_loop3A_217, %add3A_62 : vector<16xi32>
        %parallel_loop3A_279 = tpu.vector_load_idx %arg9[%parallel_loop3A_278] : memref<73728xi32, #tpu.memory_space<vmem>>[vector<16xi32>], vector<16xi32>,
        %parallel_loop3A_280 = arith.shli %parallel_loop3A_279, %broadcast_in_dim3A_136 : vector<16xi32>
        %parallel_loop3A_281 = tpu.bitcast %parallel_loop3A_280 : vector<16xi32> -> vector<16xf32>
        %parallel_loop3A_282 = arith.andi %parallel_loop3A_279, %broadcast_in_dim3A_138 : vector<16xi32>
        %parallel_loop3A_283 = tpu.bitcast %parallel_loop3A_282 : vector<16xi32> -> vector<16xf32>
        %parallel_loop3A_284 = arith.index_cast %parallel_loop3A_213 : i32 to index
        %parallel_loop3A_285 = arith.constant 160 : index
        %parallel_loop3A_286 = tpu.vector_load %arg11[%parallel_loop3A_284, %parallel_loop3A_285] {strides = array<i32>} : memref<32x768xf32, #tpu.memory_space<vmem>>, vector<16xf32>,
        tpu.vector_store %arg11[%parallel_loop3A_284, %parallel_loop3A_285], %parallel_loop3A_281 {add = true, strides = array<i32>} : memref<32x768xf32, #tpu.memory_space<vmem>>, vector<16xf32>,
        %parallel_loop3A_287 = arith.index_cast %parallel_loop3A_213 : i32 to index
        %parallel_loop3A_288 = arith.constant 176 : index
        %parallel_loop3A_289 = tpu.vector_load %arg11[%parallel_loop3A_287, %parallel_loop3A_288] {strides = array<i32>} : memref<32x768xf32, #tpu.memory_space<vmem>>, vector<16xf32>,
        tpu.vector_store %arg11[%parallel_loop3A_287, %parallel_loop3A_288], %parallel_loop3A_283 {add = true, strides = array<i32>} : memref<32x768xf32, #tpu.memory_space<vmem>>, vector<16xf32>,
        %parallel_loop3A_290 = arith.addi %parallel_loop3A_217, %add3A_66 : vector<16xi32>
        %parallel_loop3A_291 = tpu.vector_load_idx %arg9[%parallel_loop3A_290] : memref<73728xi32, #tpu.memory_space<vmem>>[vector<16xi32>], vector<16xi32>,
        %parallel_loop3A_292 = arith.shli %parallel_loop3A_291, %broadcast_in_dim3A_136 : vector<16xi32>
        %parallel_loop3A_293 = tpu.bitcast %parallel_loop3A_292 : vector<16xi32> -> vector<16xf32>
        %parallel_loop3A_294 = arith.andi %parallel_loop3A_291, %broadcast_in_dim3A_138 : vector<16xi32>
        %parallel_loop3A_295 = tpu.bitcast %parallel_loop3A_294 : vector<16xi32> -> vector<16xf32>
        %parallel_loop3A_296 = arith.index_cast %parallel_loop3A_213 : i32 to index
        %parallel_loop3A_297 = arith.constant 192 : index
        %parallel_loop3A_298 = tpu.vector_load %arg11[%parallel_loop3A_296, %parallel_loop3A_297] {strides = array<i32>} : memref<32x768xf32, #tpu.memory_space<vmem>>, vector<16xf32>,
        tpu.vector_store %arg11[%parallel_loop3A_296, %parallel_loop3A_297], %parallel_loop3A_293 {add = true, strides = array<i32>} : memref<32x768xf32, #tpu.memory_space<vmem>>, vector<16xf32>,
        %parallel_loop3A_299 = arith.index_cast %parallel_loop3A_213 : i32 to index
        %parallel_loop3A_300 = arith.constant 208 : index
        %parallel_loop3A_301 = tpu.vector_load %arg11[%parallel_loop3A_299, %parallel_loop3A_300] {strides = array<i32>} : memref<32x768xf32, #tpu.memory_space<vmem>>, vector<16xf32>,
        tpu.vector_store %arg11[%parallel_loop3A_299, %parallel_loop3A_300], %parallel_loop3A_295 {add = true, strides = array<i32>} : memref<32x768xf32, #tpu.memory_space<vmem>>, vector<16xf32>,
        %parallel_loop3A_302 = arith.addi %parallel_loop3A_217, %add3A_70 : vector<16xi32>
        %parallel_loop3A_303 = tpu.vector_load_idx %arg9[%parallel_loop3A_302] : memref<73728xi32, #tpu.memory_space<vmem>>[vector<16xi32>], vector<16xi32>,
        %parallel_loop3A_304 = arith.shli %parallel_loop3A_303, %broadcast_in_dim3A_136 : vector<16xi32>
        %parallel_loop3A_305 = tpu.bitcast %parallel_loop3A_304 : vector<16xi32> -> vector<16xf32>
        %parallel_loop3A_306 = arith.andi %parallel_loop3A_303, %broadcast_in_dim3A_138 : vector<16xi32>
        %parallel_loop3A_307 = tpu.bitcast %parallel_loop3A_306 : vector<16xi32> -> vector<16xf32>
        %parallel_loop3A_308 = arith.index_cast %parallel_loop3A_213 : i32 to index
        %parallel_loop3A_309 = arith.constant 224 : index
        %parallel_loop3A_310 = tpu.vector_load %arg11[%parallel_loop3A_308, %parallel_loop3A_309] {strides = array<i32>} : memref<32x768xf32, #tpu.memory_space<vmem>>, vector<16xf32>,
        tpu.vector_store %arg11[%parallel_loop3A_308, %parallel_loop3A_309], %parallel_loop3A_305 {add = true, strides = array<i32>} : memref<32x768xf32, #tpu.memory_space<vmem>>, vector<16xf32>,
        %parallel_loop3A_311 = arith.index_cast %parallel_loop3A_213 : i32 to index
        %parallel_loop3A_312 = arith.constant 240 : index
        %parallel_loop3A_313 = tpu.vector_load %arg11[%parallel_loop3A_311, %parallel_loop3A_312] {strides = array<i32>} : memref<32x768xf32, #tpu.memory_space<vmem>>, vector<16xf32>,
        tpu.vector_store %arg11[%parallel_loop3A_311, %parallel_loop3A_312], %parallel_loop3A_307 {add = true, strides = array<i32>} : memref<32x768xf32, #tpu.memory_space<vmem>>, vector<16xf32>,
        %parallel_loop3A_314 = arith.addi %parallel_loop3A_217, %add3A_74 : vector<16xi32>
        %parallel_loop3A_315 = tpu.vector_load_idx %arg9[%parallel_loop3A_314] : memref<73728xi32, #tpu.memory_space<vmem>>[vector<16xi32>], vector<16xi32>,
        %parallel_loop3A_316 = arith.shli %parallel_loop3A_315, %broadcast_in_dim3A_136 : vector<16xi32>
        %parallel_loop3A_317 = tpu.bitcast %parallel_loop3A_316 : vector<16xi32> -> vector<16xf32>
        %parallel_loop3A_318 = arith.andi %parallel_loop3A_315, %broadcast_in_dim3A_138 : vector<16xi32>
        %parallel_loop3A_319 = tpu.bitcast %parallel_loop3A_318 : vector<16xi32> -> vector<16xf32>
        %parallel_loop3A_320 = arith.index_cast %parallel_loop3A_213 : i32 to index
        %parallel_loop3A_321 = arith.constant 256 : index
        %parallel_loop3A_322 = tpu.vector_load %arg11[%parallel_loop3A_320, %parallel_loop3A_321] {strides = array<i32>} : memref<32x768xf32, #tpu.memory_space<vmem>>, vector<16xf32>,
        tpu.vector_store %arg11[%parallel_loop3A_320, %parallel_loop3A_321], %parallel_loop3A_317 {add = true, strides = array<i32>} : memref<32x768xf32, #tpu.memory_space<vmem>>, vector<16xf32>,
        %parallel_loop3A_323 = arith.index_cast %parallel_loop3A_213 : i32 to index
        %parallel_loop3A_324 = arith.constant 272 : index
        %parallel_loop3A_325 = tpu.vector_load %arg11[%parallel_loop3A_323, %parallel_loop3A_324] {strides = array<i32>} : memref<32x768xf32, #tpu.memory_space<vmem>>, vector<16xf32>,
        tpu.vector_store %arg11[%parallel_loop3A_323, %parallel_loop3A_324], %parallel_loop3A_319 {add = true, strides = array<i32>} : memref<32x768xf32, #tpu.memory_space<vmem>>, vector<16xf32>,
        %parallel_loop3A_326 = arith.addi %parallel_loop3A_217, %add3A_78 : vector<16xi32>
        %parallel_loop3A_327 = tpu.vector_load_idx %arg9[%parallel_loop3A_326] : memref<73728xi32, #tpu.memory_space<vmem>>[vector<16xi32>], vector<16xi32>,
        %parallel_loop3A_328 = arith.shli %parallel_loop3A_327, %broadcast_in_dim3A_136 : vector<16xi32>
        %parallel_loop3A_329 = tpu.bitcast %parallel_loop3A_328 : vector<16xi32> -> vector<16xf32>
        %parallel_loop3A_330 = arith.andi %parallel_loop3A_327, %broadcast_in_dim3A_138 : vector<16xi32>
        %parallel_loop3A_331 = tpu.bitcast %parallel_loop3A_330 : vector<16xi32> -> vector<16xf32>
        %parallel_loop3A_332 = arith.index_cast %parallel_loop3A_213 : i32 to index
        %parallel_loop3A_333 = arith.constant 288 : index
        %parallel_loop3A_334 = tpu.vector_load %arg11[%parallel_loop3A_332, %parallel_loop3A_333] {strides = array<i32>} : memref<32x768xf32, #tpu.memory_space<vmem>>, vector<16xf32>,
        tpu.vector_store %arg11[%parallel_loop3A_332, %parallel_loop3A_333], %parallel_loop3A_329 {add = true, strides = array<i32>} : memref<32x768xf32, #tpu.memory_space<vmem>>, vector<16xf32>,
        %parallel_loop3A_335 = arith.index_cast %parallel_loop3A_213 : i32 to index
        %parallel_loop3A_336 = arith.constant 304 : index
        %parallel_loop3A_337 = tpu.vector_load %arg11[%parallel_loop3A_335, %parallel_loop3A_336] {strides = array<i32>} : memref<32x768xf32, #tpu.memory_space<vmem>>, vector<16xf32>,
        tpu.vector_store %arg11[%parallel_loop3A_335, %parallel_loop3A_336], %parallel_loop3A_331 {add = true, strides = array<i32>} : memref<32x768xf32, #tpu.memory_space<vmem>>, vector<16xf32>,
        %parallel_loop3A_338 = arith.addi %parallel_loop3A_217, %add3A_82 : vector<16xi32>
        %parallel_loop3A_339 = tpu.vector_load_idx %arg9[%parallel_loop3A_338] : memref<73728xi32, #tpu.memory_space<vmem>>[vector<16xi32>], vector<16xi32>,
        %parallel_loop3A_340 = arith.shli %parallel_loop3A_339, %broadcast_in_dim3A_136 : vector<16xi32>
        %parallel_loop3A_341 = tpu.bitcast %parallel_loop3A_340 : vector<16xi32> -> vector<16xf32>
        %parallel_loop3A_342 = arith.andi %parallel_loop3A_339, %broadcast_in_dim3A_138 : vector<16xi32>
        %parallel_loop3A_343 = tpu.bitcast %parallel_loop3A_342 : vector<16xi32> -> vector<16xf32>
        %parallel_loop3A_344 = arith.index_cast %parallel_loop3A_213 : i32 to index
        %parallel_loop3A_345 = arith.constant 320 : index
        %parallel_loop3A_346 = tpu.vector_load %arg11[%parallel_loop3A_344, %parallel_loop3A_345] {strides = array<i32>} : memref<32x768xf32, #tpu.memory_space<vmem>>, vector<16xf32>,
        tpu.vector_store %arg11[%parallel_loop3A_344, %parallel_loop3A_345], %parallel_loop3A_341 {add = true, strides = array<i32>} : memref<32x768xf32, #tpu.memory_space<vmem>>, vector<16xf32>,
        %parallel_loop3A_347 = arith.index_cast %parallel_loop3A_213 : i32 to index
        %parallel_loop3A_348 = arith.constant 336 : index
        %parallel_loop3A_349 = tpu.vector_load %arg11[%parallel_loop3A_347, %parallel_loop3A_348] {strides = array<i32>} : memref<32x768xf32, #tpu.memory_space<vmem>>, vector<16xf32>,
        tpu.vector_store %arg11[%parallel_loop3A_347, %parallel_loop3A_348], %parallel_loop3A_343 {add = true, strides = array<i32>} : memref<32x768xf32, #tpu.memory_space<vmem>>, vector<16xf32>,
        %parallel_loop3A_350 = arith.addi %parallel_loop3A_217, %add3A_86 : vector<16xi32>
        %parallel_loop3A_351 = tpu.vector_load_idx %arg9[%parallel_loop3A_350] : memref<73728xi32, #tpu.memory_space<vmem>>[vector<16xi32>], vector<16xi32>,
        %parallel_loop3A_352 = arith.shli %parallel_loop3A_351, %broadcast_in_dim3A_136 : vector<16xi32>
        %parallel_loop3A_353 = tpu.bitcast %parallel_loop3A_352 : vector<16xi32> -> vector<16xf32>
        %parallel_loop3A_354 = arith.andi %parallel_loop3A_351, %broadcast_in_dim3A_138 : vector<16xi32>
        %parallel_loop3A_355 = tpu.bitcast %parallel_loop3A_354 : vector<16xi32> -> vector<16xf32>
        %parallel_loop3A_356 = arith.index_cast %parallel_loop3A_213 : i32 to index
        %parallel_loop3A_357 = arith.constant 352 : index
        %parallel_loop3A_358 = tpu.vector_load %arg11[%parallel_loop3A_356, %parallel_loop3A_357] {strides = array<i32>} : memref<32x768xf32, #tpu.memory_space<vmem>>, vector<16xf32>,
        tpu.vector_store %arg11[%parallel_loop3A_356, %parallel_loop3A_357], %parallel_loop3A_353 {add = true, strides = array<i32>} : memref<32x768xf32, #tpu.memory_space<vmem>>, vector<16xf32>,
        %parallel_loop3A_359 = arith.index_cast %parallel_loop3A_213 : i32 to index
        %parallel_loop3A_360 = arith.constant 368 : index
        %parallel_loop3A_361 = tpu.vector_load %arg11[%parallel_loop3A_359, %parallel_loop3A_360] {strides = array<i32>} : memref<32x768xf32, #tpu.memory_space<vmem>>, vector<16xf32>,
        tpu.vector_store %arg11[%parallel_loop3A_359, %parallel_loop3A_360], %parallel_loop3A_355 {add = true, strides = array<i32>} : memref<32x768xf32, #tpu.memory_space<vmem>>, vector<16xf32>,
        %parallel_loop3A_362 = arith.addi %parallel_loop3A_217, %add3A_90 : vector<16xi32>
        %parallel_loop3A_363 = tpu.vector_load_idx %arg9[%parallel_loop3A_362] : memref<73728xi32, #tpu.memory_space<vmem>>[vector<16xi32>], vector<16xi32>,
        %parallel_loop3A_364 = arith.shli %parallel_loop3A_363, %broadcast_in_dim3A_136 : vector<16xi32>
        %parallel_loop3A_365 = tpu.bitcast %parallel_loop3A_364 : vector<16xi32> -> vector<16xf32>
        %parallel_loop3A_366 = arith.andi %parallel_loop3A_363, %broadcast_in_dim3A_138 : vector<16xi32>
        %parallel_loop3A_367 = tpu.bitcast %parallel_loop3A_366 : vector<16xi32> -> vector<16xf32>
        %parallel_loop3A_368 = arith.index_cast %parallel_loop3A_213 : i32 to index
        %parallel_loop3A_369 = arith.constant 384 : index
        %parallel_loop3A_370 = tpu.vector_load %arg11[%parallel_loop3A_368, %parallel_loop3A_369] {strides = array<i32>} : memref<32x768xf32, #tpu.memory_space<vmem>>, vector<16xf32>,
        tpu.vector_store %arg11[%parallel_loop3A_368, %parallel_loop3A_369], %parallel_loop3A_365 {add = true, strides = array<i32>} : memref<32x768xf32, #tpu.memory_space<vmem>>, vector<16xf32>,
        %parallel_loop3A_371 = arith.index_cast %parallel_loop3A_213 : i32 to index
        %parallel_loop3A_372 = arith.constant 400 : index
        %parallel_loop3A_373 = tpu.vector_load %arg11[%parallel_loop3A_371, %parallel_loop3A_372] {strides = array<i32>} : memref<32x768xf32, #tpu.memory_space<vmem>>, vector<16xf32>,
        tpu.vector_store %arg11[%parallel_loop3A_371, %parallel_loop3A_372], %parallel_loop3A_367 {add = true, strides = array<i32>} : memref<32x768xf32, #tpu.memory_space<vmem>>, vector<16xf32>,
        %parallel_loop3A_374 = arith.addi %parallel_loop3A_217, %add3A_94 : vector<16xi32>
        %parallel_loop3A_375 = tpu.vector_load_idx %arg9[%parallel_loop3A_374] : memref<73728xi32, #tpu.memory_space<vmem>>[vector<16xi32>], vector<16xi32>,
        %parallel_loop3A_376 = arith.shli %parallel_loop3A_375, %broadcast_in_dim3A_136 : vector<16xi32>
        %parallel_loop3A_377 = tpu.bitcast %parallel_loop3A_376 : vector<16xi32> -> vector<16xf32>
        %parallel_loop3A_378 = arith.andi %parallel_loop3A_375, %broadcast_in_dim3A_138 : vector<16xi32>
        %parallel_loop3A_379 = tpu.bitcast %parallel_loop3A_378 : vector<16xi32> -> vector<16xf32>
        %parallel_loop3A_380 = arith.index_cast %parallel_loop3A_213 : i32 to index
        %parallel_loop3A_381 = arith.constant 416 : index
        %parallel_loop3A_382 = tpu.vector_load %arg11[%parallel_loop3A_380, %parallel_loop3A_381] {strides = array<i32>} : memref<32x768xf32, #tpu.memory_space<vmem>>, vector<16xf32>,
        tpu.vector_store %arg11[%parallel_loop3A_380, %parallel_loop3A_381], %parallel_loop3A_377 {add = true, strides = array<i32>} : memref<32x768xf32, #tpu.memory_space<vmem>>, vector<16xf32>,
        %parallel_loop3A_383 = arith.index_cast %parallel_loop3A_213 : i32 to index
        %parallel_loop3A_384 = arith.constant 432 : index
        %parallel_loop3A_385 = tpu.vector_load %arg11[%parallel_loop3A_383, %parallel_loop3A_384] {strides = array<i32>} : memref<32x768xf32, #tpu.memory_space<vmem>>, vector<16xf32>,
        tpu.vector_store %arg11[%parallel_loop3A_383, %parallel_loop3A_384], %parallel_loop3A_379 {add = true, strides = array<i32>} : memref<32x768xf32, #tpu.memory_space<vmem>>, vector<16xf32>,
        %parallel_loop3A_386 = arith.addi %parallel_loop3A_217, %add3A_98 : vector<16xi32>
        %parallel_loop3A_387 = tpu.vector_load_idx %arg9[%parallel_loop3A_386] : memref<73728xi32, #tpu.memory_space<vmem>>[vector<16xi32>], vector<16xi32>,
        %parallel_loop3A_388 = arith.shli %parallel_loop3A_387, %broadcast_in_dim3A_136 : vector<16xi32>
        %parallel_loop3A_389 = tpu.bitcast %parallel_loop3A_388 : vector<16xi32> -> vector<16xf32>
        %parallel_loop3A_390 = arith.andi %parallel_loop3A_387, %broadcast_in_dim3A_138 : vector<16xi32>
        %parallel_loop3A_391 = tpu.bitcast %parallel_loop3A_390 : vector<16xi32> -> vector<16xf32>
        %parallel_loop3A_392 = arith.index_cast %parallel_loop3A_213 : i32 to index
        %parallel_loop3A_393 = arith.constant 448 : index
        %parallel_loop3A_394 = tpu.vector_load %arg11[%parallel_loop3A_392, %parallel_loop3A_393] {strides = array<i32>} : memref<32x768xf32, #tpu.memory_space<vmem>>, vector<16xf32>,
        tpu.vector_store %arg11[%parallel_loop3A_392, %parallel_loop3A_393], %parallel_loop3A_389 {add = true, strides = array<i32>} : memref<32x768xf32, #tpu.memory_space<vmem>>, vector<16xf32>,
        %parallel_loop3A_395 = arith.index_cast %parallel_loop3A_213 : i32 to index
        %parallel_loop3A_396 = arith.constant 464 : index
        %parallel_loop3A_397 = tpu.vector_load %arg11[%parallel_loop3A_395, %parallel_loop3A_396] {strides = array<i32>} : memref<32x768xf32, #tpu.memory_space<vmem>>, vector<16xf32>,
        tpu.vector_store %arg11[%parallel_loop3A_395, %parallel_loop3A_396], %parallel_loop3A_391 {add = true, strides = array<i32>} : memref<32x768xf32, #tpu.memory_space<vmem>>, vector<16xf32>,
        %parallel_loop3A_398 = arith.addi %parallel_loop3A_217, %add3A_102 : vector<16xi32>
        %parallel_loop3A_399 = tpu.vector_load_idx %arg9[%parallel_loop3A_398] : memref<73728xi32, #tpu.memory_space<vmem>>[vector<16xi32>], vector<16xi32>,
        %parallel_loop3A_400 = arith.shli %parallel_loop3A_399, %broadcast_in_dim3A_136 : vector<16xi32>
        %parallel_loop3A_401 = tpu.bitcast %parallel_loop3A_400 : vector<16xi32> -> vector<16xf32>
        %parallel_loop3A_402 = arith.andi %parallel_loop3A_399, %broadcast_in_dim3A_138 : vector<16xi32>
        %parallel_loop3A_403 = tpu.bitcast %parallel_loop3A_402 : vector<16xi32> -> vector<16xf32>
        %parallel_loop3A_404 = arith.index_cast %parallel_loop3A_213 : i32 to index
        %parallel_loop3A_405 = arith.constant 480 : index
        %parallel_loop3A_406 = tpu.vector_load %arg11[%parallel_loop3A_404, %parallel_loop3A_405] {strides = array<i32>} : memref<32x768xf32, #tpu.memory_space<vmem>>, vector<16xf32>,
        tpu.vector_store %arg11[%parallel_loop3A_404, %parallel_loop3A_405], %parallel_loop3A_401 {add = true, strides = array<i32>} : memref<32x768xf32, #tpu.memory_space<vmem>>, vector<16xf32>,
        %parallel_loop3A_407 = arith.index_cast %parallel_loop3A_213 : i32 to index
        %parallel_loop3A_408 = arith.constant 496 : index
        %parallel_loop3A_409 = tpu.vector_load %arg11[%parallel_loop3A_407, %parallel_loop3A_408] {strides = array<i32>} : memref<32x768xf32, #tpu.memory_space<vmem>>, vector<16xf32>,
        tpu.vector_store %arg11[%parallel_loop3A_407, %parallel_loop3A_408], %parallel_loop3A_403 {add = true, strides = array<i32>} : memref<32x768xf32, #tpu.memory_space<vmem>>, vector<16xf32>,
        %parallel_loop3A_410 = arith.addi %parallel_loop3A_217, %add3A_106 : vector<16xi32>
        %parallel_loop3A_411 = tpu.vector_load_idx %arg9[%parallel_loop3A_410] : memref<73728xi32, #tpu.memory_space<vmem>>[vector<16xi32>], vector<16xi32>,
        %parallel_loop3A_412 = arith.shli %parallel_loop3A_411, %broadcast_in_dim3A_136 : vector<16xi32>
        %parallel_loop3A_413 = tpu.bitcast %parallel_loop3A_412 : vector<16xi32> -> vector<16xf32>
        %parallel_loop3A_414 = arith.andi %parallel_loop3A_411, %broadcast_in_dim3A_138 : vector<16xi32>
        %parallel_loop3A_415 = tpu.bitcast %parallel_loop3A_414 : vector<16xi32> -> vector<16xf32>
        %parallel_loop3A_416 = arith.index_cast %parallel_loop3A_213 : i32 to index
        %parallel_loop3A_417 = arith.constant 512 : index
        %parallel_loop3A_418 = tpu.vector_load %arg11[%parallel_loop3A_416, %parallel_loop3A_417] {strides = array<i32>} : memref<32x768xf32, #tpu.memory_space<vmem>>, vector<16xf32>,
        tpu.vector_store %arg11[%parallel_loop3A_416, %parallel_loop3A_417], %parallel_loop3A_413 {add = true, strides = array<i32>} : memref<32x768xf32, #tpu.memory_space<vmem>>, vector<16xf32>,
        %parallel_loop3A_419 = arith.index_cast %parallel_loop3A_213 : i32 to index
        %parallel_loop3A_420 = arith.constant 528 : index
        %parallel_loop3A_421 = tpu.vector_load %arg11[%parallel_loop3A_419, %parallel_loop3A_420] {strides = array<i32>} : memref<32x768xf32, #tpu.memory_space<vmem>>, vector<16xf32>,
        tpu.vector_store %arg11[%parallel_loop3A_419, %parallel_loop3A_420], %parallel_loop3A_415 {add = true, strides = array<i32>} : memref<32x768xf32, #tpu.memory_space<vmem>>, vector<16xf32>,
        %parallel_loop3A_422 = arith.addi %parallel_loop3A_217, %add3A_110 : vector<16xi32>
        %parallel_loop3A_423 = tpu.vector_load_idx %arg9[%parallel_loop3A_422] : memref<73728xi32, #tpu.memory_space<vmem>>[vector<16xi32>], vector<16xi32>,
        %parallel_loop3A_424 = arith.shli %parallel_loop3A_423, %broadcast_in_dim3A_136 : vector<16xi32>
        %parallel_loop3A_425 = tpu.bitcast %parallel_loop3A_424 : vector<16xi32> -> vector<16xf32>
        %parallel_loop3A_426 = arith.andi %parallel_loop3A_423, %broadcast_in_dim3A_138 : vector<16xi32>
        %parallel_loop3A_427 = tpu.bitcast %parallel_loop3A_426 : vector<16xi32> -> vector<16xf32>
        %parallel_loop3A_428 = arith.index_cast %parallel_loop3A_213 : i32 to index
        %parallel_loop3A_429 = arith.constant 544 : index
        %parallel_loop3A_430 = tpu.vector_load %arg11[%parallel_loop3A_428, %parallel_loop3A_429] {strides = array<i32>} : memref<32x768xf32, #tpu.memory_space<vmem>>, vector<16xf32>,
        tpu.vector_store %arg11[%parallel_loop3A_428, %parallel_loop3A_429], %parallel_loop3A_425 {add = true, strides = array<i32>} : memref<32x768xf32, #tpu.memory_space<vmem>>, vector<16xf32>,
        %parallel_loop3A_431 = arith.index_cast %parallel_loop3A_213 : i32 to index
        %parallel_loop3A_432 = arith.constant 560 : index
        %parallel_loop3A_433 = tpu.vector_load %arg11[%parallel_loop3A_431, %parallel_loop3A_432] {strides = array<i32>} : memref<32x768xf32, #tpu.memory_space<vmem>>, vector<16xf32>,
        tpu.vector_store %arg11[%parallel_loop3A_431, %parallel_loop3A_432], %parallel_loop3A_427 {add = true, strides = array<i32>} : memref<32x768xf32, #tpu.memory_space<vmem>>, vector<16xf32>,
        %parallel_loop3A_434 = arith.addi %parallel_loop3A_217, %add3A_114 : vector<16xi32>
        %parallel_loop3A_435 = tpu.vector_load_idx %arg9[%parallel_loop3A_434] : memref<73728xi32, #tpu.memory_space<vmem>>[vector<16xi32>], vector<16xi32>,
        %parallel_loop3A_436 = arith.shli %parallel_loop3A_435, %broadcast_in_dim3A_136 : vector<16xi32>
        %parallel_loop3A_437 = tpu.bitcast %parallel_loop3A_436 : vector<16xi32> -> vector<16xf32>
        %parallel_loop3A_438 = arith.andi %parallel_loop3A_435, %broadcast_in_dim3A_138 : vector<16xi32>
        %parallel_loop3A_439 = tpu.bitcast %parallel_loop3A_438 : vector<16xi32> -> vector<16xf32>
        %parallel_loop3A_440 = arith.index_cast %parallel_loop3A_213 : i32 to index
        %parallel_loop3A_441 = arith.constant 576 : index
        %parallel_loop3A_442 = tpu.vector_load %arg11[%parallel_loop3A_440, %parallel_loop3A_441] {strides = array<i32>} : memref<32x768xf32, #tpu.memory_space<vmem>>, vector<16xf32>,
        tpu.vector_store %arg11[%parallel_loop3A_440, %parallel_loop3A_441], %parallel_loop3A_437 {add = true, strides = array<i32>} : memref<32x768xf32, #tpu.memory_space<vmem>>, vector<16xf32>,
        %parallel_loop3A_443 = arith.index_cast %parallel_loop3A_213 : i32 to index
        %parallel_loop3A_444 = arith.constant 592 : index
        %parallel_loop3A_445 = tpu.vector_load %arg11[%parallel_loop3A_443, %parallel_loop3A_444] {strides = array<i32>} : memref<32x768xf32, #tpu.memory_space<vmem>>, vector<16xf32>,
        tpu.vector_store %arg11[%parallel_loop3A_443, %parallel_loop3A_444], %parallel_loop3A_439 {add = true, strides = array<i32>} : memref<32x768xf32, #tpu.memory_space<vmem>>, vector<16xf32>,
        %parallel_loop3A_446 = arith.addi %parallel_loop3A_217, %add3A_118 : vector<16xi32>
        %parallel_loop3A_447 = tpu.vector_load_idx %arg9[%parallel_loop3A_446] : memref<73728xi32, #tpu.memory_space<vmem>>[vector<16xi32>], vector<16xi32>,
        %parallel_loop3A_448 = arith.shli %parallel_loop3A_447, %broadcast_in_dim3A_136 : vector<16xi32>
        %parallel_loop3A_449 = tpu.bitcast %parallel_loop3A_448 : vector<16xi32> -> vector<16xf32>
        %parallel_loop3A_450 = arith.andi %parallel_loop3A_447, %broadcast_in_dim3A_138 : vector<16xi32>
        %parallel_loop3A_451 = tpu.bitcast %parallel_loop3A_450 : vector<16xi32> -> vector<16xf32>
        %parallel_loop3A_452 = arith.index_cast %parallel_loop3A_213 : i32 to index
        %parallel_loop3A_453 = arith.constant 608 : index
        %parallel_loop3A_454 = tpu.vector_load %arg11[%parallel_loop3A_452, %parallel_loop3A_453] {strides = array<i32>} : memref<32x768xf32, #tpu.memory_space<vmem>>, vector<16xf32>,
        tpu.vector_store %arg11[%parallel_loop3A_452, %parallel_loop3A_453], %parallel_loop3A_449 {add = true, strides = array<i32>} : memref<32x768xf32, #tpu.memory_space<vmem>>, vector<16xf32>,
        %parallel_loop3A_455 = arith.index_cast %parallel_loop3A_213 : i32 to index
        %parallel_loop3A_456 = arith.constant 624 : index
        %parallel_loop3A_457 = tpu.vector_load %arg11[%parallel_loop3A_455, %parallel_loop3A_456] {strides = array<i32>} : memref<32x768xf32, #tpu.memory_space<vmem>>, vector<16xf32>,
        tpu.vector_store %arg11[%parallel_loop3A_455, %parallel_loop3A_456], %parallel_loop3A_451 {add = true, strides = array<i32>} : memref<32x768xf32, #tpu.memory_space<vmem>>, vector<16xf32>,
        %parallel_loop3A_458 = arith.addi %parallel_loop3A_217, %add3A_122 : vector<16xi32>
        %parallel_loop3A_459 = tpu.vector_load_idx %arg9[%parallel_loop3A_458] : memref<73728xi32, #tpu.memory_space<vmem>>[vector<16xi32>], vector<16xi32>,
        %parallel_loop3A_460 = arith.shli %parallel_loop3A_459, %broadcast_in_dim3A_136 : vector<16xi32>
        %parallel_loop3A_461 = tpu.bitcast %parallel_loop3A_460 : vector<16xi32> -> vector<16xf32>
        %parallel_loop3A_462 = arith.andi %parallel_loop3A_459, %broadcast_in_dim3A_138 : vector<16xi32>
        %parallel_loop3A_463 = tpu.bitcast %parallel_loop3A_462 : vector<16xi32> -> vector<16xf32>
        %parallel_loop3A_464 = arith.index_cast %parallel_loop3A_213 : i32 to index
        %parallel_loop3A_465 = arith.constant 640 : index
        %parallel_loop3A_466 = tpu.vector_load %arg11[%parallel_loop3A_464, %parallel_loop3A_465] {strides = array<i32>} : memref<32x768xf32, #tpu.memory_space<vmem>>, vector<16xf32>,
        tpu.vector_store %arg11[%parallel_loop3A_464, %parallel_loop3A_465], %parallel_loop3A_461 {add = true, strides = array<i32>} : memref<32x768xf32, #tpu.memory_space<vmem>>, vector<16xf32>,
        %parallel_loop3A_467 = arith.index_cast %parallel_loop3A_213 : i32 to index
        %parallel_loop3A_468 = arith.constant 656 : index
        %parallel_loop3A_469 = tpu.vector_load %arg11[%parallel_loop3A_467, %parallel_loop3A_468] {strides = array<i32>} : memref<32x768xf32, #tpu.memory_space<vmem>>, vector<16xf32>,
        tpu.vector_store %arg11[%parallel_loop3A_467, %parallel_loop3A_468], %parallel_loop3A_463 {add = true, strides = array<i32>} : memref<32x768xf32, #tpu.memory_space<vmem>>, vector<16xf32>,
        %parallel_loop3A_470 = arith.addi %parallel_loop3A_217, %add3A_126 : vector<16xi32>
        %parallel_loop3A_471 = tpu.vector_load_idx %arg9[%parallel_loop3A_470] : memref<73728xi32, #tpu.memory_space<vmem>>[vector<16xi32>], vector<16xi32>,
        %parallel_loop3A_472 = arith.shli %parallel_loop3A_471, %broadcast_in_dim3A_136 : vector<16xi32>
        %parallel_loop3A_473 = tpu.bitcast %parallel_loop3A_472 : vector<16xi32> -> vector<16xf32>
        %parallel_loop3A_474 = arith.andi %parallel_loop3A_471, %broadcast_in_dim3A_138 : vector<16xi32>
        %parallel_loop3A_475 = tpu.bitcast %parallel_loop3A_474 : vector<16xi32> -> vector<16xf32>
        %parallel_loop3A_476 = arith.index_cast %parallel_loop3A_213 : i32 to index
        %parallel_loop3A_477 = arith.constant 672 : index
        %parallel_loop3A_478 = tpu.vector_load %arg11[%parallel_loop3A_476, %parallel_loop3A_477] {strides = array<i32>} : memref<32x768xf32, #tpu.memory_space<vmem>>, vector<16xf32>,
        tpu.vector_store %arg11[%parallel_loop3A_476, %parallel_loop3A_477], %parallel_loop3A_473 {add = true, strides = array<i32>} : memref<32x768xf32, #tpu.memory_space<vmem>>, vector<16xf32>,
        %parallel_loop3A_479 = arith.index_cast %parallel_loop3A_213 : i32 to index
        %parallel_loop3A_480 = arith.constant 688 : index
        %parallel_loop3A_481 = tpu.vector_load %arg11[%parallel_loop3A_479, %parallel_loop3A_480] {strides = array<i32>} : memref<32x768xf32, #tpu.memory_space<vmem>>, vector<16xf32>,
        tpu.vector_store %arg11[%parallel_loop3A_479, %parallel_loop3A_480], %parallel_loop3A_475 {add = true, strides = array<i32>} : memref<32x768xf32, #tpu.memory_space<vmem>>, vector<16xf32>,
        %parallel_loop3A_482 = arith.addi %parallel_loop3A_217, %add3A_130 : vector<16xi32>
        %parallel_loop3A_483 = tpu.vector_load_idx %arg9[%parallel_loop3A_482] : memref<73728xi32, #tpu.memory_space<vmem>>[vector<16xi32>], vector<16xi32>,
        %parallel_loop3A_484 = arith.shli %parallel_loop3A_483, %broadcast_in_dim3A_136 : vector<16xi32>
        %parallel_loop3A_485 = tpu.bitcast %parallel_loop3A_484 : vector<16xi32> -> vector<16xf32>
        %parallel_loop3A_486 = arith.andi %parallel_loop3A_483, %broadcast_in_dim3A_138 : vector<16xi32>
        %parallel_loop3A_487 = tpu.bitcast %parallel_loop3A_486 : vector<16xi32> -> vector<16xf32>
        %parallel_loop3A_488 = arith.index_cast %parallel_loop3A_213 : i32 to index
        %parallel_loop3A_489 = arith.constant 704 : index
        %parallel_loop3A_490 = tpu.vector_load %arg11[%parallel_loop3A_488, %parallel_loop3A_489] {strides = array<i32>} : memref<32x768xf32, #tpu.memory_space<vmem>>, vector<16xf32>,
        tpu.vector_store %arg11[%parallel_loop3A_488, %parallel_loop3A_489], %parallel_loop3A_485 {add = true, strides = array<i32>} : memref<32x768xf32, #tpu.memory_space<vmem>>, vector<16xf32>,
        %parallel_loop3A_491 = arith.index_cast %parallel_loop3A_213 : i32 to index
        %parallel_loop3A_492 = arith.constant 720 : index
        %parallel_loop3A_493 = tpu.vector_load %arg11[%parallel_loop3A_491, %parallel_loop3A_492] {strides = array<i32>} : memref<32x768xf32, #tpu.memory_space<vmem>>, vector<16xf32>,
        tpu.vector_store %arg11[%parallel_loop3A_491, %parallel_loop3A_492], %parallel_loop3A_487 {add = true, strides = array<i32>} : memref<32x768xf32, #tpu.memory_space<vmem>>, vector<16xf32>,
        %parallel_loop3A_494 = arith.addi %parallel_loop3A_217, %add3A_134 : vector<16xi32>
        %parallel_loop3A_495 = tpu.vector_load_idx %arg9[%parallel_loop3A_494] : memref<73728xi32, #tpu.memory_space<vmem>>[vector<16xi32>], vector<16xi32>,
        %parallel_loop3A_496 = arith.shli %parallel_loop3A_495, %broadcast_in_dim3A_136 : vector<16xi32>
        %parallel_loop3A_497 = tpu.bitcast %parallel_loop3A_496 : vector<16xi32> -> vector<16xf32>
        %parallel_loop3A_498 = arith.andi %parallel_loop3A_495, %broadcast_in_dim3A_138 : vector<16xi32>
        %parallel_loop3A_499 = tpu.bitcast %parallel_loop3A_498 : vector<16xi32> -> vector<16xf32>
        %parallel_loop3A_500 = arith.index_cast %parallel_loop3A_213 : i32 to index
        %parallel_loop3A_501 = arith.constant 736 : index
        %parallel_loop3A_502 = tpu.vector_load %arg11[%parallel_loop3A_500, %parallel_loop3A_501] {strides = array<i32>} : memref<32x768xf32, #tpu.memory_space<vmem>>, vector<16xf32>,
        tpu.vector_store %arg11[%parallel_loop3A_500, %parallel_loop3A_501], %parallel_loop3A_497 {add = true, strides = array<i32>} : memref<32x768xf32, #tpu.memory_space<vmem>>, vector<16xf32>,
        %parallel_loop3A_503 = arith.index_cast %parallel_loop3A_213 : i32 to index
        %parallel_loop3A_504 = arith.constant 752 : index
        %parallel_loop3A_505 = tpu.vector_load %arg11[%parallel_loop3A_503, %parallel_loop3A_504] {strides = array<i32>} : memref<32x768xf32, #tpu.memory_space<vmem>>, vector<16xf32>,
        tpu.vector_store %arg11[%parallel_loop3A_503, %parallel_loop3A_504], %parallel_loop3A_499 {add = true, strides = array<i32>} : memref<32x768xf32, #tpu.memory_space<vmem>>, vector<16xf32>,
      } {sc.loop_unroll_factor = 2 : i64, sc.parallel_access}
      %add3A_179 = arith.addi %mul3A_2, %multiple_of3A_164 : i32
      %dma_start3A_180 = arith.constant 0 : i32
      %dma_start3A_181 = tpu.memref_slice %arg6[%add3A_179, %dma_start3A_180] : memref<65536x768xf32, #tpu.memory_space<hbm>> -> memref<32x768xf32, #tpu.memory_space<hbm>>
      %dma_start3A_182 = arith.constant 0 : i32
      %dma_start3A_183 = tpu.memref_slice %arg6[%add3A_179, %dma_start3A_182] : memref<65536x768xf32, #tpu.memory_space<hbm>> -> memref<32x768xf32, #tpu.memory_space<hbm>>
      tpu.enqueue_dma source(%arg11 : memref<32x768xf32, #tpu.memory_space<vmem>>) target(%dma_start3A_183 : memref<32x768xf32, #tpu.memory_space<hbm>>) target_semaphore(%arg15 : memref<!tpu.dma_semaphore, #tpu.memory_space<semaphore_mem>>)
      %mul3A_184 = arith.constant 2 : i32
      %mul3A_185 = arith.muli %scan3A_157, %mul3A_184 : i32
      %add3A_186 = arith.constant 1 : i32
      %add3A_187 = arith.addi %mul3A_185, %add3A_186 : i32
      %mul3A_188 = arith.constant 32 : i32
      %mul3A_189 = arith.muli %add3A_187, %mul3A_188 : i32
      %multiple_of3A_190 = tpu.assume_multiple %mul3A_189, 8 : i32
      %parallel_loop3A_191 = arith.constant 0 : i32
      %parallel_loop3A_192 = arith.constant 2 : i32
      %parallel_loop3A_193 = arith.constant 1 : i32
      scf.for %parallel_loop3A_213 = %parallel_loop3A_191 to %parallel_loop3A_192 step %parallel_loop3A_193  : i32 {
        %parallel_loop3A_214 = arith.constant 16 : i32
        %parallel_loop3A_215 = arith.muli %parallel_loop3A_213, %parallel_loop3A_214 : i32
        %parallel_loop3A_216 = arith.addi %multiple_of3A_190, %parallel_loop3A_215 : i32
        %parallel_loop3A_217 = tpu.assume_multiple %parallel_loop3A_216, 8 : i32
        %parallel_loop3A_218 = arith.index_cast %parallel_loop3A_217 : i32 to index
        %parallel_loop3A_219 = tpu.vector_load %arg8[%parallel_loop3A_218] {strides = array<i32>} : memref<2048xi32, #tpu.memory_space<vmem>>, vector<16xi32>,
        %parallel_loop3A_220 = arith.constant 16 : i32
        %parallel_loop3A_221 = arith.muli %parallel_loop3A_213, %parallel_loop3A_220 : i32
        %parallel_loop3A_222 = arith.constant 0 : i32
        %parallel_loop3A_223 = arith.addi %parallel_loop3A_221, %parallel_loop3A_222 : i32
        %parallel_loop3A_224 = arith.constant 16 : i32
        %parallel_loop3A_225 = arith.muli %parallel_loop3A_223, %parallel_loop3A_224 : i32
        %parallel_loop3A_226 = tpu.assume_multiple %parallel_loop3A_225, 8 : i32
        %parallel_loop3A_227 = arith.constant 0 : i32
        %parallel_loop3A_228 = vector.broadcast %parallel_loop3A_227 : i32 to vector<16xi32>
        %parallel_loop3A_229 = arith.cmpi slt, %broadcast_in_dim3A_9, %parallel_loop3A_228 : vector<16xi32>
        %parallel_loop3A_230 = arith.constant 16 : i32
        %parallel_loop3A_231 = vector.broadcast %parallel_loop3A_230 : i32 to vector<16xi32>
        %parallel_loop3A_232 = arith.addi %broadcast_in_dim3A_9, %parallel_loop3A_231 : vector<16xi32>
        %parallel_loop3A_233 = arith.select %parallel_loop3A_229, %parallel_loop3A_232, %broadcast_in_dim3A_9 : vector<16xi1>, vector<16xi32>
        %parallel_loop3A_234 = vector.shape_cast %parallel_loop3A_233 : vector<16xi32> to vector<16x1xi32>
        %parallel_loop3A_235 = vector.shape_cast %parallel_loop3A_234 : vector<16x1xi32> to vector<16xi32>
        %parallel_loop3A_236 = tpu.dynamic_gather %parallel_loop3A_219[%parallel_loop3A_235] in [0] : vector<16xi32>, vector<16xi32> -> vector<16xi32>
        %parallel_loop3A_237 = arith.index_cast %parallel_loop3A_226 : i32 to index
        %parallel_loop3A_238 = tpu.vector_load %arg10[%parallel_loop3A_237] {strides = array<i32>} : memref<512xi32, #tpu.memory_space<vmem>>, vector<16xi32>,
        tpu.vector_store %arg10[%parallel_loop3A_237], %parallel_loop3A_236 {strides = array<i32>} : memref<512xi32, #tpu.memory_space<vmem>>, vector<16xi32>,
        %parallel_loop3A_239 = arith.constant 16 : i32
        %parallel_loop3A_240 = arith.muli %parallel_loop3A_213, %parallel_loop3A_239 : i32
        %parallel_loop3A_241 = arith.constant 1 : i32
        %parallel_loop3A_242 = arith.addi %parallel_loop3A_240, %parallel_loop3A_241 : i32
        %parallel_loop3A_243 = arith.constant 16 : i32
        %parallel_loop3A_244 = arith.muli %parallel_loop3A_242, %parallel_loop3A_243 : i32
        %parallel_loop3A_245 = tpu.assume_multiple %parallel_loop3A_244, 8 : i32
        %parallel_loop3A_246 = arith.constant 0 : i32
        %parallel_loop3A_247 = vector.broadcast %parallel_loop3A_246 : i32 to vector<16xi32>
        %parallel_loop3A_248 = arith.cmpi slt, %broadcast_in_dim3A_11, %parallel_loop3A_247 : vector<16xi32>
        %parallel_loop3A_249 = arith.constant 16 : i32
        %parallel_loop3A_250 = vector.broadcast %parallel_loop3A_249 : i32 to vector<16xi32>
        %parallel_loop3A_251 = arith.addi %broadcast_in_dim3A_11, %parallel_loop3A_250 : vector<16xi32>
        %parallel_loop3A_252 = arith.select %parallel_loop3A_248, %parallel_loop3A_251, %broadcast_in_dim3A_11 : vector<16xi1>, vector<16xi32>
        %parallel_loop3A_253 = vector.shape_cast %parallel_loop3A_252 : vector<16xi32> to vector<16x1xi32>
        %parallel_loop3A_254 = vector.shape_cast %parallel_loop3A_253 : vector<16x1xi32> to vector<16xi32>
        %parallel_loop3A_255 = tpu.dynamic_gather %parallel_loop3A_219[%parallel_loop3A_254] in [0] : vector<16xi32>, vector<16xi32> -> vector<16xi32>
        %parallel_loop3A_256 = arith.index_cast %parallel_loop3A_245 : i32 to index
        %parallel_loop3A_257 = tpu.vector_load %arg10[%parallel_loop3A_256] {strides = array<i32>} : memref<512xi32, #tpu.memory_space<vmem>>, vector<16xi32>,
        tpu.vector_store %arg10[%parallel_loop3A_256], %parallel_loop3A_255 {strides = array<i32>} : memref<512xi32, #tpu.memory_space<vmem>>, vector<16xi32>,
        %parallel_loop3A_258 = arith.constant 16 : i32
        %parallel_loop3A_259 = arith.muli %parallel_loop3A_213, %parallel_loop3A_258 : i32
        %parallel_loop3A_260 = arith.constant 2 : i32
        %parallel_loop3A_261 = arith.addi %parallel_loop3A_259, %parallel_loop3A_260 : i32
        %parallel_loop3A_262 = arith.constant 16 : i32
        %parallel_loop3A_263 = arith.muli %parallel_loop3A_261, %parallel_loop3A_262 : i32
        %parallel_loop3A_264 = tpu.assume_multiple %parallel_loop3A_263, 8 : i32
        %parallel_loop3A_265 = arith.constant 0 : i32
        %parallel_loop3A_266 = vector.broadcast %parallel_loop3A_265 : i32 to vector<16xi32>
        %parallel_loop3A_267 = arith.cmpi slt, %broadcast_in_dim3A_13, %parallel_loop3A_266 : vector<16xi32>
        %parallel_loop3A_268 = arith.constant 16 : i32
        %parallel_loop3A_269 = vector.broadcast %parallel_loop3A_268 : i32 to vector<16xi32>
        %parallel_loop3A_270 = arith.addi %broadcast_in_dim3A_13, %parallel_loop3A_269 : vector<16xi32>
        %parallel_loop3A_271 = arith.select %parallel_loop3A_267, %parallel_loop3A_270, %broadcast_in_dim3A_13 : vector<16xi1>, vector<16xi32>
        %parallel_loop3A_272 = vector.shape_cast %parallel_loop3A_271 : vector<16xi32> to vector<16x1xi32>
        %parallel_loop3A_273 = vector.shape_cast %parallel_loop3A_272 : vector<16x1xi32> to vector<16xi32>
        %parallel_loop3A_274 = tpu.dynamic_gather %parallel_loop3A_219[%parallel_loop3A_273] in [0] : vector<16xi32>, vector<16xi32> -> vector<16xi32>
        %parallel_loop3A_275 = arith.index_cast %parallel_loop3A_264 : i32 to index
        %parallel_loop3A_276 = tpu.vector_load %arg10[%parallel_loop3A_275] {strides = array<i32>} : memref<512xi32, #tpu.memory_space<vmem>>, vector<16xi32>,
        tpu.vector_store %arg10[%parallel_loop3A_275], %parallel_loop3A_274 {strides = array<i32>} : memref<512xi32, #tpu.memory_space<vmem>>, vector<16xi32>,
        %parallel_loop3A_277 = arith.constant 16 : i32
        %parallel_loop3A_278 = arith.muli %parallel_loop3A_213, %parallel_loop3A_277 : i32
        %parallel_loop3A_279 = arith.constant 3 : i32
        %parallel_loop3A_280 = arith.addi %parallel_loop3A_278, %parallel_loop3A_279 : i32
        %parallel_loop3A_281 = arith.constant 16 : i32
        %parallel_loop3A_282 = arith.muli %parallel_loop3A_280, %parallel_loop3A_281 : i32
        %parallel_loop3A_283 = tpu.assume_multiple %parallel_loop3A_282, 8 : i32
        %parallel_loop3A_284 = arith.constant 0 : i32
        %parallel_loop3A_285 = vector.broadcast %parallel_loop3A_284 : i32 to vector<16xi32>
        %parallel_loop3A_286 = arith.cmpi slt, %broadcast_in_dim3A_15, %parallel_loop3A_285 : vector<16xi32>
        %parallel_loop3A_287 = arith.constant 16 : i32
        %parallel_loop3A_288 = vector.broadcast %parallel_loop3A_287 : i32 to vector<16xi32>
        %parallel_loop3A_289 = arith.addi %broadcast_in_dim3A_15, %parallel_loop3A_288 : vector<16xi32>
        %parallel_loop3A_290 = arith.select %parallel_loop3A_286, %parallel_loop3A_289, %broadcast_in_dim3A_15 : vector<16xi1>, vector<16xi32>
        %parallel_loop3A_291 = vector.shape_cast %parallel_loop3A_290 : vector<16xi32> to vector<16x1xi32>
        %parallel_loop3A_292 = vector.shape_cast %parallel_loop3A_291 : vector<16x1xi32> to vector<16xi32>
        %parallel_loop3A_293 = tpu.dynamic_gather %parallel_loop3A_219[%parallel_loop3A_292] in [0] : vector<16xi32>, vector<16xi32> -> vector<16xi32>
        %parallel_loop3A_294 = arith.index_cast %parallel_loop3A_283 : i32 to index
        %parallel_loop3A_295 = tpu.vector_load %arg10[%parallel_loop3A_294] {strides = array<i32>} : memref<512xi32, #tpu.memory_space<vmem>>, vector<16xi32>,
        tpu.vector_store %arg10[%parallel_loop3A_294], %parallel_loop3A_293 {strides = array<i32>} : memref<512xi32, #tpu.memory_space<vmem>>, vector<16xi32>,
        %parallel_loop3A_296 = arith.constant 16 : i32
        %parallel_loop3A_297 = arith.muli %parallel_loop3A_213, %parallel_loop3A_296 : i32
        %parallel_loop3A_298 = arith.constant 4 : i32
        %parallel_loop3A_299 = arith.addi %parallel_loop3A_297, %parallel_loop3A_298 : i32
        %parallel_loop3A_300 = arith.constant 16 : i32
        %parallel_loop3A_301 = arith.muli %parallel_loop3A_299, %parallel_loop3A_300 : i32
        %parallel_loop3A_302 = tpu.assume_multiple %parallel_loop3A_301, 8 : i32
        %parallel_loop3A_303 = arith.constant 0 : i32
        %parallel_loop3A_304 = vector.broadcast %parallel_loop3A_303 : i32 to vector<16xi32>
        %parallel_loop3A_305 = arith.cmpi slt, %broadcast_in_dim3A_17, %parallel_loop3A_304 : vector<16xi32>
        %parallel_loop3A_306 = arith.constant 16 : i32
        %parallel_loop3A_307 = vector.broadcast %parallel_loop3A_306 : i32 to vector<16xi32>
        %parallel_loop3A_308 = arith.addi %broadcast_in_dim3A_17, %parallel_loop3A_307 : vector<16xi32>
        %parallel_loop3A_309 = arith.select %parallel_loop3A_305, %parallel_loop3A_308, %broadcast_in_dim3A_17 : vector<16xi1>, vector<16xi32>
        %parallel_loop3A_310 = vector.shape_cast %parallel_loop3A_309 : vector<16xi32> to vector<16x1xi32>
        %parallel_loop3A_311 = vector.shape_cast %parallel_loop3A_310 : vector<16x1xi32> to vector<16xi32>
        %parallel_loop3A_312 = tpu.dynamic_gather %parallel_loop3A_219[%parallel_loop3A_311] in [0] : vector<16xi32>, vector<16xi32> -> vector<16xi32>
        %parallel_loop3A_313 = arith.index_cast %parallel_loop3A_302 : i32 to index
        %parallel_loop3A_314 = tpu.vector_load %arg10[%parallel_loop3A_313] {strides = array<i32>} : memref<512xi32, #tpu.memory_space<vmem>>, vector<16xi32>,
        tpu.vector_store %arg10[%parallel_loop3A_313], %parallel_loop3A_312 {strides = array<i32>} : memref<512xi32, #tpu.memory_space<vmem>>, vector<16xi32>,
        %parallel_loop3A_315 = arith.constant 16 : i32
        %parallel_loop3A_316 = arith.muli %parallel_loop3A_213, %parallel_loop3A_315 : i32
        %parallel_loop3A_317 = arith.constant 5 : i32
        %parallel_loop3A_318 = arith.addi %parallel_loop3A_316, %parallel_loop3A_317 : i32
        %parallel_loop3A_319 = arith.constant 16 : i32
        %parallel_loop3A_320 = arith.muli %parallel_loop3A_318, %parallel_loop3A_319 : i32
        %parallel_loop3A_321 = tpu.assume_multiple %parallel_loop3A_320, 8 : i32
        %parallel_loop3A_322 = arith.constant 0 : i32
        %parallel_loop3A_323 = vector.broadcast %parallel_loop3A_322 : i32 to vector<16xi32>
        %parallel_loop3A_324 = arith.cmpi slt, %broadcast_in_dim3A_19, %parallel_loop3A_323 : vector<16xi32>
        %parallel_loop3A_325 = arith.constant 16 : i32
        %parallel_loop3A_326 = vector.broadcast %parallel_loop3A_325 : i32 to vector<16xi32>
        %parallel_loop3A_327 = arith.addi %broadcast_in_dim3A_19, %parallel_loop3A_326 : vector<16xi32>
        %parallel_loop3A_328 = arith.select %parallel_loop3A_324, %parallel_loop3A_327, %broadcast_in_dim3A_19 : vector<16xi1>, vector<16xi32>
        %parallel_loop3A_329 = vector.shape_cast %parallel_loop3A_328 : vector<16xi32> to vector<16x1xi32>
        %parallel_loop3A_330 = vector.shape_cast %parallel_loop3A_329 : vector<16x1xi32> to vector<16xi32>
        %parallel_loop3A_331 = tpu.dynamic_gather %parallel_loop3A_219[%parallel_loop3A_330] in [0] : vector<16xi32>, vector<16xi32> -> vector<16xi32>
        %parallel_loop3A_332 = arith.index_cast %parallel_loop3A_321 : i32 to index
        %parallel_loop3A_333 = tpu.vector_load %arg10[%parallel_loop3A_332] {strides = array<i32>} : memref<512xi32, #tpu.memory_space<vmem>>, vector<16xi32>,
        tpu.vector_store %arg10[%parallel_loop3A_332], %parallel_loop3A_331 {strides = array<i32>} : memref<512xi32, #tpu.memory_space<vmem>>, vector<16xi32>,
        %parallel_loop3A_334 = arith.constant 16 : i32
        %parallel_loop3A_335 = arith.muli %parallel_loop3A_213, %parallel_loop3A_334 : i32
        %parallel_loop3A_336 = arith.constant 6 : i32
        %parallel_loop3A_337 = arith.addi %parallel_loop3A_335, %parallel_loop3A_336 : i32
        %parallel_loop3A_338 = arith.constant 16 : i32
        %parallel_loop3A_339 = arith.muli %parallel_loop3A_337, %parallel_loop3A_338 : i32
        %parallel_loop3A_340 = tpu.assume_multiple %parallel_loop3A_339, 8 : i32
        %parallel_loop3A_341 = arith.constant 0 : i32
        %parallel_loop3A_342 = vector.broadcast %parallel_loop3A_341 : i32 to vector<16xi32>
        %parallel_loop3A_343 = arith.cmpi slt, %broadcast_in_dim3A_21, %parallel_loop3A_342 : vector<16xi32>
        %parallel_loop3A_344 = arith.constant 16 : i32
        %parallel_loop3A_345 = vector.broadcast %parallel_loop3A_344 : i32 to vector<16xi32>
        %parallel_loop3A_346 = arith.addi %broadcast_in_dim3A_21, %parallel_loop3A_345 : vector<16xi32>
        %parallel_loop3A_347 = arith.select %parallel_loop3A_343, %parallel_loop3A_346, %broadcast_in_dim3A_21 : vector<16xi1>, vector<16xi32>
        %parallel_loop3A_348 = vector.shape_cast %parallel_loop3A_347 : vector<16xi32> to vector<16x1xi32>
        %parallel_loop3A_349 = vector.shape_cast %parallel_loop3A_348 : vector<16x1xi32> to vector<16xi32>
        %parallel_loop3A_350 = tpu.dynamic_gather %parallel_loop3A_219[%parallel_loop3A_349] in [0] : vector<16xi32>, vector<16xi32> -> vector<16xi32>
        %parallel_loop3A_351 = arith.index_cast %parallel_loop3A_340 : i32 to index
        %parallel_loop3A_352 = tpu.vector_load %arg10[%parallel_loop3A_351] {strides = array<i32>} : memref<512xi32, #tpu.memory_space<vmem>>, vector<16xi32>,
        tpu.vector_store %arg10[%parallel_loop3A_351], %parallel_loop3A_350 {strides = array<i32>} : memref<512xi32, #tpu.memory_space<vmem>>, vector<16xi32>,
        %parallel_loop3A_353 = arith.constant 16 : i32
        %parallel_loop3A_354 = arith.muli %parallel_loop3A_213, %parallel_loop3A_353 : i32
        %parallel_loop3A_355 = arith.constant 7 : i32
        %parallel_loop3A_356 = arith.addi %parallel_loop3A_354, %parallel_loop3A_355 : i32
        %parallel_loop3A_357 = arith.constant 16 : i32
        %parallel_loop3A_358 = arith.muli %parallel_loop3A_356, %parallel_loop3A_357 : i32
        %parallel_loop3A_359 = tpu.assume_multiple %parallel_loop3A_358, 8 : i32
        %parallel_loop3A_360 = arith.constant 0 : i32
        %parallel_loop3A_361 = vector.broadcast %parallel_loop3A_360 : i32 to vector<16xi32>
        %parallel_loop3A_362 = arith.cmpi slt, %broadcast_in_dim3A_23, %parallel_loop3A_361 : vector<16xi32>
        %parallel_loop3A_363 = arith.constant 16 : i32
        %parallel_loop3A_364 = vector.broadcast %parallel_loop3A_363 : i32 to vector<16xi32>
        %parallel_loop3A_365 = arith.addi %broadcast_in_dim3A_23, %parallel_loop3A_364 : vector<16xi32>
        %parallel_loop3A_366 = arith.select %parallel_loop3A_362, %parallel_loop3A_365, %broadcast_in_dim3A_23 : vector<16xi1>, vector<16xi32>
        %parallel_loop3A_367 = vector.shape_cast %parallel_loop3A_366 : vector<16xi32> to vector<16x1xi32>
        %parallel_loop3A_368 = vector.shape_cast %parallel_loop3A_367 : vector<16x1xi32> to vector<16xi32>
        %parallel_loop3A_369 = tpu.dynamic_gather %parallel_loop3A_219[%parallel_loop3A_368] in [0] : vector<16xi32>, vector<16xi32> -> vector<16xi32>
        %parallel_loop3A_370 = arith.index_cast %parallel_loop3A_359 : i32 to index
        %parallel_loop3A_371 = tpu.vector_load %arg10[%parallel_loop3A_370] {strides = array<i32>} : memref<512xi32, #tpu.memory_space<vmem>>, vector<16xi32>,
        tpu.vector_store %arg10[%parallel_loop3A_370], %parallel_loop3A_369 {strides = array<i32>} : memref<512xi32, #tpu.memory_space<vmem>>, vector<16xi32>,
        %parallel_loop3A_372 = arith.constant 16 : i32
        %parallel_loop3A_373 = arith.muli %parallel_loop3A_213, %parallel_loop3A_372 : i32
        %parallel_loop3A_374 = arith.constant 8 : i32
        %parallel_loop3A_375 = arith.addi %parallel_loop3A_373, %parallel_loop3A_374 : i32
        %parallel_loop3A_376 = arith.constant 16 : i32
        %parallel_loop3A_377 = arith.muli %parallel_loop3A_375, %parallel_loop3A_376 : i32
        %parallel_loop3A_378 = tpu.assume_multiple %parallel_loop3A_377, 8 : i32
        %parallel_loop3A_379 = arith.constant 0 : i32
        %parallel_loop3A_380 = vector.broadcast %parallel_loop3A_379 : i32 to vector<16xi32>
        %parallel_loop3A_381 = arith.cmpi slt, %broadcast_in_dim3A_25, %parallel_loop3A_380 : vector<16xi32>
        %parallel_loop3A_382 = arith.constant 16 : i32
        %parallel_loop3A_383 = vector.broadcast %parallel_loop3A_382 : i32 to vector<16xi32>
        %parallel_loop3A_384 = arith.addi %broadcast_in_dim3A_25, %parallel_loop3A_383 : vector<16xi32>
        %parallel_loop3A_385 = arith.select %parallel_loop3A_381, %parallel_loop3A_384, %broadcast_in_dim3A_25 : vector<16xi1>, vector<16xi32>
        %parallel_loop3A_386 = vector.shape_cast %parallel_loop3A_385 : vector<16xi32> to vector<16x1xi32>
        %parallel_loop3A_387 = vector.shape_cast %parallel_loop3A_386 : vector<16x1xi32> to vector<16xi32>
        %parallel_loop3A_388 = tpu.dynamic_gather %parallel_loop3A_219[%parallel_loop3A_387] in [0] : vector<16xi32>, vector<16xi32> -> vector<16xi32>
        %parallel_loop3A_389 = arith.index_cast %parallel_loop3A_378 : i32 to index
        %parallel_loop3A_390 = tpu.vector_load %arg10[%parallel_loop3A_389] {strides = array<i32>} : memref<512xi32, #tpu.memory_space<vmem>>, vector<16xi32>,
        tpu.vector_store %arg10[%parallel_loop3A_389], %parallel_loop3A_388 {strides = array<i32>} : memref<512xi32, #tpu.memory_space<vmem>>, vector<16xi32>,
        %parallel_loop3A_391 = arith.constant 16 : i32
        %parallel_loop3A_392 = arith.muli %parallel_loop3A_213, %parallel_loop3A_391 : i32
        %parallel_loop3A_393 = arith.constant 9 : i32
        %parallel_loop3A_394 = arith.addi %parallel_loop3A_392, %parallel_loop3A_393 : i32
        %parallel_loop3A_395 = arith.constant 16 : i32
        %parallel_loop3A_396 = arith.muli %parallel_loop3A_394, %parallel_loop3A_395 : i32
        %parallel_loop3A_397 = tpu.assume_multiple %parallel_loop3A_396, 8 : i32
        %parallel_loop3A_398 = arith.constant 0 : i32
        %parallel_loop3A_399 = vector.broadcast %parallel_loop3A_398 : i32 to vector<16xi32>
        %parallel_loop3A_400 = arith.cmpi slt, %broadcast_in_dim3A_27, %parallel_loop3A_399 : vector<16xi32>
        %parallel_loop3A_401 = arith.constant 16 : i32
        %parallel_loop3A_402 = vector.broadcast %parallel_loop3A_401 : i32 to vector<16xi32>
        %parallel_loop3A_403 = arith.addi %broadcast_in_dim3A_27, %parallel_loop3A_402 : vector<16xi32>
        %parallel_loop3A_404 = arith.select %parallel_loop3A_400, %parallel_loop3A_403, %broadcast_in_dim3A_27 : vector<16xi1>, vector<16xi32>
        %parallel_loop3A_405 = vector.shape_cast %parallel_loop3A_404 : vector<16xi32> to vector<16x1xi32>
        %parallel_loop3A_406 = vector.shape_cast %parallel_loop3A_405 : vector<16x1xi32> to vector<16xi32>
        %parallel_loop3A_407 = tpu.dynamic_gather %parallel_loop3A_219[%parallel_loop3A_406] in [0] : vector<16xi32>, vector<16xi32> -> vector<16xi32>
        %parallel_loop3A_408 = arith.index_cast %parallel_loop3A_397 : i32 to index
        %parallel_loop3A_409 = tpu.vector_load %arg10[%parallel_loop3A_408] {strides = array<i32>} : memref<512xi32, #tpu.memory_space<vmem>>, vector<16xi32>,
        tpu.vector_store %arg10[%parallel_loop3A_408], %parallel_loop3A_407 {strides = array<i32>} : memref<512xi32, #tpu.memory_space<vmem>>, vector<16xi32>,
        %parallel_loop3A_410 = arith.constant 16 : i32
        %parallel_loop3A_411 = arith.muli %parallel_loop3A_213, %parallel_loop3A_410 : i32
        %parallel_loop3A_412 = arith.constant 10 : i32
        %parallel_loop3A_413 = arith.addi %parallel_loop3A_411, %parallel_loop3A_412 : i32
        %parallel_loop3A_414 = arith.constant 16 : i32
        %parallel_loop3A_415 = arith.muli %parallel_loop3A_413, %parallel_loop3A_414 : i32
        %parallel_loop3A_416 = tpu.assume_multiple %parallel_loop3A_415, 8 : i32
        %parallel_loop3A_417 = arith.constant 0 : i32
        %parallel_loop3A_418 = vector.broadcast %parallel_loop3A_417 : i32 to vector<16xi32>
        %parallel_loop3A_419 = arith.cmpi slt, %broadcast_in_dim3A_29, %parallel_loop3A_418 : vector<16xi32>
        %parallel_loop3A_420 = arith.constant 16 : i32
        %parallel_loop3A_421 = vector.broadcast %parallel_loop3A_420 : i32 to vector<16xi32>
        %parallel_loop3A_422 = arith.addi %broadcast_in_dim3A_29, %parallel_loop3A_421 : vector<16xi32>
        %parallel_loop3A_423 = arith.select %parallel_loop3A_419, %parallel_loop3A_422, %broadcast_in_dim3A_29 : vector<16xi1>, vector<16xi32>
        %parallel_loop3A_424 = vector.shape_cast %parallel_loop3A_423 : vector<16xi32> to vector<16x1xi32>
        %parallel_loop3A_425 = vector.shape_cast %parallel_loop3A_424 : vector<16x1xi32> to vector<16xi32>
        %parallel_loop3A_426 = tpu.dynamic_gather %parallel_loop3A_219[%parallel_loop3A_425] in [0] : vector<16xi32>, vector<16xi32> -> vector<16xi32>
        %parallel_loop3A_427 = arith.index_cast %parallel_loop3A_416 : i32 to index
        %parallel_loop3A_428 = tpu.vector_load %arg10[%parallel_loop3A_427] {strides = array<i32>} : memref<512xi32, #tpu.memory_space<vmem>>, vector<16xi32>,
        tpu.vector_store %arg10[%parallel_loop3A_427], %parallel_loop3A_426 {strides = array<i32>} : memref<512xi32, #tpu.memory_space<vmem>>, vector<16xi32>,
        %parallel_loop3A_429 = arith.constant 16 : i32
        %parallel_loop3A_430 = arith.muli %parallel_loop3A_213, %parallel_loop3A_429 : i32
        %parallel_loop3A_431 = arith.constant 11 : i32
        %parallel_loop3A_432 = arith.addi %parallel_loop3A_430, %parallel_loop3A_431 : i32
        %parallel_loop3A_433 = arith.constant 16 : i32
        %parallel_loop3A_434 = arith.muli %parallel_loop3A_432, %parallel_loop3A_433 : i32
        %parallel_loop3A_435 = tpu.assume_multiple %parallel_loop3A_434, 8 : i32
        %parallel_loop3A_436 = arith.constant 0 : i32
        %parallel_loop3A_437 = vector.broadcast %parallel_loop3A_436 : i32 to vector<16xi32>
        %parallel_loop3A_438 = arith.cmpi slt, %broadcast_in_dim3A_31, %parallel_loop3A_437 : vector<16xi32>
        %parallel_loop3A_439 = arith.constant 16 : i32
        %parallel_loop3A_440 = vector.broadcast %parallel_loop3A_439 : i32 to vector<16xi32>
        %parallel_loop3A_441 = arith.addi %broadcast_in_dim3A_31, %parallel_loop3A_440 : vector<16xi32>
        %parallel_loop3A_442 = arith.select %parallel_loop3A_438, %parallel_loop3A_441, %broadcast_in_dim3A_31 : vector<16xi1>, vector<16xi32>
        %parallel_loop3A_443 = vector.shape_cast %parallel_loop3A_442 : vector<16xi32> to vector<16x1xi32>
        %parallel_loop3A_444 = vector.shape_cast %parallel_loop3A_443 : vector<16x1xi32> to vector<16xi32>
        %parallel_loop3A_445 = tpu.dynamic_gather %parallel_loop3A_219[%parallel_loop3A_444] in [0] : vector<16xi32>, vector<16xi32> -> vector<16xi32>
        %parallel_loop3A_446 = arith.index_cast %parallel_loop3A_435 : i32 to index
        %parallel_loop3A_447 = tpu.vector_load %arg10[%parallel_loop3A_446] {strides = array<i32>} : memref<512xi32, #tpu.memory_space<vmem>>, vector<16xi32>,
        tpu.vector_store %arg10[%parallel_loop3A_446], %parallel_loop3A_445 {strides = array<i32>} : memref<512xi32, #tpu.memory_space<vmem>>, vector<16xi32>,
        %parallel_loop3A_448 = arith.constant 16 : i32
        %parallel_loop3A_449 = arith.muli %parallel_loop3A_213, %parallel_loop3A_448 : i32
        %parallel_loop3A_450 = arith.constant 12 : i32
        %parallel_loop3A_451 = arith.addi %parallel_loop3A_449, %parallel_loop3A_450 : i32
        %parallel_loop3A_452 = arith.constant 16 : i32
        %parallel_loop3A_453 = arith.muli %parallel_loop3A_451, %parallel_loop3A_452 : i32
        %parallel_loop3A_454 = tpu.assume_multiple %parallel_loop3A_453, 8 : i32
        %parallel_loop3A_455 = arith.constant 0 : i32
        %parallel_loop3A_456 = vector.broadcast %parallel_loop3A_455 : i32 to vector<16xi32>
        %parallel_loop3A_457 = arith.cmpi slt, %broadcast_in_dim3A_33, %parallel_loop3A_456 : vector<16xi32>
        %parallel_loop3A_458 = arith.constant 16 : i32
        %parallel_loop3A_459 = vector.broadcast %parallel_loop3A_458 : i32 to vector<16xi32>
        %parallel_loop3A_460 = arith.addi %broadcast_in_dim3A_33, %parallel_loop3A_459 : vector<16xi32>
        %parallel_loop3A_461 = arith.select %parallel_loop3A_457, %parallel_loop3A_460, %broadcast_in_dim3A_33 : vector<16xi1>, vector<16xi32>
        %parallel_loop3A_462 = vector.shape_cast %parallel_loop3A_461 : vector<16xi32> to vector<16x1xi32>
        %parallel_loop3A_463 = vector.shape_cast %parallel_loop3A_462 : vector<16x1xi32> to vector<16xi32>
        %parallel_loop3A_464 = tpu.dynamic_gather %parallel_loop3A_219[%parallel_loop3A_463] in [0] : vector<16xi32>, vector<16xi32> -> vector<16xi32>
        %parallel_loop3A_465 = arith.index_cast %parallel_loop3A_454 : i32 to index
        %parallel_loop3A_466 = tpu.vector_load %arg10[%parallel_loop3A_465] {strides = array<i32>} : memref<512xi32, #tpu.memory_space<vmem>>, vector<16xi32>,
        tpu.vector_store %arg10[%parallel_loop3A_465], %parallel_loop3A_464 {strides = array<i32>} : memref<512xi32, #tpu.memory_space<vmem>>, vector<16xi32>,
        %parallel_loop3A_467 = arith.constant 16 : i32
        %parallel_loop3A_468 = arith.muli %parallel_loop3A_213, %parallel_loop3A_467 : i32
        %parallel_loop3A_469 = arith.constant 13 : i32
        %parallel_loop3A_470 = arith.addi %parallel_loop3A_468, %parallel_loop3A_469 : i32
        %parallel_loop3A_471 = arith.constant 16 : i32
        %parallel_loop3A_472 = arith.muli %parallel_loop3A_470, %parallel_loop3A_471 : i32
        %parallel_loop3A_473 = tpu.assume_multiple %parallel_loop3A_472, 8 : i32
        %parallel_loop3A_474 = arith.constant 0 : i32
        %parallel_loop3A_475 = vector.broadcast %parallel_loop3A_474 : i32 to vector<16xi32>
        %parallel_loop3A_476 = arith.cmpi slt, %broadcast_in_dim3A_35, %parallel_loop3A_475 : vector<16xi32>
        %parallel_loop3A_477 = arith.constant 16 : i32
        %parallel_loop3A_478 = vector.broadcast %parallel_loop3A_477 : i32 to vector<16xi32>
        %parallel_loop3A_479 = arith.addi %broadcast_in_dim3A_35, %parallel_loop3A_478 : vector<16xi32>
        %parallel_loop3A_480 = arith.select %parallel_loop3A_476, %parallel_loop3A_479, %broadcast_in_dim3A_35 : vector<16xi1>, vector<16xi32>
        %parallel_loop3A_481 = vector.shape_cast %parallel_loop3A_480 : vector<16xi32> to vector<16x1xi32>
        %parallel_loop3A_482 = vector.shape_cast %parallel_loop3A_481 : vector<16x1xi32> to vector<16xi32>
        %parallel_loop3A_483 = tpu.dynamic_gather %parallel_loop3A_219[%parallel_loop3A_482] in [0] : vector<16xi32>, vector<16xi32> -> vector<16xi32>
        %parallel_loop3A_484 = arith.index_cast %parallel_loop3A_473 : i32 to index
        %parallel_loop3A_485 = tpu.vector_load %arg10[%parallel_loop3A_484] {strides = array<i32>} : memref<512xi32, #tpu.memory_space<vmem>>, vector<16xi32>,
        tpu.vector_store %arg10[%parallel_loop3A_484], %parallel_loop3A_483 {strides = array<i32>} : memref<512xi32, #tpu.memory_space<vmem>>, vector<16xi32>,
        %parallel_loop3A_486 = arith.constant 16 : i32
        %parallel_loop3A_487 = arith.muli %parallel_loop3A_213, %parallel_loop3A_486 : i32
        %parallel_loop3A_488 = arith.constant 14 : i32
        %parallel_loop3A_489 = arith.addi %parallel_loop3A_487, %parallel_loop3A_488 : i32
        %parallel_loop3A_490 = arith.constant 16 : i32
        %parallel_loop3A_491 = arith.muli %parallel_loop3A_489, %parallel_loop3A_490 : i32
        %parallel_loop3A_492 = tpu.assume_multiple %parallel_loop3A_491, 8 : i32
        %parallel_loop3A_493 = arith.constant 0 : i32
        %parallel_loop3A_494 = vector.broadcast %parallel_loop3A_493 : i32 to vector<16xi32>
        %parallel_loop3A_495 = arith.cmpi slt, %broadcast_in_dim3A_37, %parallel_loop3A_494 : vector<16xi32>
        %parallel_loop3A_496 = arith.constant 16 : i32
        %parallel_loop3A_497 = vector.broadcast %parallel_loop3A_496 : i32 to vector<16xi32>
        %parallel_loop3A_498 = arith.addi %broadcast_in_dim3A_37, %parallel_loop3A_497 : vector<16xi32>
        %parallel_loop3A_499 = arith.select %parallel_loop3A_495, %parallel_loop3A_498, %broadcast_in_dim3A_37 : vector<16xi1>, vector<16xi32>
        %parallel_loop3A_500 = vector.shape_cast %parallel_loop3A_499 : vector<16xi32> to vector<16x1xi32>
        %parallel_loop3A_501 = vector.shape_cast %parallel_loop3A_500 : vector<16x1xi32> to vector<16xi32>
        %parallel_loop3A_502 = tpu.dynamic_gather %parallel_loop3A_219[%parallel_loop3A_501] in [0] : vector<16xi32>, vector<16xi32> -> vector<16xi32>
        %parallel_loop3A_503 = arith.index_cast %parallel_loop3A_492 : i32 to index
        %parallel_loop3A_504 = tpu.vector_load %arg10[%parallel_loop3A_503] {strides = array<i32>} : memref<512xi32, #tpu.memory_space<vmem>>, vector<16xi32>,
        tpu.vector_store %arg10[%parallel_loop3A_503], %parallel_loop3A_502 {strides = array<i32>} : memref<512xi32, #tpu.memory_space<vmem>>, vector<16xi32>,
        %parallel_loop3A_505 = arith.constant 16 : i32
        %parallel_loop3A_506 = arith.muli %parallel_loop3A_213, %parallel_loop3A_505 : i32
        %parallel_loop3A_507 = arith.constant 15 : i32
        %parallel_loop3A_508 = arith.addi %parallel_loop3A_506, %parallel_loop3A_507 : i32
        %parallel_loop3A_509 = arith.constant 16 : i32
        %parallel_loop3A_510 = arith.muli %parallel_loop3A_508, %parallel_loop3A_509 : i32
        %parallel_loop3A_511 = tpu.assume_multiple %parallel_loop3A_510, 8 : i32
        %parallel_loop3A_512 = arith.constant 0 : i32
        %parallel_loop3A_513 = vector.broadcast %parallel_loop3A_512 : i32 to vector<16xi32>
        %parallel_loop3A_514 = arith.cmpi slt, %broadcast_in_dim3A_39, %parallel_loop3A_513 : vector<16xi32>
        %parallel_loop3A_515 = arith.constant 16 : i32
        %parallel_loop3A_516 = vector.broadcast %parallel_loop3A_515 : i32 to vector<16xi32>
        %parallel_loop3A_517 = arith.addi %broadcast_in_dim3A_39, %parallel_loop3A_516 : vector<16xi32>
        %parallel_loop3A_518 = arith.select %parallel_loop3A_514, %parallel_loop3A_517, %broadcast_in_dim3A_39 : vector<16xi1>, vector<16xi32>
        %parallel_loop3A_519 = vector.shape_cast %parallel_loop3A_518 : vector<16xi32> to vector<16x1xi32>
        %parallel_loop3A_520 = vector.shape_cast %parallel_loop3A_519 : vector<16x1xi32> to vector<16xi32>
        %parallel_loop3A_521 = tpu.dynamic_gather %parallel_loop3A_219[%parallel_loop3A_520] in [0] : vector<16xi32>, vector<16xi32> -> vector<16xi32>
        %parallel_loop3A_522 = arith.index_cast %parallel_loop3A_511 : i32 to index
        %parallel_loop3A_523 = tpu.vector_load %arg10[%parallel_loop3A_522] {strides = array<i32>} : memref<512xi32, #tpu.memory_space<vmem>>, vector<16xi32>,
        tpu.vector_store %arg10[%parallel_loop3A_522], %parallel_loop3A_521 {strides = array<i32>} : memref<512xi32, #tpu.memory_space<vmem>>, vector<16xi32>,
      } {sc.loop_unroll_factor = 1 : i64, sc.parallel_access}
      %add3A_194 = arith.constant 1 : i32
      %add3A_195 = arith.addi %add3A_187, %add3A_194 : i32
      %lt3A_196 = arith.constant 64 : i32
      %lt3A_197 = arith.cmpi slt, %add3A_195, %lt3A_196 : i32
      %convert_element_type3A_198 = arith.extui %lt3A_197 : i1 to i32
      %cond3A_199 = arith.constant 0 : i32
      %cond3A_200 = arith.cmpi ne, %convert_element_type3A_198, %cond3A_199 : i32
      scf.if %cond3A_200 {
        %ge3A = arith.constant 1 : i32
        %ge3A_213 = arith.cmpi sge, %add3A_187, %ge3A : i32
        %convert_element_type3A_214 = arith.extui %ge3A_213 : i1 to i32
        %cond3A_215 = arith.constant 0 : i32
        %cond3A_216 = arith.cmpi ne, %convert_element_type3A_214, %cond3A_215 : i32
        scf.if %cond3A_216 {
          %multiple_of3A_224 = arith.constant 0 : i32
          %multiple_of3A_225 = tpu.assume_multiple %multiple_of3A_224, 8 : i32
          %add3A_226 = arith.addi %mul3A_2, %multiple_of3A_225 : i32
          %dma_wait3A_227 = arith.constant 0 : i32
          %dma_wait3A_228 = tpu.memref_slice %arg6[%add3A_226, %dma_wait3A_227] : memref<65536x768xf32, #tpu.memory_space<hbm>> -> memref<32x768xf32, #tpu.memory_space<hbm>>
          %dma_wait3A_229 = arith.constant 0 : i32
          %dma_wait3A_230 = tpu.memref_slice %arg6[%add3A_226, %dma_wait3A_229] : memref<65536x768xf32, #tpu.memory_space<hbm>> -> memref<32x768xf32, #tpu.memory_space<hbm>>
          tpu.wait_dma2 semaphore(%arg15 : memref<!tpu.dma_semaphore, #tpu.memory_space<semaphore_mem>>) src(%arg11 : memref<32x768xf32, #tpu.memory_space<vmem>>) dst(%dma_wait3A_230 : memref<32x768xf32, #tpu.memory_space<hbm>>)
        } else {
        }
        %add3A_217 = arith.constant 32 : i32
        %add3A_218 = arith.addi %multiple_of3A_190, %add3A_217 : i32
        %multiple_of3A_219 = tpu.assume_multiple %add3A_218, 8 : i32
        %dma_start3A_220 = tpu.memref_slice %arg7[%multiple_of3A_219] : memref<2048xi32, #tpu.memory_space<vmem>> -> memref<32xi32, #tpu.memory_space<vmem>>
        %dma_start3A_221 = arith.constant 0 : i32
        %dma_start3A_222 = arith.constant 0 : i32
        %dma_start3A_223 = tpu.memref_slice %arg2[%dma_start3A_221, %dma_start3A_222] : memref<100000x768xf32, #tpu.memory_space<hbm>> -> memref<100000x768xf32, #tpu.memory_space<hbm>>
        tpu.enqueue_indirect_dma source(%dma_start3A_223 : memref<100000x768xf32, #tpu.memory_space<hbm>>) target(%arg11 : memref<32x768xf32, #tpu.memory_space<vmem>>) offsets(%dma_start3A_220 : memref<32xi32, #tpu.memory_space<vmem>>) semaphore(%arg13 : memref<!tpu.dma_semaphore, #tpu.memory_space<semaphore_mem>>)
      } else {
      }
      %dma_wait3A_201 = tpu.memref_slice %arg7[%multiple_of3A_190] : memref<2048xi32, #tpu.memory_space<vmem>> -> memref<32xi32, #tpu.memory_space<vmem>>
      %dma_wait3A_202 = arith.constant 0 : i32
      %dma_wait3A_203 = arith.constant 0 : i32
      %dma_wait3A_204 = tpu.memref_slice %arg2[%dma_wait3A_202, %dma_wait3A_203] : memref<100000x768xf32, #tpu.memory_space<hbm>> -> memref<100000x768xf32, #tpu.memory_space<hbm>>
      tpu.wait_indirect_dma semaphore(%arg14 : memref<!tpu.dma_semaphore, #tpu.memory_space<semaphore_mem>>) src(%dma_wait3A_204 : memref<100000x768xf32, #tpu.memory_space<hbm>>) dst(%arg12 : memref<32x768xf32, #tpu.memory_space<vmem>>)
      %parallel_loop3A_205 = arith.constant 0 : i32
      %parallel_loop3A_206 = arith.constant 32 : i32
      %parallel_loop3A_207 = arith.constant 1 : i32
      scf.for %parallel_loop3A_213 = %parallel_loop3A_205 to %parallel_loop3A_206 step %parallel_loop3A_207  : i32 {
        %parallel_loop3A_214 = arith.constant 16 : i32
        %parallel_loop3A_215 = arith.muli %parallel_loop3A_213, %parallel_loop3A_214 : i32
        %parallel_loop3A_216 = arith.index_cast %parallel_loop3A_215 : i32 to index
        %parallel_loop3A_217 = tpu.vector_load %arg10[%parallel_loop3A_216] {strides = array<i32>} : memref<512xi32, #tpu.memory_space<vmem>>, vector<16xi32>,
        %parallel_loop3A_218 = arith.addi %parallel_loop3A_217, %add3A_42 : vector<16xi32>
        %parallel_loop3A_219 = tpu.vector_load_idx %arg9[%parallel_loop3A_218] : memref<73728xi32, #tpu.memory_space<vmem>>[vector<16xi32>], vector<16xi32>,
        %parallel_loop3A_220 = arith.shli %parallel_loop3A_219, %broadcast_in_dim3A_136 : vector<16xi32>
        %parallel_loop3A_221 = tpu.bitcast %parallel_loop3A_220 : vector<16xi32> -> vector<16xf32>
        %parallel_loop3A_222 = arith.andi %parallel_loop3A_219, %broadcast_in_dim3A_138 : vector<16xi32>
        %parallel_loop3A_223 = tpu.bitcast %parallel_loop3A_222 : vector<16xi32> -> vector<16xf32>
        %parallel_loop3A_224 = arith.index_cast %parallel_loop3A_213 : i32 to index
        %parallel_loop3A_225 = arith.constant 0 : index
        %parallel_loop3A_226 = tpu.vector_load %arg12[%parallel_loop3A_224, %parallel_loop3A_225] {strides = array<i32>} : memref<32x768xf32, #tpu.memory_space<vmem>>, vector<16xf32>,
        tpu.vector_store %arg12[%parallel_loop3A_224, %parallel_loop3A_225], %parallel_loop3A_221 {add = true, strides = array<i32>} : memref<32x768xf32, #tpu.memory_space<vmem>>, vector<16xf32>,
        %parallel_loop3A_227 = arith.index_cast %parallel_loop3A_213 : i32 to index
        %parallel_loop3A_228 = arith.constant 16 : index
        %parallel_loop3A_229 = tpu.vector_load %arg12[%parallel_loop3A_227, %parallel_loop3A_228] {strides = array<i32>} : memref<32x768xf32, #tpu.memory_space<vmem>>, vector<16xf32>,
        tpu.vector_store %arg12[%parallel_loop3A_227, %parallel_loop3A_228], %parallel_loop3A_223 {add = true, strides = array<i32>} : memref<32x768xf32, #tpu.memory_space<vmem>>, vector<16xf32>,
        %parallel_loop3A_230 = arith.addi %parallel_loop3A_217, %add3A_46 : vector<16xi32>
        %parallel_loop3A_231 = tpu.vector_load_idx %arg9[%parallel_loop3A_230] : memref<73728xi32, #tpu.memory_space<vmem>>[vector<16xi32>], vector<16xi32>,
        %parallel_loop3A_232 = arith.shli %parallel_loop3A_231, %broadcast_in_dim3A_136 : vector<16xi32>
        %parallel_loop3A_233 = tpu.bitcast %parallel_loop3A_232 : vector<16xi32> -> vector<16xf32>
        %parallel_loop3A_234 = arith.andi %parallel_loop3A_231, %broadcast_in_dim3A_138 : vector<16xi32>
        %parallel_loop3A_235 = tpu.bitcast %parallel_loop3A_234 : vector<16xi32> -> vector<16xf32>
        %parallel_loop3A_236 = arith.index_cast %parallel_loop3A_213 : i32 to index
        %parallel_loop3A_237 = arith.constant 32 : index
        %parallel_loop3A_238 = tpu.vector_load %arg12[%parallel_loop3A_236, %parallel_loop3A_237] {strides = array<i32>} : memref<32x768xf32, #tpu.memory_space<vmem>>, vector<16xf32>,
        tpu.vector_store %arg12[%parallel_loop3A_236, %parallel_loop3A_237], %parallel_loop3A_233 {add = true, strides = array<i32>} : memref<32x768xf32, #tpu.memory_space<vmem>>, vector<16xf32>,
        %parallel_loop3A_239 = arith.index_cast %parallel_loop3A_213 : i32 to index
        %parallel_loop3A_240 = arith.constant 48 : index
        %parallel_loop3A_241 = tpu.vector_load %arg12[%parallel_loop3A_239, %parallel_loop3A_240] {strides = array<i32>} : memref<32x768xf32, #tpu.memory_space<vmem>>, vector<16xf32>,
        tpu.vector_store %arg12[%parallel_loop3A_239, %parallel_loop3A_240], %parallel_loop3A_235 {add = true, strides = array<i32>} : memref<32x768xf32, #tpu.memory_space<vmem>>, vector<16xf32>,
        %parallel_loop3A_242 = arith.addi %parallel_loop3A_217, %add3A_50 : vector<16xi32>
        %parallel_loop3A_243 = tpu.vector_load_idx %arg9[%parallel_loop3A_242] : memref<73728xi32, #tpu.memory_space<vmem>>[vector<16xi32>], vector<16xi32>,
        %parallel_loop3A_244 = arith.shli %parallel_loop3A_243, %broadcast_in_dim3A_136 : vector<16xi32>
        %parallel_loop3A_245 = tpu.bitcast %parallel_loop3A_244 : vector<16xi32> -> vector<16xf32>
        %parallel_loop3A_246 = arith.andi %parallel_loop3A_243, %broadcast_in_dim3A_138 : vector<16xi32>
        %parallel_loop3A_247 = tpu.bitcast %parallel_loop3A_246 : vector<16xi32> -> vector<16xf32>
        %parallel_loop3A_248 = arith.index_cast %parallel_loop3A_213 : i32 to index
        %parallel_loop3A_249 = arith.constant 64 : index
        %parallel_loop3A_250 = tpu.vector_load %arg12[%parallel_loop3A_248, %parallel_loop3A_249] {strides = array<i32>} : memref<32x768xf32, #tpu.memory_space<vmem>>, vector<16xf32>,
        tpu.vector_store %arg12[%parallel_loop3A_248, %parallel_loop3A_249], %parallel_loop3A_245 {add = true, strides = array<i32>} : memref<32x768xf32, #tpu.memory_space<vmem>>, vector<16xf32>,
        %parallel_loop3A_251 = arith.index_cast %parallel_loop3A_213 : i32 to index
        %parallel_loop3A_252 = arith.constant 80 : index
        %parallel_loop3A_253 = tpu.vector_load %arg12[%parallel_loop3A_251, %parallel_loop3A_252] {strides = array<i32>} : memref<32x768xf32, #tpu.memory_space<vmem>>, vector<16xf32>,
        tpu.vector_store %arg12[%parallel_loop3A_251, %parallel_loop3A_252], %parallel_loop3A_247 {add = true, strides = array<i32>} : memref<32x768xf32, #tpu.memory_space<vmem>>, vector<16xf32>,
        %parallel_loop3A_254 = arith.addi %parallel_loop3A_217, %add3A_54 : vector<16xi32>
        %parallel_loop3A_255 = tpu.vector_load_idx %arg9[%parallel_loop3A_254] : memref<73728xi32, #tpu.memory_space<vmem>>[vector<16xi32>], vector<16xi32>,
        %parallel_loop3A_256 = arith.shli %parallel_loop3A_255, %broadcast_in_dim3A_136 : vector<16xi32>
        %parallel_loop3A_257 = tpu.bitcast %parallel_loop3A_256 : vector<16xi32> -> vector<16xf32>
        %parallel_loop3A_258 = arith.andi %parallel_loop3A_255, %broadcast_in_dim3A_138 : vector<16xi32>
        %parallel_loop3A_259 = tpu.bitcast %parallel_loop3A_258 : vector<16xi32> -> vector<16xf32>
        %parallel_loop3A_260 = arith.index_cast %parallel_loop3A_213 : i32 to index
        %parallel_loop3A_261 = arith.constant 96 : index
        %parallel_loop3A_262 = tpu.vector_load %arg12[%parallel_loop3A_260, %parallel_loop3A_261] {strides = array<i32>} : memref<32x768xf32, #tpu.memory_space<vmem>>, vector<16xf32>,
        tpu.vector_store %arg12[%parallel_loop3A_260, %parallel_loop3A_261], %parallel_loop3A_257 {add = true, strides = array<i32>} : memref<32x768xf32, #tpu.memory_space<vmem>>, vector<16xf32>,
        %parallel_loop3A_263 = arith.index_cast %parallel_loop3A_213 : i32 to index
        %parallel_loop3A_264 = arith.constant 112 : index
        %parallel_loop3A_265 = tpu.vector_load %arg12[%parallel_loop3A_263, %parallel_loop3A_264] {strides = array<i32>} : memref<32x768xf32, #tpu.memory_space<vmem>>, vector<16xf32>,
        tpu.vector_store %arg12[%parallel_loop3A_263, %parallel_loop3A_264], %parallel_loop3A_259 {add = true, strides = array<i32>} : memref<32x768xf32, #tpu.memory_space<vmem>>, vector<16xf32>,
        %parallel_loop3A_266 = arith.addi %parallel_loop3A_217, %add3A_58 : vector<16xi32>
        %parallel_loop3A_267 = tpu.vector_load_idx %arg9[%parallel_loop3A_266] : memref<73728xi32, #tpu.memory_space<vmem>>[vector<16xi32>], vector<16xi32>,
        %parallel_loop3A_268 = arith.shli %parallel_loop3A_267, %broadcast_in_dim3A_136 : vector<16xi32>
        %parallel_loop3A_269 = tpu.bitcast %parallel_loop3A_268 : vector<16xi32> -> vector<16xf32>
        %parallel_loop3A_270 = arith.andi %parallel_loop3A_267, %broadcast_in_dim3A_138 : vector<16xi32>
        %parallel_loop3A_271 = tpu.bitcast %parallel_loop3A_270 : vector<16xi32> -> vector<16xf32>
        %parallel_loop3A_272 = arith.index_cast %parallel_loop3A_213 : i32 to index
        %parallel_loop3A_273 = arith.constant 128 : index
        %parallel_loop3A_274 = tpu.vector_load %arg12[%parallel_loop3A_272, %parallel_loop3A_273] {strides = array<i32>} : memref<32x768xf32, #tpu.memory_space<vmem>>, vector<16xf32>,
        tpu.vector_store %arg12[%parallel_loop3A_272, %parallel_loop3A_273], %parallel_loop3A_269 {add = true, strides = array<i32>} : memref<32x768xf32, #tpu.memory_space<vmem>>, vector<16xf32>,
        %parallel_loop3A_275 = arith.index_cast %parallel_loop3A_213 : i32 to index
        %parallel_loop3A_276 = arith.constant 144 : index
        %parallel_loop3A_277 = tpu.vector_load %arg12[%parallel_loop3A_275, %parallel_loop3A_276] {strides = array<i32>} : memref<32x768xf32, #tpu.memory_space<vmem>>, vector<16xf32>,
        tpu.vector_store %arg12[%parallel_loop3A_275, %parallel_loop3A_276], %parallel_loop3A_271 {add = true, strides = array<i32>} : memref<32x768xf32, #tpu.memory_space<vmem>>, vector<16xf32>,
        %parallel_loop3A_278 = arith.addi %parallel_loop3A_217, %add3A_62 : vector<16xi32>
        %parallel_loop3A_279 = tpu.vector_load_idx %arg9[%parallel_loop3A_278] : memref<73728xi32, #tpu.memory_space<vmem>>[vector<16xi32>], vector<16xi32>,
        %parallel_loop3A_280 = arith.shli %parallel_loop3A_279, %broadcast_in_dim3A_136 : vector<16xi32>
        %parallel_loop3A_281 = tpu.bitcast %parallel_loop3A_280 : vector<16xi32> -> vector<16xf32>
        %parallel_loop3A_282 = arith.andi %parallel_loop3A_279, %broadcast_in_dim3A_138 : vector<16xi32>
        %parallel_loop3A_283 = tpu.bitcast %parallel_loop3A_282 : vector<16xi32> -> vector<16xf32>
        %parallel_loop3A_284 = arith.index_cast %parallel_loop3A_213 : i32 to index
        %parallel_loop3A_285 = arith.constant 160 : index
        %parallel_loop3A_286 = tpu.vector_load %arg12[%parallel_loop3A_284, %parallel_loop3A_285] {strides = array<i32>} : memref<32x768xf32, #tpu.memory_space<vmem>>, vector<16xf32>,
        tpu.vector_store %arg12[%parallel_loop3A_284, %parallel_loop3A_285], %parallel_loop3A_281 {add = true, strides = array<i32>} : memref<32x768xf32, #tpu.memory_space<vmem>>, vector<16xf32>,
        %parallel_loop3A_287 = arith.index_cast %parallel_loop3A_213 : i32 to index
        %parallel_loop3A_288 = arith.constant 176 : index
        %parallel_loop3A_289 = tpu.vector_load %arg12[%parallel_loop3A_287, %parallel_loop3A_288] {strides = array<i32>} : memref<32x768xf32, #tpu.memory_space<vmem>>, vector<16xf32>,
        tpu.vector_store %arg12[%parallel_loop3A_287, %parallel_loop3A_288], %parallel_loop3A_283 {add = true, strides = array<i32>} : memref<32x768xf32, #tpu.memory_space<vmem>>, vector<16xf32>,
        %parallel_loop3A_290 = arith.addi %parallel_loop3A_217, %add3A_66 : vector<16xi32>
        %parallel_loop3A_291 = tpu.vector_load_idx %arg9[%parallel_loop3A_290] : memref<73728xi32, #tpu.memory_space<vmem>>[vector<16xi32>], vector<16xi32>,
        %parallel_loop3A_292 = arith.shli %parallel_loop3A_291, %broadcast_in_dim3A_136 : vector<16xi32>
        %parallel_loop3A_293 = tpu.bitcast %parallel_loop3A_292 : vector<16xi32> -> vector<16xf32>
        %parallel_loop3A_294 = arith.andi %parallel_loop3A_291, %broadcast_in_dim3A_138 : vector<16xi32>
        %parallel_loop3A_295 = tpu.bitcast %parallel_loop3A_294 : vector<16xi32> -> vector<16xf32>
        %parallel_loop3A_296 = arith.index_cast %parallel_loop3A_213 : i32 to index
        %parallel_loop3A_297 = arith.constant 192 : index
        %parallel_loop3A_298 = tpu.vector_load %arg12[%parallel_loop3A_296, %parallel_loop3A_297] {strides = array<i32>} : memref<32x768xf32, #tpu.memory_space<vmem>>, vector<16xf32>,
        tpu.vector_store %arg12[%parallel_loop3A_296, %parallel_loop3A_297], %parallel_loop3A_293 {add = true, strides = array<i32>} : memref<32x768xf32, #tpu.memory_space<vmem>>, vector<16xf32>,
        %parallel_loop3A_299 = arith.index_cast %parallel_loop3A_213 : i32 to index
        %parallel_loop3A_300 = arith.constant 208 : index
        %parallel_loop3A_301 = tpu.vector_load %arg12[%parallel_loop3A_299, %parallel_loop3A_300] {strides = array<i32>} : memref<32x768xf32, #tpu.memory_space<vmem>>, vector<16xf32>,
        tpu.vector_store %arg12[%parallel_loop3A_299, %parallel_loop3A_300], %parallel_loop3A_295 {add = true, strides = array<i32>} : memref<32x768xf32, #tpu.memory_space<vmem>>, vector<16xf32>,
        %parallel_loop3A_302 = arith.addi %parallel_loop3A_217, %add3A_70 : vector<16xi32>
        %parallel_loop3A_303 = tpu.vector_load_idx %arg9[%parallel_loop3A_302] : memref<73728xi32, #tpu.memory_space<vmem>>[vector<16xi32>], vector<16xi32>,
        %parallel_loop3A_304 = arith.shli %parallel_loop3A_303, %broadcast_in_dim3A_136 : vector<16xi32>
        %parallel_loop3A_305 = tpu.bitcast %parallel_loop3A_304 : vector<16xi32> -> vector<16xf32>
        %parallel_loop3A_306 = arith.andi %parallel_loop3A_303, %broadcast_in_dim3A_138 : vector<16xi32>
        %parallel_loop3A_307 = tpu.bitcast %parallel_loop3A_306 : vector<16xi32> -> vector<16xf32>
        %parallel_loop3A_308 = arith.index_cast %parallel_loop3A_213 : i32 to index
        %parallel_loop3A_309 = arith.constant 224 : index
        %parallel_loop3A_310 = tpu.vector_load %arg12[%parallel_loop3A_308, %parallel_loop3A_309] {strides = array<i32>} : memref<32x768xf32, #tpu.memory_space<vmem>>, vector<16xf32>,
        tpu.vector_store %arg12[%parallel_loop3A_308, %parallel_loop3A_309], %parallel_loop3A_305 {add = true, strides = array<i32>} : memref<32x768xf32, #tpu.memory_space<vmem>>, vector<16xf32>,
        %parallel_loop3A_311 = arith.index_cast %parallel_loop3A_213 : i32 to index
        %parallel_loop3A_312 = arith.constant 240 : index
        %parallel_loop3A_313 = tpu.vector_load %arg12[%parallel_loop3A_311, %parallel_loop3A_312] {strides = array<i32>} : memref<32x768xf32, #tpu.memory_space<vmem>>, vector<16xf32>,
        tpu.vector_store %arg12[%parallel_loop3A_311, %parallel_loop3A_312], %parallel_loop3A_307 {add = true, strides = array<i32>} : memref<32x768xf32, #tpu.memory_space<vmem>>, vector<16xf32>,
        %parallel_loop3A_314 = arith.addi %parallel_loop3A_217, %add3A_74 : vector<16xi32>
        %parallel_loop3A_315 = tpu.vector_load_idx %arg9[%parallel_loop3A_314] : memref<73728xi32, #tpu.memory_space<vmem>>[vector<16xi32>], vector<16xi32>,
        %parallel_loop3A_316 = arith.shli %parallel_loop3A_315, %broadcast_in_dim3A_136 : vector<16xi32>
        %parallel_loop3A_317 = tpu.bitcast %parallel_loop3A_316 : vector<16xi32> -> vector<16xf32>
        %parallel_loop3A_318 = arith.andi %parallel_loop3A_315, %broadcast_in_dim3A_138 : vector<16xi32>
        %parallel_loop3A_319 = tpu.bitcast %parallel_loop3A_318 : vector<16xi32> -> vector<16xf32>
        %parallel_loop3A_320 = arith.index_cast %parallel_loop3A_213 : i32 to index
        %parallel_loop3A_321 = arith.constant 256 : index
        %parallel_loop3A_322 = tpu.vector_load %arg12[%parallel_loop3A_320, %parallel_loop3A_321] {strides = array<i32>} : memref<32x768xf32, #tpu.memory_space<vmem>>, vector<16xf32>,
        tpu.vector_store %arg12[%parallel_loop3A_320, %parallel_loop3A_321], %parallel_loop3A_317 {add = true, strides = array<i32>} : memref<32x768xf32, #tpu.memory_space<vmem>>, vector<16xf32>,
        %parallel_loop3A_323 = arith.index_cast %parallel_loop3A_213 : i32 to index
        %parallel_loop3A_324 = arith.constant 272 : index
        %parallel_loop3A_325 = tpu.vector_load %arg12[%parallel_loop3A_323, %parallel_loop3A_324] {strides = array<i32>} : memref<32x768xf32, #tpu.memory_space<vmem>>, vector<16xf32>,
        tpu.vector_store %arg12[%parallel_loop3A_323, %parallel_loop3A_324], %parallel_loop3A_319 {add = true, strides = array<i32>} : memref<32x768xf32, #tpu.memory_space<vmem>>, vector<16xf32>,
        %parallel_loop3A_326 = arith.addi %parallel_loop3A_217, %add3A_78 : vector<16xi32>
        %parallel_loop3A_327 = tpu.vector_load_idx %arg9[%parallel_loop3A_326] : memref<73728xi32, #tpu.memory_space<vmem>>[vector<16xi32>], vector<16xi32>,
        %parallel_loop3A_328 = arith.shli %parallel_loop3A_327, %broadcast_in_dim3A_136 : vector<16xi32>
        %parallel_loop3A_329 = tpu.bitcast %parallel_loop3A_328 : vector<16xi32> -> vector<16xf32>
        %parallel_loop3A_330 = arith.andi %parallel_loop3A_327, %broadcast_in_dim3A_138 : vector<16xi32>
        %parallel_loop3A_331 = tpu.bitcast %parallel_loop3A_330 : vector<16xi32> -> vector<16xf32>
        %parallel_loop3A_332 = arith.index_cast %parallel_loop3A_213 : i32 to index
        %parallel_loop3A_333 = arith.constant 288 : index
        %parallel_loop3A_334 = tpu.vector_load %arg12[%parallel_loop3A_332, %parallel_loop3A_333] {strides = array<i32>} : memref<32x768xf32, #tpu.memory_space<vmem>>, vector<16xf32>,
        tpu.vector_store %arg12[%parallel_loop3A_332, %parallel_loop3A_333], %parallel_loop3A_329 {add = true, strides = array<i32>} : memref<32x768xf32, #tpu.memory_space<vmem>>, vector<16xf32>,
        %parallel_loop3A_335 = arith.index_cast %parallel_loop3A_213 : i32 to index
        %parallel_loop3A_336 = arith.constant 304 : index
        %parallel_loop3A_337 = tpu.vector_load %arg12[%parallel_loop3A_335, %parallel_loop3A_336] {strides = array<i32>} : memref<32x768xf32, #tpu.memory_space<vmem>>, vector<16xf32>,
        tpu.vector_store %arg12[%parallel_loop3A_335, %parallel_loop3A_336], %parallel_loop3A_331 {add = true, strides = array<i32>} : memref<32x768xf32, #tpu.memory_space<vmem>>, vector<16xf32>,
        %parallel_loop3A_338 = arith.addi %parallel_loop3A_217, %add3A_82 : vector<16xi32>
        %parallel_loop3A_339 = tpu.vector_load_idx %arg9[%parallel_loop3A_338] : memref<73728xi32, #tpu.memory_space<vmem>>[vector<16xi32>], vector<16xi32>,
        %parallel_loop3A_340 = arith.shli %parallel_loop3A_339, %broadcast_in_dim3A_136 : vector<16xi32>
        %parallel_loop3A_341 = tpu.bitcast %parallel_loop3A_340 : vector<16xi32> -> vector<16xf32>
        %parallel_loop3A_342 = arith.andi %parallel_loop3A_339, %broadcast_in_dim3A_138 : vector<16xi32>
        %parallel_loop3A_343 = tpu.bitcast %parallel_loop3A_342 : vector<16xi32> -> vector<16xf32>
        %parallel_loop3A_344 = arith.index_cast %parallel_loop3A_213 : i32 to index
        %parallel_loop3A_345 = arith.constant 320 : index
        %parallel_loop3A_346 = tpu.vector_load %arg12[%parallel_loop3A_344, %parallel_loop3A_345] {strides = array<i32>} : memref<32x768xf32, #tpu.memory_space<vmem>>, vector<16xf32>,
        tpu.vector_store %arg12[%parallel_loop3A_344, %parallel_loop3A_345], %parallel_loop3A_341 {add = true, strides = array<i32>} : memref<32x768xf32, #tpu.memory_space<vmem>>, vector<16xf32>,
        %parallel_loop3A_347 = arith.index_cast %parallel_loop3A_213 : i32 to index
        %parallel_loop3A_348 = arith.constant 336 : index
        %parallel_loop3A_349 = tpu.vector_load %arg12[%parallel_loop3A_347, %parallel_loop3A_348] {strides = array<i32>} : memref<32x768xf32, #tpu.memory_space<vmem>>, vector<16xf32>,
        tpu.vector_store %arg12[%parallel_loop3A_347, %parallel_loop3A_348], %parallel_loop3A_343 {add = true, strides = array<i32>} : memref<32x768xf32, #tpu.memory_space<vmem>>, vector<16xf32>,
        %parallel_loop3A_350 = arith.addi %parallel_loop3A_217, %add3A_86 : vector<16xi32>
        %parallel_loop3A_351 = tpu.vector_load_idx %arg9[%parallel_loop3A_350] : memref<73728xi32, #tpu.memory_space<vmem>>[vector<16xi32>], vector<16xi32>,
        %parallel_loop3A_352 = arith.shli %parallel_loop3A_351, %broadcast_in_dim3A_136 : vector<16xi32>
        %parallel_loop3A_353 = tpu.bitcast %parallel_loop3A_352 : vector<16xi32> -> vector<16xf32>
        %parallel_loop3A_354 = arith.andi %parallel_loop3A_351, %broadcast_in_dim3A_138 : vector<16xi32>
        %parallel_loop3A_355 = tpu.bitcast %parallel_loop3A_354 : vector<16xi32> -> vector<16xf32>
        %parallel_loop3A_356 = arith.index_cast %parallel_loop3A_213 : i32 to index
        %parallel_loop3A_357 = arith.constant 352 : index
        %parallel_loop3A_358 = tpu.vector_load %arg12[%parallel_loop3A_356, %parallel_loop3A_357] {strides = array<i32>} : memref<32x768xf32, #tpu.memory_space<vmem>>, vector<16xf32>,
        tpu.vector_store %arg12[%parallel_loop3A_356, %parallel_loop3A_357], %parallel_loop3A_353 {add = true, strides = array<i32>} : memref<32x768xf32, #tpu.memory_space<vmem>>, vector<16xf32>,
        %parallel_loop3A_359 = arith.index_cast %parallel_loop3A_213 : i32 to index
        %parallel_loop3A_360 = arith.constant 368 : index
        %parallel_loop3A_361 = tpu.vector_load %arg12[%parallel_loop3A_359, %parallel_loop3A_360] {strides = array<i32>} : memref<32x768xf32, #tpu.memory_space<vmem>>, vector<16xf32>,
        tpu.vector_store %arg12[%parallel_loop3A_359, %parallel_loop3A_360], %parallel_loop3A_355 {add = true, strides = array<i32>} : memref<32x768xf32, #tpu.memory_space<vmem>>, vector<16xf32>,
        %parallel_loop3A_362 = arith.addi %parallel_loop3A_217, %add3A_90 : vector<16xi32>
        %parallel_loop3A_363 = tpu.vector_load_idx %arg9[%parallel_loop3A_362] : memref<73728xi32, #tpu.memory_space<vmem>>[vector<16xi32>], vector<16xi32>,
        %parallel_loop3A_364 = arith.shli %parallel_loop3A_363, %broadcast_in_dim3A_136 : vector<16xi32>
        %parallel_loop3A_365 = tpu.bitcast %parallel_loop3A_364 : vector<16xi32> -> vector<16xf32>
        %parallel_loop3A_366 = arith.andi %parallel_loop3A_363, %broadcast_in_dim3A_138 : vector<16xi32>
        %parallel_loop3A_367 = tpu.bitcast %parallel_loop3A_366 : vector<16xi32> -> vector<16xf32>
        %parallel_loop3A_368 = arith.index_cast %parallel_loop3A_213 : i32 to index
        %parallel_loop3A_369 = arith.constant 384 : index
        %parallel_loop3A_370 = tpu.vector_load %arg12[%parallel_loop3A_368, %parallel_loop3A_369] {strides = array<i32>} : memref<32x768xf32, #tpu.memory_space<vmem>>, vector<16xf32>,
        tpu.vector_store %arg12[%parallel_loop3A_368, %parallel_loop3A_369], %parallel_loop3A_365 {add = true, strides = array<i32>} : memref<32x768xf32, #tpu.memory_space<vmem>>, vector<16xf32>,
        %parallel_loop3A_371 = arith.index_cast %parallel_loop3A_213 : i32 to index
        %parallel_loop3A_372 = arith.constant 400 : index
        %parallel_loop3A_373 = tpu.vector_load %arg12[%parallel_loop3A_371, %parallel_loop3A_372] {strides = array<i32>} : memref<32x768xf32, #tpu.memory_space<vmem>>, vector<16xf32>,
        tpu.vector_store %arg12[%parallel_loop3A_371, %parallel_loop3A_372], %parallel_loop3A_367 {add = true, strides = array<i32>} : memref<32x768xf32, #tpu.memory_space<vmem>>, vector<16xf32>,
        %parallel_loop3A_374 = arith.addi %parallel_loop3A_217, %add3A_94 : vector<16xi32>
        %parallel_loop3A_375 = tpu.vector_load_idx %arg9[%parallel_loop3A_374] : memref<73728xi32, #tpu.memory_space<vmem>>[vector<16xi32>], vector<16xi32>,
        %parallel_loop3A_376 = arith.shli %parallel_loop3A_375, %broadcast_in_dim3A_136 : vector<16xi32>
        %parallel_loop3A_377 = tpu.bitcast %parallel_loop3A_376 : vector<16xi32> -> vector<16xf32>
        %parallel_loop3A_378 = arith.andi %parallel_loop3A_375, %broadcast_in_dim3A_138 : vector<16xi32>
        %parallel_loop3A_379 = tpu.bitcast %parallel_loop3A_378 : vector<16xi32> -> vector<16xf32>
        %parallel_loop3A_380 = arith.index_cast %parallel_loop3A_213 : i32 to index
        %parallel_loop3A_381 = arith.constant 416 : index
        %parallel_loop3A_382 = tpu.vector_load %arg12[%parallel_loop3A_380, %parallel_loop3A_381] {strides = array<i32>} : memref<32x768xf32, #tpu.memory_space<vmem>>, vector<16xf32>,
        tpu.vector_store %arg12[%parallel_loop3A_380, %parallel_loop3A_381], %parallel_loop3A_377 {add = true, strides = array<i32>} : memref<32x768xf32, #tpu.memory_space<vmem>>, vector<16xf32>,
        %parallel_loop3A_383 = arith.index_cast %parallel_loop3A_213 : i32 to index
        %parallel_loop3A_384 = arith.constant 432 : index
        %parallel_loop3A_385 = tpu.vector_load %arg12[%parallel_loop3A_383, %parallel_loop3A_384] {strides = array<i32>} : memref<32x768xf32, #tpu.memory_space<vmem>>, vector<16xf32>,
        tpu.vector_store %arg12[%parallel_loop3A_383, %parallel_loop3A_384], %parallel_loop3A_379 {add = true, strides = array<i32>} : memref<32x768xf32, #tpu.memory_space<vmem>>, vector<16xf32>,
        %parallel_loop3A_386 = arith.addi %parallel_loop3A_217, %add3A_98 : vector<16xi32>
        %parallel_loop3A_387 = tpu.vector_load_idx %arg9[%parallel_loop3A_386] : memref<73728xi32, #tpu.memory_space<vmem>>[vector<16xi32>], vector<16xi32>,
        %parallel_loop3A_388 = arith.shli %parallel_loop3A_387, %broadcast_in_dim3A_136 : vector<16xi32>
        %parallel_loop3A_389 = tpu.bitcast %parallel_loop3A_388 : vector<16xi32> -> vector<16xf32>
        %parallel_loop3A_390 = arith.andi %parallel_loop3A_387, %broadcast_in_dim3A_138 : vector<16xi32>
        %parallel_loop3A_391 = tpu.bitcast %parallel_loop3A_390 : vector<16xi32> -> vector<16xf32>
        %parallel_loop3A_392 = arith.index_cast %parallel_loop3A_213 : i32 to index
        %parallel_loop3A_393 = arith.constant 448 : index
        %parallel_loop3A_394 = tpu.vector_load %arg12[%parallel_loop3A_392, %parallel_loop3A_393] {strides = array<i32>} : memref<32x768xf32, #tpu.memory_space<vmem>>, vector<16xf32>,
        tpu.vector_store %arg12[%parallel_loop3A_392, %parallel_loop3A_393], %parallel_loop3A_389 {add = true, strides = array<i32>} : memref<32x768xf32, #tpu.memory_space<vmem>>, vector<16xf32>,
        %parallel_loop3A_395 = arith.index_cast %parallel_loop3A_213 : i32 to index
        %parallel_loop3A_396 = arith.constant 464 : index
        %parallel_loop3A_397 = tpu.vector_load %arg12[%parallel_loop3A_395, %parallel_loop3A_396] {strides = array<i32>} : memref<32x768xf32, #tpu.memory_space<vmem>>, vector<16xf32>,
        tpu.vector_store %arg12[%parallel_loop3A_395, %parallel_loop3A_396], %parallel_loop3A_391 {add = true, strides = array<i32>} : memref<32x768xf32, #tpu.memory_space<vmem>>, vector<16xf32>,
        %parallel_loop3A_398 = arith.addi %parallel_loop3A_217, %add3A_102 : vector<16xi32>
        %parallel_loop3A_399 = tpu.vector_load_idx %arg9[%parallel_loop3A_398] : memref<73728xi32, #tpu.memory_space<vmem>>[vector<16xi32>], vector<16xi32>,
        %parallel_loop3A_400 = arith.shli %parallel_loop3A_399, %broadcast_in_dim3A_136 : vector<16xi32>
        %parallel_loop3A_401 = tpu.bitcast %parallel_loop3A_400 : vector<16xi32> -> vector<16xf32>
        %parallel_loop3A_402 = arith.andi %parallel_loop3A_399, %broadcast_in_dim3A_138 : vector<16xi32>
        %parallel_loop3A_403 = tpu.bitcast %parallel_loop3A_402 : vector<16xi32> -> vector<16xf32>
        %parallel_loop3A_404 = arith.index_cast %parallel_loop3A_213 : i32 to index
        %parallel_loop3A_405 = arith.constant 480 : index
        %parallel_loop3A_406 = tpu.vector_load %arg12[%parallel_loop3A_404, %parallel_loop3A_405] {strides = array<i32>} : memref<32x768xf32, #tpu.memory_space<vmem>>, vector<16xf32>,
        tpu.vector_store %arg12[%parallel_loop3A_404, %parallel_loop3A_405], %parallel_loop3A_401 {add = true, strides = array<i32>} : memref<32x768xf32, #tpu.memory_space<vmem>>, vector<16xf32>,
        %parallel_loop3A_407 = arith.index_cast %parallel_loop3A_213 : i32 to index
        %parallel_loop3A_408 = arith.constant 496 : index
        %parallel_loop3A_409 = tpu.vector_load %arg12[%parallel_loop3A_407, %parallel_loop3A_408] {strides = array<i32>} : memref<32x768xf32, #tpu.memory_space<vmem>>, vector<16xf32>,
        tpu.vector_store %arg12[%parallel_loop3A_407, %parallel_loop3A_408], %parallel_loop3A_403 {add = true, strides = array<i32>} : memref<32x768xf32, #tpu.memory_space<vmem>>, vector<16xf32>,
        %parallel_loop3A_410 = arith.addi %parallel_loop3A_217, %add3A_106 : vector<16xi32>
        %parallel_loop3A_411 = tpu.vector_load_idx %arg9[%parallel_loop3A_410] : memref<73728xi32, #tpu.memory_space<vmem>>[vector<16xi32>], vector<16xi32>,
        %parallel_loop3A_412 = arith.shli %parallel_loop3A_411, %broadcast_in_dim3A_136 : vector<16xi32>
        %parallel_loop3A_413 = tpu.bitcast %parallel_loop3A_412 : vector<16xi32> -> vector<16xf32>
        %parallel_loop3A_414 = arith.andi %parallel_loop3A_411, %broadcast_in_dim3A_138 : vector<16xi32>
        %parallel_loop3A_415 = tpu.bitcast %parallel_loop3A_414 : vector<16xi32> -> vector<16xf32>
        %parallel_loop3A_416 = arith.index_cast %parallel_loop3A_213 : i32 to index
        %parallel_loop3A_417 = arith.constant 512 : index
        %parallel_loop3A_418 = tpu.vector_load %arg12[%parallel_loop3A_416, %parallel_loop3A_417] {strides = array<i32>} : memref<32x768xf32, #tpu.memory_space<vmem>>, vector<16xf32>,
        tpu.vector_store %arg12[%parallel_loop3A_416, %parallel_loop3A_417], %parallel_loop3A_413 {add = true, strides = array<i32>} : memref<32x768xf32, #tpu.memory_space<vmem>>, vector<16xf32>,
        %parallel_loop3A_419 = arith.index_cast %parallel_loop3A_213 : i32 to index
        %parallel_loop3A_420 = arith.constant 528 : index
        %parallel_loop3A_421 = tpu.vector_load %arg12[%parallel_loop3A_419, %parallel_loop3A_420] {strides = array<i32>} : memref<32x768xf32, #tpu.memory_space<vmem>>, vector<16xf32>,
        tpu.vector_store %arg12[%parallel_loop3A_419, %parallel_loop3A_420], %parallel_loop3A_415 {add = true, strides = array<i32>} : memref<32x768xf32, #tpu.memory_space<vmem>>, vector<16xf32>,
        %parallel_loop3A_422 = arith.addi %parallel_loop3A_217, %add3A_110 : vector<16xi32>
        %parallel_loop3A_423 = tpu.vector_load_idx %arg9[%parallel_loop3A_422] : memref<73728xi32, #tpu.memory_space<vmem>>[vector<16xi32>], vector<16xi32>,
        %parallel_loop3A_424 = arith.shli %parallel_loop3A_423, %broadcast_in_dim3A_136 : vector<16xi32>
        %parallel_loop3A_425 = tpu.bitcast %parallel_loop3A_424 : vector<16xi32> -> vector<16xf32>
        %parallel_loop3A_426 = arith.andi %parallel_loop3A_423, %broadcast_in_dim3A_138 : vector<16xi32>
        %parallel_loop3A_427 = tpu.bitcast %parallel_loop3A_426 : vector<16xi32> -> vector<16xf32>
        %parallel_loop3A_428 = arith.index_cast %parallel_loop3A_213 : i32 to index
        %parallel_loop3A_429 = arith.constant 544 : index
        %parallel_loop3A_430 = tpu.vector_load %arg12[%parallel_loop3A_428, %parallel_loop3A_429] {strides = array<i32>} : memref<32x768xf32, #tpu.memory_space<vmem>>, vector<16xf32>,
        tpu.vector_store %arg12[%parallel_loop3A_428, %parallel_loop3A_429], %parallel_loop3A_425 {add = true, strides = array<i32>} : memref<32x768xf32, #tpu.memory_space<vmem>>, vector<16xf32>,
        %parallel_loop3A_431 = arith.index_cast %parallel_loop3A_213 : i32 to index
        %parallel_loop3A_432 = arith.constant 560 : index
        %parallel_loop3A_433 = tpu.vector_load %arg12[%parallel_loop3A_431, %parallel_loop3A_432] {strides = array<i32>} : memref<32x768xf32, #tpu.memory_space<vmem>>, vector<16xf32>,
        tpu.vector_store %arg12[%parallel_loop3A_431, %parallel_loop3A_432], %parallel_loop3A_427 {add = true, strides = array<i32>} : memref<32x768xf32, #tpu.memory_space<vmem>>, vector<16xf32>,
        %parallel_loop3A_434 = arith.addi %parallel_loop3A_217, %add3A_114 : vector<16xi32>
        %parallel_loop3A_435 = tpu.vector_load_idx %arg9[%parallel_loop3A_434] : memref<73728xi32, #tpu.memory_space<vmem>>[vector<16xi32>], vector<16xi32>,
        %parallel_loop3A_436 = arith.shli %parallel_loop3A_435, %broadcast_in_dim3A_136 : vector<16xi32>
        %parallel_loop3A_437 = tpu.bitcast %parallel_loop3A_436 : vector<16xi32> -> vector<16xf32>
        %parallel_loop3A_438 = arith.andi %parallel_loop3A_435, %broadcast_in_dim3A_138 : vector<16xi32>
        %parallel_loop3A_439 = tpu.bitcast %parallel_loop3A_438 : vector<16xi32> -> vector<16xf32>
        %parallel_loop3A_440 = arith.index_cast %parallel_loop3A_213 : i32 to index
        %parallel_loop3A_441 = arith.constant 576 : index
        %parallel_loop3A_442 = tpu.vector_load %arg12[%parallel_loop3A_440, %parallel_loop3A_441] {strides = array<i32>} : memref<32x768xf32, #tpu.memory_space<vmem>>, vector<16xf32>,
        tpu.vector_store %arg12[%parallel_loop3A_440, %parallel_loop3A_441], %parallel_loop3A_437 {add = true, strides = array<i32>} : memref<32x768xf32, #tpu.memory_space<vmem>>, vector<16xf32>,
        %parallel_loop3A_443 = arith.index_cast %parallel_loop3A_213 : i32 to index
        %parallel_loop3A_444 = arith.constant 592 : index
        %parallel_loop3A_445 = tpu.vector_load %arg12[%parallel_loop3A_443, %parallel_loop3A_444] {strides = array<i32>} : memref<32x768xf32, #tpu.memory_space<vmem>>, vector<16xf32>,
        tpu.vector_store %arg12[%parallel_loop3A_443, %parallel_loop3A_444], %parallel_loop3A_439 {add = true, strides = array<i32>} : memref<32x768xf32, #tpu.memory_space<vmem>>, vector<16xf32>,
        %parallel_loop3A_446 = arith.addi %parallel_loop3A_217, %add3A_118 : vector<16xi32>
        %parallel_loop3A_447 = tpu.vector_load_idx %arg9[%parallel_loop3A_446] : memref<73728xi32, #tpu.memory_space<vmem>>[vector<16xi32>], vector<16xi32>,
        %parallel_loop3A_448 = arith.shli %parallel_loop3A_447, %broadcast_in_dim3A_136 : vector<16xi32>
        %parallel_loop3A_449 = tpu.bitcast %parallel_loop3A_448 : vector<16xi32> -> vector<16xf32>
        %parallel_loop3A_450 = arith.andi %parallel_loop3A_447, %broadcast_in_dim3A_138 : vector<16xi32>
        %parallel_loop3A_451 = tpu.bitcast %parallel_loop3A_450 : vector<16xi32> -> vector<16xf32>
        %parallel_loop3A_452 = arith.index_cast %parallel_loop3A_213 : i32 to index
        %parallel_loop3A_453 = arith.constant 608 : index
        %parallel_loop3A_454 = tpu.vector_load %arg12[%parallel_loop3A_452, %parallel_loop3A_453] {strides = array<i32>} : memref<32x768xf32, #tpu.memory_space<vmem>>, vector<16xf32>,
        tpu.vector_store %arg12[%parallel_loop3A_452, %parallel_loop3A_453], %parallel_loop3A_449 {add = true, strides = array<i32>} : memref<32x768xf32, #tpu.memory_space<vmem>>, vector<16xf32>,
        %parallel_loop3A_455 = arith.index_cast %parallel_loop3A_213 : i32 to index
        %parallel_loop3A_456 = arith.constant 624 : index
        %parallel_loop3A_457 = tpu.vector_load %arg12[%parallel_loop3A_455, %parallel_loop3A_456] {strides = array<i32>} : memref<32x768xf32, #tpu.memory_space<vmem>>, vector<16xf32>,
        tpu.vector_store %arg12[%parallel_loop3A_455, %parallel_loop3A_456], %parallel_loop3A_451 {add = true, strides = array<i32>} : memref<32x768xf32, #tpu.memory_space<vmem>>, vector<16xf32>,
        %parallel_loop3A_458 = arith.addi %parallel_loop3A_217, %add3A_122 : vector<16xi32>
        %parallel_loop3A_459 = tpu.vector_load_idx %arg9[%parallel_loop3A_458] : memref<73728xi32, #tpu.memory_space<vmem>>[vector<16xi32>], vector<16xi32>,
        %parallel_loop3A_460 = arith.shli %parallel_loop3A_459, %broadcast_in_dim3A_136 : vector<16xi32>
        %parallel_loop3A_461 = tpu.bitcast %parallel_loop3A_460 : vector<16xi32> -> vector<16xf32>
        %parallel_loop3A_462 = arith.andi %parallel_loop3A_459, %broadcast_in_dim3A_138 : vector<16xi32>
        %parallel_loop3A_463 = tpu.bitcast %parallel_loop3A_462 : vector<16xi32> -> vector<16xf32>
        %parallel_loop3A_464 = arith.index_cast %parallel_loop3A_213 : i32 to index
        %parallel_loop3A_465 = arith.constant 640 : index
        %parallel_loop3A_466 = tpu.vector_load %arg12[%parallel_loop3A_464, %parallel_loop3A_465] {strides = array<i32>} : memref<32x768xf32, #tpu.memory_space<vmem>>, vector<16xf32>,
        tpu.vector_store %arg12[%parallel_loop3A_464, %parallel_loop3A_465], %parallel_loop3A_461 {add = true, strides = array<i32>} : memref<32x768xf32, #tpu.memory_space<vmem>>, vector<16xf32>,
        %parallel_loop3A_467 = arith.index_cast %parallel_loop3A_213 : i32 to index
        %parallel_loop3A_468 = arith.constant 656 : index
        %parallel_loop3A_469 = tpu.vector_load %arg12[%parallel_loop3A_467, %parallel_loop3A_468] {strides = array<i32>} : memref<32x768xf32, #tpu.memory_space<vmem>>, vector<16xf32>,
        tpu.vector_store %arg12[%parallel_loop3A_467, %parallel_loop3A_468], %parallel_loop3A_463 {add = true, strides = array<i32>} : memref<32x768xf32, #tpu.memory_space<vmem>>, vector<16xf32>,
        %parallel_loop3A_470 = arith.addi %parallel_loop3A_217, %add3A_126 : vector<16xi32>
        %parallel_loop3A_471 = tpu.vector_load_idx %arg9[%parallel_loop3A_470] : memref<73728xi32, #tpu.memory_space<vmem>>[vector<16xi32>], vector<16xi32>,
        %parallel_loop3A_472 = arith.shli %parallel_loop3A_471, %broadcast_in_dim3A_136 : vector<16xi32>
        %parallel_loop3A_473 = tpu.bitcast %parallel_loop3A_472 : vector<16xi32> -> vector<16xf32>
        %parallel_loop3A_474 = arith.andi %parallel_loop3A_471, %broadcast_in_dim3A_138 : vector<16xi32>
        %parallel_loop3A_475 = tpu.bitcast %parallel_loop3A_474 : vector<16xi32> -> vector<16xf32>
        %parallel_loop3A_476 = arith.index_cast %parallel_loop3A_213 : i32 to index
        %parallel_loop3A_477 = arith.constant 672 : index
        %parallel_loop3A_478 = tpu.vector_load %arg12[%parallel_loop3A_476, %parallel_loop3A_477] {strides = array<i32>} : memref<32x768xf32, #tpu.memory_space<vmem>>, vector<16xf32>,
        tpu.vector_store %arg12[%parallel_loop3A_476, %parallel_loop3A_477], %parallel_loop3A_473 {add = true, strides = array<i32>} : memref<32x768xf32, #tpu.memory_space<vmem>>, vector<16xf32>,
        %parallel_loop3A_479 = arith.index_cast %parallel_loop3A_213 : i32 to index
        %parallel_loop3A_480 = arith.constant 688 : index
        %parallel_loop3A_481 = tpu.vector_load %arg12[%parallel_loop3A_479, %parallel_loop3A_480] {strides = array<i32>} : memref<32x768xf32, #tpu.memory_space<vmem>>, vector<16xf32>,
        tpu.vector_store %arg12[%parallel_loop3A_479, %parallel_loop3A_480], %parallel_loop3A_475 {add = true, strides = array<i32>} : memref<32x768xf32, #tpu.memory_space<vmem>>, vector<16xf32>,
        %parallel_loop3A_482 = arith.addi %parallel_loop3A_217, %add3A_130 : vector<16xi32>
        %parallel_loop3A_483 = tpu.vector_load_idx %arg9[%parallel_loop3A_482] : memref<73728xi32, #tpu.memory_space<vmem>>[vector<16xi32>], vector<16xi32>,
        %parallel_loop3A_484 = arith.shli %parallel_loop3A_483, %broadcast_in_dim3A_136 : vector<16xi32>
        %parallel_loop3A_485 = tpu.bitcast %parallel_loop3A_484 : vector<16xi32> -> vector<16xf32>
        %parallel_loop3A_486 = arith.andi %parallel_loop3A_483, %broadcast_in_dim3A_138 : vector<16xi32>
        %parallel_loop3A_487 = tpu.bitcast %parallel_loop3A_486 : vector<16xi32> -> vector<16xf32>
        %parallel_loop3A_488 = arith.index_cast %parallel_loop3A_213 : i32 to index
        %parallel_loop3A_489 = arith.constant 704 : index
        %parallel_loop3A_490 = tpu.vector_load %arg12[%parallel_loop3A_488, %parallel_loop3A_489] {strides = array<i32>} : memref<32x768xf32, #tpu.memory_space<vmem>>, vector<16xf32>,
        tpu.vector_store %arg12[%parallel_loop3A_488, %parallel_loop3A_489], %parallel_loop3A_485 {add = true, strides = array<i32>} : memref<32x768xf32, #tpu.memory_space<vmem>>, vector<16xf32>,
        %parallel_loop3A_491 = arith.index_cast %parallel_loop3A_213 : i32 to index
        %parallel_loop3A_492 = arith.constant 720 : index
        %parallel_loop3A_493 = tpu.vector_load %arg12[%parallel_loop3A_491, %parallel_loop3A_492] {strides = array<i32>} : memref<32x768xf32, #tpu.memory_space<vmem>>, vector<16xf32>,
        tpu.vector_store %arg12[%parallel_loop3A_491, %parallel_loop3A_492], %parallel_loop3A_487 {add = true, strides = array<i32>} : memref<32x768xf32, #tpu.memory_space<vmem>>, vector<16xf32>,
        %parallel_loop3A_494 = arith.addi %parallel_loop3A_217, %add3A_134 : vector<16xi32>
        %parallel_loop3A_495 = tpu.vector_load_idx %arg9[%parallel_loop3A_494] : memref<73728xi32, #tpu.memory_space<vmem>>[vector<16xi32>], vector<16xi32>,
        %parallel_loop3A_496 = arith.shli %parallel_loop3A_495, %broadcast_in_dim3A_136 : vector<16xi32>
        %parallel_loop3A_497 = tpu.bitcast %parallel_loop3A_496 : vector<16xi32> -> vector<16xf32>
        %parallel_loop3A_498 = arith.andi %parallel_loop3A_495, %broadcast_in_dim3A_138 : vector<16xi32>
        %parallel_loop3A_499 = tpu.bitcast %parallel_loop3A_498 : vector<16xi32> -> vector<16xf32>
        %parallel_loop3A_500 = arith.index_cast %parallel_loop3A_213 : i32 to index
        %parallel_loop3A_501 = arith.constant 736 : index
        %parallel_loop3A_502 = tpu.vector_load %arg12[%parallel_loop3A_500, %parallel_loop3A_501] {strides = array<i32>} : memref<32x768xf32, #tpu.memory_space<vmem>>, vector<16xf32>,
        tpu.vector_store %arg12[%parallel_loop3A_500, %parallel_loop3A_501], %parallel_loop3A_497 {add = true, strides = array<i32>} : memref<32x768xf32, #tpu.memory_space<vmem>>, vector<16xf32>,
        %parallel_loop3A_503 = arith.index_cast %parallel_loop3A_213 : i32 to index
        %parallel_loop3A_504 = arith.constant 752 : index
        %parallel_loop3A_505 = tpu.vector_load %arg12[%parallel_loop3A_503, %parallel_loop3A_504] {strides = array<i32>} : memref<32x768xf32, #tpu.memory_space<vmem>>, vector<16xf32>,
        tpu.vector_store %arg12[%parallel_loop3A_503, %parallel_loop3A_504], %parallel_loop3A_499 {add = true, strides = array<i32>} : memref<32x768xf32, #tpu.memory_space<vmem>>, vector<16xf32>,
      } {sc.loop_unroll_factor = 2 : i64, sc.parallel_access}
      %add3A_208 = arith.addi %mul3A_2, %multiple_of3A_190 : i32
      %dma_start3A_209 = arith.constant 0 : i32
      %dma_start3A_210 = tpu.memref_slice %arg6[%add3A_208, %dma_start3A_209] : memref<65536x768xf32, #tpu.memory_space<hbm>> -> memref<32x768xf32, #tpu.memory_space<hbm>>
      %dma_start3A_211 = arith.constant 0 : i32
      %dma_start3A_212 = tpu.memref_slice %arg6[%add3A_208, %dma_start3A_211] : memref<65536x768xf32, #tpu.memory_space<hbm>> -> memref<32x768xf32, #tpu.memory_space<hbm>>
      tpu.enqueue_dma source(%arg12 : memref<32x768xf32, #tpu.memory_space<vmem>>) target(%dma_start3A_212 : memref<32x768xf32, #tpu.memory_space<hbm>>) target_semaphore(%arg16 : memref<!tpu.dma_semaphore, #tpu.memory_space<semaphore_mem>>)
    }
    %scan3A_143 = arith.constant 32 : i32
    %multiple_of3A_144 = arith.constant 0 : i32
    %multiple_of3A_145 = tpu.assume_multiple %multiple_of3A_144, 8 : i32
    %add3A_146 = arith.addi %mul3A_2, %multiple_of3A_145 : i32
    %dma_wait3A = arith.constant 0 : i32
    %dma_wait3A_147 = tpu.memref_slice %arg6[%add3A_146, %dma_wait3A] : memref<65536x768xf32, #tpu.memory_space<hbm>> -> memref<32x768xf32, #tpu.memory_space<hbm>>
    %dma_wait3A_148 = arith.constant 0 : i32
    %dma_wait3A_149 = tpu.memref_slice %arg6[%add3A_146, %dma_wait3A_148] : memref<65536x768xf32, #tpu.memory_space<hbm>> -> memref<32x768xf32, #tpu.memory_space<hbm>>
    tpu.wait_dma2 semaphore(%arg15 : memref<!tpu.dma_semaphore, #tpu.memory_space<semaphore_mem>>) src(%arg11 : memref<32x768xf32, #tpu.memory_space<vmem>>) dst(%dma_wait3A_149 : memref<32x768xf32, #tpu.memory_space<hbm>>)
    %multiple_of3A_150 = arith.constant 0 : i32
    %multiple_of3A_151 = tpu.assume_multiple %multiple_of3A_150, 8 : i32
    %add3A_152 = arith.addi %mul3A_2, %multiple_of3A_151 : i32
    %dma_wait3A_153 = arith.constant 0 : i32
    %dma_wait3A_154 = tpu.memref_slice %arg6[%add3A_152, %dma_wait3A_153] : memref<65536x768xf32, #tpu.memory_space<hbm>> -> memref<32x768xf32, #tpu.memory_space<hbm>>
    %dma_wait3A_155 = arith.constant 0 : i32
    %dma_wait3A_156 = tpu.memref_slice %arg6[%add3A_152, %dma_wait3A_155] : memref<65536x768xf32, #tpu.memory_space<hbm>> -> memref<32x768xf32, #tpu.memory_space<hbm>>
    tpu.wait_dma2 semaphore(%arg16 : memref<!tpu.dma_semaphore, #tpu.memory_space<semaphore_mem>>) src(%arg12 : memref<32x768xf32, #tpu.memory_space<vmem>>) dst(%dma_wait3A_156 : memref<32x768xf32, #tpu.memory_space<hbm>>)
    return
  }
}

</mosaic_0001>

<sc_bundles>
// kernel: kernel.3.cloned.1.call-start
scs
__scs_entry_jumppad:
0x0: {  	(pc) =	sbr.rel $0x88, $3  }
0x1: {  	(tag) =	ssettag $0x0;
	lr =	simm.s32 $0x1  }
0x2: {  	[smem:$0x3F9D] =	sst lr;
	_ =	strace $0xD0000000  }
0x3: {  	_ = 	snop  }
0x4: {  	_ = 	snop  }
0x5: {  	_ = 	snop  }
0x6: {  	_ = 	snop  }
0x7: {  	_ = 	snop  }
__scs_overlays_trampoline_lowered:
0x8: {  	[smem:$0x3FAC] =	sst s0  }
0x9: {  	[smem:$0x3FAD] =	sst s1  }
0xa: {  	[smem:$0x3FAE] =	sst s2  }
0xb: {  	[smem:$0x3FAF] =	sst s3  }
0xc: {  	[smem:$0x3FB0] =	sst s4  }
0xd: {  	[smem:$0x3FB1] =	sst s5  }
0xe: {  	[smem:$0x3FB2] =	sst s6  }
0xf: {  	[smem:$0x3FB3] =	sst s7  }
0x10: {  	[smem:$0x3FB4] =	sst s8  }
0x11: {  	[smem:$0x3FB5] =	sst s9;
	s0 =	simm.s32 @!p0 $0x0  }
0x12: {  	s1 =	sld [smem:$0x3F9B];
	s0 =	simm.s32 @p0 $0x1  }
0x13: {  	[smem:$0x3FB6] =	sst s0;
	s0 =	simm.s32 @!p1 $0x0  }
0x14: {  	s2 =	sld [smem:$0x3F9A];
	s0 =	simm.s32 @p1 $0x1  }
0x15: {  	[smem:$0x3FB7] =	sst s0;
	s0 =	simm.s32 @!p2 $0x0  }
0x16: {  	s3 =	sld [smem:$0x3FDB];
	s0 =	simm.s32 @p2 $0x1  }
0x17: {  	s4 =	simm.s32 $0x1BF5;
	[smem:$0x3FB9] =	sst s0  }
0x18: {  	s0 =	sld [smem:$0x3F9C];
	_ =	swait.ge [sflag:s4], $0x0  }
0x19: {  	s7 =	sld [smem:$0x3F9D]  }
0x1a: {  	s8 =	sadd.s32 $0xFFFFE003, lr  }
0x1b: {  	s9 =	sadd.s32 $0xFFFFFEF7, lr;
	s5 =	simm.s32 $0xFFFFFFFF;
	p2 =	slt.u32 s8, $0xFFFFF086  }
0x1c: {  	p1 =	slt.u32 s9, $0xF7A;
	s5 =	simm.s32 @!p2 $0x0  }
0x1d: {  	s5 =	simm.s32 @p1 $0x1;
	p0 =	seq.s32 s7, s2  }
0x1e: {  	s7 =	smul.u32 @!p0 $0xF7A, s2;
	p2 =	seq.s32 @!p0 s5, $0x0  }
0x1f: {  	s9 =	smul.u32 $0xF7A, s1;
	s8 =	simm.s32 @!p0 $0x1BF5;
	p2 =	por !p2, p0  }
0x20: {  	[sflag:s8] =	ssyncset.s32 @!p0 $0xFFFFF086;
	s6 =	sadd.s32 @!p0 s3, s7;
	s7 =	simm.s32 @!p0 $0x108  }
0x21: {  	s3 =	sadd.s32 s3, s9;
	s6 =	sadd.s32 @!p0 $0x88, s6;
	s7 =	simm.s32 @p2 $0x1082  }
0x22: {  	[simem:s7], [sflag:s8] =	dma.local @!p0 [hbm:s6], $0xF7A  }
0x23: {  	s9 =	sor.u32 $0xD0000000, s2;
	s6 =	simm.s32 $0x108;
	_ =	swait.ge @!p0 [sflag:s8], $0x0  }
0x24: {  	s3 =	sadd.s32 $0x88, s3;
	s6 =	simm.s32 @!p1 $0x1082;
	[sflag:s4] =	ssyncset.s32 $0xFFFFF086  }
0x25: {  	[simem:s6], [sflag:s4] =	dma.local [hbm:s3], $0xF7A  }
0x26: {  	[smem:$0x3F9D] =	sst s1;
	(tag) =	ssettag s2;
	_ =	strace s9  }
0x27: {  	s1 =	sld [smem:$0x3FAD]  }
0x28: {  	s2 =	sld [smem:$0x3FAE]  }
0x29: {  	s4 =	sld [smem:$0x3FB0]  }
0x2a: {  	p0 =	seq.s32 s5, $0x0;
	s5 =	sld [smem:$0x3FB1]  }
0x2b: {  	s6 =	sld [smem:$0x3FB2]  }
0x2c: {  	s7 =	sld [smem:$0x3FB3]  }
0x2d: {  	s3 =	simm.s32 $0x108;
	s8 =	sld [smem:$0x3FB4]  }
0x2e: {  	s3 =	simm.s32 @!p0 $0x1082;
	s9 =	sld [smem:$0x3FB5]  }
0x2f: {  	lr =	sadd.s32 s0, s3;
	s0 =	sld [smem:$0x3FAC]  }
0x30: {  	s3 =	sld [smem:$0x3FAF]  }
0x31: {  	[smem:$0x3FB8] =	sst s10  }
0x32: {  	s10 =	sld [smem:$0x3FB6];
	_ =	sdelay $0x3  }
0x33: {  	p0 =	seq.s32 s10, $0x1;
	s10 =	sld [smem:$0x3FB8];
	_ =	sdelay $0x3  }
0x34: {  	[smem:$0x3FB8] =	sst s10  }
0x35: {  	s10 =	sld [smem:$0x3FB7];
	_ =	sdelay $0x3  }
0x36: {  	p1 =	seq.s32 s10, $0x1;
	s10 =	sld [smem:$0x3FB8];
	_ =	sdelay $0x3  }
0x37: {  	[smem:$0x3FB8] =	sst s10  }
0x38: {  	s10 =	sld [smem:$0x3FB9]  }
0x39: {  	_ = 	snop;
	(pc) =	sbr.ind lr, $3  }
0x3a: {  	_ = 	snop  }
0x3b: {  	_ = 	snop  }
0x3c: {  	p2 =	seq.s32 s10, $0x1;
	s10 =	sld [smem:$0x3FB8]  }
0x3d: {  	_ =	shalt  }
0x3e: {  	_ =	shalt  }
0x3f: {  	_ =	shalt  }
0x40: {  	_ =	shalt  }
0x41: {  	_ =	shalt  }
0x42: {  	_ =	shalt  }
0x43: {  	_ =	shalt  }
0x44: {  	_ =	shalt  }
0x45: {  	_ =	shalt  }
0x46: {  	_ =	shalt  }
0x47: {  	_ =	shalt  }
0x48: {  	_ =	shalt  }
0x49: {  	_ =	shalt  }
0x4a: {  	_ =	shalt  }
0x4b: {  	_ =	shalt  }
0x4c: {  	_ =	shalt  }
0x4d: {  	_ =	shalt  }
0x4e: {  	_ =	shalt  }
0x4f: {  	_ =	shalt  }
0x50: {  	_ =	shalt  }
0x51: {  	_ =	shalt  }
0x52: {  	_ =	shalt  }
0x53: {  	_ =	shalt  }
0x54: {  	_ =	shalt  }
0x55: {  	_ =	shalt  }
0x56: {  	_ =	shalt  }
0x57: {  	_ =	shalt  }
0x58: {  	_ =	shalt  }
0x59: {  	_ =	shalt  }
0x5a: {  	_ =	shalt  }
0x5b: {  	_ =	shalt  }
0x5c: {  	_ =	shalt  }
0x5d: {  	_ =	shalt  }
0x5e: {  	_ =	shalt  }
0x5f: {  	_ =	shalt  }
0x60: {  	_ =	shalt  }
0x61: {  	_ =	shalt  }
0x62: {  	_ =	shalt  }
0x63: {  	_ =	shalt  }
0x64: {  	_ =	shalt  }
0x65: {  	_ =	shalt  }
0x66: {  	_ =	shalt  }
0x67: {  	_ =	shalt  }
0x68: {  	_ =	shalt  }
0x69: {  	_ =	shalt  }
0x6a: {  	_ =	shalt  }
0x6b: {  	_ =	shalt  }
0x6c: {  	_ =	shalt  }
0x6d: {  	_ =	shalt  }
0x6e: {  	_ =	shalt  }
0x6f: {  	_ =	shalt  }
0x70: {  	_ =	shalt  }
0x71: {  	_ =	shalt  }
0x72: {  	_ =	shalt  }
0x73: {  	_ =	shalt  }
0x74: {  	_ =	shalt  }
0x75: {  	_ =	shalt  }
0x76: {  	_ =	shalt  }
0x77: {  	_ =	shalt  }
0x78: {  	_ =	shalt  }
0x79: {  	_ =	shalt  }
0x7a: {  	_ =	shalt  }
0x7b: {  	_ =	shalt  }
0x7c: {  	_ =	shalt  }
0x7d: {  	_ =	shalt  }
0x7e: {  	_ =	shalt  }
0x7f: {  	_ =	shalt  }
0x80: {  	_ =	shalt  }
0x81: {  	_ =	shalt  }
0x82: {  	_ =	shalt  }
0x83: {  	_ =	shalt  }
0x84: {  	_ =	shalt  }
0x85: {  	_ =	shalt  }
0x86: {  	_ =	shalt  }
0x87: {  	_ =	shalt  }
.Lfunc_end0:
.L_simem_size_0:
called_computation_lowered:
.L_overlay_start_0:
0x88: {  	s2 =	sld [smem:$0x3FD9]  }
0x89: {  	s3 =	sld [smem:$0x3FFE];
	_ =	sdelay $0x1  }
0x8a: {  	s1 =	srdreg.scid  }
0x8b: {  	s0 =	sand.u32 $0x1, s1  }
0x8c: {  	s17 =	sshll.u32 s0, $0xA;
	s2 =	sadd.s32 s3, s2  }
0x8d: {  	s2 =	sadd.s32 s2, s17  }
0x8e: {  	[smem:$0x3FC4] =	sst s2  }
0x8f: {  	_ = 	snop  }
0x90: {  	s2 =	sld [smem:$0x3FC7]  }
0x91: {  	s18 =	sld [smem:$0x3FD0];
	(tm) =	ssettm $0x1  }
0x92: {  	s4 =	sld [smem:$0x3FFB];
	_ =	sdelay $0x3  }
0x93: {  	_ =	strace s4  }
0x94: {  	s4 =	sld [smem:$0x3FFC];
	_ =	sdelay $0x3  }
0x95: {  	_ =	strace s4  }
0x96: {  	s4 =	sld [smem:$0x3FFD];
	_ =	sdelay $0x3  }
0x97: {  	_ =	strace s4  }
0x98: {  	_ =	strace $0x8FFFFFFF  }
0x99: {  	s19 =	sld [smem:$0x3FDB];
	_ =	sdelay $0x1  }
0x9a: {  	s5 =	simm.s32 $_scs_section_size  }
0x9b: {  	s6 =	simm.s32 $_size__tile_overlayer_lowered;
	s7 =	simm.s32 $_tile_overlayer_lowered  }
0x9c: {  	s22 =	simm.s32 $0x1BFF;
	s21 =	sshll.u32 s7, $0x1;
	s4 =	sadd.s32 s5, s19  }
0x9d: {  	s8 =	simm.s32 $0x0;
	s20 =	sshll.u32 s6, $0x1;
	s6 =	sadd.s32 s21, s4  }
0x9e: {  	[timem:s8], [sflag:s22] =	dma.local [hbm:s6], s20  }
0x9f: {  	_ =	swait.ge [sflag:s22], s20  }
0xa0: {  	s5 =	ssub.s32 $0x0, s20;
	[sflag:s22] =	ssyncset.done $0x0  }
0xa1: {  	[sflag:s22] =	ssyncadd.s32 s5;
	_ =	sdelay $0x1  }
0xa2: {  	s23 =	simm.s32 $0x1B8B  }
0xa3: {  	_ =	swait.ge [sflag:s23], $0x1  }
0xa4: {  	[sflag:s23] =	ssyncset.done $0x0  }
0xa5: {  	s25 =	simm.s32 $0x1B8E;
	s24 =	sld [smem:$0x3FFE];
	[sflag:s23] =	ssyncadd.s32 $0xFFFFFFFF  }
0xa6: {  	s26 =	simm.s32 $execute0_lowered;
	[smem:$0x3FD2] =	sst s25  }
0xa7: {  	s6 =	sshll.u32 s26, $0x1;
	_ =	strace $0x80000046;
	[dreg:$0x1] =	wrdreg $0xFFFFFFFF  }
0xa8: {  	s28 =	simm.s32 $_size_execute0_lowered;
	s4 =	sadd.s32 s4, s6;
	[dreg:$0x0] =	wrdreg $0x0  }
0xa9: {  	s6 =	sshll.u32 s28, $0x1;
	[dreg:$0x2] =	wrdreg s4  }
0xaa: {  	[dreg:$0x3] =	wrdreg s6  }
0xab: {  	[dreg:$0x4] =	wrdreg $0xC0  }
0xac: {  	_ =	task [dreg:s8], $0x5FFFF  }
0xad: {  	[dreg:$0x1] =	wrdreg $0xFFFFFFFF  }
0xae: {  	[dreg:$0x0] =	wrdreg $0x60  }
0xaf: {  	[dreg:$0x2] =	wrdreg s2  }
0xb0: {  	[dreg:$0x3] =	wrdreg s24  }
0xb1: {  	[dreg:$0x4] =	wrdreg s18  }
0xb2: {  	[dreg:$0x5] =	wrdreg $0x9  }
0xb3: {  	_ =	task.clear_ibuf [dreg:s8], $0x6FFFF;
	_ =	strace $0x90000046  }
0xb4: {  	s29 =	simm.s32 $0x9;
	_ =	strace $0x80000048  }
0xb5: {  	_ =	swait.ge [sflag:s29], $0x1  }
0xb6: {  	[sflag:s29] =	ssyncadd.s32 $0xFFFFFFFF  }
0xb7: {  	_ =	strace $0x90000048  }
0xb8: {  	_ =	sfence  }
0xb9: {  	s30 =	sld [smem:$0x0];
	_ =	sdelay $0x2  }
0xba: {  	s31 =	sshll.u32 s1, $0xD;
	s1 =	sshrl.u32 s1, $0x2  }
0xbb: {  	s3 =	sand.u32 $0x4000, s31;
	s1 =	sadd.s32 s1, s30  }
0xbc: {  	s0 =	sor.u32 s3, s0;
	s1 =	sshll.u32 s1, $0x11  }
0xbd: {  	s0 =	sor.u32 s1, s0  }
0xbe: {  	s0 =	sadd.s32 $0x8F2B, s0  }
0xbf: {  	[sflag:s0] =	ssyncadd.remote.s32 $0x1  }
0xc0: {  	_ =	sfence.sel $0xFFFF  }
0xc1: {  	[dreg:$0x0] =	wrdreg $0xFFFFFFFF;
	(pc) =	sbr.abs _section_cstart, $3  }
0xc2: {  	[dreg:$0x1] =	wrdreg $0xFFFFFFFF  }
0xc3: {  	_ =	task.clear_ibuf [dreg:s8], $0x2FFFF;
	_ =	strace $0x9FFFFFFF  }
0xc4: {  	(tm) =	ssettm $0x7FFFFFFF  }
0xc5: {  	_ =	shalt  }
tec
execute0_lowered:
.L_overlay_start_1:
0x0: {  	(tag) =	ssettag $0x1  }
0x1: {  	v24 =	vlaneseq.u32  }
0x2: {  	vm0 =	vmmov $0xffff;
	v13 =	vimm.s32 $0x0;
	v14 =	vimm.s32 $0x1  }
0x3: {  	v15 =	vimm.s32 $0x2;
	v16 =	vimm.s32 $0x3;
	v17 =	vimm.s32 $0x4  }
0x4: {  	v18 =	vimm.s32 $0x5;
	v19 =	vimm.s32 $0x6;
	v20 =	vimm.s32 $0x7  }
0x5: {  	v21 =	vimm.s32 $0x8;
	v22 =	vimm.s32 $0x9;
	v23 =	vimm.s32 $0xA  }
0x6: {  	s4 =	rddreg [dreg:$0x0];
	s0 =	srdreg.scid;
	v47 =	vimm.s32 $0xB;
	v48 =	vimm.s32 $0xC;
	v49 =	vimm.s32 $0xD  }
0x7: {  	s1 =	rddreg [dreg:$0x1];
	s2 =	stileid.u32;
	v50 =	vimm.s32 $0xE;
	v51 =	vimm.s32 $0xF;
	s0 =	sand.u32 $0x1, s0;
	v1 =	vand.u32 $0x7, v24  }
0x8: {  	s5 =	simm.s32 $0x0;
	v0 =	vmul.u32 $0x480, v24;
	s2 =	sshll.u32 s2, $0xC;
	v62 =	vor.u32 $0x10, v24;
	s3 =	sshll.u32 s0, $0xB;
	[tilespmem:$0x1FF80] =	vst v1;
	v1 =	vshrl.u32 v24, $0x3  }
0x9: {  	[smem:$0x7FF] =	sst s5;
	v26 =	vor.u32 $0x30, v24;
	v27 =	vor.u32 $0x40, v24;
	s2 =	sor.u32 s3, s2;
	v1 =	vmul.u32 $0x8, v1  }
0xa: {  	s31 =	sadd.s32 $0x200, s4;
	v28 =	vor.u32 $0x50, v24;
	v29 =	vor.u32 $0x60, v24;
	v30 =	vor.u32 $0x70, v24;
	s0 =	ssub.s32 $0x2, s0;
	[dreg:$0x4] =	wrdreg s2  }
0xb: {  	s30 =	sadd.s32 $0x100, s4;
	v31 =	vor.u32 $0x80, v24;
	v32 =	vor.u32 $0x90, v24;
	v33 =	vor.u32 $0xA0, v24;
	s26 =	sshrl.u32 s0, $0x1;
	_ =	strace $0x80000047;
	[tilespmem:$0x1FF90] =	vst v1  }
0xc: {  	v34 =	vor.u32 $0xB0, v24;
	v35 =	vor.u32 $0xC0, v24;
	v10 =	vadd.s32 $0x4800, v0;
	s2 =	sshrl.u32 s2, $0x3;
	s0 =	ssub.s32 s0, s26;
	[dreg:$0x8] =	wrdreg s30;
	[tilespmem:$0x1FFC0] =	vst v0  }
0xd: {  	v36 =	vor.u32 $0xD0, v24;
	v37 =	vor.u32 $0xE0, v24;
	v11 =	vadd.s32 $0x9000, v0;
	s2 =	sadd.s32 s2, s1;
	s1 =	sadd.s32 $0x4400, s1;
	[dreg:$0x9] =	wrdreg s31;
	[tilespmem:$0x1FFD0] =	vst v10  }
0xe: {  	v38 =	vor.u32 $0xF0, v24;
	v39 =	vor.u32 $0x100, v24;
	v12 =	vadd.s32 $0xD800, v0;
	s0 =	smax.u32 s0, $0x1;
	[tilespmem:$0x1FFE0] =	vst v11;
	[dreg:$0x5] =	wrdreg s1  }
0xf: {  	v40 =	vor.u32 $0x110, v24;
	v41 =	vor.u32 $0x120, v24;
	v1 =	vor.u32 $0x8, v24;
	[tilespmem:$0x1FFF0] =	vst v12;
	s28 =	sadd.s32 $0x400, s2;
	[dreg:$0xa] =	wrdreg s0  }
0x10: {  	s12 =	simm.s32 $0x1000;
	v42 =	vor.u32 $0x130, v24;
	v43 =	vor.u32 $0x140, v24;
	[tilespmem:$0x1FFA0] =	vst v1;
	s29 =	sadd.s32 $0x2400, s2;
	v1 =	vor.u32 $0x20, v24;
	[dreg:$0x6] =	wrdreg s28  }
0x11: {  	s4 =	simm.s32 $0x19200;
	v44 =	vor.u32 $0x150, v24;
	v45 =	vor.u32 $0x160, v24;
	v46 =	vor.u32 $0x170, v24;
	s2 =	simm.s32 $0x0;
	[dreg:$0x7] =	wrdreg s29;
	[tilespmem:$0x1FFB0] =	vst v1  }
.LBB2_1:
0x12: {  	[dreg:$0xb] =	wrdreg s2  }
0x13: {  	s0 =	rddreg [dreg:$0x5];
	s1 =	simm.s32 $0x5  }
0x14: {  	[tilespmem:s12], [sflag:$0x5] =	stream.linear.gather [hbm4b:s0+s5], $0x12000, $0x38;
	[tilespmem:$0x1F200] =	vst v63  }
0x15: {  	_ =	swait.ge [sflag:s1], $0x12000  }
0x16: {  	[sflag:s1] =	ssyncset.done $0x0  }
0x17: {  	s29 =	rddreg [dreg:$0x6];
	[sflag:s1] =	ssyncadd.s32 $0xFFFEE000  }
0x18: {  	[tilespmem:s5], [sflag:$0x5] =	stream.linear.gather [hbm4b:s29+s5], $0x800, $0x38;
	[tilespmem:$0x1F200] =	vst v63  }
0x19: {  	_ =	swait.ge [sflag:s1], $0x800  }
0x1a: {  	[sflag:s1] =	ssyncset.done $0x0  }
0x1b: {  	s31 =	simm.s32 $0x800;
	s30 =	rddreg [dreg:$0x7];
	[sflag:s1] =	ssyncadd.s32 $0xFFFFF800  }
0x1c: {  	[tilespmem:s31], [sflag:$0x5] =	stream.linear.gather [hbm4b:s30+s5], $0x800, $0x38;
	[tilespmem:$0x1F200] =	vst v63  }
0x1d: {  	_ =	swait.ge [sflag:s1], $0x800  }
0x1e: {  	[sflag:s1] =	ssyncset.done $0x0  }
0x1f: {  	s0 =	simm.s32 $0x820;
	[sflag:s1] =	ssyncadd.s32 $0xFFFFF800  }
0x20: {  	v3 =	vld [tilespmem:s0+$0xFFFFFFE0]  }
0x21: {  	v1 =	vld [tilespmem:s0+$0x10]  }
0x22: {  	v2 =	vld [tilespmem:s0+$0x0]  }
0x23: {  	v4 =	vld [tilespmem:s0+$0xFFFFFFF0];
	_ =	sdelay $0x2  }
0x24: {  	s1 =	simm.s32 $0x860;
	v5 =	vmul.u32 $0x180, v1  }
0x25: {  	v1 =	vld [tilespmem:s1+$0xFFFFFFE0];
	v6 =	vmul.u32 $0x180, v2  }
0x26: {  	v2 =	vld [tilespmem:s1+$0x10];
	v7 =	vmul.u32 $0x180, v3;
	v8 =	vmul.u32 $0x180, v4;
	v4 =	vadd.s32 v12, v5  }
0x27: {  	v3 =	vld [tilespmem:s1+$0x0];
	v9 =	vadd.s32 v11, v6;
	[tilespmem:s0+$0x10] =	vst v4  }
0x28: {  	s3 =	simm.s32 $0x4;
	s2 =	simm.s32 $0x860;
	v5 =	vadd.s32 v0, v7;
	v6 =	vadd.s32 v10, v8;
	v4 =	vld [tilespmem:s1+$0xFFFFFFF0];
	[tilespmem:s0+$0x0] =	vst v9  }
.LBB2_2:
0x29: {  	s3 =	sadd.s32 $0x4, s3  }
0x2a: {  	s1 =	sadd.s32 $0x40, s1;
	[tilespmem:s0+$0xFFFFFFF0] =	vst v6;
	v6 =	vmov v1;
	p0 =	slt.u32 s3, $0x7C  }
.Ltmp0:
0x2b: {  	v1 =	vld [tilespmem:s1+$0xFFFFFFE0];
	v7 =	vmul.u32 $0x180, v2;
	[tilespmem:s0+$0xFFFFFFE0] =	vst v5;
	s0 =	smov.u32 s2;
	(pc) =	sbr.rel @p0 .LBB2_2-.Ltmp0, $4  }
0x2c: {  	s2 =	smov.u32 s1;
	v2 =	vld [tilespmem:s1+$0x10];
	v5 =	vmul.u32 $0x180, v3  }
0x2d: {  	v6 =	vmul.u32 $0x180, v6;
	v3 =	vld [tilespmem:s1+$0x0];
	v8 =	vmul.u32 $0x180, v4;
	v7 =	vadd.s32 v12, v7  }
0x2e: {  	v4 =	vld [tilespmem:s1+$0xFFFFFFF0];
	v9 =	vadd.s32 v11, v5;
	[tilespmem:s0+$0x10] =	vst v7  }
0x2f: {  	v5 =	vadd.s32 v0, v6;
	v6 =	vadd.s32 v10, v8;
	[tilespmem:s0+$0x0] =	vst v9  }
0x30: {  	v1 =	vmul.u32 $0x180, v1  }
0x31: {  	[tilespmem:s0+$0xFFFFFFF0] =	vst v6;
	v2 =	vmul.u32 $0x180, v2  }
0x32: {  	[tilespmem:s0+$0xFFFFFFE0] =	vst v5;
	v3 =	vmul.u32 $0x180, v3;
	v1 =	vadd.s32 v0, v1  }
0x33: {  	v4 =	vmul.u32 $0x180, v4;
	v2 =	vadd.s32 v12, v2;
	[tilespmem:s2+$0xFFFFFFE0] =	vst v1  }
0x34: {  	v3 =	vadd.s32 v11, v3;
	[tilespmem:s2+$0x10] =	vst v2  }
0x35: {  	v58 =	vadd.s32 v10, v4;
	[tilespmem:s2+$0x0] =	vst v3  }
0x36: {  	[tilespmem:s2+$0xFFFFFFF0] =	vst v58  }
0x37: {  	v1 =	vld [tilespmem:$0x0];
	_ =	sdelay $0x3  }
0x38: {  	v60 =	vld [tilespmem:$0x1FF80]  }
0x39: {  	v59 =	vshrl.u32 v1, $0x3  }
0x3a: {  	v3 =	vld [tilespmem:$0x1FF90];
	v2 =	vmul.u32 $0x30, v59  }
0x3b: {  	v1 =	vand.u32 $0x7, v1  }
0x3c: {  	v1 =	vor.u32 v1, v2  }
0x3d: {  	v2 =	vperm.xlane v1, v60  }
0x3e: {  	v61 =	vld [tilespmem:$0x1FFA0]  }
0x3f: {  	v2 =	vadd.s32 v3, v2;
	_ =	sdelay $0x3  }
0x40: {  	s7 =	simm.s32 $0x0;
	s18 =	rddreg [dreg:$0x0];
	s1 =	simm.s32 $0x13200;
	v1 =	vperm.xlane v1, v61  }
0x41: {  	[tilespmem:s1], [sflag:$0x1] =	stream.indirect_vreg.gather [hbm4b:s18+s7], $0x80, v2, vm0, $0xb8;
	[tilespmem:$0x1F200] =	vst v63  }
0x42: {  	s20 =	simm.s32 $0x13A00;
	s19 =	rddreg [dreg:$0x8];
	v1 =	vadd.s32 v3, v1  }
0x43: {  	[tilespmem:s20], [sflag:$0x1] =	stream.indirect_vreg.gather [hbm4b:s19+s7], $0x80, v2, vm0, $0xb8;
	[tilespmem:$0x1F200] =	vst v63  }
0x44: {  	s3 =	simm.s32 $0x14200;
	s21 =	rddreg [dreg:$0x9]  }
0x45: {  	[tilespmem:s3], [sflag:$0x1] =	stream.indirect_vreg.gather [hbm4b:s21+s7], $0x80, v2, vm0, $0xb8;
	[tilespmem:$0x1F200] =	vst v63  }
0x46: {  	s22 =	simm.s32 $0x14A00  }
0x47: {  	[tilespmem:s22], [sflag:$0x1] =	stream.indirect_vreg.gather [hbm4b:s18+s7], $0x80, v1, vm0, $0xb8;
	[tilespmem:$0x1F200] =	vst v63  }
0x48: {  	s23 =	simm.s32 $0x15200  }
0x49: {  	[tilespmem:s23], [sflag:$0x1] =	stream.indirect_vreg.gather [hbm4b:s19+s7], $0x80, v1, vm0, $0xb8;
	[tilespmem:$0x1F200] =	vst v63  }
0x4a: {  	s24 =	simm.s32 $0x15A00  }
0x4b: {  	[tilespmem:s24], [sflag:$0x1] =	stream.indirect_vreg.gather [hbm4b:s21+s7], $0x80, v1, vm0, $0xb8;
	[tilespmem:$0x1F200] =	vst v63  }
0x4c: {  	v1 =	vld [tilespmem:$0x10];
	_ =	sdelay $0x4  }
0x4d: {  	v63 =	vshrl.u32 v1, $0x3  }
0x4e: {  	v2 =	vmul.u32 $0x30, v63  }
0x4f: {  	v1 =	vand.u32 $0x7, v1  }
0x50: {  	v1 =	vor.u32 v1, v2  }
0x51: {  	v2 =	vperm.xlane v1, v60;
	_ =	sdelay $0x1  }
0x52: {  	v2 =	vadd.s32 v3, v2;
	_ =	sdelay $0x3  }
0x53: {  	s25 =	simm.s32 $0x16200;
	v1 =	vperm.xlane v1, v61  }
0x54: {  	[tilespmem:s25], [sflag:$0x1] =	stream.indirect_vreg.gather [hbm4b:s18+s7], $0x80, v2, vm0, $0xb8;
	[tilespmem:$0x1F200] =	vst v63  }
0x55: {  	s26 =	simm.s32 $0x16A00;
	v1 =	vadd.s32 v3, v1  }
0x56: {  	[tilespmem:s26], [sflag:$0x1] =	stream.indirect_vreg.gather [hbm4b:s19+s7], $0x80, v2, vm0, $0xb8;
	[tilespmem:$0x1F200] =	vst v63  }
0x57: {  	s28 =	simm.s32 $0x17200  }
0x58: {  	[tilespmem:s28], [sflag:$0x1] =	stream.indirect_vreg.gather [hbm4b:s21+s7], $0x80, v2, vm0, $0xb8;
	[tilespmem:$0x1F200] =	vst v63  }
0x59: {  	s29 =	simm.s32 $0x17A00  }
0x5a: {  	[tilespmem:s29], [sflag:$0x1] =	stream.indirect_vreg.gather [hbm4b:s18+s7], $0x80, v1, vm0, $0xb8;
	[tilespmem:$0x1F200] =	vst v63  }
0x5b: {  	s30 =	simm.s32 $0x18200  }
0x5c: {  	[tilespmem:s30], [sflag:$0x1] =	stream.indirect_vreg.gather [hbm4b:s19+s7], $0x80, v1, vm0, $0xb8;
	[tilespmem:$0x1F200] =	vst v63  }
0x5d: {  	s31 =	simm.s32 $0x18A00  }
0x5e: {  	[tilespmem:s31], [sflag:$0x1] =	stream.indirect_vreg.gather [hbm4b:s21+s7], $0x80, v1, vm0, $0xb8;
	[tilespmem:$0x1F200] =	vst v63  }
.LBB2_4:
0x5f: {  	s6 =	sshll.u32 s7, $0x6  }
0x60: {  	s0 =	sadd.s32 $0x800, s6  }
0x61: {  	v1 =	vmov s0;
	_ =	sdelay $0x1  }
0x62: {  	p0 =	por $0x1, $0x1;
	s0 =	simm.s32 $0x0  }
.LBB2_5:
0x63: {  	s1 =	sshll.u32 s0, $0x4  }
0x64: {  	s1 =	sand.u32 $0x3FFFFFF0, s1  }
0x65: {  	v2 =	vld.idx.msk [tilespmem:v1+s1+$0x0 ss:$0x1], $0xffff;
	_ =	sdelay $0x4  }
0x66: {  	s31 =	sshll.u32 s0, $0x8;
	v3 =	vperm.xlane v2, v13  }
0x67: {  	s0 =	sand.u32 $0x3FFFFF00, s31;
	v4 =	vperm.xlane v2, v14  }
0x68: {  	[tilespmem:s0+$0x13000] =	vst v3;
	v3 =	vperm.xlane v2, v15  }
0x69: {  	v57 =	vperm.xlane v2, v16;
	[tilespmem:s0+$0x13010] =	vst v4  }
0x6a: {  	[tilespmem:s0+$0x13020] =	vst v3;
	v3 =	vperm.xlane v2, v17  }
0x6b: {  	v58 =	vperm.xlane v2, v18;
	[tilespmem:s0+$0x13030] =	vst v57  }
0x6c: {  	[tilespmem:s0+$0x13040] =	vst v3;
	v3 =	vperm.xlane v2, v19  }
0x6d: {  	v59 =	vperm.xlane v2, v20;
	[tilespmem:s0+$0x13050] =	vst v58  }
0x6e: {  	[tilespmem:s0+$0x13060] =	vst v3;
	v3 =	vperm.xlane v2, v21  }
0x6f: {  	v60 =	vperm.xlane v2, v22;
	[tilespmem:s0+$0x13070] =	vst v59  }
0x70: {  	[tilespmem:s0+$0x13080] =	vst v3;
	v3 =	vperm.xlane v2, v23  }
0x71: {  	v61 =	vperm.xlane v2, v47;
	[tilespmem:s0+$0x13090] =	vst v60  }
0x72: {  	p1 =	por p0, p0;
	[tilespmem:s0+$0x130A0] =	vst v3;
	v3 =	vperm.xlane v2, v48  }
.Ltmp1:
0x73: {  	v63 =	vperm.xlane v2, v49;
	[tilespmem:s0+$0x130B0] =	vst v61;
	(pc) =	sbr.rel @p1 .LBB2_5-.Ltmp1, $4  }
0x74: {  	[tilespmem:s0+$0x130C0] =	vst v3;
	v3 =	vperm.xlane v2, v50  }
0x75: {  	[tilespmem:s0+$0x130D0] =	vst v63;
	v2 =	vperm.xlane v2, v51  }
0x76: {  	[tilespmem:s0+$0x130E0] =	vst v3  }
0x77: {  	p0 =	por $0x0, $0x0;
	[tilespmem:s0+$0x130F0] =	vst v2;
	s0 =	simm.s32 $0x1  }
0x78: {  	p0 =	seq.s32 s7, $0x0  }
0x79: {  	[dreg:$0xc] =	wrdreg s7;
	s0 =	simm.s32 @!p0 $0x4  }
0x7a: {  	_ =	swait.ge @!p0 [sflag:s0], $0x6000  }
0x7b: {  	[sflag:s0] =	ssyncset.done @!p0 $0x0  }
0x7c: {  	[sflag:s0] =	ssyncadd.s32 @!p0 $0xFFFFA000  }
0x7d: {  	v1 =	vld [tilespmem:s6+$0x20];
	_ =	sdelay $0x3  }
0x7e: {  	v0 =	vld [tilespmem:$0x1FF80]  }
0x7f: {  	v2 =	vshrl.u32 v1, $0x3  }
0x80: {  	v3 =	vld [tilespmem:$0x1FF90];
	v2 =	vmul.u32 $0x30, v2  }
0x81: {  	v1 =	vand.u32 $0x7, v1  }
0x82: {  	v1 =	vor.u32 v1, v2  }
0x83: {  	v2 =	vperm.xlane v1, v0  }
0x84: {  	v4 =	vld [tilespmem:$0x1FFA0]  }
0x85: {  	v2 =	vadd.s32 v3, v2;
	_ =	sdelay $0x3  }
0x86: {  	s0 =	rddreg [dreg:$0x0];
	v1 =	vperm.xlane v1, v4  }
0x87: {  	[tilespmem:s4], [sflag:$0x2] =	stream.indirect_vreg.gather [hbm4b:s0+s5], $0x80, v2, vm0, $0xb8;
	[tilespmem:$0x1F200] =	vst v63  }
0x88: {  	s2 =	simm.s32 $0x19A00;
	s1 =	rddreg [dreg:$0x8];
	v1 =	vadd.s32 v3, v1  }
0x89: {  	[tilespmem:s2], [sflag:$0x2] =	stream.indirect_vreg.gather [hbm4b:s1+s5], $0x80, v2, vm0, $0xb8;
	[tilespmem:$0x1F200] =	vst v63  }
0x8a: {  	s3 =	simm.s32 $0x1A200;
	s20 =	rddreg [dreg:$0x9]  }
0x8b: {  	[tilespmem:s3], [sflag:$0x2] =	stream.indirect_vreg.gather [hbm4b:s20+s5], $0x80, v2, vm0, $0xb8;
	[tilespmem:$0x1F200] =	vst v63  }
0x8c: {  	s21 =	simm.s32 $0x1AA00  }
0x8d: {  	[tilespmem:s21], [sflag:$0x2] =	stream.indirect_vreg.gather [hbm4b:s0+s5], $0x80, v1, vm0, $0xb8;
	[tilespmem:$0x1F200] =	vst v63  }
0x8e: {  	s22 =	simm.s32 $0x1B200  }
0x8f: {  	[tilespmem:s22], [sflag:$0x2] =	stream.indirect_vreg.gather [hbm4b:s1+s5], $0x80, v1, vm0, $0xb8;
	[tilespmem:$0x1F200] =	vst v63  }
0x90: {  	s23 =	simm.s32 $0x1BA00  }
0x91: {  	[tilespmem:s23], [sflag:$0x2] =	stream.indirect_vreg.gather [hbm4b:s20+s5], $0x80, v1, vm0, $0xb8;
	[tilespmem:$0x1F200] =	vst v63  }
0x92: {  	v1 =	vld [tilespmem:s6+$0x30];
	_ =	sdelay $0x4  }
0x93: {  	v2 =	vshrl.u32 v1, $0x3  }
0x94: {  	v2 =	vmul.u32 $0x30, v2  }
0x95: {  	v1 =	vand.u32 $0x7, v1  }
0x96: {  	v1 =	vor.u32 v1, v2  }
0x97: {  	v2 =	vperm.xlane v1, v0;
	_ =	sdelay $0x1  }
0x98: {  	v2 =	vadd.s32 v3, v2;
	_ =	sdelay $0x3  }
0x99: {  	s24 =	simm.s32 $0x1C200;
	v1 =	vperm.xlane v1, v4  }
0x9a: {  	[tilespmem:s24], [sflag:$0x2] =	stream.indirect_vreg.gather [hbm4b:s0+s5], $0x80, v2, vm0, $0xb8;
	[tilespmem:$0x1F200] =	vst v63  }
0x9b: {  	s25 =	simm.s32 $0x1CA00;
	v1 =	vadd.s32 v3, v1  }
0x9c: {  	[tilespmem:s25], [sflag:$0x2] =	stream.indirect_vreg.gather [hbm4b:s1+s5], $0x80, v2, vm0, $0xb8;
	[tilespmem:$0x1F200] =	vst v63  }
0x9d: {  	s26 =	simm.s32 $0x1D200  }
0x9e: {  	[tilespmem:s26], [sflag:$0x2] =	stream.indirect_vreg.gather [hbm4b:s20+s5], $0x80, v2, vm0, $0xb8;
	[tilespmem:$0x1F200] =	vst v63  }
0x9f: {  	s28 =	simm.s32 $0x1DA00  }
0xa0: {  	[tilespmem:s28], [sflag:$0x2] =	stream.indirect_vreg.gather [hbm4b:s0+s5], $0x80, v1, vm0, $0xb8;
	[tilespmem:$0x1F200] =	vst v63  }
0xa1: {  	s31 =	simm.s32 $0x1E200  }
0xa2: {  	[tilespmem:s31], [sflag:$0x2] =	stream.indirect_vreg.gather [hbm4b:s1+s5], $0x80, v1, vm0, $0xb8;
	[tilespmem:$0x1F200] =	vst v63  }
0xa3: {  	s2 =	simm.s32 $0x1;
	s1 =	simm.s32 $0x1EA00  }
0xa4: {  	[tilespmem:s1], [sflag:$0x2] =	stream.indirect_vreg.gather [hbm4b:s20+s5], $0x80, v1, vm0, $0xb8;
	[tilespmem:$0x1F200] =	vst v63  }
0xa5: {  	_ =	swait.ge [sflag:s2], $0x6000  }
0xa6: {  	[sflag:s2] =	ssyncset.done $0x0  }
0xa7: {  	s3 =	simm.s32 $0x13010;
	[sflag:s2] =	ssyncadd.s32 $0xFFFFA000  }
0xa8: {  	v49 =	vld [tilespmem:s3+$0x0];
	_ =	sdelay $0x2  }
0xa9: {  	v48 =	vld [tilespmem:s3+$0xFFFFFFF0];
	_ =	sdelay $0x1  }
0xaa: {  	v1 =	vadd.s32 v24, v49;
	_ =	sdelay $0x2  }
0xab: {  	v2 =	vadd.s32 v24, v48;
	_ =	sdelay $0x1  }
0xac: {  	s4 =	simm.s32 $0x0;
	v1 =	vld.idx.msk [tilespmem:v1+s12+$0x0], $0xffff  }
0xad: {  	s0 =	smul.u32 $0x6000, s4;
	_ =	sdelay $0x1  }
0xae: {  	s24 =	sshra.s32 s0, $0x2;
	s5 =	simm.s32 $0x80;
	v3 =	vadd.s32 v62, v49;
	v2 =	vld.idx.msk [tilespmem:v2+s12+$0x0], $0xffff  }
0xaf: {  	s7 =	sadd.s32 $0x13200, s24;
	s25 =	sand.u32 $0x380, s5  }
0xb0: {  	s8 =	sadd.s32 s25, s7;
	v4 =	vshll.u32 v1, $0x10  }
0xb1: {  	s9 =	simm.s32 $0x0;
	s10 =	sor.u32 $0x10, s8;
	v1 =	vand.u32 $0xFFFF0000, v1;
	[tilespmem:s8+$0x0] =	vst.add.f32.msk $0xffff, v4  }
0xb2: {  	s13 =	sand.u32 $0x300, s9;
	[tilespmem:s10+$0x0] =	vst.add.f32.msk $0xffff, v1  }
0xb3: {  	s1 =	sadd.s32 s13, s7;
	v1 =	vld.idx.msk [tilespmem:v3+s12+$0x0], $0xffff;
	v3 =	vshll.u32 v2, $0x10  }
0xb4: {  	s2 =	sor.u32 $0x10, s1;
	v2 =	vand.u32 $0xFFFF0000, v2;
	[tilespmem:s1+$0x0] =	vst.add.f32.msk $0xffff, v3  }
0xb5: {  	[tilespmem:s2+$0x0] =	vst.add.f32.msk $0xffff, v2  }
0xb6: {  	v22 =	vld [tilespmem:$0x1FFB0]  }
0xb7: {  	v5 =	vadd.s32 v62, v48;
	_ =	sdelay $0x3  }
0xb8: {  	v2 =	vadd.s32 v22, v49  }
0xb9: {  	v3 =	vld.idx.msk [tilespmem:v5+s12+$0x0], $0xffff  }
0xba: {  	s11 =	sor.u32 $0x20, s8;
	v4 =	vshll.u32 v1, $0x10  }
0xbb: {  	s14 =	sor.u32 $0x30, s8;
	v1 =	vand.u32 $0xFFFF0000, v1;
	[tilespmem:s11+$0x0] =	vst.add.f32.msk $0xffff, v4  }
0xbc: {  	[tilespmem:s14+$0x0] =	vst.add.f32.msk $0xffff, v1;
	v5 =	vadd.s32 v22, v48  }
0xbd: {  	v1 =	vld.idx.msk [tilespmem:v2+s12+$0x0], $0xffff  }
0xbe: {  	s15 =	sor.u32 $0x20, s1;
	v2 =	vshll.u32 v3, $0x10  }
0xbf: {  	s16 =	sor.u32 $0x30, s1;
	v3 =	vand.u32 $0xFFFF0000, v3;
	[tilespmem:s15+$0x0] =	vst.add.f32.msk $0xffff, v2  }
0xc0: {  	v2 =	vadd.s32 v26, v49;
	[tilespmem:s16+$0x0] =	vst.add.f32.msk $0xffff, v3  }
0xc1: {  	v3 =	vld.idx.msk [tilespmem:v5+s12+$0x0], $0xffff  }
0xc2: {  	s17 =	sor.u32 $0x40, s8;
	v4 =	vshll.u32 v1, $0x10  }
0xc3: {  	s18 =	sor.u32 $0x50, s8;
	v1 =	vand.u32 $0xFFFF0000, v1;
	[tilespmem:s17+$0x0] =	vst.add.f32.msk $0xffff, v4  }
0xc4: {  	v5 =	vadd.s32 v26, v48;
	[tilespmem:s18+$0x0] =	vst.add.f32.msk $0xffff, v1  }
0xc5: {  	v1 =	vld.idx.msk [tilespmem:v2+s12+$0x0], $0xffff  }
0xc6: {  	s19 =	sor.u32 $0x40, s1;
	v2 =	vshll.u32 v3, $0x10  }
0xc7: {  	s20 =	sor.u32 $0x50, s1;
	v3 =	vand.u32 $0xFFFF0000, v3;
	[tilespmem:s19+$0x0] =	vst.add.f32.msk $0xffff, v2  }
0xc8: {  	v2 =	vadd.s32 v27, v49;
	[tilespmem:s20+$0x0] =	vst.add.f32.msk $0xffff, v3  }
0xc9: {  	v3 =	vld.idx.msk [tilespmem:v5+s12+$0x0], $0xffff  }
0xca: {  	s21 =	sor.u32 $0x60, s8;
	v4 =	vshll.u32 v1, $0x10  }
0xcb: {  	s22 =	sor.u32 $0x70, s8;
	v1 =	vand.u32 $0xFFFF0000, v1;
	[tilespmem:s21+$0x0] =	vst.add.f32.msk $0xffff, v4  }
0xcc: {  	v5 =	vadd.s32 v27, v48;
	[tilespmem:s22+$0x0] =	vst.add.f32.msk $0xffff, v1  }
0xcd: {  	v1 =	vld.idx.msk [tilespmem:v2+s12+$0x0], $0xffff  }
0xce: {  	s23 =	sor.u32 $0x60, s1;
	v2 =	vshll.u32 v3, $0x10  }
0xcf: {  	s26 =	sor.u32 $0x70, s1;
	v3 =	vand.u32 $0xFFFF0000, v3;
	[tilespmem:s23+$0x0] =	vst.add.f32.msk $0xffff, v2  }
0xd0: {  	v2 =	vadd.s32 v28, v49;
	[tilespmem:s26+$0x0] =	vst.add.f32.msk $0xffff, v3  }
0xd1: {  	v3 =	vld.idx.msk [tilespmem:v5+s12+$0x0], $0xffff  }
0xd2: {  	v4 =	vshll.u32 v1, $0x10  }
0xd3: {  	v1 =	vand.u32 $0xFFFF0000, v1;
	[tilespmem:s8+$0x400] =	vst.add.f32.msk $0xffff, v4  }
0xd4: {  	v5 =	vadd.s32 v28, v48;
	[tilespmem:s8+$0x410] =	vst.add.f32.msk $0xffff, v1  }
0xd5: {  	v1 =	vld.idx.msk [tilespmem:v2+s12+$0x0], $0xffff  }
0xd6: {  	v2 =	vshll.u32 v3, $0x10  }
0xd7: {  	v3 =	vand.u32 $0xFFFF0000, v3;
	[tilespmem:s1+$0x400] =	vst.add.f32.msk $0xffff, v2  }
0xd8: {  	[tilespmem:s1+$0x410] =	vst.add.f32.msk $0xffff, v3;
	v2 =	vadd.s32 v29, v49  }
0xd9: {  	v3 =	vld.idx.msk [tilespmem:v5+s12+$0x0], $0xffff  }
0xda: {  	v4 =	vshll.u32 v1, $0x10  }
0xdb: {  	v1 =	vand.u32 $0xFFFF0000, v1;
	[tilespmem:s8+$0x420] =	vst.add.f32.msk $0xffff, v4  }
0xdc: {  	v5 =	vadd.s32 v29, v48;
	[tilespmem:s8+$0x430] =	vst.add.f32.msk $0xffff, v1  }
0xdd: {  	v1 =	vld.idx.msk [tilespmem:v2+s12+$0x0], $0xffff  }
0xde: {  	v2 =	vshll.u32 v3, $0x10  }
0xdf: {  	v3 =	vand.u32 $0xFFFF0000, v3;
	[tilespmem:s1+$0x420] =	vst.add.f32.msk $0xffff, v2  }
0xe0: {  	[tilespmem:s1+$0x430] =	vst.add.f32.msk $0xffff, v3;
	v3 =	vadd.s32 v30, v49  }
0xe1: {  	v2 =	vld.idx.msk [tilespmem:v5+s12+$0x0], $0xffff  }
0xe2: {  	v4 =	vshll.u32 v1, $0x10  }
0xe3: {  	v1 =	vand.u32 $0xFFFF0000, v1;
	[tilespmem:s8+$0x440] =	vst.add.f32.msk $0xffff, v4  }
0xe4: {  	v5 =	vadd.s32 v30, v48;
	[tilespmem:s8+$0x450] =	vst.add.f32.msk $0xffff, v1  }
0xe5: {  	v3 =	vld.idx.msk [tilespmem:v3+s12+$0x0], $0xffff  }
0xe6: {  	v1 =	vshll.u32 v2, $0x10  }
0xe7: {  	v2 =	vand.u32 $0xFFFF0000, v2;
	[tilespmem:s1+$0x440] =	vst.add.f32.msk $0xffff, v1  }
0xe8: {  	[tilespmem:s1+$0x450] =	vst.add.f32.msk $0xffff, v2;
	v2 =	vadd.s32 v31, v49  }
0xe9: {  	v1 =	vld.idx.msk [tilespmem:v5+s12+$0x0], $0xffff  }
0xea: {  	v4 =	vshll.u32 v3, $0x10  }
0xeb: {  	v3 =	vand.u32 $0xFFFF0000, v3;
	[tilespmem:s8+$0x460] =	vst.add.f32.msk $0xffff, v4  }
0xec: {  	v5 =	vadd.s32 v31, v48;
	[tilespmem:s8+$0x470] =	vst.add.f32.msk $0xffff, v3  }
0xed: {  	v2 =	vld.idx.msk [tilespmem:v2+s12+$0x0], $0xffff  }
0xee: {  	v3 =	vshll.u32 v1, $0x10  }
0xef: {  	v1 =	vand.u32 $0xFFFF0000, v1;
	[tilespmem:s1+$0x460] =	vst.add.f32.msk $0xffff, v3  }
0xf0: {  	[tilespmem:s1+$0x470] =	vst.add.f32.msk $0xffff, v1;
	v3 =	vadd.s32 v32, v49  }
0xf1: {  	s28 =	sadd.s32 $0x13A00, s24;
	v1 =	vld.idx.msk [tilespmem:v5+s12+$0x0], $0xffff  }
0xf2: {  	s31 =	sadd.s32 s25, s28;
	v4 =	vshll.u32 v2, $0x10  }
0xf3: {  	s4 =	sor.u32 $0x10, s31;
	v2 =	vand.u32 $0xFFFF0000, v2;
	[tilespmem:s31+$0x0] =	vst.add.f32.msk $0xffff, v4  }
0xf4: {  	v5 =	vadd.s32 v32, v48;
	[tilespmem:s4+$0x0] =	vst.add.f32.msk $0xffff, v2  }
0xf5: {  	v3 =	vld.idx.msk [tilespmem:v3+s12+$0x0], $0xffff  }
0xf6: {  	s0 =	sadd.s32 s13, s28;
	v2 =	vshll.u32 v1, $0x10  }
0xf7: {  	s5 =	sor.u32 $0x10, s0;
	v1 =	vand.u32 $0xFFFF0000, v1;
	[tilespmem:s0+$0x0] =	vst.add.f32.msk $0xffff, v2  }
0xf8: {  	v2 =	vadd.s32 v33, v49;
	[tilespmem:s5+$0x0] =	vst.add.f32.msk $0xffff, v1  }
0xf9: {  	v1 =	vld.idx.msk [tilespmem:v5+s12+$0x0], $0xffff  }
0xfa: {  	s7 =	sor.u32 $0x20, s31;
	v4 =	vshll.u32 v3, $0x10  }
0xfb: {  	s8 =	sor.u32 $0x30, s31;
	v3 =	vand.u32 $0xFFFF0000, v3;
	[tilespmem:s7+$0x0] =	vst.add.f32.msk $0xffff, v4  }
0xfc: {  	v5 =	vadd.s32 v33, v48;
	[tilespmem:s8+$0x0] =	vst.add.f32.msk $0xffff, v3  }
0xfd: {  	v2 =	vld.idx.msk [tilespmem:v2+s12+$0x0], $0xffff  }
0xfe: {  	s9 =	sor.u32 $0x20, s0;
	v3 =	vshll.u32 v1, $0x10  }
0xff: {  	s10 =	sor.u32 $0x30, s0;
	v1 =	vand.u32 $0xFFFF0000, v1;
	[tilespmem:s9+$0x0] =	vst.add.f32.msk $0xffff, v3  }
0x100: {  	v3 =	vadd.s32 v34, v49;
	[tilespmem:s10+$0x0] =	vst.add.f32.msk $0xffff, v1  }
0x101: {  	v1 =	vld.idx.msk [tilespmem:v5+s12+$0x0], $0xffff  }
0x102: {  	s11 =	sor.u32 $0x40, s31;
	v4 =	vshll.u32 v2, $0x10  }
0x103: {  	s14 =	sor.u32 $0x50, s31;
	v2 =	vand.u32 $0xFFFF0000, v2;
	[tilespmem:s11+$0x0] =	vst.add.f32.msk $0xffff, v4  }
0x104: {  	v5 =	vadd.s32 v34, v48;
	[tilespmem:s14+$0x0] =	vst.add.f32.msk $0xffff, v2  }
0x105: {  	v3 =	vld.idx.msk [tilespmem:v3+s12+$0x0], $0xffff  }
0x106: {  	s15 =	sor.u32 $0x40, s0;
	v2 =	vshll.u32 v1, $0x10  }
0x107: {  	s16 =	sor.u32 $0x50, s0;
	v1 =	vand.u32 $0xFFFF0000, v1;
	[tilespmem:s15+$0x0] =	vst.add.f32.msk $0xffff, v2  }
0x108: {  	v2 =	vadd.s32 v35, v49;
	[tilespmem:s16+$0x0] =	vst.add.f32.msk $0xffff, v1  }
0x109: {  	v1 =	vld.idx.msk [tilespmem:v5+s12+$0x0], $0xffff  }
0x10a: {  	s17 =	sor.u32 $0x60, s31;
	v4 =	vshll.u32 v3, $0x10  }
0x10b: {  	s1 =	sor.u32 $0x70, s31;
	v3 =	vand.u32 $0xFFFF0000, v3;
	[tilespmem:s17+$0x0] =	vst.add.f32.msk $0xffff, v4  }
0x10c: {  	v5 =	vadd.s32 v35, v48;
	[tilespmem:s1+$0x0] =	vst.add.f32.msk $0xffff, v3  }
0x10d: {  	v2 =	vld.idx.msk [tilespmem:v2+s12+$0x0], $0xffff  }
0x10e: {  	s18 =	sor.u32 $0x60, s0;
	v3 =	vshll.u32 v1, $0x10  }
0x10f: {  	s0 =	sor.u32 $0x70, s0;
	v1 =	vand.u32 $0xFFFF0000, v1;
	[tilespmem:s18+$0x0] =	vst.add.f32.msk $0xffff, v3  }
0x110: {  	v3 =	vadd.s32 v36, v49;
	[tilespmem:s0+$0x0] =	vst.add.f32.msk $0xffff, v1  }
0x111: {  	s19 =	sadd.s32 $0x13E00, s24;
	v1 =	vld.idx.msk [tilespmem:v5+s12+$0x0], $0xffff  }
0x112: {  	s20 =	sadd.s32 s25, s19;
	v4 =	vshll.u32 v2, $0x10  }
0x113: {  	s21 =	sor.u32 $0x10, s20;
	v2 =	vand.u32 $0xFFFF0000, v2;
	[tilespmem:s20+$0x0] =	vst.add.f32.msk $0xffff, v4  }
0x114: {  	v5 =	vadd.s32 v36, v48;
	[tilespmem:s21+$0x0] =	vst.add.f32.msk $0xffff, v2  }
0x115: {  	v3 =	vld.idx.msk [tilespmem:v3+s12+$0x0], $0xffff  }
0x116: {  	s0 =	sadd.s32 s13, s19;
	v2 =	vshll.u32 v1, $0x10  }
0x117: {  	s22 =	sor.u32 $0x10, s0;
	v1 =	vand.u32 $0xFFFF0000, v1;
	[tilespmem:s0+$0x0] =	vst.add.f32.msk $0xffff, v2  }
0x118: {  	v2 =	vadd.s32 v37, v49;
	[tilespmem:s22+$0x0] =	vst.add.f32.msk $0xffff, v1  }
0x119: {  	v1 =	vld.idx.msk [tilespmem:v5+s12+$0x0], $0xffff  }
0x11a: {  	s23 =	sor.u32 $0x20, s20;
	v4 =	vshll.u32 v3, $0x10  }
0x11b: {  	s26 =	sor.u32 $0x30, s20;
	v3 =	vand.u32 $0xFFFF0000, v3;
	[tilespmem:s23+$0x0] =	vst.add.f32.msk $0xffff, v4  }
0x11c: {  	v4 =	vadd.s32 v37, v48;
	[tilespmem:s26+$0x0] =	vst.add.f32.msk $0xffff, v3  }
0x11d: {  	s3 =	simm.s32 $0x13030;
	v2 =	vld.idx.msk [tilespmem:v2+s12+$0x0], $0xffff  }
0x11e: {  	v47 =	vld [tilespmem:s3+$0x0];
	s28 =	sor.u32 $0x20, s0;
	v3 =	vshll.u32 v1, $0x10  }
0x11f: {  	s31 =	sor.u32 $0x30, s0;
	v1 =	vand.u32 $0xFFFF0000, v1;
	[tilespmem:s28+$0x0] =	vst.add.f32.msk $0xffff, v3  }
0x120: {  	[tilespmem:s31+$0x0] =	vst.add.f32.msk $0xffff, v1;
	v1 =	vadd.s32 v38, v49  }
0x121: {  	v3 =	vld.idx.msk [tilespmem:v4+s12+$0x0], $0xffff  }
0x122: {  	s4 =	sor.u32 $0x40, s20;
	v5 =	vld [tilespmem:s3+$0xFFFFFFF0];
	v4 =	vshll.u32 v2, $0x10  }
0x123: {  	s5 =	sor.u32 $0x50, s20;
	v2 =	vand.u32 $0xFFFF0000, v2;
	[tilespmem:s4+$0x0] =	vst.add.f32.msk $0xffff, v4  }
0x124: {  	v4 =	vadd.s32 v38, v48;
	[tilespmem:s5+$0x0] =	vst.add.f32.msk $0xffff, v2  }
0x125: {  	v2 =	vadd.s32 v24, v47;
	v1 =	vld.idx.msk [tilespmem:v1+s12+$0x0], $0xffff  }
0x126: {  	s7 =	sor.u32 $0x40, s0;
	v6 =	vshll.u32 v3, $0x10  }
0x127: {  	s8 =	sor.u32 $0x50, s0;
	v3 =	vand.u32 $0xFFFF0000, v3;
	[tilespmem:s7+$0x0] =	vst.add.f32.msk $0xffff, v6;
	v6 =	vadd.s32 v24, v5  }
0x128: {  	[tilespmem:s8+$0x0] =	vst.add.f32.msk $0xffff, v3  }
0x129: {  	v3 =	vadd.s32 v39, v49;
	v4 =	vld.idx.msk [tilespmem:v4+s12+$0x0], $0xffff  }
0x12a: {  	s9 =	sor.u32 $0x60, s20;
	v2 =	vld.idx.msk [tilespmem:v2+s12+$0x0], $0xffff;
	v7 =	vshll.u32 v1, $0x10  }
0x12b: {  	s10 =	simm.s32 $0x0;
	[tilespmem:s9+$0x0] =	vst.add.f32.msk $0xffff, v7  }
0x12c: {  	s11 =	smul.u32 $0x6000, s10;
	s1 =	sor.u32 $0x70, s20;
	v1 =	vand.u32 $0xFFFF0000, v1;
	v6 =	vld.idx.msk [tilespmem:v6+s12+$0x0], $0xffff  }
0x12d: {  	[tilespmem:s1+$0x0] =	vst.add.f32.msk $0xffff, v1  }
0x12e: {  	s14 =	sor.u32 $0x60, s0;
	s23 =	simm.s32 $0x180;
	s7 =	sshra.s32 s11, $0x2;
	v7 =	vadd.s32 v62, v47;
	v1 =	vld.idx.msk [tilespmem:v3+s12+$0x0], $0xffff;
	v3 =	vshll.u32 v4, $0x10  }
0x12f: {  	s15 =	sor.u32 $0x70, s0;
	s16 =	sadd.s32 $0x13200, s7;
	s8 =	sand.u32 $0x380, s23;
	v4 =	vand.u32 $0xFFFF0000, v4;
	[tilespmem:s14+$0x0] =	vst.add.f32.msk $0xffff, v3  }
0x130: {  	s0 =	sadd.s32 s8, s16;
	v3 =	vshll.u32 v2, $0x10;
	[tilespmem:s15+$0x0] =	vst.add.f32.msk $0xffff, v4  }
0x131: {  	s17 =	sor.u32 $0x10, s0;
	v2 =	vand.u32 $0xFFFF0000, v2;
	[tilespmem:s0+$0x0] =	vst.add.f32.msk $0xffff, v3;
	v3 =	vadd.s32 v40, v49  }
0x132: {  	s3 =	sadd.s32 $0x14200, s24;
	[tilespmem:s17+$0x0] =	vst.add.f32.msk $0xffff, v2  }
0x133: {  	s1 =	sadd.s32 s25, s3;
	v2 =	vld.idx.msk [tilespmem:v7+s12+$0x0], $0xffff;
	v4 =	vshll.u32 v1, $0x10  }
0x134: {  	s18 =	simm.s32 $0x100;
	s19 =	sor.u32 $0x10, s1;
	v7 =	vadd.s32 v62, v5;
	v1 =	vand.u32 $0xFFFF0000, v1;
	[tilespmem:s1+$0x0] =	vst.add.f32.msk $0xffff, v4  }
0x135: {  	s11 =	sand.u32 $0x300, s18;
	[tilespmem:s19+$0x0] =	vst.add.f32.msk $0xffff, v1  }
0x136: {  	s2 =	sadd.s32 s11, s16;
	v1 =	vshll.u32 v6, $0x10;
	v3 =	vld.idx.msk [tilespmem:v3+s12+$0x0], $0xffff  }
0x137: {  	s4 =	sor.u32 $0x10, s2;
	v4 =	vand.u32 $0xFFFF0000, v6;
	[tilespmem:s2+$0x0] =	vst.add.f32.msk $0xffff, v1;
	v1 =	vadd.s32 v22, v47  }
0x138: {  	[tilespmem:s4+$0x0] =	vst.add.f32.msk $0xffff, v4  }
0x139: {  	s20 =	sor.u32 $0x20, s0;
	v6 =	vshll.u32 v2, $0x10;
	v4 =	vld.idx.msk [tilespmem:v7+s12+$0x0], $0xffff  }
0x13a: {  	s21 =	sor.u32 $0x30, s0;
	v2 =	vand.u32 $0xFFFF0000, v2;
	[tilespmem:s20+$0x0] =	vst.add.f32.msk $0xffff, v6;
	v6 =	vadd.s32 v41, v49  }
0x13b: {  	[tilespmem:s21+$0x0] =	vst.add.f32.msk $0xffff, v2  }
0x13c: {  	s22 =	sor.u32 $0x20, s1;
	v1 =	vld.idx.msk [tilespmem:v1+s12+$0x0], $0xffff;
	v2 =	vshll.u32 v3, $0x10  }
0x13d: {  	s26 =	sor.u32 $0x30, s1;
	v7 =	vadd.s32 v22, v5;
	v3 =	vand.u32 $0xFFFF0000, v3;
	[tilespmem:s22+$0x0] =	vst.add.f32.msk $0xffff, v2  }
0x13e: {  	[tilespmem:s26+$0x0] =	vst.add.f32.msk $0xffff, v3  }
0x13f: {  	s28 =	sor.u32 $0x20, s2;
	v2 =	vshll.u32 v4, $0x10;
	v3 =	vld.idx.msk [tilespmem:v6+s12+$0x0], $0xffff  }
0x140: {  	s31 =	sor.u32 $0x30, s2;
	v4 =	vand.u32 $0xFFFF0000, v4;
	[tilespmem:s28+$0x0] =	vst.add.f32.msk $0xffff, v2;
	v2 =	vadd.s32 v26, v47  }
0x141: {  	[tilespmem:s31+$0x0] =	vst.add.f32.msk $0xffff, v4  }
0x142: {  	s9 =	sor.u32 $0x40, s0;
	v4 =	vld.idx.msk [tilespmem:v7+s12+$0x0], $0xffff;
	v6 =	vshll.u32 v1, $0x10  }
0x143: {  	s10 =	sor.u32 $0x50, s0;
	v1 =	vand.u32 $0xFFFF0000, v1;
	[tilespmem:s9+$0x0] =	vst.add.f32.msk $0xffff, v6;
	v6 =	vadd.s32 v42, v49  }
0x144: {  	[tilespmem:s10+$0x0] =	vst.add.f32.msk $0xffff, v1  }
0x145: {  	s14 =	sor.u32 $0x40, s1;
	v1 =	vld.idx.msk [tilespmem:v2+s12+$0x0], $0xffff;
	v2 =	vshll.u32 v3, $0x10  }
0x146: {  	s15 =	sor.u32 $0x50, s1;
	v7 =	vadd.s32 v26, v5;
	v3 =	vand.u32 $0xFFFF0000, v3;
	[tilespmem:s14+$0x0] =	vst.add.f32.msk $0xffff, v2  }
0x147: {  	[tilespmem:s15+$0x0] =	vst.add.f32.msk $0xffff, v3  }
0x148: {  	s16 =	sor.u32 $0x40, s2;
	v2 =	vshll.u32 v4, $0x10;
	v3 =	vld.idx.msk [tilespmem:v6+s12+$0x0], $0xffff  }
0x149: {  	s17 =	sor.u32 $0x50, s2;
	v4 =	vand.u32 $0xFFFF0000, v4;
	[tilespmem:s16+$0x0] =	vst.add.f32.msk $0xffff, v2;
	v2 =	vadd.s32 v27, v47  }
0x14a: {  	[tilespmem:s17+$0x0] =	vst.add.f32.msk $0xffff, v4  }
0x14b: {  	s18 =	sor.u32 $0x60, s0;
	v4 =	vld.idx.msk [tilespmem:v7+s12+$0x0], $0xffff;
	v6 =	vshll.u32 v1, $0x10  }
0x14c: {  	s19 =	sor.u32 $0x70, s0;
	v1 =	vand.u32 $0xFFFF0000, v1;
	[tilespmem:s18+$0x0] =	vst.add.f32.msk $0xffff, v6;
	v6 =	vadd.s32 v43, v49  }
0x14d: {  	[tilespmem:s19+$0x0] =	vst.add.f32.msk $0xffff, v1  }
0x14e: {  	s20 =	sor.u32 $0x60, s1;
	v1 =	vld.idx.msk [tilespmem:v2+s12+$0x0], $0xffff;
	v2 =	vshll.u32 v3, $0x10  }
0x14f: {  	s1 =	sor.u32 $0x70, s1;
	v7 =	vadd.s32 v27, v5;
	v3 =	vand.u32 $0xFFFF0000, v3;
	[tilespmem:s20+$0x0] =	vst.add.f32.msk $0xffff, v2  }
0x150: {  	[tilespmem:s1+$0x0] =	vst.add.f32.msk $0xffff, v3  }
0x151: {  	s21 =	sor.u32 $0x60, s2;
	v2 =	vshll.u32 v4, $0x10;
	v3 =	vld.idx.msk [tilespmem:v6+s12+$0x0], $0xffff  }
0x152: {  	s22 =	sor.u32 $0x70, s2;
	v4 =	vand.u32 $0xFFFF0000, v4;
	[tilespmem:s21+$0x0] =	vst.add.f32.msk $0xffff, v2;
	v2 =	vadd.s32 v28, v47  }
0x153: {  	[tilespmem:s22+$0x0] =	vst.add.f32.msk $0xffff, v4  }
0x154: {  	v4 =	vld.idx.msk [tilespmem:v7+s12+$0x0], $0xffff;
	v6 =	vshll.u32 v1, $0x10  }
0x155: {  	v1 =	vand.u32 $0xFFFF0000, v1;
	[tilespmem:s0+$0x400] =	vst.add.f32.msk $0xffff, v6;
	v6 =	vadd.s32 v44, v49  }
0x156: {  	s1 =	sadd.s32 $0x14600, s24;
	[tilespmem:s0+$0x410] =	vst.add.f32.msk $0xffff, v1  }
0x157: {  	s24 =	sadd.s32 s25, s1;
	v1 =	vld.idx.msk [tilespmem:v2+s12+$0x0], $0xffff;
	v2 =	vshll.u32 v3, $0x10  }
0x158: {  	s25 =	sor.u32 $0x10, s24;
	v7 =	vadd.s32 v28, v5;
	v3 =	vand.u32 $0xFFFF0000, v3;
	[tilespmem:s24+$0x0] =	vst.add.f32.msk $0xffff, v2  }
0x159: {  	[tilespmem:s25+$0x0] =	vst.add.f32.msk $0xffff, v3  }
0x15a: {  	v2 =	vshll.u32 v4, $0x10;
	v3 =	vld.idx.msk [tilespmem:v6+s12+$0x0], $0xffff  }
0x15b: {  	v4 =	vand.u32 $0xFFFF0000, v4;
	[tilespmem:s2+$0x400] =	vst.add.f32.msk $0xffff, v2;
	v2 =	vadd.s32 v29, v47  }
0x15c: {  	[tilespmem:s2+$0x410] =	vst.add.f32.msk $0xffff, v4  }
0x15d: {  	v4 =	vld.idx.msk [tilespmem:v7+s12+$0x0], $0xffff;
	v6 =	vshll.u32 v1, $0x10  }
0x15e: {  	v1 =	vand.u32 $0xFFFF0000, v1;
	[tilespmem:s0+$0x420] =	vst.add.f32.msk $0xffff, v6;
	v6 =	vadd.s32 v45, v49  }
0x15f: {  	[tilespmem:s0+$0x430] =	vst.add.f32.msk $0xffff, v1  }
0x160: {  	s26 =	sor.u32 $0x20, s24;
	v1 =	vld.idx.msk [tilespmem:v2+s12+$0x0], $0xffff;
	v2 =	vshll.u32 v3, $0x10  }
0x161: {  	s28 =	sor.u32 $0x30, s24;
	v7 =	vadd.s32 v29, v5;
	v3 =	vand.u32 $0xFFFF0000, v3;
	[tilespmem:s26+$0x0] =	vst.add.f32.msk $0xffff, v2  }
0x162: {  	v2 =	vadd.s32 v39, v48;
	[tilespmem:s28+$0x0] =	vst.add.f32.msk $0xffff, v3  }
0x163: {  	v3 =	vshll.u32 v4, $0x10;
	v6 =	vld.idx.msk [tilespmem:v6+s12+$0x0], $0xffff  }
0x164: {  	v4 =	vand.u32 $0xFFFF0000, v4;
	[tilespmem:s2+$0x420] =	vst.add.f32.msk $0xffff, v3  }
0x165: {  	[tilespmem:s2+$0x430] =	vst.add.f32.msk $0xffff, v4  }
0x166: {  	v3 =	vld.idx.msk [tilespmem:v7+s12+$0x0], $0xffff  }
0x167: {  	v4 =	vadd.s32 v46, v49;
	v7 =	vshll.u32 v1, $0x10;
	v2 =	vld.idx.msk [tilespmem:v2+s12+$0x0], $0xffff  }
0x168: {  	v1 =	vand.u32 $0xFFFF0000, v1;
	[tilespmem:s0+$0x440] =	vst.add.f32.msk $0xffff, v7  }
0x169: {  	s31 =	sor.u32 $0x40, s24;
	v7 =	vadd.s32 v30, v47;
	[tilespmem:s0+$0x450] =	vst.add.f32.msk $0xffff, v1;
	v8 =	vshll.u32 v6, $0x10  }
0x16a: {  	s9 =	sor.u32 $0x50, s24;
	v6 =	vand.u32 $0xFFFF0000, v6;
	[tilespmem:s31+$0x0] =	vst.add.f32.msk $0xffff, v8  }
0x16b: {  	[tilespmem:s9+$0x0] =	vst.add.f32.msk $0xffff, v6  }
0x16c: {  	v1 =	vshll.u32 v3, $0x10;
	v6 =	vadd.s32 v30, v5;
	v4 =	vld.idx.msk [tilespmem:v4+s12+$0x0], $0xffff  }
0x16d: {  	[tilespmem:s2+$0x440] =	vst.add.f32.msk $0xffff, v1  }
0x16e: {  	v3 =	vand.u32 $0xFFFF0000, v3;
	v7 =	vld.idx.msk [tilespmem:v7+s12+$0x0], $0xffff  }
0x16f: {  	s3 =	sadd.s32 s13, s3;
	[tilespmem:s2+$0x450] =	vst.add.f32.msk $0xffff, v3;
	v1 =	vshll.u32 v2, $0x10  }
0x170: {  	[tilespmem:s3+$0x0] =	vst.add.f32.msk $0xffff, v1  }
0x171: {  	s10 =	sor.u32 $0x60, s24;
	v3 =	vld.idx.msk [tilespmem:v6+s12+$0x0], $0xffff;
	v6 =	vadd.s32 v31, v47;
	v1 =	vshll.u32 v4, $0x10  }
0x172: {  	s4 =	sor.u32 $0x70, s24;
	v4 =	vand.u32 $0xFFFF0000, v4;
	[tilespmem:s10+$0x0] =	vst.add.f32.msk $0xffff, v1  }
0x173: {  	v1 =	vshll.u32 v7, $0x10;
	[tilespmem:s4+$0x0] =	vst.add.f32.msk $0xffff, v4  }
0x174: {  	v7 =	vand.u32 $0xFFFF0000, v7;
	v4 =	vadd.s32 v31, v5;
	[tilespmem:s0+$0x460] =	vst.add.f32.msk $0xffff, v1  }
0x175: {  	[tilespmem:s0+$0x470] =	vst.add.f32.msk $0xffff, v7  }
0x176: {  	v1 =	vadd.s32 v40, v48;
	v7 =	vshll.u32 v3, $0x10;
	v6 =	vld.idx.msk [tilespmem:v6+s12+$0x0], $0xffff  }
0x177: {  	v3 =	vand.u32 $0xFFFF0000, v3;
	[tilespmem:s2+$0x460] =	vst.add.f32.msk $0xffff, v7  }
0x178: {  	[tilespmem:s2+$0x470] =	vst.add.f32.msk $0xffff, v3  }
0x179: {  	s14 =	sor.u32 $0x10, s3;
	v2 =	vand.u32 $0xFFFF0000, v2;
	v3 =	vld.idx.msk [tilespmem:v4+s12+$0x0], $0xffff;
	v4 =	vadd.s32 v32, v47  }
0x17a: {  	s15 =	sadd.s32 $0x13A00, s7;
	[tilespmem:s14+$0x0] =	vst.add.f32.msk $0xffff, v2  }
0x17b: {  	s16 =	sadd.s32 s8, s15;
	v1 =	vld.idx.msk [tilespmem:v1+s12+$0x0], $0xffff;
	v2 =	vshll.u32 v6, $0x10  }
0x17c: {  	s17 =	sor.u32 $0x10, s16;
	v6 =	vand.u32 $0xFFFF0000, v6;
	[tilespmem:s16+$0x0] =	vst.add.f32.msk $0xffff, v2  }
0x17d: {  	v7 =	vadd.s32 v32, v5;
	[tilespmem:s17+$0x0] =	vst.add.f32.msk $0xffff, v6  }
0x17e: {  	s0 =	sadd.s32 s11, s15;
	v2 =	vshll.u32 v3, $0x10;
	v4 =	vld.idx.msk [tilespmem:v4+s12+$0x0], $0xffff  }
0x17f: {  	s18 =	sor.u32 $0x10, s0;
	v6 =	vadd.s32 v41, v48;
	v3 =	vand.u32 $0xFFFF0000, v3;
	[tilespmem:s0+$0x0] =	vst.add.f32.msk $0xffff, v2  }
0x180: {  	s19 =	sor.u32 $0x20, s3;
	v2 =	vshll.u32 v1, $0x10;
	[tilespmem:s18+$0x0] =	vst.add.f32.msk $0xffff, v3  }
0x181: {  	[tilespmem:s19+$0x0] =	vst.add.f32.msk $0xffff, v2  }
0x182: {  	s20 =	sor.u32 $0x30, s3;
	v1 =	vand.u32 $0xFFFF0000, v1;
	v3 =	vld.idx.msk [tilespmem:v7+s12+$0x0], $0xffff;
	v7 =	vadd.s32 v33, v47  }
0x183: {  	[tilespmem:s20+$0x0] =	vst.add.f32.msk $0xffff, v1  }
0x184: {  	s21 =	sor.u32 $0x20, s16;
	v2 =	vld.idx.msk [tilespmem:v6+s12+$0x0], $0xffff;
	v1 =	vshll.u32 v4, $0x10  }
0x185: {  	s22 =	sor.u32 $0x30, s16;
	v6 =	vadd.s32 v33, v5;
	v4 =	vand.u32 $0xFFFF0000, v4;
	[tilespmem:s21+$0x0] =	vst.add.f32.msk $0xffff, v1  }
0x186: {  	[tilespmem:s22+$0x0] =	vst.add.f32.msk $0xffff, v4  }
0x187: {  	s24 =	sor.u32 $0x20, s0;
	v1 =	vshll.u32 v3, $0x10;
	v4 =	vld.idx.msk [tilespmem:v7+s12+$0x0], $0xffff  }
0x188: {  	s25 =	sor.u32 $0x30, s0;
	v7 =	vadd.s32 v42, v48;
	v3 =	vand.u32 $0xFFFF0000, v3;
	[tilespmem:s24+$0x0] =	vst.add.f32.msk $0xffff, v1  }
0x189: {  	[tilespmem:s25+$0x0] =	vst.add.f32.msk $0xffff, v3  }
0x18a: {  	s26 =	sor.u32 $0x40, s3;
	v3 =	vshll.u32 v2, $0x10;
	v1 =	vld.idx.msk [tilespmem:v6+s12+$0x0], $0xffff  }
0x18b: {  	s28 =	sor.u32 $0x50, s3;
	v2 =	vand.u32 $0xFFFF0000, v2;
	v6 =	vadd.s32 v34, v47;
	[tilespmem:s26+$0x0] =	vst.add.f32.msk $0xffff, v3  }
0x18c: {  	[tilespmem:s28+$0x0] =	vst.add.f32.msk $0xffff, v2  }
0x18d: {  	s31 =	sor.u32 $0x40, s16;
	v2 =	vshll.u32 v4, $0x10;
	v3 =	vld.idx.msk [tilespmem:v7+s12+$0x0], $0xffff  }
0x18e: {  	s5 =	sor.u32 $0x50, s16;
	v7 =	vadd.s32 v34, v5;
	v4 =	vand.u32 $0xFFFF0000, v4;
	[tilespmem:s31+$0x0] =	vst.add.f32.msk $0xffff, v2  }
0x18f: {  	[tilespmem:s5+$0x0] =	vst.add.f32.msk $0xffff, v4  }
0x190: {  	s9 =	sor.u32 $0x40, s0;
	v2 =	vshll.u32 v1, $0x10;
	v4 =	vld.idx.msk [tilespmem:v6+s12+$0x0], $0xffff  }
0x191: {  	s10 =	sor.u32 $0x50, s0;
	v6 =	vadd.s32 v43, v48;
	v1 =	vand.u32 $0xFFFF0000, v1;
	[tilespmem:s9+$0x0] =	vst.add.f32.msk $0xffff, v2  }
0x192: {  	[tilespmem:s10+$0x0] =	vst.add.f32.msk $0xffff, v1  }
0x193: {  	s14 =	sor.u32 $0x60, s3;
	v2 =	vshll.u32 v3, $0x10;
	v1 =	vld.idx.msk [tilespmem:v7+s12+$0x0], $0xffff  }
0x194: {  	s3 =	sor.u32 $0x70, s3;
	v3 =	vand.u32 $0xFFFF0000, v3;
	v7 =	vadd.s32 v35, v47;
	[tilespmem:s14+$0x0] =	vst.add.f32.msk $0xffff, v2  }
0x195: {  	[tilespmem:s3+$0x0] =	vst.add.f32.msk $0xffff, v3  }
0x196: {  	s15 =	sor.u32 $0x60, s16;
	v2 =	vshll.u32 v4, $0x10;
	v3 =	vld.idx.msk [tilespmem:v6+s12+$0x0], $0xffff  }
0x197: {  	s2 =	sor.u32 $0x70, s16;
	v6 =	vadd.s32 v35, v5;
	v4 =	vand.u32 $0xFFFF0000, v4;
	[tilespmem:s15+$0x0] =	vst.add.f32.msk $0xffff, v2  }
0x198: {  	[tilespmem:s2+$0x0] =	vst.add.f32.msk $0xffff, v4  }
0x199: {  	s16 =	sor.u32 $0x60, s0;
	v2 =	vshll.u32 v1, $0x10;
	v4 =	vld.idx.msk [tilespmem:v7+s12+$0x0], $0xffff  }
0x19a: {  	s0 =	sor.u32 $0x70, s0;
	v7 =	vadd.s32 v44, v48;
	v1 =	vand.u32 $0xFFFF0000, v1;
	[tilespmem:s16+$0x0] =	vst.add.f32.msk $0xffff, v2  }
0x19b: {  	[tilespmem:s0+$0x0] =	vst.add.f32.msk $0xffff, v1  }
0x19c: {  	s1 =	sadd.s32 s13, s1;
	v2 =	vshll.u32 v3, $0x10;
	v1 =	vld.idx.msk [tilespmem:v6+s12+$0x0], $0xffff  }
0x19d: {  	s17 =	sor.u32 $0x10, s1;
	v3 =	vand.u32 $0xFFFF0000, v3;
	v6 =	vadd.s32 v36, v47;
	[tilespmem:s1+$0x0] =	vst.add.f32.msk $0xffff, v2  }
0x19e: {  	s18 =	sadd.s32 $0x13E00, s7;
	[tilespmem:s17+$0x0] =	vst.add.f32.msk $0xffff, v3  }
0x19f: {  	s0 =	sadd.s32 s8, s18;
	v2 =	vshll.u32 v4, $0x10;
	v3 =	vld.idx.msk [tilespmem:v7+s12+$0x0], $0xffff  }
0x1a0: {  	s19 =	sor.u32 $0x10, s0;
	v7 =	vadd.s32 v36, v5;
	v4 =	vand.u32 $0xFFFF0000, v4;
	[tilespmem:s0+$0x0] =	vst.add.f32.msk $0xffff, v2  }
0x1a1: {  	[tilespmem:s19+$0x0] =	vst.add.f32.msk $0xffff, v4  }
0x1a2: {  	s2 =	sadd.s32 s11, s18;
	v2 =	vshll.u32 v1, $0x10;
	v4 =	vld.idx.msk [tilespmem:v6+s12+$0x0], $0xffff  }
0x1a3: {  	s20 =	sor.u32 $0x10, s2;
	v6 =	vadd.s32 v45, v48;
	v1 =	vand.u32 $0xFFFF0000, v1;
	[tilespmem:s2+$0x0] =	vst.add.f32.msk $0xffff, v2  }
0x1a4: {  	[tilespmem:s20+$0x0] =	vst.add.f32.msk $0xffff, v1  }
0x1a5: {  	s21 =	sor.u32 $0x20, s1;
	v2 =	vshll.u32 v3, $0x10;
	v1 =	vld.idx.msk [tilespmem:v7+s12+$0x0], $0xffff  }
0x1a6: {  	s22 =	sor.u32 $0x30, s1;
	v3 =	vand.u32 $0xFFFF0000, v3;
	v7 =	vadd.s32 v37, v47;
	[tilespmem:s21+$0x0] =	vst.add.f32.msk $0xffff, v2  }
0x1a7: {  	[tilespmem:s22+$0x0] =	vst.add.f32.msk $0xffff, v3  }
0x1a8: {  	s24 =	sor.u32 $0x20, s0;
	v2 =	vshll.u32 v4, $0x10;
	v6 =	vld.idx.msk [tilespmem:v6+s12+$0x0], $0xffff  }
0x1a9: {  	s25 =	sor.u32 $0x30, s0;
	v3 =	vadd.s32 v37, v5;
	v4 =	vand.u32 $0xFFFF0000, v4;
	[tilespmem:s24+$0x0] =	vst.add.f32.msk $0xffff, v2  }
0x1aa: {  	[tilespmem:s25+$0x0] =	vst.add.f32.msk $0xffff, v4  }
0x1ab: {  	v57 =	vadd.s32 v38, v5;
	v56 =	vadd.s32 v39, v5;
	s26 =	sor.u32 $0x20, s2;
	v4 =	vshll.u32 v1, $0x10;
	v2 =	vld.idx.msk [tilespmem:v7+s12+$0x0], $0xffff  }
0x1ac: {  	s29 =	simm.s32 $0x13050;
	v55 =	vadd.s32 v40, v5;
	v54 =	vadd.s32 v41, v5;
	s28 =	sor.u32 $0x30, s2;
	v1 =	vand.u32 $0xFFFF0000, v1;
	[tilespmem:s26+$0x0] =	vst.add.f32.msk $0xffff, v4  }
0x1ad: {  	v53 =	vadd.s32 v42, v5;
	v52 =	vadd.s32 v43, v5;
	v50 =	vadd.s32 v44, v5;
	s30 =	sor.u32 $0x50, s1;
	s13 =	sor.u32 $0x60, s1;
	s31 =	sor.u32 $0x40, s1;
	[tilespmem:s28+$0x0] =	vst.add.f32.msk $0xffff, v1  }
0x1ae: {  	v51 =	vadd.s32 v46, v5;
	v49 =	vadd.s32 v45, v5;
	s4 =	sor.u32 $0x40, s2;
	s3 =	sor.u32 $0x50, s2;
	s24 =	sor.u32 $0x70, s1;
	v4 =	vshll.u32 v6, $0x10;
	v3 =	vld.idx.msk [tilespmem:v3+s12+$0x0], $0xffff  }
0x1af: {  	v48 =	vadd.s32 v46, v48;
	s1 =	sor.u32 $0x60, s2;
	s2 =	sor.u32 $0x70, s2;
	s25 =	simm.s32 $0x2;
	v1 =	vand.u32 $0xFFFF0000, v6;
	[tilespmem:s31+$0x0] =	vst.add.f32.msk $0xffff, v4;
	v4 =	vadd.s32 v38, v47  }
.LBB2_7:
0x1b0: {  	v9 =	vld [tilespmem:s29+$0x0]  }
0x1b1: {  	v10 =	vld [tilespmem:s29+$0xFFFFFFF0];
	s5 =	sor.u32 $0x40, s0;
	v5 =	vshll.u32 v2, $0x10  }
0x1b2: {  	s15 =	sor.u32 $0x50, s0;
	v2 =	vand.u32 $0xFFFF0000, v2;
	[tilespmem:s5+$0x0] =	vst.add.f32.msk $0xffff, v5  }
0x1b3: {  	[tilespmem:s15+$0x0] =	vst.add.f32.msk $0xffff, v2  }
0x1b4: {  	v2 =	vshll.u32 v3, $0x10;
	v4 =	vld.idx.msk [tilespmem:v4+s12+$0x0], $0xffff  }
0x1b5: {  	v5 =	vadd.s32 v24, v9;
	v3 =	vand.u32 $0xFFFF0000, v3;
	[tilespmem:s4+$0x0] =	vst.add.f32.msk $0xffff, v2  }
0x1b6: {  	v6 =	vadd.s32 v24, v10;
	[tilespmem:s3+$0x0] =	vst.add.f32.msk $0xffff, v3  }
0x1b7: {  	v60 =	vadd.s32 v39, v47;
	v18 =	vadd.s32 v62, v10;
	v17 =	vadd.s32 v22, v10;
	v14 =	vld.idx.msk [tilespmem:v57+s12+$0x0], $0xffff  }
0x1b8: {  	v16 =	vadd.s32 v26, v10;
	v15 =	vadd.s32 v27, v10;
	v13 =	vadd.s32 v28, v10;
	[tilespmem:s30+$0x0] =	vst.add.f32.msk $0xffff, v1  }
0x1b9: {  	v11 =	vadd.s32 v29, v10;
	v8 =	vadd.s32 v30, v10;
	v7 =	vadd.s32 v33, v10;
	v19 =	vld.idx.msk [tilespmem:v48+s12+$0x0], $0xffff  }
0x1ba: {  	s25 =	sadd.s32 $0x2, s25;
	v63 =	vadd.s32 v34, v10;
	v61 =	vadd.s32 v35, v10;
	v59 =	vadd.s32 v36, v10;
	v20 =	vld.idx.msk [tilespmem:v5+s12+$0x0], $0xffff  }
0x1bb: {  	s16 =	sor.u32 $0x60, s0;
	s17 =	sshrl.u32 s25, $0x3;
	v58 =	vadd.s32 v37, v10;
	v12 =	vadd.s32 v39, v10;
	v23 =	vld.idx.msk [tilespmem:v6+s12+$0x0], $0xffff;
	v2 =	vshll.u32 v4, $0x10  }
0x1bc: {  	s18 =	sor.u32 $0x70, s0;
	v25 =	vmovc v62;
	s19 =	smul.u32 $0x6000, s17;
	v0 =	vadd.s32 v62, v9;
	v62 =	vadd.s32 v44, v10;
	v5 =	vand.u32 $0xFFFF0000, v4;
	[tilespmem:s16+$0x0] =	vst.add.f32.msk $0xffff, v2  }
0x1bd: {  	v3 =	vadd.s32 v31, v10;
	v1 =	vadd.s32 v32, v10;
	v57 =	vadd.s32 v38, v10;
	[tilespmem:s18+$0x0] =	vst.add.f32.msk $0xffff, v5  }
0x1be: {  	s23 =	sadd.s32 $0x100, s23;
	s14 =	sshra.s32 s19, $0x2;
	v48 =	vmovc v51;
	v6 =	vadd.s32 v42, v10;
	v51 =	vadd.s32 v46, v10;
	v21 =	vshll.u32 v14, $0x10;
	v22 =	vld.idx.msk [tilespmem:v60+s12+$0x0], $0xffff  }
0x1bf: {  	s19 =	sand.u32 $0x380, s23;
	s21 =	sadd.s32 $0x13200, s14;
	v4 =	vadd.s32 v40, v10;
	v2 =	vadd.s32 v41, v10;
	v14 =	vand.u32 $0xFFFF0000, v14;
	[tilespmem:s1+$0x0] =	vst.add.f32.msk $0xffff, v21  }
0x1c0: {  	s3 =	sadd.s32 s19, s21;
	v5 =	vadd.s32 v43, v10;
	v60 =	vadd.s32 v45, v10;
	v21 =	vshll.u32 v20, $0x10;
	[tilespmem:s2+$0x0] =	vst.add.f32.msk $0xffff, v14  }
0x1c1: {  	s20 =	sadd.s32 $0xFFFFFF80, s23;
	s22 =	sor.u32 $0x10, s3;
	v10 =	vand.u32 $0xFFFF0000, v19;
	v14 =	vshll.u32 v19, $0x10;
	v19 =	vand.u32 $0xFFFF0000, v20;
	[tilespmem:s3+$0x0] =	vst.add.f32.msk $0xffff, v21  }
0x1c2: {  	s1 =	sand.u32 $0x300, s20;
	[tilespmem:s22+$0x0] =	vst.add.f32.msk $0xffff, v19;
	s22 =	sadd.s32 $0x14200, s7  }
0x1c3: {  	s15 =	sadd.s32 s1, s21;
	v0 =	vld.idx.msk [tilespmem:v0+s12+$0x0], $0xffff;
	s21 =	sadd.s32 s8, s22;
	v19 =	vshll.u32 v22, $0x10  }
0x1c4: {  	s16 =	sor.u32 $0x10, s21;
	v22 =	vand.u32 $0xFFFF0000, v22;
	[tilespmem:s21+$0x0] =	vst.add.f32.msk $0xffff, v19  }
0x1c5: {  	[tilespmem:s16+$0x0] =	vst.add.f32.msk $0xffff, v22  }
0x1c6: {  	v20 =	vadd.s32 v40, v47;
	v22 =	vld [tilespmem:$0x1FFB0];
	_ =	sdelay $0x2  }
0x1c7: {  	v21 =	vshll.u32 v23, $0x10  }
0x1c8: {  	[tilespmem:s15+$0x0] =	vst.add.f32.msk $0xffff, v21  }
0x1c9: {  	v23 =	vand.u32 $0xFFFF0000, v23;
	s26 =	sor.u32 $0x10, s15;
	v19 =	vld.idx.msk [tilespmem:v20+s12+$0x0], $0xffff;
	v20 =	vadd.s32 v22, v9  }
0x1ca: {  	[tilespmem:s26+$0x0] =	vst.add.f32.msk $0xffff, v23  }
0x1cb: {  	s26 =	sor.u32 $0x20, s3;
	v18 =	vld.idx.msk [tilespmem:v18+s12+$0x0], $0xffff;
	v21 =	vshll.u32 v0, $0x10  }
0x1cc: {  	v0 =	vand.u32 $0xFFFF0000, v0;
	[tilespmem:s26+$0x0] =	vst.add.f32.msk $0xffff, v21;
	s26 =	sor.u32 $0x30, s3;
	v21 =	vadd.s32 v41, v47  }
0x1cd: {  	[tilespmem:s26+$0x0] =	vst.add.f32.msk $0xffff, v0  }
0x1ce: {  	s26 =	sor.u32 $0x20, s21;
	v0 =	vld.idx.msk [tilespmem:v20+s12+$0x0], $0xffff;
	v20 =	vshll.u32 v19, $0x10  }
0x1cf: {  	v19 =	vand.u32 $0xFFFF0000, v19;
	[tilespmem:s26+$0x0] =	vst.add.f32.msk $0xffff, v20;
	s26 =	sor.u32 $0x30, s21  }
0x1d0: {  	[tilespmem:s26+$0x0] =	vst.add.f32.msk $0xffff, v19  }
0x1d1: {  	s30 =	sor.u32 $0x20, s15;
	v19 =	vshll.u32 v18, $0x10;
	v20 =	vld.idx.msk [tilespmem:v21+s12+$0x0], $0xffff  }
0x1d2: {  	s10 =	sor.u32 $0x30, s15;
	v18 =	vand.u32 $0xFFFF0000, v18;
	[tilespmem:s30+$0x0] =	vst.add.f32.msk $0xffff, v19;
	v19 =	vadd.s32 v26, v9  }
0x1d3: {  	[tilespmem:s10+$0x0] =	vst.add.f32.msk $0xffff, v18  }
0x1d4: {  	s26 =	sor.u32 $0x40, s3;
	v17 =	vld.idx.msk [tilespmem:v17+s12+$0x0], $0xffff;
	v18 =	vshll.u32 v0, $0x10  }
0x1d5: {  	v0 =	vand.u32 $0xFFFF0000, v0;
	[tilespmem:s26+$0x0] =	vst.add.f32.msk $0xffff, v18;
	s26 =	sor.u32 $0x50, s3;
	v18 =	vadd.s32 v42, v47  }
0x1d6: {  	[tilespmem:s26+$0x0] =	vst.add.f32.msk $0xffff, v0  }
0x1d7: {  	s26 =	sor.u32 $0x40, s21;
	v0 =	vld.idx.msk [tilespmem:v19+s12+$0x0], $0xffff;
	v19 =	vshll.u32 v20, $0x10  }
0x1d8: {  	v20 =	vand.u32 $0xFFFF0000, v20;
	[tilespmem:s26+$0x0] =	vst.add.f32.msk $0xffff, v19;
	s26 =	sor.u32 $0x50, s21  }
0x1d9: {  	[tilespmem:s26+$0x0] =	vst.add.f32.msk $0xffff, v20  }
0x1da: {  	s9 =	sor.u32 $0x40, s15;
	v19 =	vshll.u32 v17, $0x10;
	v18 =	vld.idx.msk [tilespmem:v18+s12+$0x0], $0xffff  }
0x1db: {  	s28 =	sor.u32 $0x50, s15;
	v17 =	vand.u32 $0xFFFF0000, v17;
	[tilespmem:s9+$0x0] =	vst.add.f32.msk $0xffff, v19;
	v19 =	vadd.s32 v27, v9  }
0x1dc: {  	[tilespmem:s28+$0x0] =	vst.add.f32.msk $0xffff, v17  }
0x1dd: {  	s10 =	sor.u32 $0x60, s3;
	v16 =	vld.idx.msk [tilespmem:v16+s12+$0x0], $0xffff;
	v17 =	vshll.u32 v0, $0x10  }
0x1de: {  	s26 =	sor.u32 $0x70, s3;
	v0 =	vand.u32 $0xFFFF0000, v0;
	[tilespmem:s10+$0x0] =	vst.add.f32.msk $0xffff, v17;
	v17 =	vadd.s32 v43, v47  }
0x1df: {  	[tilespmem:s26+$0x0] =	vst.add.f32.msk $0xffff, v0  }
0x1e0: {  	s28 =	sor.u32 $0x60, s21;
	v0 =	vld.idx.msk [tilespmem:v19+s12+$0x0], $0xffff;
	v19 =	vshll.u32 v18, $0x10  }
0x1e1: {  	s10 =	sor.u32 $0x70, s21;
	v18 =	vand.u32 $0xFFFF0000, v18;
	[tilespmem:s28+$0x0] =	vst.add.f32.msk $0xffff, v19  }
0x1e2: {  	[tilespmem:s10+$0x0] =	vst.add.f32.msk $0xffff, v18  }
0x1e3: {  	s4 =	sor.u32 $0x60, s15;
	v18 =	vshll.u32 v16, $0x10;
	v17 =	vld.idx.msk [tilespmem:v17+s12+$0x0], $0xffff  }
0x1e4: {  	s20 =	sor.u32 $0x70, s15;
	v16 =	vand.u32 $0xFFFF0000, v16;
	[tilespmem:s4+$0x0] =	vst.add.f32.msk $0xffff, v18;
	v18 =	vadd.s32 v28, v9  }
0x1e5: {  	[tilespmem:s20+$0x0] =	vst.add.f32.msk $0xffff, v16  }
0x1e6: {  	v15 =	vld.idx.msk [tilespmem:v15+s12+$0x0], $0xffff;
	v16 =	vshll.u32 v0, $0x10  }
0x1e7: {  	v0 =	vand.u32 $0xFFFF0000, v0;
	[tilespmem:s3+$0x400] =	vst.add.f32.msk $0xffff, v16;
	v16 =	vadd.s32 v44, v47  }
0x1e8: {  	s21 =	sadd.s32 $0x14600, s7;
	[tilespmem:s3+$0x410] =	vst.add.f32.msk $0xffff, v0  }
0x1e9: {  	s9 =	sadd.s32 s8, s21;
	v0 =	vld.idx.msk [tilespmem:v18+s12+$0x0], $0xffff;
	v18 =	vshll.u32 v17, $0x10  }
0x1ea: {  	s4 =	sor.u32 $0x10, s9;
	v17 =	vand.u32 $0xFFFF0000, v17;
	[tilespmem:s9+$0x0] =	vst.add.f32.msk $0xffff, v18  }
0x1eb: {  	[tilespmem:s4+$0x0] =	vst.add.f32.msk $0xffff, v17  }
0x1ec: {  	v17 =	vshll.u32 v15, $0x10;
	v16 =	vld.idx.msk [tilespmem:v16+s12+$0x0], $0xffff  }
0x1ed: {  	v15 =	vand.u32 $0xFFFF0000, v15;
	[tilespmem:s15+$0x400] =	vst.add.f32.msk $0xffff, v17;
	v17 =	vadd.s32 v29, v9  }
0x1ee: {  	[tilespmem:s15+$0x410] =	vst.add.f32.msk $0xffff, v15  }
0x1ef: {  	v13 =	vld.idx.msk [tilespmem:v13+s12+$0x0], $0xffff;
	v19 =	vshll.u32 v0, $0x10  }
0x1f0: {  	v15 =	vadd.s32 v45, v47;
	v0 =	vand.u32 $0xFFFF0000, v0;
	[tilespmem:s3+$0x420] =	vst.add.f32.msk $0xffff, v19  }
0x1f1: {  	[tilespmem:s3+$0x430] =	vst.add.f32.msk $0xffff, v0  }
0x1f2: {  	s26 =	sor.u32 $0x20, s9;
	v0 =	vld.idx.msk [tilespmem:v17+s12+$0x0], $0xffff;
	v17 =	vshll.u32 v16, $0x10  }
0x1f3: {  	v16 =	vand.u32 $0xFFFF0000, v16;
	[tilespmem:s26+$0x0] =	vst.add.f32.msk $0xffff, v17;
	s26 =	sor.u32 $0x30, s9  }
0x1f4: {  	[tilespmem:s26+$0x0] =	vst.add.f32.msk $0xffff, v16  }
0x1f5: {  	v16 =	vshll.u32 v13, $0x10;
	v15 =	vld.idx.msk [tilespmem:v15+s12+$0x0], $0xffff  }
0x1f6: {  	v13 =	vand.u32 $0xFFFF0000, v13;
	[tilespmem:s15+$0x420] =	vst.add.f32.msk $0xffff, v16  }
0x1f7: {  	[tilespmem:s15+$0x430] =	vst.add.f32.msk $0xffff, v13  }
0x1f8: {  	v11 =	vld.idx.msk [tilespmem:v11+s12+$0x0], $0xffff  }
0x1f9: {  	s28 =	sadd.s32 s11, s21;
	v13 =	vld.idx.msk [tilespmem:v56+s12+$0x0], $0xffff  }
0x1fa: {  	s10 =	sor.u32 $0x60, s28;
	v16 =	vadd.s32 v46, v47;
	v56 =	vmov v12;
	[tilespmem:s13+$0x0] =	vst.add.f32.msk $0xffff, v14;
	v12 =	vshll.u32 v0, $0x10  }
0x1fb: {  	v47 =	vmov v9;
	s13 =	smov.u32 s10;
	s10 =	sor.u32 $0x40, s9;
	[tilespmem:s3+$0x440] =	vst.add.f32.msk $0xffff, v12;
	v17 =	vshll.u32 v15, $0x10  }
0x1fc: {  	s26 =	sor.u32 $0x50, s9;
	v9 =	vadd.s32 v30, v47;
	v18 =	vand.u32 $0xFFFF0000, v15;
	[tilespmem:s10+$0x0] =	vst.add.f32.msk $0xffff, v17  }
0x1fd: {  	v19 =	vshll.u32 v11, $0x10;
	[tilespmem:s26+$0x0] =	vst.add.f32.msk $0xffff, v18  }
0x1fe: {  	[tilespmem:s15+$0x440] =	vst.add.f32.msk $0xffff, v19  }
0x1ff: {  	v0 =	vand.u32 $0xFFFF0000, v0;
	v14 =	vld.idx.msk [tilespmem:v16+s12+$0x0], $0xffff  }
0x200: {  	[tilespmem:s3+$0x450] =	vst.add.f32.msk $0xffff, v0  }
0x201: {  	v11 =	vand.u32 $0xFFFF0000, v11;
	v9 =	vld.idx.msk [tilespmem:v9+s12+$0x0], $0xffff  }
0x202: {  	[tilespmem:s15+$0x450] =	vst.add.f32.msk $0xffff, v11  }
0x203: {  	s5 =	sadd.s32 s11, s22;
	v0 =	vshll.u32 v13, $0x10;
	v8 =	vld.idx.msk [tilespmem:v8+s12+$0x0], $0xffff  }
0x204: {  	v17 =	vadd.s32 v31, v47;
	s10 =	sor.u32 $0x60, s9;
	[tilespmem:s5+$0x0] =	vst.add.f32.msk $0xffff, v0;
	v0 =	vshll.u32 v14, $0x10  }
0x205: {  	s26 =	sor.u32 $0x70, s9;
	v18 =	vand.u32 $0xFFFF0000, v14;
	[tilespmem:s10+$0x0] =	vst.add.f32.msk $0xffff, v0  }
0x206: {  	v0 =	vshll.u32 v9, $0x10;
	[tilespmem:s26+$0x0] =	vst.add.f32.msk $0xffff, v18  }
0x207: {  	v9 =	vand.u32 $0xFFFF0000, v9;
	[tilespmem:s3+$0x460] =	vst.add.f32.msk $0xffff, v0  }
0x208: {  	[tilespmem:s3+$0x470] =	vst.add.f32.msk $0xffff, v9  }
0x209: {  	v0 =	vshll.u32 v8, $0x10;
	v9 =	vld.idx.msk [tilespmem:v17+s12+$0x0], $0xffff  }
0x20a: {  	v8 =	vand.u32 $0xFFFF0000, v8;
	[tilespmem:s15+$0x460] =	vst.add.f32.msk $0xffff, v0  }
0x20b: {  	[tilespmem:s15+$0x470] =	vst.add.f32.msk $0xffff, v8  }
0x20c: {  	s22 =	sor.u32 $0x10, s5;
	v13 =	vand.u32 $0xFFFF0000, v13;
	v0 =	vld.idx.msk [tilespmem:v3+s12+$0x0], $0xffff  }
0x20d: {  	s7 =	smov.u32 s14;
	[tilespmem:s22+$0x0] =	vst.add.f32.msk $0xffff, v13  }
0x20e: {  	s8 =	smov.u32 s19;
	s3 =	sadd.s32 $0x13A00, s7;
	v3 =	vadd.s32 v32, v47;
	v8 =	vld.idx.msk [tilespmem:v55+s12+$0x0], $0xffff  }
0x20f: {  	s11 =	smov.u32 s1;
	s4 =	sor.u32 $0x70, s28;
	s1 =	sadd.s32 s8, s3;
	v55 =	vmov v4;
	[tilespmem:s24+$0x0] =	vst.add.f32.msk $0xffff, v10;
	v4 =	vshll.u32 v9, $0x10  }
0x210: {  	s24 =	smov.u32 s4;
	s4 =	sor.u32 $0x10, s1;
	v9 =	vand.u32 $0xFFFF0000, v9;
	[tilespmem:s1+$0x0] =	vst.add.f32.msk $0xffff, v4  }
0x211: {  	s10 =	sadd.s32 s11, s3;
	v4 =	vshll.u32 v0, $0x10;
	[tilespmem:s4+$0x0] =	vst.add.f32.msk $0xffff, v9  }
0x212: {  	[tilespmem:s10+$0x0] =	vst.add.f32.msk $0xffff, v4  }
0x213: {  	s15 =	sor.u32 $0x10, s10;
	v0 =	vand.u32 $0xFFFF0000, v0;
	v3 =	vld.idx.msk [tilespmem:v3+s12+$0x0], $0xffff  }
0x214: {  	[tilespmem:s15+$0x0] =	vst.add.f32.msk $0xffff, v0  }
0x215: {  	s18 =	sor.u32 $0x20, s5;
	v0 =	vshll.u32 v8, $0x10;
	v1 =	vld.idx.msk [tilespmem:v1+s12+$0x0], $0xffff  }
0x216: {  	s17 =	sor.u32 $0x30, s5;
	v4 =	vand.u32 $0xFFFF0000, v8;
	[tilespmem:s18+$0x0] =	vst.add.f32.msk $0xffff, v0  }
0x217: {  	v19 =	vadd.s32 v33, v47;
	[tilespmem:s17+$0x0] =	vst.add.f32.msk $0xffff, v4  }
0x218: {  	s17 =	sor.u32 $0x20, s1;
	v4 =	vld.idx.msk [tilespmem:v54+s12+$0x0], $0xffff;
	v0 =	vshll.u32 v3, $0x10  }
0x219: {  	s18 =	sor.u32 $0x30, s1;
	v54 =	vmov v2;
	v2 =	vand.u32 $0xFFFF0000, v3;
	[tilespmem:s17+$0x0] =	vst.add.f32.msk $0xffff, v0  }
0x21a: {  	s22 =	sor.u32 $0x20, s10;
	v0 =	vshll.u32 v1, $0x10;
	[tilespmem:s18+$0x0] =	vst.add.f32.msk $0xffff, v2  }
0x21b: {  	[tilespmem:s22+$0x0] =	vst.add.f32.msk $0xffff, v0  }
0x21c: {  	s26 =	sor.u32 $0x30, s10;
	v1 =	vand.u32 $0xFFFF0000, v1;
	v2 =	vld.idx.msk [tilespmem:v19+s12+$0x0], $0xffff  }
0x21d: {  	[tilespmem:s26+$0x0] =	vst.add.f32.msk $0xffff, v1  }
0x21e: {  	s16 =	sor.u32 $0x40, s5;
	v1 =	vshll.u32 v4, $0x10;
	v0 =	vld.idx.msk [tilespmem:v7+s12+$0x0], $0xffff  }
0x21f: {  	s0 =	sor.u32 $0x50, s5;
	v3 =	vand.u32 $0xFFFF0000, v4;
	[tilespmem:s16+$0x0] =	vst.add.f32.msk $0xffff, v1  }
0x220: {  	v4 =	vadd.s32 v34, v47;
	[tilespmem:s0+$0x0] =	vst.add.f32.msk $0xffff, v3  }
0x221: {  	s22 =	sor.u32 $0x40, s1;
	v3 =	vld.idx.msk [tilespmem:v53+s12+$0x0], $0xffff;
	v1 =	vshll.u32 v2, $0x10  }
0x222: {  	s26 =	sor.u32 $0x50, s1;
	v2 =	vand.u32 $0xFFFF0000, v2;
	[tilespmem:s22+$0x0] =	vst.add.f32.msk $0xffff, v1  }
0x223: {  	s9 =	sor.u32 $0x40, s10;
	v1 =	vshll.u32 v0, $0x10;
	[tilespmem:s26+$0x0] =	vst.add.f32.msk $0xffff, v2  }
0x224: {  	[tilespmem:s9+$0x0] =	vst.add.f32.msk $0xffff, v1  }
0x225: {  	s31 =	sor.u32 $0x60, s5;
	s2 =	sor.u32 $0x70, s5;
	s5 =	sor.u32 $0x50, s10;
	v0 =	vand.u32 $0xFFFF0000, v0;
	v2 =	vld.idx.msk [tilespmem:v4+s12+$0x0], $0xffff  }
0x226: {  	[tilespmem:s5+$0x0] =	vst.add.f32.msk $0xffff, v0  }
0x227: {  	v1 =	vshll.u32 v3, $0x10;
	v0 =	vld.idx.msk [tilespmem:v63+s12+$0x0], $0xffff  }
0x228: {  	v3 =	vand.u32 $0xFFFF0000, v3;
	[tilespmem:s31+$0x0] =	vst.add.f32.msk $0xffff, v1  }
0x229: {  	v4 =	vadd.s32 v35, v47;
	[tilespmem:s2+$0x0] =	vst.add.f32.msk $0xffff, v3  }
0x22a: {  	s3 =	sor.u32 $0x70, s10;
	s4 =	sor.u32 $0x60, s10;
	s10 =	sor.u32 $0x60, s1;
	v3 =	vld.idx.msk [tilespmem:v52+s12+$0x0], $0xffff;
	v1 =	vshll.u32 v2, $0x10  }
0x22b: {  	s15 =	sor.u32 $0x70, s1;
	v2 =	vand.u32 $0xFFFF0000, v2;
	[tilespmem:s10+$0x0] =	vst.add.f32.msk $0xffff, v1  }
0x22c: {  	v1 =	vshll.u32 v0, $0x10;
	[tilespmem:s15+$0x0] =	vst.add.f32.msk $0xffff, v2  }
0x22d: {  	[tilespmem:s4+$0x0] =	vst.add.f32.msk $0xffff, v1  }
0x22e: {  	v0 =	vand.u32 $0xFFFF0000, v0;
	v2 =	vld.idx.msk [tilespmem:v4+s12+$0x0], $0xffff  }
0x22f: {  	[tilespmem:s3+$0x0] =	vst.add.f32.msk $0xffff, v0  }
0x230: {  	v1 =	vshll.u32 v3, $0x10;
	v0 =	vld.idx.msk [tilespmem:v61+s12+$0x0], $0xffff  }
0x231: {  	s21 =	sor.u32 $0x10, s28;
	v3 =	vand.u32 $0xFFFF0000, v3;
	[tilespmem:s28+$0x0] =	vst.add.f32.msk $0xffff, v1  }
0x232: {  	s16 =	sadd.s32 $0x13E00, s7;
	v4 =	vadd.s32 v36, v47;
	[tilespmem:s21+$0x0] =	vst.add.f32.msk $0xffff, v3  }
0x233: {  	s0 =	sadd.s32 s8, s16;
	v3 =	vld.idx.msk [tilespmem:v50+s12+$0x0], $0xffff;
	v1 =	vshll.u32 v2, $0x10  }
0x234: {  	s22 =	sor.u32 $0x10, s0;
	v2 =	vand.u32 $0xFFFF0000, v2;
	[tilespmem:s0+$0x0] =	vst.add.f32.msk $0xffff, v1  }
0x235: {  	s17 =	sadd.s32 s11, s16;
	v1 =	vshll.u32 v0, $0x10;
	[tilespmem:s22+$0x0] =	vst.add.f32.msk $0xffff, v2  }
0x236: {  	[tilespmem:s17+$0x0] =	vst.add.f32.msk $0xffff, v1  }
0x237: {  	s18 =	sor.u32 $0x10, s17;
	v0 =	vand.u32 $0xFFFF0000, v0;
	v2 =	vld.idx.msk [tilespmem:v4+s12+$0x0], $0xffff  }
0x238: {  	[tilespmem:s18+$0x0] =	vst.add.f32.msk $0xffff, v0  }
0x239: {  	s19 =	sor.u32 $0x20, s28;
	v1 =	vshll.u32 v3, $0x10;
	v0 =	vld.idx.msk [tilespmem:v59+s12+$0x0], $0xffff  }
0x23a: {  	s20 =	sor.u32 $0x30, s28;
	v3 =	vand.u32 $0xFFFF0000, v3;
	[tilespmem:s19+$0x0] =	vst.add.f32.msk $0xffff, v1  }
0x23b: {  	v4 =	vadd.s32 v37, v47;
	[tilespmem:s20+$0x0] =	vst.add.f32.msk $0xffff, v3  }
0x23c: {  	s14 =	sor.u32 $0x40, s28;
	s30 =	sor.u32 $0x50, s28;
	v52 =	vmov v5;
	s28 =	sor.u32 $0x20, s0;
	v5 =	vld.idx.msk [tilespmem:v49+s12+$0x0], $0xffff;
	v1 =	vshll.u32 v2, $0x10  }
0x23d: {  	s31 =	sor.u32 $0x30, s0;
	v2 =	vand.u32 $0xFFFF0000, v2;
	[tilespmem:s28+$0x0] =	vst.add.f32.msk $0xffff, v1  }
0x23e: {  	p0 =	slt.u32 s25, $0x1E;
	s21 =	sor.u32 $0x20, s17;
	v1 =	vshll.u32 v0, $0x10;
	[tilespmem:s31+$0x0] =	vst.add.f32.msk $0xffff, v2  }
.Ltmp2:
0x23f: {  	[tilespmem:s21+$0x0] =	vst.add.f32.msk $0xffff, v1;
	(pc) =	sbr.rel @p0 .LBB2_7-.Ltmp2, $4  }
0x240: {  	s26 =	sor.u32 $0x30, s17;
	v0 =	vand.u32 $0xFFFF0000, v0;
	v2 =	vld.idx.msk [tilespmem:v4+s12+$0x0], $0xffff  }
0x241: {  	[tilespmem:s26+$0x0] =	vst.add.f32.msk $0xffff, v0  }
0x242: {  	s29 =	sadd.s32 $0x20, s29;
	v53 =	vmov v6;
	s1 =	sor.u32 $0x60, s17;
	v0 =	vshll.u32 v5, $0x10;
	v3 =	vld.idx.msk [tilespmem:v58+s12+$0x0], $0xffff  }
0x243: {  	s2 =	sor.u32 $0x70, s17;
	s4 =	sor.u32 $0x40, s17;
	s3 =	sor.u32 $0x50, s17;
	v50 =	vmovc v62;
	v62 =	vmovc v25;
	v49 =	vmov v60;
	v1 =	vand.u32 $0xFFFF0000, v5;
	v4 =	vadd.s32 v38, v47;
	[tilespmem:s14+$0x0] =	vst.add.f32.msk $0xffff, v0  }
0x244: {  	_ = 	snop  }
0x245: {  	s5 =	sor.u32 $0x40, s0;
	v0 =	vshll.u32 v2, $0x10  }
0x246: {  	s14 =	sor.u32 $0x50, s0;
	v2 =	vand.u32 $0xFFFF0000, v2;
	[tilespmem:s5+$0x0] =	vst.add.f32.msk $0xffff, v0  }
0x247: {  	[tilespmem:s14+$0x0] =	vst.add.f32.msk $0xffff, v2  }
0x248: {  	v2 =	vld.idx.msk [tilespmem:v4+s12+$0x0], $0xffff  }
0x249: {  	v0 =	vshll.u32 v3, $0x10  }
0x24a: {  	v3 =	vand.u32 $0xFFFF0000, v3;
	[tilespmem:s4+$0x0] =	vst.add.f32.msk $0xffff, v0  }
0x24b: {  	[tilespmem:s3+$0x0] =	vst.add.f32.msk $0xffff, v3;
	v3 =	vadd.s32 v39, v47  }
0x24c: {  	v0 =	vld.idx.msk [tilespmem:v57+s12+$0x0], $0xffff  }
0x24d: {  	s15 =	sor.u32 $0x60, s0;
	v4 =	vshll.u32 v2, $0x10  }
0x24e: {  	s16 =	sor.u32 $0x70, s0;
	v2 =	vand.u32 $0xFFFF0000, v2;
	[tilespmem:s15+$0x0] =	vst.add.f32.msk $0xffff, v4  }
0x24f: {  	[tilespmem:s16+$0x0] =	vst.add.f32.msk $0xffff, v2  }
0x250: {  	v3 =	vld.idx.msk [tilespmem:v3+s12+$0x0], $0xffff  }
0x251: {  	v2 =	vshll.u32 v0, $0x10  }
0x252: {  	v0 =	vand.u32 $0xFFFF0000, v0;
	[tilespmem:s1+$0x0] =	vst.add.f32.msk $0xffff, v2  }
0x253: {  	[tilespmem:s2+$0x0] =	vst.add.f32.msk $0xffff, v0;
	v0 =	vadd.s32 v40, v47  }
0x254: {  	s17 =	sadd.s32 $0x14200, s7;
	v2 =	vld.idx.msk [tilespmem:v56+s12+$0x0], $0xffff  }
0x255: {  	s18 =	sadd.s32 s8, s17;
	v4 =	vshll.u32 v3, $0x10  }
0x256: {  	s19 =	sor.u32 $0x10, s18;
	v3 =	vand.u32 $0xFFFF0000, v3;
	[tilespmem:s18+$0x0] =	vst.add.f32.msk $0xffff, v4  }
0x257: {  	[tilespmem:s19+$0x0] =	vst.add.f32.msk $0xffff, v3  }
0x258: {  	v0 =	vld.idx.msk [tilespmem:v0+s12+$0x0], $0xffff  }
0x259: {  	s0 =	sadd.s32 s11, s17;
	v3 =	vshll.u32 v2, $0x10  }
0x25a: {  	s20 =	sor.u32 $0x10, s0;
	v2 =	vand.u32 $0xFFFF0000, v2;
	[tilespmem:s0+$0x0] =	vst.add.f32.msk $0xffff, v3  }
0x25b: {  	[tilespmem:s20+$0x0] =	vst.add.f32.msk $0xffff, v2;
	v2 =	vadd.s32 v41, v47  }
0x25c: {  	v3 =	vld.idx.msk [tilespmem:v55+s12+$0x0], $0xffff  }
0x25d: {  	s21 =	sor.u32 $0x20, s18;
	v4 =	vshll.u32 v0, $0x10  }
0x25e: {  	s22 =	sor.u32 $0x30, s18;
	v0 =	vand.u32 $0xFFFF0000, v0;
	[tilespmem:s21+$0x0] =	vst.add.f32.msk $0xffff, v4  }
0x25f: {  	[tilespmem:s22+$0x0] =	vst.add.f32.msk $0xffff, v0  }
0x260: {  	v0 =	vld.idx.msk [tilespmem:v2+s12+$0x0], $0xffff  }
0x261: {  	s23 =	sor.u32 $0x20, s0;
	v2 =	vshll.u32 v3, $0x10  }
0x262: {  	s25 =	sor.u32 $0x30, s0;
	v3 =	vand.u32 $0xFFFF0000, v3;
	[tilespmem:s23+$0x0] =	vst.add.f32.msk $0xffff, v2  }
0x263: {  	v2 =	vadd.s32 v42, v47;
	[tilespmem:s25+$0x0] =	vst.add.f32.msk $0xffff, v3  }
0x264: {  	v3 =	vld.idx.msk [tilespmem:v54+s12+$0x0], $0xffff  }
0x265: {  	s26 =	sor.u32 $0x40, s18;
	v4 =	vshll.u32 v0, $0x10  }
0x266: {  	s28 =	sor.u32 $0x50, s18;
	v0 =	vand.u32 $0xFFFF0000, v0;
	[tilespmem:s26+$0x0] =	vst.add.f32.msk $0xffff, v4  }
0x267: {  	[tilespmem:s28+$0x0] =	vst.add.f32.msk $0xffff, v0  }
0x268: {  	v0 =	vld.idx.msk [tilespmem:v2+s12+$0x0], $0xffff  }
0x269: {  	s29 =	sor.u32 $0x40, s0;
	v2 =	vshll.u32 v3, $0x10  }
0x26a: {  	s31 =	sor.u32 $0x50, s0;
	v3 =	vand.u32 $0xFFFF0000, v3;
	[tilespmem:s29+$0x0] =	vst.add.f32.msk $0xffff, v2  }
0x26b: {  	v2 =	vadd.s32 v43, v47;
	[tilespmem:s31+$0x0] =	vst.add.f32.msk $0xffff, v3  }
0x26c: {  	v3 =	vld.idx.msk [tilespmem:v53+s12+$0x0], $0xffff  }
0x26d: {  	s4 =	sor.u32 $0x60, s18;
	v4 =	vshll.u32 v0, $0x10  }
0x26e: {  	s1 =	sor.u32 $0x70, s18;
	v0 =	vand.u32 $0xFFFF0000, v0;
	[tilespmem:s4+$0x0] =	vst.add.f32.msk $0xffff, v4  }
0x26f: {  	[tilespmem:s1+$0x0] =	vst.add.f32.msk $0xffff, v0  }
0x270: {  	v0 =	vld.idx.msk [tilespmem:v2+s12+$0x0], $0xffff  }
0x271: {  	s5 =	sor.u32 $0x60, s0;
	v2 =	vshll.u32 v3, $0x10  }
0x272: {  	s0 =	sor.u32 $0x70, s0;
	v3 =	vand.u32 $0xFFFF0000, v3;
	[tilespmem:s5+$0x0] =	vst.add.f32.msk $0xffff, v2  }
0x273: {  	v2 =	vadd.s32 v44, v47;
	[tilespmem:s0+$0x0] =	vst.add.f32.msk $0xffff, v3  }
0x274: {  	s9 =	sadd.s32 $0x14600, s7;
	v3 =	vld.idx.msk [tilespmem:v52+s12+$0x0], $0xffff  }
0x275: {  	s10 =	sadd.s32 s8, s9;
	v4 =	vshll.u32 v0, $0x10  }
0x276: {  	s14 =	sor.u32 $0x10, s10;
	v0 =	vand.u32 $0xFFFF0000, v0;
	[tilespmem:s10+$0x0] =	vst.add.f32.msk $0xffff, v4  }
0x277: {  	[tilespmem:s14+$0x0] =	vst.add.f32.msk $0xffff, v0  }
0x278: {  	v0 =	vld.idx.msk [tilespmem:v2+s12+$0x0], $0xffff  }
0x279: {  	s0 =	sadd.s32 s11, s9;
	v2 =	vshll.u32 v3, $0x10  }
0x27a: {  	s15 =	sor.u32 $0x10, s0;
	v3 =	vand.u32 $0xFFFF0000, v3;
	[tilespmem:s0+$0x0] =	vst.add.f32.msk $0xffff, v2  }
0x27b: {  	v2 =	vadd.s32 v45, v47;
	[tilespmem:s15+$0x0] =	vst.add.f32.msk $0xffff, v3  }
0x27c: {  	v3 =	vld.idx.msk [tilespmem:v50+s12+$0x0], $0xffff  }
0x27d: {  	s16 =	sor.u32 $0x20, s10;
	v4 =	vshll.u32 v0, $0x10  }
0x27e: {  	s17 =	sor.u32 $0x30, s10;
	v0 =	vand.u32 $0xFFFF0000, v0;
	[tilespmem:s16+$0x0] =	vst.add.f32.msk $0xffff, v4  }
0x27f: {  	[tilespmem:s17+$0x0] =	vst.add.f32.msk $0xffff, v0  }
0x280: {  	v0 =	vld.idx.msk [tilespmem:v2+s12+$0x0], $0xffff  }
0x281: {  	[tilespmem:s30+$0x0] =	vst.add.f32.msk $0xffff, v1;
	s18 =	sor.u32 $0x20, s0;
	v2 =	vshll.u32 v3, $0x10  }
0x282: {  	s19 =	sor.u32 $0x30, s0;
	v3 =	vand.u32 $0xFFFF0000, v3;
	[tilespmem:s18+$0x0] =	vst.add.f32.msk $0xffff, v2  }
0x283: {  	v2 =	vadd.s32 v46, v47;
	[tilespmem:s19+$0x0] =	vst.add.f32.msk $0xffff, v3  }
0x284: {  	v3 =	vld.idx.msk [tilespmem:v49+s12+$0x0], $0xffff  }
0x285: {  	v1 =	vld.idx.msk [tilespmem:v48+s12+$0x0], $0xffff;
	s20 =	sor.u32 $0x40, s10;
	v4 =	vshll.u32 v0, $0x10  }
0x286: {  	s21 =	sor.u32 $0x50, s10;
	v0 =	vand.u32 $0xFFFF0000, v0;
	[tilespmem:s20+$0x0] =	vst.add.f32.msk $0xffff, v4  }
0x287: {  	[tilespmem:s21+$0x0] =	vst.add.f32.msk $0xffff, v0  }
0x288: {  	v0 =	vld.idx.msk [tilespmem:v2+s12+$0x0], $0xffff  }
0x289: {  	s22 =	sor.u32 $0x40, s0;
	v2 =	vshll.u32 v3, $0x10  }
0x28a: {  	s23 =	sor.u32 $0x50, s0;
	v3 =	vand.u32 $0xFFFF0000, v3;
	[tilespmem:s22+$0x0] =	vst.add.f32.msk $0xffff, v2  }
0x28b: {  	[tilespmem:s23+$0x0] =	vst.add.f32.msk $0xffff, v3  }
0x28c: {  	v3 =	vshll.u32 v1, $0x10;
	v2 =	vld.idx.msk [tilespmem:v51+s12+$0x0], $0xffff  }
0x28d: {  	s25 =	sor.u32 $0x60, s10;
	[tilespmem:s13+$0x0] =	vst.add.f32.msk $0xffff, v3;
	v3 =	vshll.u32 v0, $0x10  }
0x28e: {  	[tilespmem:s25+$0x0] =	vst.add.f32.msk $0xffff, v3  }
0x28f: {  	v5 =	vimm.s32 $0x1;
	v6 =	vimm.s32 $0x2;
	s1 =	sor.u32 $0x70, s10;
	v0 =	vand.u32 $0xFFFF0000, v0;
	s2 =	rddreg [dreg:$0x4]  }
0x290: {  	v7 =	vimm.s32 $0x3;
	v8 =	vimm.s32 $0x4;
	v1 =	vand.u32 $0xFFFF0000, v1;
	[tilespmem:s1+$0x0] =	vst.add.f32.msk $0xffff, v0;
	s2 =	sor.u32 s2, s6  }
0x291: {  	v9 =	vimm.s32 $0x5;
	v10 =	vimm.s32 $0x6;
	s28 =	sor.u32 $0x60, s0;
	[tilespmem:s24+$0x0] =	vst.add.f32.msk $0xffff, v1;
	v0 =	vshll.u32 v2, $0x10;
	s26 =	sshrl.u32 s2, $0x3  }
0x292: {  	v11 =	vimm.s32 $0x7;
	v12 =	vimm.s32 $0x8;
	s31 =	sadd.s32 $0x820, s6;
	s0 =	sor.u32 $0x70, s0;
	v1 =	vand.u32 $0xFFFF0000, v2;
	[tilespmem:s28+$0x0] =	vst.add.f32.msk $0xffff, v0;
	s1 =	smul.u32 $0x300, s26  }
0x293: {  	s30 =	simm.s32 $0x13200;
	p0 =	por $0x1, $0x1;
	v13 =	vimm.s32 $0x9;
	v14 =	vimm.s32 $0xA;
	s29 =	rddreg [dreg:$0x2];
	[tilespmem:s0+$0x0] =	vst.add.f32.msk $0xffff, v1;
	v1 =	vmov s31  }
0x294: {  	v15 =	vimm.s32 $0xB;
	v16 =	vimm.s32 $0xC;
	v17 =	vimm.s32 $0xD;
	s6 =	sor.u32 $0x20, s6;
	s0 =	simm.s32 $0x0;
	s1 =	sadd.s32 s29, s1  }
0x295: {  	v18 =	vimm.s32 $0xE;
	v19 =	vimm.s32 $0xF;
	v4 =	vimm.s32 $0x0;
	[hbm4b:s1+s0] =	stream.linear.scatter [tilespmem:s30], [sflag:$0x3], $0x6000, $0x38;
	[tilespmem:$0x1F200] =	vst v63  }
.LBB2_9:
0x296: {  	s1 =	sshll.u32 s0, $0x4  }
0x297: {  	s1 =	sand.u32 $0x3FFFFFF0, s1  }
0x298: {  	v0 =	vld.idx.msk [tilespmem:v1+s1+$0x0 ss:$0x1], $0xffff;
	_ =	sdelay $0x4  }
0x299: {  	s31 =	sshll.u32 s0, $0x8;
	v2 =	vperm.xlane v0, v4  }
0x29a: {  	s0 =	sand.u32 $0x3FFFFF00, s31;
	v3 =	vperm.xlane v0, v5  }
0x29b: {  	[tilespmem:s0+$0x13000] =	vst v2;
	v2 =	vperm.xlane v0, v6  }
0x29c: {  	[tilespmem:s0+$0x13010] =	vst v3;
	v3 =	vperm.xlane v0, v7  }
0x29d: {  	[tilespmem:s0+$0x13020] =	vst v2;
	v2 =	vperm.xlane v0, v8  }
0x29e: {  	[tilespmem:s0+$0x13030] =	vst v3;
	v3 =	vperm.xlane v0, v9  }
0x29f: {  	[tilespmem:s0+$0x13040] =	vst v2;
	v2 =	vperm.xlane v0, v10  }
0x2a0: {  	[tilespmem:s0+$0x13050] =	vst v3;
	v3 =	vperm.xlane v0, v11  }
0x2a1: {  	[tilespmem:s0+$0x13060] =	vst v2;
	v2 =	vperm.xlane v0, v12  }
0x2a2: {  	[tilespmem:s0+$0x13070] =	vst v3;
	v3 =	vperm.xlane v0, v13  }
0x2a3: {  	[tilespmem:s0+$0x13080] =	vst v2;
	v2 =	vperm.xlane v0, v14  }
0x2a4: {  	[tilespmem:s0+$0x13090] =	vst v3;
	v3 =	vperm.xlane v0, v15  }
0x2a5: {  	p1 =	por p0, p0;
	[tilespmem:s0+$0x130A0] =	vst v2;
	v2 =	vperm.xlane v0, v16  }
.Ltmp3:
0x2a6: {  	[tilespmem:s0+$0x130B0] =	vst v3;
	v3 =	vperm.xlane v0, v17;
	(pc) =	sbr.rel @p1 .LBB2_9-.Ltmp3, $4  }
0x2a7: {  	[tilespmem:s0+$0x130C0] =	vst v2;
	v2 =	vperm.xlane v0, v18  }
0x2a8: {  	[tilespmem:s0+$0x130D0] =	vst v3;
	v0 =	vperm.xlane v0, v19  }
0x2a9: {  	[tilespmem:s0+$0x130E0] =	vst v2  }
0x2aa: {  	p0 =	por $0x0, $0x0;
	[tilespmem:s0+$0x130F0] =	vst v0;
	s0 =	simm.s32 $0x1  }
0x2ab: {  	s0 =	rddreg [dreg:$0xc]  }
0x2ac: {  	p0 =	seq.s32 s0, $0x1F  }
0x2ad: {  	s0 =	simm.s32 @!p0 $0x3  }
0x2ae: {  	_ =	swait.ge @!p0 [sflag:s0], $0x6000  }
0x2af: {  	[sflag:s0] =	ssyncset.done @!p0 $0x0  }
0x2b0: {  	[sflag:s0] =	ssyncadd.s32 @!p0 $0xFFFFA000  }
0x2b1: {  	v0 =	vld @!p0 [tilespmem:s6+$0x20];
	_ =	sdelay $0x4  }
0x2b2: {  	v1 =	vshrl.u32 @!p0 v0, $0x3  }
0x2b3: {  	v1 =	vmul.u32 @!p0 $0x30, v1  }
0x2b4: {  	v2 =	vlaneseq.u32 @!p0;
	v0 =	vand.u32 @!p0 $0x7, v0  }
0x2b5: {  	v3 =	vshrl.u32 @!p0 v2, $0x3;
	v0 =	vor.u32 @!p0 v0, v1;
	v1 =	vand.u32 @!p0 $0x7, v2  }
0x2b6: {  	v3 =	vmul.u32 @!p0 $0x8, v3;
	v4 =	vperm.xlane @!p0 v0, v1;
	_ =	sdelay $0x1  }
0x2b7: {  	v4 =	vadd.s32 @!p0 v3, v4;
	_ =	sdelay $0x2  }
0x2b8: {  	v2 =	vor.u32 @!p0 $0x8, v2  }
0x2b9: {  	vm1 =	vmmov @!p0 $0xffff;
	s1 =	simm.s32 @!p0 $0x13200;
	s0 =	simm.s32 @!p0 $0x0;
	s2 =	rddreg [dreg:$0x0];
	v0 =	vperm.xlane @!p0 v0, v2  }
0x2ba: {  	[tilespmem:s1], [sflag:$0x1] =	stream.indirect_vreg.gather @!p0 [hbm4b:s2+s0], $0x80, v4, vm1, $0xb8;
	[tilespmem:$0x1F200] =	vst v63  }
0x2bb: {  	s3 =	rddreg [dreg:$0x8];
	v0 =	vadd.s32 @!p0 v3, v0;
	s1 =	simm.s32 @!p0 $0x13A00  }
0x2bc: {  	[tilespmem:s1], [sflag:$0x1] =	stream.indirect_vreg.gather @!p0 [hbm4b:s3+s0], $0x80, v4, vm1, $0xb8;
	[tilespmem:$0x1F200] =	vst v63  }
0x2bd: {  	s4 =	rddreg [dreg:$0x9];
	s1 =	simm.s32 @!p0 $0x14200  }
0x2be: {  	[tilespmem:s1], [sflag:$0x1] =	stream.indirect_vreg.gather @!p0 [hbm4b:s4+s0], $0x80, v4, vm1, $0xb8;
	[tilespmem:$0x1F200] =	vst v63  }
0x2bf: {  	s1 =	simm.s32 @!p0 $0x14A00  }
0x2c0: {  	[tilespmem:s1], [sflag:$0x1] =	stream.indirect_vreg.gather @!p0 [hbm4b:s2+s0], $0x80, v0, vm1, $0xb8;
	[tilespmem:$0x1F200] =	vst v63  }
0x2c1: {  	s1 =	simm.s32 @!p0 $0x15200  }
0x2c2: {  	[tilespmem:s1], [sflag:$0x1] =	stream.indirect_vreg.gather @!p0 [hbm4b:s3+s0], $0x80, v0, vm1, $0xb8;
	[tilespmem:$0x1F200] =	vst v63  }
0x2c3: {  	s1 =	simm.s32 @!p0 $0x15A00  }
0x2c4: {  	[tilespmem:s1], [sflag:$0x1] =	stream.indirect_vreg.gather @!p0 [hbm4b:s4+s0], $0x80, v0, vm1, $0xb8;
	[tilespmem:$0x1F200] =	vst v63  }
0x2c5: {  	v0 =	vld @!p0 [tilespmem:s6+$0x30];
	_ =	sdelay $0x4  }
0x2c6: {  	v4 =	vshrl.u32 @!p0 v0, $0x3  }
0x2c7: {  	v4 =	vmul.u32 @!p0 $0x30, v4  }
0x2c8: {  	v0 =	vand.u32 @!p0 $0x7, v0  }
0x2c9: {  	v0 =	vor.u32 @!p0 v0, v4  }
0x2ca: {  	v1 =	vperm.xlane @!p0 v0, v1;
	_ =	sdelay $0x1  }
0x2cb: {  	v1 =	vadd.s32 @!p0 v3, v1;
	_ =	sdelay $0x3  }
0x2cc: {  	s1 =	simm.s32 @!p0 $0x16200;
	v0 =	vperm.xlane @!p0 v0, v2  }
0x2cd: {  	[tilespmem:s1], [sflag:$0x1] =	stream.indirect_vreg.gather @!p0 [hbm4b:s2+s0], $0x80, v1, vm1, $0xb8;
	[tilespmem:$0x1F200] =	vst v63  }
0x2ce: {  	v0 =	vadd.s32 @!p0 v3, v0;
	s1 =	simm.s32 @!p0 $0x16A00  }
0x2cf: {  	[tilespmem:s1], [sflag:$0x1] =	stream.indirect_vreg.gather @!p0 [hbm4b:s3+s0], $0x80, v1, vm1, $0xb8;
	[tilespmem:$0x1F200] =	vst v63  }
0x2d0: {  	s1 =	simm.s32 @!p0 $0x17200  }
0x2d1: {  	[tilespmem:s1], [sflag:$0x1] =	stream.indirect_vreg.gather @!p0 [hbm4b:s4+s0], $0x80, v1, vm1, $0xb8;
	[tilespmem:$0x1F200] =	vst v63  }
0x2d2: {  	s1 =	simm.s32 @!p0 $0x17A00  }
0x2d3: {  	[tilespmem:s1], [sflag:$0x1] =	stream.indirect_vreg.gather @!p0 [hbm4b:s2+s0], $0x80, v0, vm1, $0xb8;
	[tilespmem:$0x1F200] =	vst v63  }
0x2d4: {  	s1 =	simm.s32 @!p0 $0x18200  }
0x2d5: {  	[tilespmem:s1], [sflag:$0x1] =	stream.indirect_vreg.gather @!p0 [hbm4b:s3+s0], $0x80, v0, vm1, $0xb8;
	[tilespmem:$0x1F200] =	vst v63  }
0x2d6: {  	s2 =	simm.s32 $0x2;
	s1 =	simm.s32 @!p0 $0x18A00  }
0x2d7: {  	[tilespmem:s1], [sflag:$0x1] =	stream.indirect_vreg.gather @!p0 [hbm4b:s4+s0], $0x80, v0, vm1, $0xb8;
	[tilespmem:$0x1F200] =	vst v63  }
0x2d8: {  	_ =	swait.ge [sflag:s2], $0x6000  }
0x2d9: {  	[sflag:s2] =	ssyncset.done $0x0  }
0x2da: {  	s3 =	simm.s32 $0x13010;
	[sflag:s2] =	ssyncadd.s32 $0xFFFFA000  }
0x2db: {  	v49 =	vld [tilespmem:s3+$0x0];
	_ =	sdelay $0x3  }
0x2dc: {  	v48 =	vld [tilespmem:s3+$0xFFFFFFF0]  }
0x2dd: {  	v0 =	vadd.s32 v24, v49;
	_ =	sdelay $0x3  }
0x2de: {  	v1 =	vadd.s32 v24, v48  }
0x2df: {  	s4 =	simm.s32 $0x0;
	v0 =	vld.idx.msk [tilespmem:v0+s12+$0x0], $0xffff  }
0x2e0: {  	s0 =	smul.u32 $0x6000, s4;
	_ =	sdelay $0x1  }
0x2e1: {  	s5 =	simm.s32 $0x80;
	s24 =	sshra.s32 s0, $0x2;
	v2 =	vadd.s32 v62, v49  }
0x2e2: {  	s25 =	sand.u32 $0x380, s5;
	s7 =	sadd.s32 $0x19200, s24;
	v1 =	vld.idx.msk [tilespmem:v1+s12+$0x0], $0xffff  }
0x2e3: {  	s8 =	sadd.s32 s25, s7;
	v3 =	vshll.u32 v0, $0x10  }
0x2e4: {  	s10 =	sor.u32 $0x10, s8;
	v0 =	vand.u32 $0xFFFF0000, v0;
	[tilespmem:s8+$0x0] =	vst.add.f32.msk $0xffff, v3  }
0x2e5: {  	s9 =	simm.s32 $0x0;
	v4 =	vadd.s32 v62, v48;
	[tilespmem:s10+$0x0] =	vst.add.f32.msk $0xffff, v0  }
0x2e6: {  	s13 =	sand.u32 $0x300, s9;
	v0 =	vld.idx.msk [tilespmem:v2+s12+$0x0], $0xffff  }
0x2e7: {  	s1 =	sadd.s32 s13, s7;
	v2 =	vshll.u32 v1, $0x10  }
0x2e8: {  	s2 =	sor.u32 $0x10, s1;
	v1 =	vand.u32 $0xFFFF0000, v1;
	[tilespmem:s1+$0x0] =	vst.add.f32.msk $0xffff, v2  }
0x2e9: {  	[tilespmem:s2+$0x0] =	vst.add.f32.msk $0xffff, v1;
	v1 =	vadd.s32 v22, v49  }
0x2ea: {  	v2 =	vld.idx.msk [tilespmem:v4+s12+$0x0], $0xffff  }
0x2eb: {  	s11 =	sor.u32 $0x20, s8;
	v3 =	vshll.u32 v0, $0x10  }
0x2ec: {  	s14 =	sor.u32 $0x30, s8;
	v0 =	vand.u32 $0xFFFF0000, v0;
	[tilespmem:s11+$0x0] =	vst.add.f32.msk $0xffff, v3  }
0x2ed: {  	v4 =	vadd.s32 v22, v48;
	[tilespmem:s14+$0x0] =	vst.add.f32.msk $0xffff, v0  }
0x2ee: {  	v0 =	vld.idx.msk [tilespmem:v1+s12+$0x0], $0xffff  }
0x2ef: {  	s15 =	sor.u32 $0x20, s1;
	v1 =	vshll.u32 v2, $0x10  }
0x2f0: {  	s16 =	sor.u32 $0x30, s1;
	v2 =	vand.u32 $0xFFFF0000, v2;
	[tilespmem:s15+$0x0] =	vst.add.f32.msk $0xffff, v1  }
0x2f1: {  	v1 =	vadd.s32 v26, v49;
	[tilespmem:s16+$0x0] =	vst.add.f32.msk $0xffff, v2  }
0x2f2: {  	v2 =	vld.idx.msk [tilespmem:v4+s12+$0x0], $0xffff  }
0x2f3: {  	s17 =	sor.u32 $0x40, s8;
	v3 =	vshll.u32 v0, $0x10  }
0x2f4: {  	s18 =	sor.u32 $0x50, s8;
	v0 =	vand.u32 $0xFFFF0000, v0;
	[tilespmem:s17+$0x0] =	vst.add.f32.msk $0xffff, v3  }
0x2f5: {  	v4 =	vadd.s32 v26, v48;
	[tilespmem:s18+$0x0] =	vst.add.f32.msk $0xffff, v0  }
0x2f6: {  	v0 =	vld.idx.msk [tilespmem:v1+s12+$0x0], $0xffff  }
0x2f7: {  	s19 =	sor.u32 $0x40, s1;
	v1 =	vshll.u32 v2, $0x10  }
0x2f8: {  	s20 =	sor.u32 $0x50, s1;
	v2 =	vand.u32 $0xFFFF0000, v2;
	[tilespmem:s19+$0x0] =	vst.add.f32.msk $0xffff, v1  }
0x2f9: {  	v1 =	vadd.s32 v27, v49;
	[tilespmem:s20+$0x0] =	vst.add.f32.msk $0xffff, v2  }
0x2fa: {  	v2 =	vld.idx.msk [tilespmem:v4+s12+$0x0], $0xffff  }
0x2fb: {  	s21 =	sor.u32 $0x60, s8;
	v3 =	vshll.u32 v0, $0x10  }
0x2fc: {  	s22 =	sor.u32 $0x70, s8;
	v0 =	vand.u32 $0xFFFF0000, v0;
	[tilespmem:s21+$0x0] =	vst.add.f32.msk $0xffff, v3  }
0x2fd: {  	v4 =	vadd.s32 v27, v48;
	[tilespmem:s22+$0x0] =	vst.add.f32.msk $0xffff, v0  }
0x2fe: {  	v0 =	vld.idx.msk [tilespmem:v1+s12+$0x0], $0xffff  }
0x2ff: {  	s23 =	sor.u32 $0x60, s1;
	v1 =	vshll.u32 v2, $0x10  }
0x300: {  	s26 =	sor.u32 $0x70, s1;
	v2 =	vand.u32 $0xFFFF0000, v2;
	[tilespmem:s23+$0x0] =	vst.add.f32.msk $0xffff, v1  }
0x301: {  	v1 =	vadd.s32 v28, v49;
	[tilespmem:s26+$0x0] =	vst.add.f32.msk $0xffff, v2  }
0x302: {  	v2 =	vld.idx.msk [tilespmem:v4+s12+$0x0], $0xffff  }
0x303: {  	v3 =	vshll.u32 v0, $0x10  }
0x304: {  	v0 =	vand.u32 $0xFFFF0000, v0;
	[tilespmem:s8+$0x400] =	vst.add.f32.msk $0xffff, v3  }
0x305: {  	v4 =	vadd.s32 v28, v48;
	[tilespmem:s8+$0x410] =	vst.add.f32.msk $0xffff, v0  }
0x306: {  	v0 =	vld.idx.msk [tilespmem:v1+s12+$0x0], $0xffff  }
0x307: {  	v1 =	vshll.u32 v2, $0x10  }
0x308: {  	v2 =	vand.u32 $0xFFFF0000, v2;
	[tilespmem:s1+$0x400] =	vst.add.f32.msk $0xffff, v1  }
0x309: {  	[tilespmem:s1+$0x410] =	vst.add.f32.msk $0xffff, v2;
	v1 =	vadd.s32 v29, v49  }
0x30a: {  	v2 =	vld.idx.msk [tilespmem:v4+s12+$0x0], $0xffff  }
0x30b: {  	v3 =	vshll.u32 v0, $0x10  }
0x30c: {  	v0 =	vand.u32 $0xFFFF0000, v0;
	[tilespmem:s8+$0x420] =	vst.add.f32.msk $0xffff, v3  }
0x30d: {  	v4 =	vadd.s32 v29, v48;
	[tilespmem:s8+$0x430] =	vst.add.f32.msk $0xffff, v0  }
0x30e: {  	v0 =	vld.idx.msk [tilespmem:v1+s12+$0x0], $0xffff  }
0x30f: {  	v1 =	vshll.u32 v2, $0x10  }
0x310: {  	v2 =	vand.u32 $0xFFFF0000, v2;
	[tilespmem:s1+$0x420] =	vst.add.f32.msk $0xffff, v1  }
0x311: {  	[tilespmem:s1+$0x430] =	vst.add.f32.msk $0xffff, v2;
	v2 =	vadd.s32 v30, v49  }
0x312: {  	v1 =	vld.idx.msk [tilespmem:v4+s12+$0x0], $0xffff  }
0x313: {  	v3 =	vshll.u32 v0, $0x10  }
0x314: {  	v0 =	vand.u32 $0xFFFF0000, v0;
	[tilespmem:s8+$0x440] =	vst.add.f32.msk $0xffff, v3  }
0x315: {  	v4 =	vadd.s32 v30, v48;
	[tilespmem:s8+$0x450] =	vst.add.f32.msk $0xffff, v0  }
0x316: {  	v2 =	vld.idx.msk [tilespmem:v2+s12+$0x0], $0xffff  }
0x317: {  	v0 =	vshll.u32 v1, $0x10  }
0x318: {  	v1 =	vand.u32 $0xFFFF0000, v1;
	[tilespmem:s1+$0x440] =	vst.add.f32.msk $0xffff, v0  }
0x319: {  	[tilespmem:s1+$0x450] =	vst.add.f32.msk $0xffff, v1;
	v1 =	vadd.s32 v31, v49  }
0x31a: {  	v0 =	vld.idx.msk [tilespmem:v4+s12+$0x0], $0xffff  }
0x31b: {  	v3 =	vshll.u32 v2, $0x10  }
0x31c: {  	v2 =	vand.u32 $0xFFFF0000, v2;
	[tilespmem:s8+$0x460] =	vst.add.f32.msk $0xffff, v3  }
0x31d: {  	v4 =	vadd.s32 v31, v48;
	[tilespmem:s8+$0x470] =	vst.add.f32.msk $0xffff, v2  }
0x31e: {  	v1 =	vld.idx.msk [tilespmem:v1+s12+$0x0], $0xffff  }
0x31f: {  	v2 =	vshll.u32 v0, $0x10  }
0x320: {  	v0 =	vand.u32 $0xFFFF0000, v0;
	[tilespmem:s1+$0x460] =	vst.add.f32.msk $0xffff, v2  }
0x321: {  	[tilespmem:s1+$0x470] =	vst.add.f32.msk $0xffff, v0;
	v2 =	vadd.s32 v32, v49  }
0x322: {  	s28 =	sadd.s32 $0x19A00, s24;
	v0 =	vld.idx.msk [tilespmem:v4+s12+$0x0], $0xffff  }
0x323: {  	s31 =	sadd.s32 s25, s28;
	v3 =	vshll.u32 v1, $0x10  }
0x324: {  	s4 =	sor.u32 $0x10, s31;
	v1 =	vand.u32 $0xFFFF0000, v1;
	[tilespmem:s31+$0x0] =	vst.add.f32.msk $0xffff, v3  }
0x325: {  	v4 =	vadd.s32 v32, v48;
	[tilespmem:s4+$0x0] =	vst.add.f32.msk $0xffff, v1  }
0x326: {  	v2 =	vld.idx.msk [tilespmem:v2+s12+$0x0], $0xffff  }
0x327: {  	s0 =	sadd.s32 s13, s28;
	v1 =	vshll.u32 v0, $0x10  }
0x328: {  	s5 =	sor.u32 $0x10, s0;
	v0 =	vand.u32 $0xFFFF0000, v0;
	[tilespmem:s0+$0x0] =	vst.add.f32.msk $0xffff, v1  }
0x329: {  	v1 =	vadd.s32 v33, v49;
	[tilespmem:s5+$0x0] =	vst.add.f32.msk $0xffff, v0  }
0x32a: {  	v0 =	vld.idx.msk [tilespmem:v4+s12+$0x0], $0xffff  }
0x32b: {  	s7 =	sor.u32 $0x20, s31;
	v3 =	vshll.u32 v2, $0x10  }
0x32c: {  	s8 =	sor.u32 $0x30, s31;
	v2 =	vand.u32 $0xFFFF0000, v2;
	[tilespmem:s7+$0x0] =	vst.add.f32.msk $0xffff, v3  }
0x32d: {  	v4 =	vadd.s32 v33, v48;
	[tilespmem:s8+$0x0] =	vst.add.f32.msk $0xffff, v2  }
0x32e: {  	v1 =	vld.idx.msk [tilespmem:v1+s12+$0x0], $0xffff  }
0x32f: {  	s9 =	sor.u32 $0x20, s0;
	v2 =	vshll.u32 v0, $0x10  }
0x330: {  	s10 =	sor.u32 $0x30, s0;
	v0 =	vand.u32 $0xFFFF0000, v0;
	[tilespmem:s9+$0x0] =	vst.add.f32.msk $0xffff, v2  }
0x331: {  	v2 =	vadd.s32 v34, v49;
	[tilespmem:s10+$0x0] =	vst.add.f32.msk $0xffff, v0  }
0x332: {  	v0 =	vld.idx.msk [tilespmem:v4+s12+$0x0], $0xffff  }
0x333: {  	s11 =	sor.u32 $0x40, s31;
	v3 =	vshll.u32 v1, $0x10  }
0x334: {  	s14 =	sor.u32 $0x50, s31;
	v1 =	vand.u32 $0xFFFF0000, v1;
	[tilespmem:s11+$0x0] =	vst.add.f32.msk $0xffff, v3  }
0x335: {  	v4 =	vadd.s32 v34, v48;
	[tilespmem:s14+$0x0] =	vst.add.f32.msk $0xffff, v1  }
0x336: {  	v2 =	vld.idx.msk [tilespmem:v2+s12+$0x0], $0xffff  }
0x337: {  	s15 =	sor.u32 $0x40, s0;
	v1 =	vshll.u32 v0, $0x10  }
0x338: {  	s16 =	sor.u32 $0x50, s0;
	v0 =	vand.u32 $0xFFFF0000, v0;
	[tilespmem:s15+$0x0] =	vst.add.f32.msk $0xffff, v1  }
0x339: {  	v1 =	vadd.s32 v35, v49;
	[tilespmem:s16+$0x0] =	vst.add.f32.msk $0xffff, v0  }
0x33a: {  	v0 =	vld.idx.msk [tilespmem:v4+s12+$0x0], $0xffff  }
0x33b: {  	s17 =	sor.u32 $0x60, s31;
	v3 =	vshll.u32 v2, $0x10  }
0x33c: {  	s1 =	sor.u32 $0x70, s31;
	v2 =	vand.u32 $0xFFFF0000, v2;
	[tilespmem:s17+$0x0] =	vst.add.f32.msk $0xffff, v3  }
0x33d: {  	v4 =	vadd.s32 v35, v48;
	[tilespmem:s1+$0x0] =	vst.add.f32.msk $0xffff, v2  }
0x33e: {  	v1 =	vld.idx.msk [tilespmem:v1+s12+$0x0], $0xffff  }
0x33f: {  	s18 =	sor.u32 $0x60, s0;
	v2 =	vshll.u32 v0, $0x10  }
0x340: {  	s0 =	sor.u32 $0x70, s0;
	v0 =	vand.u32 $0xFFFF0000, v0;
	[tilespmem:s18+$0x0] =	vst.add.f32.msk $0xffff, v2  }
0x341: {  	v2 =	vadd.s32 v36, v49;
	[tilespmem:s0+$0x0] =	vst.add.f32.msk $0xffff, v0  }
0x342: {  	s19 =	sadd.s32 $0x19E00, s24;
	v0 =	vld.idx.msk [tilespmem:v4+s12+$0x0], $0xffff  }
0x343: {  	s20 =	sadd.s32 s25, s19;
	v3 =	vshll.u32 v1, $0x10  }
0x344: {  	s21 =	sor.u32 $0x10, s20;
	v1 =	vand.u32 $0xFFFF0000, v1;
	[tilespmem:s20+$0x0] =	vst.add.f32.msk $0xffff, v3  }
0x345: {  	v4 =	vadd.s32 v36, v48;
	[tilespmem:s21+$0x0] =	vst.add.f32.msk $0xffff, v1  }
0x346: {  	v2 =	vld.idx.msk [tilespmem:v2+s12+$0x0], $0xffff  }
0x347: {  	s0 =	sadd.s32 s13, s19;
	v1 =	vshll.u32 v0, $0x10  }
0x348: {  	s22 =	sor.u32 $0x10, s0;
	v0 =	vand.u32 $0xFFFF0000, v0;
	[tilespmem:s0+$0x0] =	vst.add.f32.msk $0xffff, v1  }
0x349: {  	v1 =	vadd.s32 v37, v49;
	[tilespmem:s22+$0x0] =	vst.add.f32.msk $0xffff, v0  }
0x34a: {  	v0 =	vld.idx.msk [tilespmem:v4+s12+$0x0], $0xffff  }
0x34b: {  	s23 =	sor.u32 $0x20, s20;
	v3 =	vshll.u32 v2, $0x10  }
0x34c: {  	s26 =	sor.u32 $0x30, s20;
	v2 =	vand.u32 $0xFFFF0000, v2;
	[tilespmem:s23+$0x0] =	vst.add.f32.msk $0xffff, v3  }
0x34d: {  	v3 =	vadd.s32 v37, v48;
	[tilespmem:s26+$0x0] =	vst.add.f32.msk $0xffff, v2  }
0x34e: {  	s4 =	simm.s32 $0x13030;
	v1 =	vld.idx.msk [tilespmem:v1+s12+$0x0], $0xffff  }
0x34f: {  	v47 =	vld [tilespmem:s4+$0x0];
	s28 =	sor.u32 $0x20, s0;
	v2 =	vshll.u32 v0, $0x10  }
0x350: {  	s31 =	sor.u32 $0x30, s0;
	v0 =	vand.u32 $0xFFFF0000, v0;
	[tilespmem:s28+$0x0] =	vst.add.f32.msk $0xffff, v2  }
0x351: {  	[tilespmem:s31+$0x0] =	vst.add.f32.msk $0xffff, v0;
	v0 =	vadd.s32 v38, v49  }
0x352: {  	v2 =	vld.idx.msk [tilespmem:v3+s12+$0x0], $0xffff  }
0x353: {  	v5 =	vld [tilespmem:s4+$0xFFFFFFF0];
	s5 =	sor.u32 $0x40, s20;
	v3 =	vshll.u32 v1, $0x10  }
0x354: {  	s7 =	sor.u32 $0x50, s20;
	v1 =	vand.u32 $0xFFFF0000, v1;
	[tilespmem:s5+$0x0] =	vst.add.f32.msk $0xffff, v3  }
0x355: {  	v3 =	vadd.s32 v38, v48;
	[tilespmem:s7+$0x0] =	vst.add.f32.msk $0xffff, v1  }
0x356: {  	v1 =	vadd.s32 v24, v47;
	v0 =	vld.idx.msk [tilespmem:v0+s12+$0x0], $0xffff  }
0x357: {  	s8 =	sor.u32 $0x40, s0;
	v4 =	vshll.u32 v2, $0x10  }
0x358: {  	s9 =	sor.u32 $0x50, s0;
	v2 =	vand.u32 $0xFFFF0000, v2;
	[tilespmem:s8+$0x0] =	vst.add.f32.msk $0xffff, v4;
	v4 =	vadd.s32 v24, v5  }
0x359: {  	[tilespmem:s9+$0x0] =	vst.add.f32.msk $0xffff, v2  }
0x35a: {  	v2 =	vadd.s32 v39, v49;
	v3 =	vld.idx.msk [tilespmem:v3+s12+$0x0], $0xffff  }
0x35b: {  	s10 =	sor.u32 $0x60, s20;
	v1 =	vld.idx.msk [tilespmem:v1+s12+$0x0], $0xffff;
	v6 =	vshll.u32 v0, $0x10  }
0x35c: {  	s11 =	simm.s32 $0x0;
	[tilespmem:s10+$0x0] =	vst.add.f32.msk $0xffff, v6  }
0x35d: {  	s14 =	smul.u32 $0x6000, s11;
	s1 =	sor.u32 $0x70, s20;
	v0 =	vand.u32 $0xFFFF0000, v0;
	v4 =	vld.idx.msk [tilespmem:v4+s12+$0x0], $0xffff  }
0x35e: {  	[tilespmem:s1+$0x0] =	vst.add.f32.msk $0xffff, v0  }
0x35f: {  	s15 =	sor.u32 $0x60, s0;
	s23 =	simm.s32 $0x180;
	s7 =	sshra.s32 s14, $0x2;
	v6 =	vadd.s32 v62, v47;
	v0 =	vld.idx.msk [tilespmem:v2+s12+$0x0], $0xffff;
	v2 =	vshll.u32 v3, $0x10  }
0x360: {  	s16 =	sor.u32 $0x70, s0;
	s17 =	sadd.s32 $0x19200, s7;
	s8 =	sand.u32 $0x380, s23;
	v3 =	vand.u32 $0xFFFF0000, v3;
	[tilespmem:s15+$0x0] =	vst.add.f32.msk $0xffff, v2  }
0x361: {  	s0 =	sadd.s32 s8, s17;
	v2 =	vshll.u32 v1, $0x10;
	[tilespmem:s16+$0x0] =	vst.add.f32.msk $0xffff, v3  }
0x362: {  	s18 =	sor.u32 $0x10, s0;
	v1 =	vand.u32 $0xFFFF0000, v1;
	[tilespmem:s0+$0x0] =	vst.add.f32.msk $0xffff, v2;
	v2 =	vadd.s32 v40, v49  }
0x363: {  	s3 =	sadd.s32 $0x1A200, s24;
	[tilespmem:s18+$0x0] =	vst.add.f32.msk $0xffff, v1  }
0x364: {  	s1 =	sadd.s32 s25, s3;
	v1 =	vld.idx.msk [tilespmem:v6+s12+$0x0], $0xffff;
	v3 =	vshll.u32 v0, $0x10  }
0x365: {  	s19 =	simm.s32 $0x100;
	s5 =	sor.u32 $0x10, s1;
	v6 =	vadd.s32 v62, v5;
	v0 =	vand.u32 $0xFFFF0000, v0;
	[tilespmem:s1+$0x0] =	vst.add.f32.msk $0xffff, v3  }
0x366: {  	s11 =	sand.u32 $0x300, s19;
	[tilespmem:s5+$0x0] =	vst.add.f32.msk $0xffff, v0  }
0x367: {  	s2 =	sadd.s32 s11, s17;
	v0 =	vshll.u32 v4, $0x10;
	v2 =	vld.idx.msk [tilespmem:v2+s12+$0x0], $0xffff  }
0x368: {  	s4 =	sor.u32 $0x10, s2;
	v3 =	vand.u32 $0xFFFF0000, v4;
	[tilespmem:s2+$0x0] =	vst.add.f32.msk $0xffff, v0;
	v0 =	vadd.s32 v22, v47  }
0x369: {  	[tilespmem:s4+$0x0] =	vst.add.f32.msk $0xffff, v3  }
0x36a: {  	s20 =	sor.u32 $0x20, s0;
	v4 =	vshll.u32 v1, $0x10;
	v3 =	vld.idx.msk [tilespmem:v6+s12+$0x0], $0xffff  }
0x36b: {  	s21 =	sor.u32 $0x30, s0;
	v1 =	vand.u32 $0xFFFF0000, v1;
	[tilespmem:s20+$0x0] =	vst.add.f32.msk $0xffff, v4;
	v4 =	vadd.s32 v41, v49  }
0x36c: {  	[tilespmem:s21+$0x0] =	vst.add.f32.msk $0xffff, v1  }
0x36d: {  	s22 =	sor.u32 $0x20, s1;
	v0 =	vld.idx.msk [tilespmem:v0+s12+$0x0], $0xffff;
	v1 =	vshll.u32 v2, $0x10  }
0x36e: {  	s26 =	sor.u32 $0x30, s1;
	v6 =	vadd.s32 v22, v5;
	v2 =	vand.u32 $0xFFFF0000, v2;
	[tilespmem:s22+$0x0] =	vst.add.f32.msk $0xffff, v1  }
0x36f: {  	[tilespmem:s26+$0x0] =	vst.add.f32.msk $0xffff, v2  }
0x370: {  	s28 =	sor.u32 $0x20, s2;
	v1 =	vshll.u32 v3, $0x10;
	v2 =	vld.idx.msk [tilespmem:v4+s12+$0x0], $0xffff  }
0x371: {  	s31 =	sor.u32 $0x30, s2;
	v3 =	vand.u32 $0xFFFF0000, v3;
	[tilespmem:s28+$0x0] =	vst.add.f32.msk $0xffff, v1;
	v1 =	vadd.s32 v26, v47  }
0x372: {  	[tilespmem:s31+$0x0] =	vst.add.f32.msk $0xffff, v3  }
0x373: {  	s9 =	sor.u32 $0x40, s0;
	v3 =	vld.idx.msk [tilespmem:v6+s12+$0x0], $0xffff;
	v4 =	vshll.u32 v0, $0x10  }
0x374: {  	s10 =	sor.u32 $0x50, s0;
	v0 =	vand.u32 $0xFFFF0000, v0;
	[tilespmem:s9+$0x0] =	vst.add.f32.msk $0xffff, v4;
	v4 =	vadd.s32 v42, v49  }
0x375: {  	[tilespmem:s10+$0x0] =	vst.add.f32.msk $0xffff, v0  }
0x376: {  	s14 =	sor.u32 $0x40, s1;
	v0 =	vld.idx.msk [tilespmem:v1+s12+$0x0], $0xffff;
	v1 =	vshll.u32 v2, $0x10  }
0x377: {  	s15 =	sor.u32 $0x50, s1;
	v6 =	vadd.s32 v26, v5;
	v2 =	vand.u32 $0xFFFF0000, v2;
	[tilespmem:s14+$0x0] =	vst.add.f32.msk $0xffff, v1  }
0x378: {  	[tilespmem:s15+$0x0] =	vst.add.f32.msk $0xffff, v2  }
0x379: {  	s16 =	sor.u32 $0x40, s2;
	v1 =	vshll.u32 v3, $0x10;
	v2 =	vld.idx.msk [tilespmem:v4+s12+$0x0], $0xffff  }
0x37a: {  	s17 =	sor.u32 $0x50, s2;
	v3 =	vand.u32 $0xFFFF0000, v3;
	[tilespmem:s16+$0x0] =	vst.add.f32.msk $0xffff, v1;
	v1 =	vadd.s32 v27, v47  }
0x37b: {  	[tilespmem:s17+$0x0] =	vst.add.f32.msk $0xffff, v3  }
0x37c: {  	s18 =	sor.u32 $0x60, s0;
	v3 =	vld.idx.msk [tilespmem:v6+s12+$0x0], $0xffff;
	v4 =	vshll.u32 v0, $0x10  }
0x37d: {  	s19 =	sor.u32 $0x70, s0;
	v0 =	vand.u32 $0xFFFF0000, v0;
	[tilespmem:s18+$0x0] =	vst.add.f32.msk $0xffff, v4;
	v4 =	vadd.s32 v43, v49  }
0x37e: {  	[tilespmem:s19+$0x0] =	vst.add.f32.msk $0xffff, v0  }
0x37f: {  	s20 =	sor.u32 $0x60, s1;
	v0 =	vld.idx.msk [tilespmem:v1+s12+$0x0], $0xffff;
	v1 =	vshll.u32 v2, $0x10  }
0x380: {  	s1 =	sor.u32 $0x70, s1;
	v6 =	vadd.s32 v27, v5;
	v2 =	vand.u32 $0xFFFF0000, v2;
	[tilespmem:s20+$0x0] =	vst.add.f32.msk $0xffff, v1  }
0x381: {  	[tilespmem:s1+$0x0] =	vst.add.f32.msk $0xffff, v2  }
0x382: {  	s21 =	sor.u32 $0x60, s2;
	v1 =	vshll.u32 v3, $0x10;
	v2 =	vld.idx.msk [tilespmem:v4+s12+$0x0], $0xffff  }
0x383: {  	s22 =	sor.u32 $0x70, s2;
	v3 =	vand.u32 $0xFFFF0000, v3;
	[tilespmem:s21+$0x0] =	vst.add.f32.msk $0xffff, v1;
	v1 =	vadd.s32 v28, v47  }
0x384: {  	[tilespmem:s22+$0x0] =	vst.add.f32.msk $0xffff, v3  }
0x385: {  	v3 =	vld.idx.msk [tilespmem:v6+s12+$0x0], $0xffff;
	v4 =	vshll.u32 v0, $0x10  }
0x386: {  	v0 =	vand.u32 $0xFFFF0000, v0;
	[tilespmem:s0+$0x400] =	vst.add.f32.msk $0xffff, v4;
	v4 =	vadd.s32 v44, v49  }
0x387: {  	s1 =	sadd.s32 $0x1A600, s24;
	[tilespmem:s0+$0x410] =	vst.add.f32.msk $0xffff, v0  }
0x388: {  	s24 =	sadd.s32 s25, s1;
	v0 =	vld.idx.msk [tilespmem:v1+s12+$0x0], $0xffff;
	v1 =	vshll.u32 v2, $0x10  }
0x389: {  	s25 =	sor.u32 $0x10, s24;
	v6 =	vadd.s32 v28, v5;
	v2 =	vand.u32 $0xFFFF0000, v2;
	[tilespmem:s24+$0x0] =	vst.add.f32.msk $0xffff, v1  }
0x38a: {  	[tilespmem:s25+$0x0] =	vst.add.f32.msk $0xffff, v2  }
0x38b: {  	v1 =	vshll.u32 v3, $0x10;
	v2 =	vld.idx.msk [tilespmem:v4+s12+$0x0], $0xffff  }
0x38c: {  	v3 =	vand.u32 $0xFFFF0000, v3;
	[tilespmem:s2+$0x400] =	vst.add.f32.msk $0xffff, v1;
	v1 =	vadd.s32 v29, v47  }
0x38d: {  	[tilespmem:s2+$0x410] =	vst.add.f32.msk $0xffff, v3  }
0x38e: {  	v3 =	vld.idx.msk [tilespmem:v6+s12+$0x0], $0xffff;
	v4 =	vshll.u32 v0, $0x10  }
0x38f: {  	v0 =	vand.u32 $0xFFFF0000, v0;
	[tilespmem:s0+$0x420] =	vst.add.f32.msk $0xffff, v4;
	v4 =	vadd.s32 v45, v49  }
0x390: {  	[tilespmem:s0+$0x430] =	vst.add.f32.msk $0xffff, v0  }
0x391: {  	s26 =	sor.u32 $0x20, s24;
	v0 =	vld.idx.msk [tilespmem:v1+s12+$0x0], $0xffff;
	v1 =	vshll.u32 v2, $0x10  }
0x392: {  	s28 =	sor.u32 $0x30, s24;
	v6 =	vadd.s32 v29, v5;
	v2 =	vand.u32 $0xFFFF0000, v2;
	[tilespmem:s26+$0x0] =	vst.add.f32.msk $0xffff, v1  }
0x393: {  	v1 =	vadd.s32 v39, v48;
	[tilespmem:s28+$0x0] =	vst.add.f32.msk $0xffff, v2  }
0x394: {  	v2 =	vshll.u32 v3, $0x10;
	v4 =	vld.idx.msk [tilespmem:v4+s12+$0x0], $0xffff  }
0x395: {  	v3 =	vand.u32 $0xFFFF0000, v3;
	[tilespmem:s2+$0x420] =	vst.add.f32.msk $0xffff, v2  }
0x396: {  	[tilespmem:s2+$0x430] =	vst.add.f32.msk $0xffff, v3  }
0x397: {  	v2 =	vld.idx.msk [tilespmem:v6+s12+$0x0], $0xffff  }
0x398: {  	v3 =	vadd.s32 v46, v49;
	v6 =	vshll.u32 v0, $0x10;
	v1 =	vld.idx.msk [tilespmem:v1+s12+$0x0], $0xffff  }
0x399: {  	v0 =	vand.u32 $0xFFFF0000, v0;
	[tilespmem:s0+$0x440] =	vst.add.f32.msk $0xffff, v6  }
0x39a: {  	s31 =	sor.u32 $0x40, s24;
	v6 =	vadd.s32 v30, v47;
	[tilespmem:s0+$0x450] =	vst.add.f32.msk $0xffff, v0;
	v7 =	vshll.u32 v4, $0x10  }
0x39b: {  	s9 =	sor.u32 $0x50, s24;
	v4 =	vand.u32 $0xFFFF0000, v4;
	[tilespmem:s31+$0x0] =	vst.add.f32.msk $0xffff, v7  }
0x39c: {  	[tilespmem:s9+$0x0] =	vst.add.f32.msk $0xffff, v4  }
0x39d: {  	v0 =	vshll.u32 v2, $0x10;
	v4 =	vadd.s32 v30, v5;
	v3 =	vld.idx.msk [tilespmem:v3+s12+$0x0], $0xffff  }
0x39e: {  	[tilespmem:s2+$0x440] =	vst.add.f32.msk $0xffff, v0  }
0x39f: {  	v2 =	vand.u32 $0xFFFF0000, v2;
	v6 =	vld.idx.msk [tilespmem:v6+s12+$0x0], $0xffff  }
0x3a0: {  	s3 =	sadd.s32 s13, s3;
	[tilespmem:s2+$0x450] =	vst.add.f32.msk $0xffff, v2;
	v0 =	vshll.u32 v1, $0x10  }
0x3a1: {  	[tilespmem:s3+$0x0] =	vst.add.f32.msk $0xffff, v0  }
0x3a2: {  	s10 =	sor.u32 $0x60, s24;
	v2 =	vld.idx.msk [tilespmem:v4+s12+$0x0], $0xffff;
	v4 =	vadd.s32 v31, v47;
	v0 =	vshll.u32 v3, $0x10  }
0x3a3: {  	s4 =	sor.u32 $0x70, s24;
	v3 =	vand.u32 $0xFFFF0000, v3;
	[tilespmem:s10+$0x0] =	vst.add.f32.msk $0xffff, v0  }
0x3a4: {  	v0 =	vshll.u32 v6, $0x10;
	[tilespmem:s4+$0x0] =	vst.add.f32.msk $0xffff, v3  }
0x3a5: {  	v6 =	vand.u32 $0xFFFF0000, v6;
	v3 =	vadd.s32 v31, v5;
	[tilespmem:s0+$0x460] =	vst.add.f32.msk $0xffff, v0  }
0x3a6: {  	[tilespmem:s0+$0x470] =	vst.add.f32.msk $0xffff, v6  }
0x3a7: {  	v0 =	vadd.s32 v40, v48;
	v6 =	vshll.u32 v2, $0x10;
	v4 =	vld.idx.msk [tilespmem:v4+s12+$0x0], $0xffff  }
0x3a8: {  	v2 =	vand.u32 $0xFFFF0000, v2;
	[tilespmem:s2+$0x460] =	vst.add.f32.msk $0xffff, v6  }
0x3a9: {  	[tilespmem:s2+$0x470] =	vst.add.f32.msk $0xffff, v2  }
0x3aa: {  	s14 =	sor.u32 $0x10, s3;
	v1 =	vand.u32 $0xFFFF0000, v1;
	v2 =	vld.idx.msk [tilespmem:v3+s12+$0x0], $0xffff;
	v3 =	vadd.s32 v32, v47  }
0x3ab: {  	s15 =	sadd.s32 $0x19A00, s7;
	[tilespmem:s14+$0x0] =	vst.add.f32.msk $0xffff, v1  }
0x3ac: {  	s16 =	sadd.s32 s8, s15;
	v0 =	vld.idx.msk [tilespmem:v0+s12+$0x0], $0xffff;
	v1 =	vshll.u32 v4, $0x10  }
0x3ad: {  	s17 =	sor.u32 $0x10, s16;
	v4 =	vand.u32 $0xFFFF0000, v4;
	[tilespmem:s16+$0x0] =	vst.add.f32.msk $0xffff, v1  }
0x3ae: {  	v6 =	vadd.s32 v32, v5;
	[tilespmem:s17+$0x0] =	vst.add.f32.msk $0xffff, v4  }
0x3af: {  	s0 =	sadd.s32 s11, s15;
	v1 =	vshll.u32 v2, $0x10;
	v3 =	vld.idx.msk [tilespmem:v3+s12+$0x0], $0xffff  }
0x3b0: {  	s18 =	sor.u32 $0x10, s0;
	v4 =	vadd.s32 v41, v48;
	v2 =	vand.u32 $0xFFFF0000, v2;
	[tilespmem:s0+$0x0] =	vst.add.f32.msk $0xffff, v1  }
0x3b1: {  	s19 =	sor.u32 $0x20, s3;
	v1 =	vshll.u32 v0, $0x10;
	[tilespmem:s18+$0x0] =	vst.add.f32.msk $0xffff, v2  }
0x3b2: {  	[tilespmem:s19+$0x0] =	vst.add.f32.msk $0xffff, v1  }
0x3b3: {  	s20 =	sor.u32 $0x30, s3;
	v0 =	vand.u32 $0xFFFF0000, v0;
	v2 =	vld.idx.msk [tilespmem:v6+s12+$0x0], $0xffff;
	v6 =	vadd.s32 v33, v47  }
0x3b4: {  	[tilespmem:s20+$0x0] =	vst.add.f32.msk $0xffff, v0  }
0x3b5: {  	s21 =	sor.u32 $0x20, s16;
	v1 =	vld.idx.msk [tilespmem:v4+s12+$0x0], $0xffff;
	v0 =	vshll.u32 v3, $0x10  }
0x3b6: {  	s22 =	sor.u32 $0x30, s16;
	v4 =	vadd.s32 v33, v5;
	v3 =	vand.u32 $0xFFFF0000, v3;
	[tilespmem:s21+$0x0] =	vst.add.f32.msk $0xffff, v0  }
0x3b7: {  	[tilespmem:s22+$0x0] =	vst.add.f32.msk $0xffff, v3  }
0x3b8: {  	s24 =	sor.u32 $0x20, s0;
	v0 =	vshll.u32 v2, $0x10;
	v3 =	vld.idx.msk [tilespmem:v6+s12+$0x0], $0xffff  }
0x3b9: {  	s25 =	sor.u32 $0x30, s0;
	v6 =	vadd.s32 v42, v48;
	v2 =	vand.u32 $0xFFFF0000, v2;
	[tilespmem:s24+$0x0] =	vst.add.f32.msk $0xffff, v0  }
0x3ba: {  	[tilespmem:s25+$0x0] =	vst.add.f32.msk $0xffff, v2  }
0x3bb: {  	s26 =	sor.u32 $0x40, s3;
	v2 =	vshll.u32 v1, $0x10;
	v0 =	vld.idx.msk [tilespmem:v4+s12+$0x0], $0xffff  }
0x3bc: {  	s28 =	sor.u32 $0x50, s3;
	v1 =	vand.u32 $0xFFFF0000, v1;
	v4 =	vadd.s32 v34, v47;
	[tilespmem:s26+$0x0] =	vst.add.f32.msk $0xffff, v2  }
0x3bd: {  	[tilespmem:s28+$0x0] =	vst.add.f32.msk $0xffff, v1  }
0x3be: {  	s31 =	sor.u32 $0x40, s16;
	v1 =	vshll.u32 v3, $0x10;
	v2 =	vld.idx.msk [tilespmem:v6+s12+$0x0], $0xffff  }
0x3bf: {  	s5 =	sor.u32 $0x50, s16;
	v6 =	vadd.s32 v34, v5;
	v3 =	vand.u32 $0xFFFF0000, v3;
	[tilespmem:s31+$0x0] =	vst.add.f32.msk $0xffff, v1  }
0x3c0: {  	[tilespmem:s5+$0x0] =	vst.add.f32.msk $0xffff, v3  }
0x3c1: {  	s9 =	sor.u32 $0x40, s0;
	v1 =	vshll.u32 v0, $0x10;
	v3 =	vld.idx.msk [tilespmem:v4+s12+$0x0], $0xffff  }
0x3c2: {  	s10 =	sor.u32 $0x50, s0;
	v4 =	vadd.s32 v43, v48;
	v0 =	vand.u32 $0xFFFF0000, v0;
	[tilespmem:s9+$0x0] =	vst.add.f32.msk $0xffff, v1  }
0x3c3: {  	[tilespmem:s10+$0x0] =	vst.add.f32.msk $0xffff, v0  }
0x3c4: {  	s14 =	sor.u32 $0x60, s3;
	v1 =	vshll.u32 v2, $0x10;
	v0 =	vld.idx.msk [tilespmem:v6+s12+$0x0], $0xffff  }
0x3c5: {  	s3 =	sor.u32 $0x70, s3;
	v2 =	vand.u32 $0xFFFF0000, v2;
	v6 =	vadd.s32 v35, v47;
	[tilespmem:s14+$0x0] =	vst.add.f32.msk $0xffff, v1  }
0x3c6: {  	[tilespmem:s3+$0x0] =	vst.add.f32.msk $0xffff, v2  }
0x3c7: {  	s15 =	sor.u32 $0x60, s16;
	v1 =	vshll.u32 v3, $0x10;
	v2 =	vld.idx.msk [tilespmem:v4+s12+$0x0], $0xffff  }
0x3c8: {  	s2 =	sor.u32 $0x70, s16;
	v4 =	vadd.s32 v35, v5;
	v3 =	vand.u32 $0xFFFF0000, v3;
	[tilespmem:s15+$0x0] =	vst.add.f32.msk $0xffff, v1  }
0x3c9: {  	[tilespmem:s2+$0x0] =	vst.add.f32.msk $0xffff, v3  }
0x3ca: {  	s16 =	sor.u32 $0x60, s0;
	v1 =	vshll.u32 v0, $0x10;
	v3 =	vld.idx.msk [tilespmem:v6+s12+$0x0], $0xffff  }
0x3cb: {  	s0 =	sor.u32 $0x70, s0;
	v6 =	vadd.s32 v44, v48;
	v0 =	vand.u32 $0xFFFF0000, v0;
	[tilespmem:s16+$0x0] =	vst.add.f32.msk $0xffff, v1  }
0x3cc: {  	[tilespmem:s0+$0x0] =	vst.add.f32.msk $0xffff, v0  }
0x3cd: {  	s1 =	sadd.s32 s13, s1;
	v1 =	vshll.u32 v2, $0x10;
	v0 =	vld.idx.msk [tilespmem:v4+s12+$0x0], $0xffff  }
0x3ce: {  	s17 =	sor.u32 $0x10, s1;
	v2 =	vand.u32 $0xFFFF0000, v2;
	v4 =	vadd.s32 v36, v47;
	[tilespmem:s1+$0x0] =	vst.add.f32.msk $0xffff, v1  }
0x3cf: {  	s18 =	sadd.s32 $0x19E00, s7;
	[tilespmem:s17+$0x0] =	vst.add.f32.msk $0xffff, v2  }
0x3d0: {  	s0 =	sadd.s32 s8, s18;
	v1 =	vshll.u32 v3, $0x10;
	v2 =	vld.idx.msk [tilespmem:v6+s12+$0x0], $0xffff  }
0x3d1: {  	s19 =	sor.u32 $0x10, s0;
	v6 =	vadd.s32 v36, v5;
	v3 =	vand.u32 $0xFFFF0000, v3;
	[tilespmem:s0+$0x0] =	vst.add.f32.msk $0xffff, v1  }
0x3d2: {  	[tilespmem:s19+$0x0] =	vst.add.f32.msk $0xffff, v3  }
0x3d3: {  	s2 =	sadd.s32 s11, s18;
	v1 =	vshll.u32 v0, $0x10;
	v3 =	vld.idx.msk [tilespmem:v4+s12+$0x0], $0xffff  }
0x3d4: {  	s20 =	sor.u32 $0x10, s2;
	v4 =	vadd.s32 v45, v48;
	v0 =	vand.u32 $0xFFFF0000, v0;
	[tilespmem:s2+$0x0] =	vst.add.f32.msk $0xffff, v1  }
0x3d5: {  	[tilespmem:s20+$0x0] =	vst.add.f32.msk $0xffff, v0  }
0x3d6: {  	s21 =	sor.u32 $0x20, s1;
	v1 =	vshll.u32 v2, $0x10;
	v0 =	vld.idx.msk [tilespmem:v6+s12+$0x0], $0xffff  }
0x3d7: {  	s22 =	sor.u32 $0x30, s1;
	v2 =	vand.u32 $0xFFFF0000, v2;
	v6 =	vadd.s32 v37, v47;
	[tilespmem:s21+$0x0] =	vst.add.f32.msk $0xffff, v1  }
0x3d8: {  	[tilespmem:s22+$0x0] =	vst.add.f32.msk $0xffff, v2  }
0x3d9: {  	s24 =	sor.u32 $0x20, s0;
	v1 =	vshll.u32 v3, $0x10;
	v4 =	vld.idx.msk [tilespmem:v4+s12+$0x0], $0xffff  }
0x3da: {  	v7 =	vadd.s32 v37, v5;
	s25 =	sor.u32 $0x30, s0;
	v2 =	vand.u32 $0xFFFF0000, v3;
	[tilespmem:s24+$0x0] =	vst.add.f32.msk $0xffff, v1  }
0x3db: {  	[tilespmem:s25+$0x0] =	vst.add.f32.msk $0xffff, v2  }
0x3dc: {  	v57 =	vadd.s32 v38, v5;
	v56 =	vadd.s32 v39, v5;
	s26 =	sor.u32 $0x20, s2;
	v1 =	vshll.u32 v0, $0x10;
	v2 =	vld.idx.msk [tilespmem:v6+s12+$0x0], $0xffff  }
0x3dd: {  	s29 =	simm.s32 $0x13050;
	v55 =	vadd.s32 v40, v5;
	v54 =	vadd.s32 v41, v5;
	s28 =	sor.u32 $0x30, s2;
	v0 =	vand.u32 $0xFFFF0000, v0;
	[tilespmem:s26+$0x0] =	vst.add.f32.msk $0xffff, v1  }
0x3de: {  	v53 =	vadd.s32 v42, v5;
	v52 =	vadd.s32 v43, v5;
	v50 =	vadd.s32 v44, v5;
	s30 =	sor.u32 $0x50, s1;
	s13 =	sor.u32 $0x60, s1;
	s31 =	sor.u32 $0x40, s1;
	[tilespmem:s28+$0x0] =	vst.add.f32.msk $0xffff, v0  }
0x3df: {  	v51 =	vadd.s32 v46, v5;
	v49 =	vadd.s32 v45, v5;
	s4 =	sor.u32 $0x40, s2;
	s3 =	sor.u32 $0x50, s2;
	s24 =	sor.u32 $0x70, s1;
	v0 =	vshll.u32 v4, $0x10;
	v3 =	vld.idx.msk [tilespmem:v7+s12+$0x0], $0xffff  }
0x3e0: {  	v48 =	vadd.s32 v46, v48;
	s1 =	sor.u32 $0x60, s2;
	s2 =	sor.u32 $0x70, s2;
	s25 =	simm.s32 $0x2;
	v1 =	vand.u32 $0xFFFF0000, v4;
	v4 =	vadd.s32 v38, v47;
	[tilespmem:s31+$0x0] =	vst.add.f32.msk $0xffff, v0  }
.LBB2_11:
0x3e1: {  	v9 =	vld [tilespmem:s29+$0x0]  }
0x3e2: {  	v0 =	vld [tilespmem:s29+$0xFFFFFFF0];
	s5 =	sor.u32 $0x40, s0;
	v5 =	vshll.u32 v2, $0x10  }
0x3e3: {  	s10 =	sor.u32 $0x50, s0;
	v2 =	vand.u32 $0xFFFF0000, v2;
	[tilespmem:s5+$0x0] =	vst.add.f32.msk $0xffff, v5  }
0x3e4: {  	[tilespmem:s10+$0x0] =	vst.add.f32.msk $0xffff, v2  }
0x3e5: {  	v2 =	vshll.u32 v3, $0x10;
	v4 =	vld.idx.msk [tilespmem:v4+s12+$0x0], $0xffff  }
0x3e6: {  	v5 =	vadd.s32 v24, v9;
	v3 =	vand.u32 $0xFFFF0000, v3;
	[tilespmem:s4+$0x0] =	vst.add.f32.msk $0xffff, v2  }
0x3e7: {  	v6 =	vadd.s32 v24, v0;
	[tilespmem:s3+$0x0] =	vst.add.f32.msk $0xffff, v3  }
0x3e8: {  	v14 =	vadd.s32 v39, v47;
	v18 =	vadd.s32 v62, v0;
	v17 =	vadd.s32 v22, v0;
	v10 =	vld.idx.msk [tilespmem:v57+s12+$0x0], $0xffff  }
0x3e9: {  	v16 =	vadd.s32 v26, v0;
	v15 =	vadd.s32 v27, v0;
	v13 =	vadd.s32 v28, v0;
	[tilespmem:s30+$0x0] =	vst.add.f32.msk $0xffff, v1  }
0x3ea: {  	v11 =	vadd.s32 v29, v0;
	v8 =	vadd.s32 v30, v0;
	v7 =	vadd.s32 v33, v0;
	v19 =	vld.idx.msk [tilespmem:v48+s12+$0x0], $0xffff  }
0x3eb: {  	s25 =	sadd.s32 $0x2, s25;
	v63 =	vadd.s32 v34, v0;
	v61 =	vadd.s32 v35, v0;
	v59 =	vadd.s32 v36, v0;
	v20 =	vld.idx.msk [tilespmem:v5+s12+$0x0], $0xffff  }
0x3ec: {  	s14 =	sor.u32 $0x60, s0;
	s15 =	sshrl.u32 s25, $0x3;
	v58 =	vadd.s32 v37, v0;
	v12 =	vadd.s32 v39, v0;
	v23 =	vld.idx.msk [tilespmem:v6+s12+$0x0], $0xffff;
	v2 =	vshll.u32 v4, $0x10  }
0x3ed: {  	s16 =	sor.u32 $0x70, s0;
	s17 =	smul.u32 $0x6000, s15;
	v24 =	vadd.s32 v62, v9;
	v62 =	vadd.s32 v44, v0;
	v5 =	vand.u32 $0xFFFF0000, v4;
	[tilespmem:s14+$0x0] =	vst.add.f32.msk $0xffff, v2  }
0x3ee: {  	v60 =	vadd.s32 v45, v0;
	v3 =	vadd.s32 v31, v0;
	v1 =	vadd.s32 v32, v0;
	[tilespmem:s16+$0x0] =	vst.add.f32.msk $0xffff, v5  }
0x3ef: {  	s23 =	sadd.s32 $0x100, s23;
	v57 =	vadd.s32 v38, v0;
	v6 =	vadd.s32 v42, v0;
	s14 =	sshra.s32 s17, $0x2;
	v21 =	vshll.u32 v10, $0x10;
	v22 =	vld.idx.msk [tilespmem:v14+s12+$0x0], $0xffff  }
0x3f0: {  	s19 =	sand.u32 $0x380, s23;
	v48 =	vmovc v51;
	v51 =	vadd.s32 v46, v0;
	v4 =	vadd.s32 v40, v0;
	v10 =	vand.u32 $0xFFFF0000, v10;
	s20 =	sadd.s32 $0x19200, s14;
	[tilespmem:s1+$0x0] =	vst.add.f32.msk $0xffff, v21  }
0x3f1: {  	v2 =	vadd.s32 v41, v0;
	v5 =	vadd.s32 v43, v0;
	v0 =	vshll.u32 v20, $0x10;
	s3 =	sadd.s32 s19, s20;
	[tilespmem:s2+$0x0] =	vst.add.f32.msk $0xffff, v10  }
0x3f2: {  	v14 =	vshll.u32 v19, $0x10;
	v10 =	vand.u32 $0xFFFF0000, v19;
	v19 =	vand.u32 $0xFFFF0000, v20;
	[tilespmem:s3+$0x0] =	vst.add.f32.msk $0xffff, v0;
	s21 =	sor.u32 $0x10, s3  }
0x3f3: {  	s22 =	sadd.s32 $0x1A200, s7;
	[tilespmem:s21+$0x0] =	vst.add.f32.msk $0xffff, v19  }
0x3f4: {  	s21 =	sadd.s32 s8, s22;
	v19 =	vld.idx.msk [tilespmem:v24+s12+$0x0], $0xffff;
	v20 =	vshll.u32 v22, $0x10  }
0x3f5: {  	s16 =	sor.u32 $0x10, s21;
	v22 =	vand.u32 $0xFFFF0000, v22;
	[tilespmem:s21+$0x0] =	vst.add.f32.msk $0xffff, v20  }
0x3f6: {  	[tilespmem:s16+$0x0] =	vst.add.f32.msk $0xffff, v22  }
0x3f7: {  	v0 =	vadd.s32 v40, v47;
	v22 =	vld [tilespmem:$0x1FFB0]  }
0x3f8: {  	s18 =	sadd.s32 $0xFFFFFF80, s23  }
0x3f9: {  	s1 =	sand.u32 $0x300, s18  }
0x3fa: {  	v21 =	vshll.u32 v23, $0x10;
	s15 =	sadd.s32 s1, s20  }
0x3fb: {  	[tilespmem:s15+$0x0] =	vst.add.f32.msk $0xffff, v21  }
0x3fc: {  	v23 =	vand.u32 $0xFFFF0000, v23;
	s2 =	sor.u32 $0x10, s15;
	v0 =	vld.idx.msk [tilespmem:v0+s12+$0x0], $0xffff;
	v20 =	vadd.s32 v22, v9  }
0x3fd: {  	[tilespmem:s2+$0x0] =	vst.add.f32.msk $0xffff, v23  }
0x3fe: {  	s30 =	sor.u32 $0x20, s3;
	v18 =	vld.idx.msk [tilespmem:v18+s12+$0x0], $0xffff;
	v21 =	vshll.u32 v19, $0x10  }
0x3ff: {  	v19 =	vand.u32 $0xFFFF0000, v19;
	[tilespmem:s30+$0x0] =	vst.add.f32.msk $0xffff, v21;
	s30 =	sor.u32 $0x30, s3;
	v21 =	vadd.s32 v41, v47  }
0x400: {  	[tilespmem:s30+$0x0] =	vst.add.f32.msk $0xffff, v19  }
0x401: {  	s30 =	sor.u32 $0x20, s21;
	v19 =	vld.idx.msk [tilespmem:v20+s12+$0x0], $0xffff;
	v20 =	vshll.u32 v0, $0x10  }
0x402: {  	v0 =	vand.u32 $0xFFFF0000, v0;
	[tilespmem:s30+$0x0] =	vst.add.f32.msk $0xffff, v20;
	s30 =	sor.u32 $0x30, s21  }
0x403: {  	[tilespmem:s30+$0x0] =	vst.add.f32.msk $0xffff, v0  }
0x404: {  	s10 =	sor.u32 $0x20, s15;
	v0 =	vshll.u32 v18, $0x10;
	v20 =	vld.idx.msk [tilespmem:v21+s12+$0x0], $0xffff  }
0x405: {  	s26 =	sor.u32 $0x30, s15;
	v18 =	vand.u32 $0xFFFF0000, v18;
	[tilespmem:s10+$0x0] =	vst.add.f32.msk $0xffff, v0;
	v0 =	vadd.s32 v26, v9  }
0x406: {  	[tilespmem:s26+$0x0] =	vst.add.f32.msk $0xffff, v18  }
0x407: {  	s26 =	sor.u32 $0x40, s3;
	v17 =	vld.idx.msk [tilespmem:v17+s12+$0x0], $0xffff;
	v18 =	vshll.u32 v19, $0x10  }
0x408: {  	v19 =	vand.u32 $0xFFFF0000, v19;
	[tilespmem:s26+$0x0] =	vst.add.f32.msk $0xffff, v18;
	s26 =	sor.u32 $0x50, s3;
	v18 =	vadd.s32 v42, v47  }
0x409: {  	[tilespmem:s26+$0x0] =	vst.add.f32.msk $0xffff, v19  }
0x40a: {  	s26 =	sor.u32 $0x40, s21;
	v0 =	vld.idx.msk [tilespmem:v0+s12+$0x0], $0xffff;
	v19 =	vshll.u32 v20, $0x10  }
0x40b: {  	v20 =	vand.u32 $0xFFFF0000, v20;
	[tilespmem:s26+$0x0] =	vst.add.f32.msk $0xffff, v19;
	s26 =	sor.u32 $0x50, s21  }
0x40c: {  	[tilespmem:s26+$0x0] =	vst.add.f32.msk $0xffff, v20  }
0x40d: {  	s9 =	sor.u32 $0x40, s15;
	v19 =	vshll.u32 v17, $0x10;
	v18 =	vld.idx.msk [tilespmem:v18+s12+$0x0], $0xffff  }
0x40e: {  	s28 =	sor.u32 $0x50, s15;
	v17 =	vand.u32 $0xFFFF0000, v17;
	[tilespmem:s9+$0x0] =	vst.add.f32.msk $0xffff, v19;
	v19 =	vadd.s32 v27, v9  }
0x40f: {  	[tilespmem:s28+$0x0] =	vst.add.f32.msk $0xffff, v17  }
0x410: {  	s10 =	sor.u32 $0x60, s3;
	v16 =	vld.idx.msk [tilespmem:v16+s12+$0x0], $0xffff;
	v17 =	vshll.u32 v0, $0x10  }
0x411: {  	s26 =	sor.u32 $0x70, s3;
	v0 =	vand.u32 $0xFFFF0000, v0;
	[tilespmem:s10+$0x0] =	vst.add.f32.msk $0xffff, v17;
	v17 =	vadd.s32 v43, v47  }
0x412: {  	[tilespmem:s26+$0x0] =	vst.add.f32.msk $0xffff, v0  }
0x413: {  	s28 =	sor.u32 $0x60, s21;
	v0 =	vld.idx.msk [tilespmem:v19+s12+$0x0], $0xffff;
	v19 =	vshll.u32 v18, $0x10  }
0x414: {  	s10 =	sor.u32 $0x70, s21;
	v18 =	vand.u32 $0xFFFF0000, v18;
	[tilespmem:s28+$0x0] =	vst.add.f32.msk $0xffff, v19  }
0x415: {  	[tilespmem:s10+$0x0] =	vst.add.f32.msk $0xffff, v18  }
0x416: {  	s4 =	sor.u32 $0x60, s15;
	v18 =	vshll.u32 v16, $0x10;
	v17 =	vld.idx.msk [tilespmem:v17+s12+$0x0], $0xffff  }
0x417: {  	s20 =	sor.u32 $0x70, s15;
	v16 =	vand.u32 $0xFFFF0000, v16;
	[tilespmem:s4+$0x0] =	vst.add.f32.msk $0xffff, v18;
	v18 =	vadd.s32 v28, v9  }
0x418: {  	[tilespmem:s20+$0x0] =	vst.add.f32.msk $0xffff, v16  }
0x419: {  	v15 =	vld.idx.msk [tilespmem:v15+s12+$0x0], $0xffff;
	v16 =	vshll.u32 v0, $0x10  }
0x41a: {  	v0 =	vand.u32 $0xFFFF0000, v0;
	[tilespmem:s3+$0x400] =	vst.add.f32.msk $0xffff, v16;
	v16 =	vadd.s32 v44, v47  }
0x41b: {  	s21 =	sadd.s32 $0x1A600, s7;
	[tilespmem:s3+$0x410] =	vst.add.f32.msk $0xffff, v0  }
0x41c: {  	s9 =	sadd.s32 s8, s21;
	v0 =	vld.idx.msk [tilespmem:v18+s12+$0x0], $0xffff;
	v18 =	vshll.u32 v17, $0x10  }
0x41d: {  	s4 =	sor.u32 $0x10, s9;
	v17 =	vand.u32 $0xFFFF0000, v17;
	[tilespmem:s9+$0x0] =	vst.add.f32.msk $0xffff, v18  }
0x41e: {  	[tilespmem:s4+$0x0] =	vst.add.f32.msk $0xffff, v17  }
0x41f: {  	v17 =	vshll.u32 v15, $0x10;
	v16 =	vld.idx.msk [tilespmem:v16+s12+$0x0], $0xffff  }
0x420: {  	v15 =	vand.u32 $0xFFFF0000, v15;
	[tilespmem:s15+$0x400] =	vst.add.f32.msk $0xffff, v17;
	v17 =	vadd.s32 v29, v9  }
0x421: {  	[tilespmem:s15+$0x410] =	vst.add.f32.msk $0xffff, v15  }
0x422: {  	v13 =	vld.idx.msk [tilespmem:v13+s12+$0x0], $0xffff;
	v19 =	vshll.u32 v0, $0x10  }
0x423: {  	v15 =	vadd.s32 v45, v47;
	v0 =	vand.u32 $0xFFFF0000, v0;
	[tilespmem:s3+$0x420] =	vst.add.f32.msk $0xffff, v19  }
0x424: {  	[tilespmem:s3+$0x430] =	vst.add.f32.msk $0xffff, v0  }
0x425: {  	s26 =	sor.u32 $0x20, s9;
	v0 =	vld.idx.msk [tilespmem:v17+s12+$0x0], $0xffff;
	v17 =	vshll.u32 v16, $0x10  }
0x426: {  	v16 =	vand.u32 $0xFFFF0000, v16;
	[tilespmem:s26+$0x0] =	vst.add.f32.msk $0xffff, v17;
	s26 =	sor.u32 $0x30, s9  }
0x427: {  	[tilespmem:s26+$0x0] =	vst.add.f32.msk $0xffff, v16  }
0x428: {  	v16 =	vshll.u32 v13, $0x10;
	v15 =	vld.idx.msk [tilespmem:v15+s12+$0x0], $0xffff  }
0x429: {  	v13 =	vand.u32 $0xFFFF0000, v13;
	[tilespmem:s15+$0x420] =	vst.add.f32.msk $0xffff, v16  }
0x42a: {  	[tilespmem:s15+$0x430] =	vst.add.f32.msk $0xffff, v13  }
0x42b: {  	v11 =	vld.idx.msk [tilespmem:v11+s12+$0x0], $0xffff  }
0x42c: {  	s28 =	sadd.s32 s11, s21;
	v13 =	vld.idx.msk [tilespmem:v56+s12+$0x0], $0xffff  }
0x42d: {  	s10 =	sor.u32 $0x60, s28;
	v16 =	vadd.s32 v46, v47;
	v56 =	vmov v12;
	[tilespmem:s13+$0x0] =	vst.add.f32.msk $0xffff, v14;
	v12 =	vshll.u32 v0, $0x10  }
0x42e: {  	v47 =	vmov v9;
	s13 =	smov.u32 s10;
	s10 =	sor.u32 $0x40, s9;
	[tilespmem:s3+$0x440] =	vst.add.f32.msk $0xffff, v12;
	v17 =	vshll.u32 v15, $0x10  }
0x42f: {  	s26 =	sor.u32 $0x50, s9;
	v9 =	vadd.s32 v30, v47;
	v18 =	vand.u32 $0xFFFF0000, v15;
	[tilespmem:s10+$0x0] =	vst.add.f32.msk $0xffff, v17  }
0x430: {  	v19 =	vshll.u32 v11, $0x10;
	[tilespmem:s26+$0x0] =	vst.add.f32.msk $0xffff, v18  }
0x431: {  	[tilespmem:s15+$0x440] =	vst.add.f32.msk $0xffff, v19  }
0x432: {  	v0 =	vand.u32 $0xFFFF0000, v0;
	v14 =	vld.idx.msk [tilespmem:v16+s12+$0x0], $0xffff  }
0x433: {  	[tilespmem:s3+$0x450] =	vst.add.f32.msk $0xffff, v0  }
0x434: {  	v11 =	vand.u32 $0xFFFF0000, v11;
	v9 =	vld.idx.msk [tilespmem:v9+s12+$0x0], $0xffff  }
0x435: {  	[tilespmem:s15+$0x450] =	vst.add.f32.msk $0xffff, v11  }
0x436: {  	s5 =	sadd.s32 s11, s22;
	v0 =	vshll.u32 v13, $0x10;
	v8 =	vld.idx.msk [tilespmem:v8+s12+$0x0], $0xffff  }
0x437: {  	v17 =	vadd.s32 v31, v47;
	s10 =	sor.u32 $0x60, s9;
	[tilespmem:s5+$0x0] =	vst.add.f32.msk $0xffff, v0;
	v0 =	vshll.u32 v14, $0x10  }
0x438: {  	s26 =	sor.u32 $0x70, s9;
	v18 =	vand.u32 $0xFFFF0000, v14;
	[tilespmem:s10+$0x0] =	vst.add.f32.msk $0xffff, v0  }
0x439: {  	v0 =	vshll.u32 v9, $0x10;
	[tilespmem:s26+$0x0] =	vst.add.f32.msk $0xffff, v18  }
0x43a: {  	v9 =	vand.u32 $0xFFFF0000, v9;
	[tilespmem:s3+$0x460] =	vst.add.f32.msk $0xffff, v0  }
0x43b: {  	[tilespmem:s3+$0x470] =	vst.add.f32.msk $0xffff, v9  }
0x43c: {  	v0 =	vshll.u32 v8, $0x10;
	v9 =	vld.idx.msk [tilespmem:v17+s12+$0x0], $0xffff  }
0x43d: {  	v8 =	vand.u32 $0xFFFF0000, v8;
	[tilespmem:s15+$0x460] =	vst.add.f32.msk $0xffff, v0  }
0x43e: {  	[tilespmem:s15+$0x470] =	vst.add.f32.msk $0xffff, v8  }
0x43f: {  	s22 =	sor.u32 $0x10, s5;
	v13 =	vand.u32 $0xFFFF0000, v13;
	v0 =	vld.idx.msk [tilespmem:v3+s12+$0x0], $0xffff  }
0x440: {  	s7 =	smov.u32 s14;
	[tilespmem:s22+$0x0] =	vst.add.f32.msk $0xffff, v13  }
0x441: {  	s8 =	smov.u32 s19;
	s3 =	sadd.s32 $0x19A00, s7;
	v3 =	vadd.s32 v32, v47;
	v8 =	vld.idx.msk [tilespmem:v55+s12+$0x0], $0xffff  }
0x442: {  	s11 =	smov.u32 s1;
	s4 =	sor.u32 $0x70, s28;
	s1 =	sadd.s32 s8, s3;
	v55 =	vmov v4;
	[tilespmem:s24+$0x0] =	vst.add.f32.msk $0xffff, v10;
	v4 =	vshll.u32 v9, $0x10  }
0x443: {  	s24 =	smov.u32 s4;
	s4 =	sor.u32 $0x10, s1;
	v9 =	vand.u32 $0xFFFF0000, v9;
	[tilespmem:s1+$0x0] =	vst.add.f32.msk $0xffff, v4  }
0x444: {  	s10 =	sadd.s32 s11, s3;
	v4 =	vshll.u32 v0, $0x10;
	[tilespmem:s4+$0x0] =	vst.add.f32.msk $0xffff, v9  }
0x445: {  	[tilespmem:s10+$0x0] =	vst.add.f32.msk $0xffff, v4  }
0x446: {  	s15 =	sor.u32 $0x10, s10;
	v0 =	vand.u32 $0xFFFF0000, v0;
	v3 =	vld.idx.msk [tilespmem:v3+s12+$0x0], $0xffff  }
0x447: {  	[tilespmem:s15+$0x0] =	vst.add.f32.msk $0xffff, v0  }
0x448: {  	s18 =	sor.u32 $0x20, s5;
	v0 =	vshll.u32 v8, $0x10;
	v1 =	vld.idx.msk [tilespmem:v1+s12+$0x0], $0xffff  }
0x449: {  	s17 =	sor.u32 $0x30, s5;
	v4 =	vand.u32 $0xFFFF0000, v8;
	[tilespmem:s18+$0x0] =	vst.add.f32.msk $0xffff, v0  }
0x44a: {  	v19 =	vadd.s32 v33, v47;
	[tilespmem:s17+$0x0] =	vst.add.f32.msk $0xffff, v4  }
0x44b: {  	s17 =	sor.u32 $0x20, s1;
	v4 =	vld.idx.msk [tilespmem:v54+s12+$0x0], $0xffff;
	v0 =	vshll.u32 v3, $0x10  }
0x44c: {  	s18 =	sor.u32 $0x30, s1;
	v54 =	vmov v2;
	v2 =	vand.u32 $0xFFFF0000, v3;
	[tilespmem:s17+$0x0] =	vst.add.f32.msk $0xffff, v0  }
0x44d: {  	s22 =	sor.u32 $0x20, s10;
	v0 =	vshll.u32 v1, $0x10;
	[tilespmem:s18+$0x0] =	vst.add.f32.msk $0xffff, v2  }
0x44e: {  	[tilespmem:s22+$0x0] =	vst.add.f32.msk $0xffff, v0  }
0x44f: {  	s26 =	sor.u32 $0x30, s10;
	v1 =	vand.u32 $0xFFFF0000, v1;
	v2 =	vld.idx.msk [tilespmem:v19+s12+$0x0], $0xffff  }
0x450: {  	[tilespmem:s26+$0x0] =	vst.add.f32.msk $0xffff, v1  }
0x451: {  	s16 =	sor.u32 $0x40, s5;
	v1 =	vshll.u32 v4, $0x10;
	v0 =	vld.idx.msk [tilespmem:v7+s12+$0x0], $0xffff  }
0x452: {  	s0 =	sor.u32 $0x50, s5;
	v3 =	vand.u32 $0xFFFF0000, v4;
	[tilespmem:s16+$0x0] =	vst.add.f32.msk $0xffff, v1  }
0x453: {  	v4 =	vadd.s32 v34, v47;
	[tilespmem:s0+$0x0] =	vst.add.f32.msk $0xffff, v3  }
0x454: {  	s22 =	sor.u32 $0x40, s1;
	v3 =	vld.idx.msk [tilespmem:v53+s12+$0x0], $0xffff;
	v1 =	vshll.u32 v2, $0x10  }
0x455: {  	s26 =	sor.u32 $0x50, s1;
	v2 =	vand.u32 $0xFFFF0000, v2;
	[tilespmem:s22+$0x0] =	vst.add.f32.msk $0xffff, v1  }
0x456: {  	s9 =	sor.u32 $0x40, s10;
	v1 =	vshll.u32 v0, $0x10;
	[tilespmem:s26+$0x0] =	vst.add.f32.msk $0xffff, v2  }
0x457: {  	[tilespmem:s9+$0x0] =	vst.add.f32.msk $0xffff, v1  }
0x458: {  	s31 =	sor.u32 $0x60, s5;
	s2 =	sor.u32 $0x70, s5;
	s5 =	sor.u32 $0x50, s10;
	v0 =	vand.u32 $0xFFFF0000, v0;
	v2 =	vld.idx.msk [tilespmem:v4+s12+$0x0], $0xffff  }
0x459: {  	[tilespmem:s5+$0x0] =	vst.add.f32.msk $0xffff, v0  }
0x45a: {  	v1 =	vshll.u32 v3, $0x10;
	v0 =	vld.idx.msk [tilespmem:v63+s12+$0x0], $0xffff  }
0x45b: {  	v3 =	vand.u32 $0xFFFF0000, v3;
	[tilespmem:s31+$0x0] =	vst.add.f32.msk $0xffff, v1  }
0x45c: {  	v4 =	vadd.s32 v35, v47;
	[tilespmem:s2+$0x0] =	vst.add.f32.msk $0xffff, v3  }
0x45d: {  	s3 =	sor.u32 $0x70, s10;
	s4 =	sor.u32 $0x60, s10;
	s10 =	sor.u32 $0x60, s1;
	v3 =	vld.idx.msk [tilespmem:v52+s12+$0x0], $0xffff;
	v1 =	vshll.u32 v2, $0x10  }
0x45e: {  	s15 =	sor.u32 $0x70, s1;
	v2 =	vand.u32 $0xFFFF0000, v2;
	[tilespmem:s10+$0x0] =	vst.add.f32.msk $0xffff, v1  }
0x45f: {  	v1 =	vshll.u32 v0, $0x10;
	[tilespmem:s15+$0x0] =	vst.add.f32.msk $0xffff, v2  }
0x460: {  	[tilespmem:s4+$0x0] =	vst.add.f32.msk $0xffff, v1  }
0x461: {  	v0 =	vand.u32 $0xFFFF0000, v0;
	v2 =	vld.idx.msk [tilespmem:v4+s12+$0x0], $0xffff  }
0x462: {  	[tilespmem:s3+$0x0] =	vst.add.f32.msk $0xffff, v0  }
0x463: {  	v1 =	vshll.u32 v3, $0x10;
	v0 =	vld.idx.msk [tilespmem:v61+s12+$0x0], $0xffff  }
0x464: {  	s21 =	sor.u32 $0x10, s28;
	v3 =	vand.u32 $0xFFFF0000, v3;
	[tilespmem:s28+$0x0] =	vst.add.f32.msk $0xffff, v1  }
0x465: {  	s16 =	sadd.s32 $0x19E00, s7;
	v4 =	vadd.s32 v36, v47;
	[tilespmem:s21+$0x0] =	vst.add.f32.msk $0xffff, v3  }
0x466: {  	s0 =	sadd.s32 s8, s16;
	v3 =	vld.idx.msk [tilespmem:v50+s12+$0x0], $0xffff;
	v1 =	vshll.u32 v2, $0x10  }
0x467: {  	s22 =	sor.u32 $0x10, s0;
	v2 =	vand.u32 $0xFFFF0000, v2;
	[tilespmem:s0+$0x0] =	vst.add.f32.msk $0xffff, v1  }
0x468: {  	s17 =	sadd.s32 s11, s16;
	v1 =	vshll.u32 v0, $0x10;
	[tilespmem:s22+$0x0] =	vst.add.f32.msk $0xffff, v2  }
0x469: {  	[tilespmem:s17+$0x0] =	vst.add.f32.msk $0xffff, v1  }
0x46a: {  	s18 =	sor.u32 $0x10, s17;
	v0 =	vand.u32 $0xFFFF0000, v0;
	v2 =	vld.idx.msk [tilespmem:v4+s12+$0x0], $0xffff  }
0x46b: {  	[tilespmem:s18+$0x0] =	vst.add.f32.msk $0xffff, v0  }
0x46c: {  	s19 =	sor.u32 $0x20, s28;
	v1 =	vshll.u32 v3, $0x10;
	v0 =	vld.idx.msk [tilespmem:v59+s12+$0x0], $0xffff  }
0x46d: {  	s20 =	sor.u32 $0x30, s28;
	v3 =	vand.u32 $0xFFFF0000, v3;
	[tilespmem:s19+$0x0] =	vst.add.f32.msk $0xffff, v1  }
0x46e: {  	v4 =	vadd.s32 v37, v47;
	[tilespmem:s20+$0x0] =	vst.add.f32.msk $0xffff, v3  }
0x46f: {  	s14 =	sor.u32 $0x40, s28;
	s30 =	sor.u32 $0x50, s28;
	v52 =	vmov v5;
	s28 =	sor.u32 $0x20, s0;
	v5 =	vld.idx.msk [tilespmem:v49+s12+$0x0], $0xffff;
	v1 =	vshll.u32 v2, $0x10  }
0x470: {  	s31 =	sor.u32 $0x30, s0;
	v2 =	vand.u32 $0xFFFF0000, v2;
	[tilespmem:s28+$0x0] =	vst.add.f32.msk $0xffff, v1  }
0x471: {  	p0 =	slt.u32 s25, $0x1E;
	s21 =	sor.u32 $0x20, s17;
	v1 =	vshll.u32 v0, $0x10;
	[tilespmem:s31+$0x0] =	vst.add.f32.msk $0xffff, v2  }
.Ltmp4:
0x472: {  	[tilespmem:s21+$0x0] =	vst.add.f32.msk $0xffff, v1;
	(pc) =	sbr.rel @p0 .LBB2_11-.Ltmp4, $4  }
0x473: {  	s26 =	sor.u32 $0x30, s17;
	v0 =	vand.u32 $0xFFFF0000, v0;
	v2 =	vld.idx.msk [tilespmem:v4+s12+$0x0], $0xffff  }
0x474: {  	[tilespmem:s26+$0x0] =	vst.add.f32.msk $0xffff, v0  }
0x475: {  	s29 =	sadd.s32 $0x20, s29;
	v24 =	vlaneseq.u32;
	v53 =	vmov v6;
	s1 =	sor.u32 $0x60, s17;
	v0 =	vshll.u32 v5, $0x10;
	v3 =	vld.idx.msk [tilespmem:v58+s12+$0x0], $0xffff  }
0x476: {  	s2 =	sor.u32 $0x70, s17;
	s4 =	sor.u32 $0x40, s17;
	s3 =	sor.u32 $0x50, s17;
	v50 =	vmovc v62;
	v62 =	vmovc v25;
	v49 =	vmov v60;
	v1 =	vand.u32 $0xFFFF0000, v5;
	v4 =	vadd.s32 v38, v47;
	[tilespmem:s14+$0x0] =	vst.add.f32.msk $0xffff, v0  }
0x477: {  	_ = 	snop  }
0x478: {  	s5 =	sor.u32 $0x40, s0;
	v0 =	vshll.u32 v2, $0x10  }
0x479: {  	s16 =	sor.u32 $0x50, s0;
	v8 =	vand.u32 $0xFFFF0000, v2;
	[tilespmem:s5+$0x0] =	vst.add.f32.msk $0xffff, v0  }
0x47a: {  	[tilespmem:s16+$0x0] =	vst.add.f32.msk $0xffff, v8  }
0x47b: {  	v9 =	vshll.u32 v3, $0x10;
	v2 =	vld.idx.msk [tilespmem:v4+s12+$0x0], $0xffff  }
0x47c: {  	v10 =	vand.u32 $0xFFFF0000, v3;
	[tilespmem:s4+$0x0] =	vst.add.f32.msk $0xffff, v9  }
0x47d: {  	[tilespmem:s3+$0x0] =	vst.add.f32.msk $0xffff, v10  }
0x47e: {  	v11 =	vadd.s32 v39, v47;
	v0 =	vld.idx.msk [tilespmem:v57+s12+$0x0], $0xffff;
	_ =	sdelay $0x1  }
0x47f: {  	s17 =	sor.u32 $0x60, s0;
	v4 =	vshll.u32 v2, $0x10  }
0x480: {  	s18 =	sor.u32 $0x70, s0;
	v2 =	vand.u32 $0xFFFF0000, v2;
	[tilespmem:s17+$0x0] =	vst.add.f32.msk $0xffff, v4  }
0x481: {  	[tilespmem:s18+$0x0] =	vst.add.f32.msk $0xffff, v2  }
0x482: {  	v57 =	vshll.u32 v0, $0x10;
	v3 =	vld.idx.msk [tilespmem:v11+s12+$0x0], $0xffff  }
0x483: {  	v0 =	vand.u32 $0xFFFF0000, v0;
	[tilespmem:s1+$0x0] =	vst.add.f32.msk $0xffff, v57  }
0x484: {  	[tilespmem:s2+$0x0] =	vst.add.f32.msk $0xffff, v0  }
0x485: {  	v58 =	vadd.s32 v40, v47;
	v2 =	vld.idx.msk [tilespmem:v56+s12+$0x0], $0xffff  }
0x486: {  	s19 =	sadd.s32 $0x1A200, s7  }
0x487: {  	s20 =	sadd.s32 s8, s19;
	v59 =	vshll.u32 v3, $0x10  }
0x488: {  	s21 =	sor.u32 $0x10, s20;
	v3 =	vand.u32 $0xFFFF0000, v3;
	[tilespmem:s20+$0x0] =	vst.add.f32.msk $0xffff, v59  }
0x489: {  	[tilespmem:s21+$0x0] =	vst.add.f32.msk $0xffff, v3  }
0x48a: {  	s0 =	sadd.s32 s11, s19;
	v60 =	vshll.u32 v2, $0x10;
	v0 =	vld.idx.msk [tilespmem:v58+s12+$0x0], $0xffff  }
0x48b: {  	s22 =	sor.u32 $0x10, s0;
	v2 =	vand.u32 $0xFFFF0000, v2;
	[tilespmem:s0+$0x0] =	vst.add.f32.msk $0xffff, v60  }
0x48c: {  	[tilespmem:s22+$0x0] =	vst.add.f32.msk $0xffff, v2  }
0x48d: {  	v61 =	vadd.s32 v41, v47;
	v3 =	vld.idx.msk [tilespmem:v55+s12+$0x0], $0xffff;
	_ =	sdelay $0x1  }
0x48e: {  	s23 =	sor.u32 $0x20, s20;
	v63 =	vshll.u32 v0, $0x10  }
0x48f: {  	s25 =	sor.u32 $0x30, s20;
	v0 =	vand.u32 $0xFFFF0000, v0;
	[tilespmem:s23+$0x0] =	vst.add.f32.msk $0xffff, v63  }
0x490: {  	[tilespmem:s25+$0x0] =	vst.add.f32.msk $0xffff, v0  }
0x491: {  	s26 =	sor.u32 $0x20, s0;
	v7 =	vshll.u32 v3, $0x10;
	v0 =	vld.idx.msk [tilespmem:v61+s12+$0x0], $0xffff  }
0x492: {  	s28 =	sor.u32 $0x30, s0;
	v8 =	vand.u32 $0xFFFF0000, v3;
	[tilespmem:s26+$0x0] =	vst.add.f32.msk $0xffff, v7  }
0x493: {  	[tilespmem:s28+$0x0] =	vst.add.f32.msk $0xffff, v8  }
0x494: {  	v9 =	vadd.s32 v42, v47;
	v10 =	vld.idx.msk [tilespmem:v54+s12+$0x0], $0xffff;
	_ =	sdelay $0x1  }
0x495: {  	s29 =	sor.u32 $0x40, s20;
	v11 =	vshll.u32 v0, $0x10  }
0x496: {  	s31 =	sor.u32 $0x50, s20;
	v0 =	vand.u32 $0xFFFF0000, v0;
	[tilespmem:s29+$0x0] =	vst.add.f32.msk $0xffff, v11  }
0x497: {  	[tilespmem:s31+$0x0] =	vst.add.f32.msk $0xffff, v0  }
0x498: {  	s3 =	sor.u32 $0x40, s0;
	v54 =	vshll.u32 v10, $0x10;
	v0 =	vld.idx.msk [tilespmem:v9+s12+$0x0], $0xffff  }
0x499: {  	s4 =	sor.u32 $0x50, s0;
	v55 =	vand.u32 $0xFFFF0000, v10;
	[tilespmem:s3+$0x0] =	vst.add.f32.msk $0xffff, v54  }
0x49a: {  	[tilespmem:s4+$0x0] =	vst.add.f32.msk $0xffff, v55  }
0x49b: {  	v56 =	vadd.s32 v43, v47;
	v57 =	vld.idx.msk [tilespmem:v53+s12+$0x0], $0xffff;
	_ =	sdelay $0x1  }
0x49c: {  	s5 =	sor.u32 $0x60, s20;
	v58 =	vshll.u32 v0, $0x10  }
0x49d: {  	s1 =	sor.u32 $0x70, s20;
	v0 =	vand.u32 $0xFFFF0000, v0;
	[tilespmem:s5+$0x0] =	vst.add.f32.msk $0xffff, v58  }
0x49e: {  	[tilespmem:s1+$0x0] =	vst.add.f32.msk $0xffff, v0  }
0x49f: {  	s9 =	sor.u32 $0x60, s0;
	v59 =	vshll.u32 v57, $0x10;
	v0 =	vld.idx.msk [tilespmem:v56+s12+$0x0], $0xffff  }
0x4a0: {  	s0 =	sor.u32 $0x70, s0;
	v60 =	vand.u32 $0xFFFF0000, v57;
	[tilespmem:s9+$0x0] =	vst.add.f32.msk $0xffff, v59  }
0x4a1: {  	[tilespmem:s0+$0x0] =	vst.add.f32.msk $0xffff, v60  }
0x4a2: {  	v61 =	vadd.s32 v44, v47;
	v63 =	vld.idx.msk [tilespmem:v52+s12+$0x0], $0xffff  }
0x4a3: {  	s10 =	sadd.s32 $0x1A600, s7  }
0x4a4: {  	s14 =	sadd.s32 s8, s10;
	v8 =	vshll.u32 v0, $0x10  }
0x4a5: {  	s15 =	sor.u32 $0x10, s14;
	v0 =	vand.u32 $0xFFFF0000, v0;
	[tilespmem:s14+$0x0] =	vst.add.f32.msk $0xffff, v8  }
0x4a6: {  	[tilespmem:s15+$0x0] =	vst.add.f32.msk $0xffff, v0  }
0x4a7: {  	s0 =	sadd.s32 s11, s10;
	v9 =	vshll.u32 v63, $0x10;
	v0 =	vld.idx.msk [tilespmem:v61+s12+$0x0], $0xffff  }
0x4a8: {  	s16 =	sor.u32 $0x10, s0;
	v3 =	vand.u32 $0xFFFF0000, v63;
	[tilespmem:s0+$0x0] =	vst.add.f32.msk $0xffff, v9  }
0x4a9: {  	[tilespmem:s16+$0x0] =	vst.add.f32.msk $0xffff, v3  }
0x4aa: {  	v10 =	vadd.s32 v45, v47;
	v3 =	vld.idx.msk [tilespmem:v50+s12+$0x0], $0xffff;
	_ =	sdelay $0x1  }
0x4ab: {  	s17 =	sor.u32 $0x20, s14;
	v11 =	vshll.u32 v0, $0x10  }
0x4ac: {  	s18 =	sor.u32 $0x30, s14;
	v0 =	vand.u32 $0xFFFF0000, v0;
	[tilespmem:s17+$0x0] =	vst.add.f32.msk $0xffff, v11  }
0x4ad: {  	[tilespmem:s18+$0x0] =	vst.add.f32.msk $0xffff, v0  }
0x4ae: {  	s19 =	sor.u32 $0x20, s0;
	v50 =	vshll.u32 v3, $0x10;
	v0 =	vld.idx.msk [tilespmem:v10+s12+$0x0], $0xffff  }
0x4af: {  	s20 =	sor.u32 $0x30, s0;
	v52 =	vand.u32 $0xFFFF0000, v3;
	[tilespmem:s19+$0x0] =	vst.add.f32.msk $0xffff, v50  }
0x4b0: {  	[tilespmem:s20+$0x0] =	vst.add.f32.msk $0xffff, v52  }
0x4b1: {  	v53 =	vadd.s32 v46, v47;
	v54 =	vld.idx.msk [tilespmem:v49+s12+$0x0], $0xffff  }
0x4b2: {  	[tilespmem:s30+$0x0] =	vst.add.f32.msk $0xffff, v1  }
0x4b3: {  	v1 =	vld.idx.msk [tilespmem:v48+s12+$0x0], $0xffff;
	s21 =	sor.u32 $0x40, s14;
	v55 =	vshll.u32 v0, $0x10  }
0x4b4: {  	s22 =	sor.u32 $0x50, s14;
	v0 =	vand.u32 $0xFFFF0000, v0;
	[tilespmem:s21+$0x0] =	vst.add.f32.msk $0xffff, v55  }
0x4b5: {  	[tilespmem:s22+$0x0] =	vst.add.f32.msk $0xffff, v0  }
0x4b6: {  	s23 =	sor.u32 $0x40, s0;
	v56 =	vshll.u32 v54, $0x10;
	v0 =	vld.idx.msk [tilespmem:v53+s12+$0x0], $0xffff  }
0x4b7: {  	s25 =	sor.u32 $0x50, s0;
	v57 =	vand.u32 $0xFFFF0000, v54;
	[tilespmem:s23+$0x0] =	vst.add.f32.msk $0xffff, v56  }
0x4b8: {  	[tilespmem:s25+$0x0] =	vst.add.f32.msk $0xffff, v57  }
0x4b9: {  	v2 =	vld.idx.msk [tilespmem:v51+s12+$0x0], $0xffff  }
0x4ba: {  	v58 =	vshll.u32 v1, $0x10  }
0x4bb: {  	s26 =	sor.u32 $0x60, s14;
	[tilespmem:s13+$0x0] =	vst.add.f32.msk $0xffff, v58;
	v59 =	vshll.u32 v0, $0x10  }
0x4bc: {  	s1 =	sor.u32 $0x70, s14;
	v0 =	vand.u32 $0xFFFF0000, v0;
	[tilespmem:s26+$0x0] =	vst.add.f32.msk $0xffff, v59  }
0x4bd: {  	v60 =	vand.u32 $0xFFFF0000, v1;
	s2 =	rddreg [dreg:$0x4];
	[tilespmem:s1+$0x0] =	vst.add.f32.msk $0xffff, v0  }
0x4be: {  	s29 =	sor.u32 $0x60, s0;
	[tilespmem:s24+$0x0] =	vst.add.f32.msk $0xffff, v60;
	v61 =	vshll.u32 v2, $0x10  }
0x4bf: {  	s0 =	sor.u32 $0x70, s0;
	v63 =	vand.u32 $0xFFFF0000, v2;
	[tilespmem:s29+$0x0] =	vst.add.f32.msk $0xffff, v61  }
0x4c0: {  	[tilespmem:s0+$0x0] =	vst.add.f32.msk $0xffff, v63  }
0x4c1: {  	s31 =	rddreg [dreg:$0xc]  }
0x4c2: {  	s7 =	sadd.s32 $0x1, s31  }
0x4c3: {  	v13 =	vimm.s32 $0x0;
	s2 =	sor.u32 s2, s6;
	p0 =	sne.s32 s7, $0x20  }
.Ltmp5:
0x4c4: {  	v14 =	vimm.s32 $0x1;
	v15 =	vimm.s32 $0x2;
	v16 =	vimm.s32 $0x3;
	s28 =	sshrl.u32 s2, $0x3;
	(pc) =	sbr.rel @p0 .LBB2_4-.Ltmp5, $4  }
0x4c5: {  	v17 =	vimm.s32 $0x4;
	v18 =	vimm.s32 $0x5;
	v19 =	vimm.s32 $0x6;
	s1 =	smul.u32 $0x300, s28  }
0x4c6: {  	s30 =	rddreg [dreg:$0x2];
	v20 =	vimm.s32 $0x7;
	v21 =	vimm.s32 $0x8;
	v22 =	vimm.s32 $0x9  }
0x4c7: {  	v23 =	vimm.s32 $0xA;
	v48 =	vimm.s32 $0xC;
	s4 =	simm.s32 $0x19200;
	v47 =	vimm.s32 $0xB;
	s5 =	simm.s32 $0x0;
	s0 =	sadd.s32 s30, s1  }
0x4c8: {  	v50 =	vimm.s32 $0xE;
	v49 =	vimm.s32 $0xD;
	v51 =	vimm.s32 $0xF;
	[hbm4b:s0+s5] =	stream.linear.scatter [tilespmem:s4], [sflag:$0x4], $0x6000, $0x38;
	[tilespmem:$0x1F200] =	vst v63  }
0x4c9: {  	s0 =	simm.s32 $0x3  }
0x4ca: {  	_ =	swait.ge [sflag:s0], $0x6000  }
0x4cb: {  	[sflag:s0] =	ssyncset.done $0x0  }
0x4cc: {  	s1 =	simm.s32 $0x4;
	[sflag:s0] =	ssyncadd.s32 $0xFFFFA000  }
0x4cd: {  	_ =	swait.ge [sflag:s1], $0x6000  }
0x4ce: {  	s2 =	rddreg [dreg:$0xb]  }
0x4cf: {  	s31 =	rddreg [dreg:$0xa];
	s2 =	sadd.s32 $0x1, s2  }
0x4d0: {  	p0 =	sne.s32 s2, s31  }
.Ltmp6:
0x4d1: {  	_ = 	snop;
	(pc) =	sbr.rel @p0 .LBB2_1-.Ltmp6, $4  }
0x4d2: {  	v0 =	vld [tilespmem:$0x1FFC0]  }
0x4d3: {  	v10 =	vld [tilespmem:$0x1FFD0]  }
0x4d4: {  	[sflag:s1] =	ssyncset.done $0x0;
	v11 =	vld [tilespmem:$0x1FFE0]  }
0x4d5: {  	v12 =	vld [tilespmem:$0x1FFF0];
	[sflag:s1] =	ssyncadd.s32 $0xFFFFA000  }
0x4d6: {  	_ =	sfence.sel $0x180000  }
0x4d7: {  	[bflag:$0x0] =	sbarrier.arrive $0xFFFF  }
0x4d8: {  	_ =	strace $0x90000047  }
0x4d9: {  	s0 =	stileid.u32;
	[bflag:$0x2] =	sbarrier.arrive $0xFFFF  }
0x4da: {  	p0 =	sne.s32 s0, $0x0;
	s0 =	rddreg [dreg:$0x3]  }
0x4db: {  	s0 =	sadd.s32 @!p0 $0x100000, s0  }
0x4dc: {  	[sflag:s0] =	ssyncadd.tile.s32 @!p0 $0x1;
	_ =	shalt  }
.Lfunc_end2:
_tile_overlayer_lowered:
.L_overlay_start_2:
0x4dd: {  	(tag) =	ssettag $0x2  }
0x4de: {  	s0 =	rddreg [dreg:$0x0];
	s2 =	stileid.u32  }
0x4df: {  	s1 =	rddreg [dreg:$0x1];
	p0 =	sne.s32 s2, $0x0  }
0x4e0: {  	s3 =	rddreg [dreg:$0x2];
	[bflag:$0x3] =	sbarrier.arrive $0xFFFF;
	s2 =	simm.s32 @!p0 $0x1C05  }
0x4e1: {  	[timem:s3], [sflag:s2] =	dma.local @!p0 [hbm:s0], s1  }
0x4e2: {  	s0 =	simm.s32 @!p0 $0x5  }
0x4e3: {  	_ =	swait.ge @!p0 [sflag:s0], s1  }
0x4e4: {  	s1 =	ssub.s32 @!p0 $0x0, s1;
	[sflag:s0] =	ssyncset.done @!p0 $0x0  }
0x4e5: {  	[sflag:s0] =	ssyncadd.s32 @!p0 s1  }
0x4e6: {  	[bflag:$0x3] =	sbarrier.arrive $0xFFFF  }
0x4e7: {  	_ =	shalt  }

</sc_bundles>
